<compile_context>
chip_gen: v7x
topology: tpu7x:2x2x1
jax: 0.10.2.dev20260603
libtpu: 0.0.44.dev20260713+nightly
codegen_flags: <defaults>
</compile_context>

<pallas_src>
import jax
import jax.numpy as jnp
from jax import lax
from jax.experimental import pallas as pl
from jax.experimental.pallas import tpu as pltpu
from jax.experimental.pallas import tpu_sc as plsc

N_TOK = 2048
D_EMB = 4096
D_F = 2048
D_S = 1024
NQ = 8
K = 1024
MT = 256
NMT = N_TOK // MT
MTQ = 1024
NMTQ = N_TOK // MTQ

SC_NC = 2
SC_NS = 16
ROWS_PER_W = N_TOK // (SC_NC * SC_NS)


def _encoder_body(x_ref, w1_ref, b1_ref, w2_ref, b2_ref, z_ref, m_ref):
    h = jnp.dot(x_ref[...].astype(jnp.bfloat16), w1_ref[...],
                preferred_element_type=jnp.float32)
    h = h + b1_ref[...]
    z = jnp.dot(h.astype(jnp.bfloat16), w2_ref[...],
                preferred_element_type=jnp.float32)
    z = z + b2_ref[...]
    z_ref[...] = z
    m_ref[...] = -z


def _encoder(x, w1_16, b1, w2_16, b2):
    return pl.pallas_call(
        _encoder_body,
        grid=(NMT,),
        in_specs=[
            pl.BlockSpec((MT, D_EMB), lambda i: (i, 0)),
            pl.BlockSpec((D_EMB, D_F), lambda i: (0, 0)),
            pl.BlockSpec((1, D_F), lambda i: (0, 0)),
            pl.BlockSpec((D_F, D_S), lambda i: (0, 0)),
            pl.BlockSpec((1, D_S), lambda i: (0, 0)),
        ],
        out_specs=[
            pl.BlockSpec((MT, D_S), lambda i: (i, 0)),
            pl.BlockSpec((MT, D_S), lambda i: (i, 0)),
        ],
        out_shape=[
            jax.ShapeDtypeStruct((N_TOK, D_S), jnp.float32),
            jax.ShapeDtypeStruct((N_TOK, D_S), jnp.float32),
        ],
    )(x, w1_16, b1, w2_16, b2)


def _prep_body(cb_ref, cbt_ref):
    cbt_ref[0] = cb_ref[0].T.astype(jnp.bfloat16)


def _prep(codebooks):
    return pl.pallas_call(
        _prep_body,
        grid=(NQ,),
        in_specs=[pl.BlockSpec((1, K, D_S), lambda q: (q, 0, 0))],
        out_specs=pl.BlockSpec((1, D_S, K), lambda q: (q, 0, 0)),
        out_shape=jax.ShapeDtypeStruct((NQ, D_S, K), jnp.bfloat16),
    )(codebooks)


def _fdk_body(q, m_ref, rsq_ref, cbt_ref, cbn_ref, idx_ref, ioff_ref,
              loss_ref):
    s = jnp.dot(m_ref[...].astype(jnp.bfloat16), cbt_ref[0],
                preferred_element_type=jnp.float32)
    dist = (rsq_ref[0] + 2.0 * s) + cbn_ref[0]
    mn = jnp.min(dist, axis=1, keepdims=True)
    ii = lax.broadcasted_iota(jnp.int32, (MTQ, K), 1)
    idx = jnp.min(jnp.where(dist == mn, ii, K), axis=1)
    idx_ref[0, 0, :] = idx
    ioff_ref[0, 0, :] = idx + q * K

    @pl.when(pl.program_id(0) == 0)
    def _():
        loss_ref[...] = jnp.zeros_like(loss_ref)

    loss_ref[...] += (jnp.sum(rsq_ref[0]) * (1.0 / (N_TOK * D_S))
                      ).reshape(1, 1)


def _fdku_body(q, m_ref, q_ref, rsq_ref, cbt_ref, cbn_ref, mn_ref,
               idx_ref, ioff_ref, loss_ref):
    mn = m_ref[...] + q_ref[...]
    mn_ref[...] = mn
    s = jnp.dot(mn.astype(jnp.bfloat16), cbt_ref[0],
                preferred_element_type=jnp.float32)
    dist = (rsq_ref[0] + 2.0 * s) + cbn_ref[0]
    mnv = jnp.min(dist, axis=1, keepdims=True)
    ii = lax.broadcasted_iota(jnp.int32, (MTQ, K), 1)
    idx = jnp.min(jnp.where(dist == mnv, ii, K), axis=1)
    idx_ref[0, 0, :] = idx
    ioff_ref[0, 0, :] = idx + q * K

    @pl.when(pl.program_id(0) == 0)
    def _():
        loss_ref[...] = jnp.zeros_like(loss_ref)

    loss_ref[...] += (jnp.sum(rsq_ref[0]) * (1.0 / (N_TOK * D_S))
                      ).reshape(1, 1)


def _fdk(m, rsq, cbt, cbn, q):
    return pl.pallas_call(
        lambda *a: _fdk_body(q, *a),
        grid=(NMTQ,),
        in_specs=[
            pl.BlockSpec((MTQ, D_S), lambda i: (i, 0)),
            pl.BlockSpec((1, MTQ, 1), lambda i: (i, 0, 0)),
            pl.BlockSpec((1, D_S, K), lambda i, q=q: (q, 0, 0)),
            pl.BlockSpec((1, 1, K), lambda i, q=q: (q, 0, 0)),
        ],
        out_specs=[
            pl.BlockSpec((1, 1, MTQ), lambda i: (i, 0, 0)),
            pl.BlockSpec((1, 1, MTQ), lambda i: (i, 0, 0)),
            pl.BlockSpec((1, 1), lambda i: (0, 0)),
        ],
        out_shape=[
            jax.ShapeDtypeStruct((NMTQ, 1, MTQ), jnp.int32),
            jax.ShapeDtypeStruct((NMTQ, 1, MTQ), jnp.int32),
            jax.ShapeDtypeStruct((1, 1), jnp.float32),
        ],
    )(m, rsq, cbt, cbn)


def _fdku(m_prev, quant, rsq, cbt, cbn, q):
    return pl.pallas_call(
        lambda *a: _fdku_body(q, *a),
        grid=(NMTQ,),
        in_specs=[
            pl.BlockSpec((MTQ, D_S), lambda i: (i, 0)),
            pl.BlockSpec((MTQ, D_S), lambda i: (i, 0)),
            pl.BlockSpec((1, MTQ, 1), lambda i: (i, 0, 0)),
            pl.BlockSpec((1, D_S, K), lambda i, q=q: (q, 0, 0)),
            pl.BlockSpec((1, 1, K), lambda i, q=q: (q, 0, 0)),
        ],
        out_specs=[
            pl.BlockSpec((MTQ, D_S), lambda i: (i, 0)),
            pl.BlockSpec((1, 1, MTQ), lambda i: (i, 0, 0)),
            pl.BlockSpec((1, 1, MTQ), lambda i: (i, 0, 0)),
            pl.BlockSpec((1, 1), lambda i: (0, 0)),
        ],
        out_shape=[
            jax.ShapeDtypeStruct((N_TOK, D_S), jnp.float32),
            jax.ShapeDtypeStruct((NMTQ, 1, MTQ), jnp.int32),
            jax.ShapeDtypeStruct((NMTQ, 1, MTQ), jnp.int32),
            jax.ShapeDtypeStruct((1, 1), jnp.float32),
        ],
    )(m_prev, quant, rsq, cbt, cbn)


def _scupd_body(cb_hbm, ioff_hbm, out_hbm, idx_v, rows_v, sem):
    wid = lax.axis_index("s") * SC_NC + lax.axis_index("c")
    base = wid * ROWS_PER_W
    pltpu.sync_copy(ioff_hbm.at[pl.ds(base, ROWS_PER_W)], idx_v)
    pltpu.async_copy(cb_hbm.at[idx_v], rows_v, sem).wait()
    pltpu.sync_copy(rows_v, out_hbm.at[pl.ds(base, ROWS_PER_W)])


_SC_UPD_KERNEL = None


def _sc_gather(cb_flat, ioff):
    global _SC_UPD_KERNEL
    if _SC_UPD_KERNEL is None:
        _SC_UPD_KERNEL = pl.kernel(
            _scupd_body,
            out_type=jax.ShapeDtypeStruct((N_TOK, D_S), jnp.float32),
            mesh=plsc.VectorSubcoreMesh(core_axis_name="c",
                                        subcore_axis_name="s",
                                        num_cores=SC_NC,
                                        num_subcores=SC_NS),
            scratch_types=[
                pltpu.VMEM((ROWS_PER_W,), jnp.int32),
                pltpu.VMEM((ROWS_PER_W, D_S), jnp.float32),
                pltpu.SemaphoreType.DMA,
            ],
        )
    return _SC_UPD_KERNEL(cb_flat, ioff)


def _decoder_body(z_ref, m_ref, q_ref, w3_ref, b3_ref, w4_ref, b4_ref,
                  out_ref, loss_ref):
    m = m_ref[...] + q_ref[...]

    @pl.when(pl.program_id(0) == 0)
    def _():
        loss_ref[...] = jnp.zeros_like(loss_ref)

    loss_ref[...] += (jnp.sum(m * m) * (1.0 / (N_TOK * D_S))).reshape(1, 1)
    zq = (z_ref[...] + m).astype(jnp.bfloat16)
    h = jnp.dot(zq, w3_ref[...], preferred_element_type=jnp.float32)
    h = h + b3_ref[...]
    o = jnp.dot(h.astype(jnp.bfloat16), w4_ref[...],
                preferred_element_type=jnp.float32)
    out_ref[...] = o + b4_ref[...]


def _decoder(z_e, m_last, quant_last, w3_16, b3, w4_16, b4):
    return pl.pallas_call(
        _decoder_body,
        grid=(NMT,),
        in_specs=[
            pl.BlockSpec((MT, D_S), lambda i: (i, 0)),
            pl.BlockSpec((MT, D_S), lambda i: (i, 0)),
            pl.BlockSpec((MT, D_S), lambda i: (i, 0)),
            pl.BlockSpec((D_S, D_F), lambda i: (0, 0)),
            pl.BlockSpec((1, D_F), lambda i: (0, 0)),
            pl.BlockSpec((D_F, D_EMB), lambda i: (0, 0)),
            pl.BlockSpec((1, D_EMB), lambda i: (0, 0)),
        ],
        out_specs=[
            pl.BlockSpec((MT, D_EMB), lambda i: (i, 0)),
            pl.BlockSpec((1, 1), lambda i: (0, 0)),
        ],
        out_shape=[
            jax.ShapeDtypeStruct((N_TOK, D_EMB), jnp.float32),
            jax.ShapeDtypeStruct((1, 1), jnp.float32),
        ],
    )(z_e, m_last, quant_last, w3_16, b3, w4_16, b4)


def _rsq_sum(m_prev, quant):
    return jnp.sum((m_prev + quant).reshape(1, N_TOK, D_S) ** 2, axis=-1,
                   keepdims=True).reshape(NMTQ, MTQ, 1)


def _rsq(m):
    return jnp.sum(m.reshape(1, N_TOK, D_S) ** 2, axis=-1,
                   keepdims=True).reshape(NMTQ, MTQ, 1)


def kernel(x, W1, b1, W2, b2, codebooks, W3, b3, W4, b4):
    z_e, m = _encoder(x.reshape(N_TOK, D_EMB),
                      W1.astype(jnp.bfloat16), b1.reshape(1, D_F),
                      W2.astype(jnp.bfloat16), b2.reshape(1, D_S))

    cbt = _prep(codebooks)
    cbn = jnp.sum(codebooks ** 2, axis=-1).reshape(NQ, 1, K)
    cb_flat = codebooks.reshape(NQ * K, D_S)

    idxs = []
    losses = []
    idx0, ioff0, _ = _fdk(m, _rsq(m), cbt, cbn, 0)
    idxs.append(idx0.reshape(N_TOK))
    quant = _sc_gather(cb_flat, ioff0.reshape(N_TOK))
    for q in range(1, NQ):
        rsq = _rsq_sum(m, quant)
        m, idx_q, ioff_q, loss_q = _fdku(m, quant, rsq, cbt, cbn, q)
        idxs.append(idx_q.reshape(N_TOK))
        losses.append(loss_q)
        quant = _sc_gather(cb_flat, ioff_q.reshape(N_TOK))

    out2, loss_last = _decoder(z_e, m, quant,
                               W3.astype(jnp.bfloat16), b3.reshape(1, D_F),
                               W4.astype(jnp.bfloat16), b4.reshape(1, D_EMB))
    losses.append(loss_last)

    out = out2.reshape(1, N_TOK, D_EMB)
    indices = jnp.stack([i.reshape(1, N_TOK) for i in idxs], axis=-1)
    cmt_loss = jnp.concatenate([l.reshape(1) for l in losses])
    return (out, indices, cmt_loss)

# --- scband reference (transcript-rebuilt; emitter-appended) ---
"""Pipeline reference for scband-truth-xvae-34394098106482 (READ-ONLY COPY).

The authoritative reference and input builder live on the scoring server;
editing this copy changes nothing except your own understanding.
"""

import jax, jax.numpy as jnp
import numpy as np

EMBEDDING_DIM = 4096
FIRST_PROJECT_DIM = 2048
SECOND_PROJECT_DIM = 1024
NUM_QUANTIZERS = 8
CODEBOOK_SIZE = 1024


def setup_inputs(seed: int = 0) -> dict:
    key = jax.random.key(seed)
    ks = jax.random.split(key, 12)
    x = jax.random.normal(ks[0], (1, 2048, EMBEDDING_DIM), dtype=jnp.float32)
    W1 = jax.random.normal(ks[1], (EMBEDDING_DIM, FIRST_PROJECT_DIM), dtype=jnp.float32) * 0.02
    b1 = jnp.zeros((FIRST_PROJECT_DIM,), dtype=jnp.float32)
    W2 = jax.random.normal(ks[2], (FIRST_PROJECT_DIM, SECOND_PROJECT_DIM), dtype=jnp.float32) * 0.02
    b2 = jnp.zeros((SECOND_PROJECT_DIM,), dtype=jnp.float32)
    codebooks = jax.random.normal(ks[3], (NUM_QUANTIZERS, CODEBOOK_SIZE, SECOND_PROJECT_DIM), dtype=jnp.float32)
    W3 = jax.random.normal(ks[4], (SECOND_PROJECT_DIM, FIRST_PROJECT_DIM), dtype=jnp.float32) * 0.02
    b3 = jnp.zeros((FIRST_PROJECT_DIM,), dtype=jnp.float32)
    W4 = jax.random.normal(ks[5], (FIRST_PROJECT_DIM, EMBEDDING_DIM), dtype=jnp.float32) * 0.02
    b4 = jnp.zeros((EMBEDDING_DIM,), dtype=jnp.float32)
    return {"x": x, "W1": W1, "b1": b1, "W2": W2, "b2": b2, "codebooks": codebooks, "W3": W3, "b3": b3, "W4": W4, "b4": b4}


def _residual_vq(z, codebooks):
    # z: [B, N, D]; codebooks: [Q, K, D]
    residual = z
    quant_out = jnp.zeros_like(z)
    idx_list = []
    losses = []
    Q = codebooks.shape[0]
    for q in range(Q):
        cb = codebooks[q]  # [K, D]
        dist = (jnp.sum(residual ** 2, axis=-1, keepdims=True)
                - 2.0 * jnp.einsum('bnd,kd->bnk', residual, cb)
                + jnp.sum(cb ** 2, axis=-1))
        idx = jnp.argmin(dist, axis=-1)  # [B, N]
        quantized = jnp.take(cb, idx, axis=0)  # [B, N, D]
        commit = jnp.mean((jax.lax.stop_gradient(quantized) - residual) ** 2)
        quant_st = residual + jax.lax.stop_gradient(quantized - residual)
        quant_out = quant_out + quant_st
        residual = residual - jax.lax.stop_gradient(quantized)
        idx_list.append(idx)
        losses.append(commit)
    return quant_out, jnp.stack(idx_list, axis=-1), jnp.stack(losses)


def reference(x, W1, b1, W2, b2, codebooks, W3, b3, W4, b4):
    # encoder
    h = jnp.einsum('bnd,df->bnf', x, W1) + b1
    z_e = jnp.einsum('bnf,fs->bns', h, W2) + b2
    # residual VQ
    z_q, indices, cmt_loss = _residual_vq(z_e, codebooks)
    # decoder
    h2 = jnp.einsum('bns,sf->bnf', z_q, W3) + b3
    out = jnp.einsum('bnf,fd->bnd', h2, W4) + b4
    return (out, indices, cmt_loss)

if __name__ == "__main__":
    import jax
    _d = setup_inputs()
    print(jax.jit(kernel)(*tuple(_d.values())))

</pallas_src>

<mosaic_0001>
#map = affine_map<(d0, d1) -> (0, 0)>
#map1 = affine_map<(d0, d1) -> (0)>
module attributes {stable_mosaic.version = 14 : i64} {
  func.func @_scupd_body(%arg0: i32, %arg1: i32, %arg2: memref<8192x1024xf32, #tpu.memory_space<hbm>>, %arg3: memref<2048xi32, #tpu.memory_space<hbm>>, %arg4: memref<2048x1024xf32, #tpu.memory_space<hbm>>, %arg5: memref<64xi32, #tpu.memory_space<vmem>>, %arg6: memref<64x1024xf32, #tpu.memory_space<vmem>>, %arg7: memref<!tpu.dma_semaphore, #tpu.memory_space<semaphore_mem>>) attributes {dimension_semantics = [#tpu.dimension_semantics<core_parallel>, #tpu.dimension_semantics<subcore_parallel>], iteration_bounds = array<i64: 2, 16>, scalar_prefetch = 0 : i64, scratch_operands = 3 : i64, tpu.core_type = #tpu.core_type<sc_vector_subcore>, window_params = [{transform_indices = #map}, {transform_indices = #map1}, {transform_indices = #map}]} {
    %mul3A = arith.constant 2 : i32
    %mul3A_0 = arith.muli %arg1, %mul3A : i32
    %add3A = arith.addi %mul3A_0, %arg0 : i32
    %mul3A_1 = arith.constant 64 : i32
    %mul3A_2 = arith.muli %add3A, %mul3A_1 : i32
    "tpu.region"() ({
      %run_scoped3A = tpu.sem_alloc : memref<!tpu.dma_semaphore, #tpu.memory_space<semaphore_mem>>
      %dma_start3A_7 = tpu.memref_slice %arg3[%mul3A_2] : memref<2048xi32, #tpu.memory_space<hbm>> -> memref<64xi32, #tpu.memory_space<hbm>>
      %dma_start3A_8 = tpu.memref_slice %arg3[%mul3A_2] : memref<2048xi32, #tpu.memory_space<hbm>> -> memref<64xi32, #tpu.memory_space<hbm>>
      tpu.enqueue_dma source(%dma_start3A_8 : memref<64xi32, #tpu.memory_space<hbm>>) target(%arg5 : memref<64xi32, #tpu.memory_space<vmem>>) target_semaphore(%run_scoped3A : memref<!tpu.dma_semaphore, #tpu.memory_space<semaphore_mem>>)
      %dma_wait3A_9 = tpu.memref_slice %arg3[%mul3A_2] : memref<2048xi32, #tpu.memory_space<hbm>> -> memref<64xi32, #tpu.memory_space<hbm>>
      %dma_wait3A_10 = tpu.memref_slice %arg3[%mul3A_2] : memref<2048xi32, #tpu.memory_space<hbm>> -> memref<64xi32, #tpu.memory_space<hbm>>
      tpu.wait_dma2 semaphore(%run_scoped3A : memref<!tpu.dma_semaphore, #tpu.memory_space<semaphore_mem>>) src(%dma_wait3A_10 : memref<64xi32, #tpu.memory_space<hbm>>) dst(%arg5 : memref<64xi32, #tpu.memory_space<vmem>>)
      tpu.yield
    }) : () -> ()
    %dma_start3A = arith.constant 0 : i32
    %dma_start3A_3 = arith.constant 0 : i32
    %dma_start3A_4 = tpu.memref_slice %arg2[%dma_start3A, %dma_start3A_3] : memref<8192x1024xf32, #tpu.memory_space<hbm>> -> memref<8192x1024xf32, #tpu.memory_space<hbm>>
    tpu.enqueue_indirect_dma source(%dma_start3A_4 : memref<8192x1024xf32, #tpu.memory_space<hbm>>) target(%arg6 : memref<64x1024xf32, #tpu.memory_space<vmem>>) offsets(%arg5 : memref<64xi32, #tpu.memory_space<vmem>>) semaphore(%arg7 : memref<!tpu.dma_semaphore, #tpu.memory_space<semaphore_mem>>)
    %dma_wait3A = arith.constant 0 : i32
    %dma_wait3A_5 = arith.constant 0 : i32
    %dma_wait3A_6 = tpu.memref_slice %arg2[%dma_wait3A, %dma_wait3A_5] : memref<8192x1024xf32, #tpu.memory_space<hbm>> -> memref<8192x1024xf32, #tpu.memory_space<hbm>>
    tpu.wait_indirect_dma semaphore(%arg7 : memref<!tpu.dma_semaphore, #tpu.memory_space<semaphore_mem>>) src(%dma_wait3A_6 : memref<8192x1024xf32, #tpu.memory_space<hbm>>) dst(%arg6 : memref<64x1024xf32, #tpu.memory_space<vmem>>)
    "tpu.region"() ({
      %run_scoped3A = tpu.sem_alloc : memref<!tpu.dma_semaphore, #tpu.memory_space<semaphore_mem>>
      %dma_start3A_7 = arith.constant 0 : i32
      %dma_start3A_8 = tpu.memref_slice %arg4[%mul3A_2, %dma_start3A_7] : memref<2048x1024xf32, #tpu.memory_space<hbm>> -> memref<64x1024xf32, #tpu.memory_space<hbm>>
      %dma_start3A_9 = arith.constant 0 : i32
      %dma_start3A_10 = tpu.memref_slice %arg4[%mul3A_2, %dma_start3A_9] : memref<2048x1024xf32, #tpu.memory_space<hbm>> -> memref<64x1024xf32, #tpu.memory_space<hbm>>
      tpu.enqueue_dma source(%arg6 : memref<64x1024xf32, #tpu.memory_space<vmem>>) target(%dma_start3A_10 : memref<64x1024xf32, #tpu.memory_space<hbm>>) target_semaphore(%run_scoped3A : memref<!tpu.dma_semaphore, #tpu.memory_space<semaphore_mem>>)
      %dma_wait3A_11 = arith.constant 0 : i32
      %dma_wait3A_12 = tpu.memref_slice %arg4[%mul3A_2, %dma_wait3A_11] : memref<2048x1024xf32, #tpu.memory_space<hbm>> -> memref<64x1024xf32, #tpu.memory_space<hbm>>
      %dma_wait3A_13 = arith.constant 0 : i32
      %dma_wait3A_14 = tpu.memref_slice %arg4[%mul3A_2, %dma_wait3A_13] : memref<2048x1024xf32, #tpu.memory_space<hbm>> -> memref<64x1024xf32, #tpu.memory_space<hbm>>
      tpu.wait_dma2 semaphore(%run_scoped3A : memref<!tpu.dma_semaphore, #tpu.memory_space<semaphore_mem>>) src(%arg6 : memref<64x1024xf32, #tpu.memory_space<vmem>>) dst(%dma_wait3A_14 : memref<64x1024xf32, #tpu.memory_space<hbm>>)
      tpu.yield
    }) : () -> ()
    return
  }
}

#map = affine_map<(d0, d1) -> (0, 0)>
#map1 = affine_map<(d0, d1) -> (0)>
module attributes {stable_mosaic.version = 14 : i64} {
  func.func @_scupd_body(%arg0: i32, %arg1: i32, %arg2: memref<8192x1024xf32, #tpu.memory_space<hbm>>, %arg3: memref<2048xi32, #tpu.memory_space<hbm>>, %arg4: memref<2048x1024xf32, #tpu.memory_space<hbm>>, %arg5: memref<64xi32, #tpu.memory_space<vmem>>, %arg6: memref<64x1024xf32, #tpu.memory_space<vmem>>, %arg7: memref<!tpu.dma_semaphore, #tpu.memory_space<semaphore_mem>>) attributes {dimension_semantics = [#tpu.dimension_semantics<core_parallel>, #tpu.dimension_semantics<subcore_parallel>], iteration_bounds = array<i64: 2, 16>, scalar_prefetch = 0 : i64, scratch_operands = 3 : i64, tpu.core_type = #tpu.core_type<sc_vector_subcore>, window_params = [{transform_indices = #map}, {transform_indices = #map1}, {transform_indices = #map}]} {
    %mul3A = arith.constant 2 : i32
    %mul3A_0 = arith.muli %arg1, %mul3A : i32
    %add3A = arith.addi %mul3A_0, %arg0 : i32
    %mul3A_1 = arith.constant 64 : i32
    %mul3A_2 = arith.muli %add3A, %mul3A_1 : i32
    "tpu.region"() ({
      %run_scoped3A = tpu.sem_alloc : memref<!tpu.dma_semaphore, #tpu.memory_space<semaphore_mem>>
      %dma_start3A_7 = tpu.memref_slice %arg3[%mul3A_2] : memref<2048xi32, #tpu.memory_space<hbm>> -> memref<64xi32, #tpu.memory_space<hbm>>
      %dma_start3A_8 = tpu.memref_slice %arg3[%mul3A_2] : memref<2048xi32, #tpu.memory_space<hbm>> -> memref<64xi32, #tpu.memory_space<hbm>>
      tpu.enqueue_dma source(%dma_start3A_8 : memref<64xi32, #tpu.memory_space<hbm>>) target(%arg5 : memref<64xi32, #tpu.memory_space<vmem>>) target_semaphore(%run_scoped3A : memref<!tpu.dma_semaphore, #tpu.memory_space<semaphore_mem>>)
      %dma_wait3A_9 = tpu.memref_slice %arg3[%mul3A_2] : memref<2048xi32, #tpu.memory_space<hbm>> -> memref<64xi32, #tpu.memory_space<hbm>>
      %dma_wait3A_10 = tpu.memref_slice %arg3[%mul3A_2] : memref<2048xi32, #tpu.memory_space<hbm>> -> memref<64xi32, #tpu.memory_space<hbm>>
      tpu.wait_dma2 semaphore(%run_scoped3A : memref<!tpu.dma_semaphore, #tpu.memory_space<semaphore_mem>>) src(%dma_wait3A_10 : memref<64xi32, #tpu.memory_space<hbm>>) dst(%arg5 : memref<64xi32, #tpu.memory_space<vmem>>)
      tpu.yield
    }) : () -> ()
    %dma_start3A = arith.constant 0 : i32
    %dma_start3A_3 = arith.constant 0 : i32
    %dma_start3A_4 = tpu.memref_slice %arg2[%dma_start3A, %dma_start3A_3] : memref<8192x1024xf32, #tpu.memory_space<hbm>> -> memref<8192x1024xf32, #tpu.memory_space<hbm>>
    tpu.enqueue_indirect_dma source(%dma_start3A_4 : memref<8192x1024xf32, #tpu.memory_space<hbm>>) target(%arg6 : memref<64x1024xf32, #tpu.memory_space<vmem>>) offsets(%arg5 : memref<64xi32, #tpu.memory_space<vmem>>) semaphore(%arg7 : memref<!tpu.dma_semaphore, #tpu.memory_space<semaphore_mem>>)
    %dma_wait3A = arith.constant 0 : i32
    %dma_wait3A_5 = arith.constant 0 : i32
    %dma_wait3A_6 = tpu.memref_slice %arg2[%dma_wait3A, %dma_wait3A_5] : memref<8192x1024xf32, #tpu.memory_space<hbm>> -> memref<8192x1024xf32, #tpu.memory_space<hbm>>
    tpu.wait_indirect_dma semaphore(%arg7 : memref<!tpu.dma_semaphore, #tpu.memory_space<semaphore_mem>>) src(%dma_wait3A_6 : memref<8192x1024xf32, #tpu.memory_space<hbm>>) dst(%arg6 : memref<64x1024xf32, #tpu.memory_space<vmem>>)
    "tpu.region"() ({
      %run_scoped3A = tpu.sem_alloc : memref<!tpu.dma_semaphore, #tpu.memory_space<semaphore_mem>>
      %dma_start3A_7 = arith.constant 0 : i32
      %dma_start3A_8 = tpu.memref_slice %arg4[%mul3A_2, %dma_start3A_7] : memref<2048x1024xf32, #tpu.memory_space<hbm>> -> memref<64x1024xf32, #tpu.memory_space<hbm>>
      %dma_start3A_9 = arith.constant 0 : i32
      %dma_start3A_10 = tpu.memref_slice %arg4[%mul3A_2, %dma_start3A_9] : memref<2048x1024xf32, #tpu.memory_space<hbm>> -> memref<64x1024xf32, #tpu.memory_space<hbm>>
      tpu.enqueue_dma source(%arg6 : memref<64x1024xf32, #tpu.memory_space<vmem>>) target(%dma_start3A_10 : memref<64x1024xf32, #tpu.memory_space<hbm>>) target_semaphore(%run_scoped3A : memref<!tpu.dma_semaphore, #tpu.memory_space<semaphore_mem>>)
      %dma_wait3A_11 = arith.constant 0 : i32
      %dma_wait3A_12 = tpu.memref_slice %arg4[%mul3A_2, %dma_wait3A_11] : memref<2048x1024xf32, #tpu.memory_space<hbm>> -> memref<64x1024xf32, #tpu.memory_space<hbm>>
      %dma_wait3A_13 = arith.constant 0 : i32
      %dma_wait3A_14 = tpu.memref_slice %arg4[%mul3A_2, %dma_wait3A_13] : memref<2048x1024xf32, #tpu.memory_space<hbm>> -> memref<64x1024xf32, #tpu.memory_space<hbm>>
      tpu.wait_dma2 semaphore(%run_scoped3A : memref<!tpu.dma_semaphore, #tpu.memory_space<semaphore_mem>>) src(%arg6 : memref<64x1024xf32, #tpu.memory_space<vmem>>) dst(%dma_wait3A_14 : memref<64x1024xf32, #tpu.memory_space<hbm>>)
      tpu.yield
    }) : () -> ()
    return
  }
}

#map = affine_map<(d0, d1) -> (0, 0)>
#map1 = affine_map<(d0, d1) -> (0)>
module attributes {stable_mosaic.version = 14 : i64} {
  func.func @_scupd_body(%arg0: i32, %arg1: i32, %arg2: memref<8192x1024xf32, #tpu.memory_space<hbm>>, %arg3: memref<2048xi32, #tpu.memory_space<hbm>>, %arg4: memref<2048x1024xf32, #tpu.memory_space<hbm>>, %arg5: memref<64xi32, #tpu.memory_space<vmem>>, %arg6: memref<64x1024xf32, #tpu.memory_space<vmem>>, %arg7: memref<!tpu.dma_semaphore, #tpu.memory_space<semaphore_mem>>) attributes {dimension_semantics = [#tpu.dimension_semantics<core_parallel>, #tpu.dimension_semantics<subcore_parallel>], iteration_bounds = array<i64: 2, 16>, scalar_prefetch = 0 : i64, scratch_operands = 3 : i64, tpu.core_type = #tpu.core_type<sc_vector_subcore>, window_params = [{transform_indices = #map}, {transform_indices = #map1}, {transform_indices = #map}]} {
    %mul3A = arith.constant 2 : i32
    %mul3A_0 = arith.muli %arg1, %mul3A : i32
    %add3A = arith.addi %mul3A_0, %arg0 : i32
    %mul3A_1 = arith.constant 64 : i32
    %mul3A_2 = arith.muli %add3A, %mul3A_1 : i32
    "tpu.region"() ({
      %run_scoped3A = tpu.sem_alloc : memref<!tpu.dma_semaphore, #tpu.memory_space<semaphore_mem>>
      %dma_start3A_7 = tpu.memref_slice %arg3[%mul3A_2] : memref<2048xi32, #tpu.memory_space<hbm>> -> memref<64xi32, #tpu.memory_space<hbm>>
      %dma_start3A_8 = tpu.memref_slice %arg3[%mul3A_2] : memref<2048xi32, #tpu.memory_space<hbm>> -> memref<64xi32, #tpu.memory_space<hbm>>
      tpu.enqueue_dma source(%dma_start3A_8 : memref<64xi32, #tpu.memory_space<hbm>>) target(%arg5 : memref<64xi32, #tpu.memory_space<vmem>>) target_semaphore(%run_scoped3A : memref<!tpu.dma_semaphore, #tpu.memory_space<semaphore_mem>>)
      %dma_wait3A_9 = tpu.memref_slice %arg3[%mul3A_2] : memref<2048xi32, #tpu.memory_space<hbm>> -> memref<64xi32, #tpu.memory_space<hbm>>
      %dma_wait3A_10 = tpu.memref_slice %arg3[%mul3A_2] : memref<2048xi32, #tpu.memory_space<hbm>> -> memref<64xi32, #tpu.memory_space<hbm>>
      tpu.wait_dma2 semaphore(%run_scoped3A : memref<!tpu.dma_semaphore, #tpu.memory_space<semaphore_mem>>) src(%dma_wait3A_10 : memref<64xi32, #tpu.memory_space<hbm>>) dst(%arg5 : memref<64xi32, #tpu.memory_space<vmem>>)
      tpu.yield
    }) : () -> ()
    %dma_start3A = arith.constant 0 : i32
    %dma_start3A_3 = arith.constant 0 : i32
    %dma_start3A_4 = tpu.memref_slice %arg2[%dma_start3A, %dma_start3A_3] : memref<8192x1024xf32, #tpu.memory_space<hbm>> -> memref<8192x1024xf32, #tpu.memory_space<hbm>>
    tpu.enqueue_indirect_dma source(%dma_start3A_4 : memref<8192x1024xf32, #tpu.memory_space<hbm>>) target(%arg6 : memref<64x1024xf32, #tpu.memory_space<vmem>>) offsets(%arg5 : memref<64xi32, #tpu.memory_space<vmem>>) semaphore(%arg7 : memref<!tpu.dma_semaphore, #tpu.memory_space<semaphore_mem>>)
    %dma_wait3A = arith.constant 0 : i32
    %dma_wait3A_5 = arith.constant 0 : i32
    %dma_wait3A_6 = tpu.memref_slice %arg2[%dma_wait3A, %dma_wait3A_5] : memref<8192x1024xf32, #tpu.memory_space<hbm>> -> memref<8192x1024xf32, #tpu.memory_space<hbm>>
    tpu.wait_indirect_dma semaphore(%arg7 : memref<!tpu.dma_semaphore, #tpu.memory_space<semaphore_mem>>) src(%dma_wait3A_6 : memref<8192x1024xf32, #tpu.memory_space<hbm>>) dst(%arg6 : memref<64x1024xf32, #tpu.memory_space<vmem>>)
    "tpu.region"() ({
      %run_scoped3A = tpu.sem_alloc : memref<!tpu.dma_semaphore, #tpu.memory_space<semaphore_mem>>
      %dma_start3A_7 = arith.constant 0 : i32
      %dma_start3A_8 = tpu.memref_slice %arg4[%mul3A_2, %dma_start3A_7] : memref<2048x1024xf32, #tpu.memory_space<hbm>> -> memref<64x1024xf32, #tpu.memory_space<hbm>>
      %dma_start3A_9 = arith.constant 0 : i32
      %dma_start3A_10 = tpu.memref_slice %arg4[%mul3A_2, %dma_start3A_9] : memref<2048x1024xf32, #tpu.memory_space<hbm>> -> memref<64x1024xf32, #tpu.memory_space<hbm>>
      tpu.enqueue_dma source(%arg6 : memref<64x1024xf32, #tpu.memory_space<vmem>>) target(%dma_start3A_10 : memref<64x1024xf32, #tpu.memory_space<hbm>>) target_semaphore(%run_scoped3A : memref<!tpu.dma_semaphore, #tpu.memory_space<semaphore_mem>>)
      %dma_wait3A_11 = arith.constant 0 : i32
      %dma_wait3A_12 = tpu.memref_slice %arg4[%mul3A_2, %dma_wait3A_11] : memref<2048x1024xf32, #tpu.memory_space<hbm>> -> memref<64x1024xf32, #tpu.memory_space<hbm>>
      %dma_wait3A_13 = arith.constant 0 : i32
      %dma_wait3A_14 = tpu.memref_slice %arg4[%mul3A_2, %dma_wait3A_13] : memref<2048x1024xf32, #tpu.memory_space<hbm>> -> memref<64x1024xf32, #tpu.memory_space<hbm>>
      tpu.wait_dma2 semaphore(%run_scoped3A : memref<!tpu.dma_semaphore, #tpu.memory_space<semaphore_mem>>) src(%arg6 : memref<64x1024xf32, #tpu.memory_space<vmem>>) dst(%dma_wait3A_14 : memref<64x1024xf32, #tpu.memory_space<hbm>>)
      tpu.yield
    }) : () -> ()
    return
  }
}

#map = affine_map<(d0, d1) -> (0, 0)>
#map1 = affine_map<(d0, d1) -> (0)>
module attributes {stable_mosaic.version = 14 : i64} {
  func.func @_scupd_body(%arg0: i32, %arg1: i32, %arg2: memref<8192x1024xf32, #tpu.memory_space<hbm>>, %arg3: memref<2048xi32, #tpu.memory_space<hbm>>, %arg4: memref<2048x1024xf32, #tpu.memory_space<hbm>>, %arg5: memref<64xi32, #tpu.memory_space<vmem>>, %arg6: memref<64x1024xf32, #tpu.memory_space<vmem>>, %arg7: memref<!tpu.dma_semaphore, #tpu.memory_space<semaphore_mem>>) attributes {dimension_semantics = [#tpu.dimension_semantics<core_parallel>, #tpu.dimension_semantics<subcore_parallel>], iteration_bounds = array<i64: 2, 16>, scalar_prefetch = 0 : i64, scratch_operands = 3 : i64, tpu.core_type = #tpu.core_type<sc_vector_subcore>, window_params = [{transform_indices = #map}, {transform_indices = #map1}, {transform_indices = #map}]} {
    %mul3A = arith.constant 2 : i32
    %mul3A_0 = arith.muli %arg1, %mul3A : i32
    %add3A = arith.addi %mul3A_0, %arg0 : i32
    %mul3A_1 = arith.constant 64 : i32
    %mul3A_2 = arith.muli %add3A, %mul3A_1 : i32
    "tpu.region"() ({
      %run_scoped3A = tpu.sem_alloc : memref<!tpu.dma_semaphore, #tpu.memory_space<semaphore_mem>>
      %dma_start3A_7 = tpu.memref_slice %arg3[%mul3A_2] : memref<2048xi32, #tpu.memory_space<hbm>> -> memref<64xi32, #tpu.memory_space<hbm>>
      %dma_start3A_8 = tpu.memref_slice %arg3[%mul3A_2] : memref<2048xi32, #tpu.memory_space<hbm>> -> memref<64xi32, #tpu.memory_space<hbm>>
      tpu.enqueue_dma source(%dma_start3A_8 : memref<64xi32, #tpu.memory_space<hbm>>) target(%arg5 : memref<64xi32, #tpu.memory_space<vmem>>) target_semaphore(%run_scoped3A : memref<!tpu.dma_semaphore, #tpu.memory_space<semaphore_mem>>)
      %dma_wait3A_9 = tpu.memref_slice %arg3[%mul3A_2] : memref<2048xi32, #tpu.memory_space<hbm>> -> memref<64xi32, #tpu.memory_space<hbm>>
      %dma_wait3A_10 = tpu.memref_slice %arg3[%mul3A_2] : memref<2048xi32, #tpu.memory_space<hbm>> -> memref<64xi32, #tpu.memory_space<hbm>>
      tpu.wait_dma2 semaphore(%run_scoped3A : memref<!tpu.dma_semaphore, #tpu.memory_space<semaphore_mem>>) src(%dma_wait3A_10 : memref<64xi32, #tpu.memory_space<hbm>>) dst(%arg5 : memref<64xi32, #tpu.memory_space<vmem>>)
      tpu.yield
    }) : () -> ()
    %dma_start3A = arith.constant 0 : i32
    %dma_start3A_3 = arith.constant 0 : i32
    %dma_start3A_4 = tpu.memref_slice %arg2[%dma_start3A, %dma_start3A_3] : memref<8192x1024xf32, #tpu.memory_space<hbm>> -> memref<8192x1024xf32, #tpu.memory_space<hbm>>
    tpu.enqueue_indirect_dma source(%dma_start3A_4 : memref<8192x1024xf32, #tpu.memory_space<hbm>>) target(%arg6 : memref<64x1024xf32, #tpu.memory_space<vmem>>) offsets(%arg5 : memref<64xi32, #tpu.memory_space<vmem>>) semaphore(%arg7 : memref<!tpu.dma_semaphore, #tpu.memory_space<semaphore_mem>>)
    %dma_wait3A = arith.constant 0 : i32
    %dma_wait3A_5 = arith.constant 0 : i32
    %dma_wait3A_6 = tpu.memref_slice %arg2[%dma_wait3A, %dma_wait3A_5] : memref<8192x1024xf32, #tpu.memory_space<hbm>> -> memref<8192x1024xf32, #tpu.memory_space<hbm>>
    tpu.wait_indirect_dma semaphore(%arg7 : memref<!tpu.dma_semaphore, #tpu.memory_space<semaphore_mem>>) src(%dma_wait3A_6 : memref<8192x1024xf32, #tpu.memory_space<hbm>>) dst(%arg6 : memref<64x1024xf32, #tpu.memory_space<vmem>>)
    "tpu.region"() ({
      %run_scoped3A = tpu.sem_alloc : memref<!tpu.dma_semaphore, #tpu.memory_space<semaphore_mem>>
      %dma_start3A_7 = arith.constant 0 : i32
      %dma_start3A_8 = tpu.memref_slice %arg4[%mul3A_2, %dma_start3A_7] : memref<2048x1024xf32, #tpu.memory_space<hbm>> -> memref<64x1024xf32, #tpu.memory_space<hbm>>
      %dma_start3A_9 = arith.constant 0 : i32
      %dma_start3A_10 = tpu.memref_slice %arg4[%mul3A_2, %dma_start3A_9] : memref<2048x1024xf32, #tpu.memory_space<hbm>> -> memref<64x1024xf32, #tpu.memory_space<hbm>>
      tpu.enqueue_dma source(%arg6 : memref<64x1024xf32, #tpu.memory_space<vmem>>) target(%dma_start3A_10 : memref<64x1024xf32, #tpu.memory_space<hbm>>) target_semaphore(%run_scoped3A : memref<!tpu.dma_semaphore, #tpu.memory_space<semaphore_mem>>)
      %dma_wait3A_11 = arith.constant 0 : i32
      %dma_wait3A_12 = tpu.memref_slice %arg4[%mul3A_2, %dma_wait3A_11] : memref<2048x1024xf32, #tpu.memory_space<hbm>> -> memref<64x1024xf32, #tpu.memory_space<hbm>>
      %dma_wait3A_13 = arith.constant 0 : i32
      %dma_wait3A_14 = tpu.memref_slice %arg4[%mul3A_2, %dma_wait3A_13] : memref<2048x1024xf32, #tpu.memory_space<hbm>> -> memref<64x1024xf32, #tpu.memory_space<hbm>>
      tpu.wait_dma2 semaphore(%run_scoped3A : memref<!tpu.dma_semaphore, #tpu.memory_space<semaphore_mem>>) src(%arg6 : memref<64x1024xf32, #tpu.memory_space<vmem>>) dst(%dma_wait3A_14 : memref<64x1024xf32, #tpu.memory_space<hbm>>)
      tpu.yield
    }) : () -> ()
    return
  }
}

#map = affine_map<(d0, d1) -> (0, 0)>
#map1 = affine_map<(d0, d1) -> (0)>
module attributes {stable_mosaic.version = 14 : i64} {
  func.func @_scupd_body(%arg0: i32, %arg1: i32, %arg2: memref<8192x1024xf32, #tpu.memory_space<hbm>>, %arg3: memref<2048xi32, #tpu.memory_space<hbm>>, %arg4: memref<2048x1024xf32, #tpu.memory_space<hbm>>, %arg5: memref<64xi32, #tpu.memory_space<vmem>>, %arg6: memref<64x1024xf32, #tpu.memory_space<vmem>>, %arg7: memref<!tpu.dma_semaphore, #tpu.memory_space<semaphore_mem>>) attributes {dimension_semantics = [#tpu.dimension_semantics<core_parallel>, #tpu.dimension_semantics<subcore_parallel>], iteration_bounds = array<i64: 2, 16>, scalar_prefetch = 0 : i64, scratch_operands = 3 : i64, tpu.core_type = #tpu.core_type<sc_vector_subcore>, window_params = [{transform_indices = #map}, {transform_indices = #map1}, {transform_indices = #map}]} {
    %mul3A = arith.constant 2 : i32
    %mul3A_0 = arith.muli %arg1, %mul3A : i32
    %add3A = arith.addi %mul3A_0, %arg0 : i32
    %mul3A_1 = arith.constant 64 : i32
    %mul3A_2 = arith.muli %add3A, %mul3A_1 : i32
    "tpu.region"() ({
      %run_scoped3A = tpu.sem_alloc : memref<!tpu.dma_semaphore, #tpu.memory_space<semaphore_mem>>
      %dma_start3A_7 = tpu.memref_slice %arg3[%mul3A_2] : memref<2048xi32, #tpu.memory_space<hbm>> -> memref<64xi32, #tpu.memory_space<hbm>>
      %dma_start3A_8 = tpu.memref_slice %arg3[%mul3A_2] : memref<2048xi32, #tpu.memory_space<hbm>> -> memref<64xi32, #tpu.memory_space<hbm>>
      tpu.enqueue_dma source(%dma_start3A_8 : memref<64xi32, #tpu.memory_space<hbm>>) target(%arg5 : memref<64xi32, #tpu.memory_space<vmem>>) target_semaphore(%run_scoped3A : memref<!tpu.dma_semaphore, #tpu.memory_space<semaphore_mem>>)
      %dma_wait3A_9 = tpu.memref_slice %arg3[%mul3A_2] : memref<2048xi32, #tpu.memory_space<hbm>> -> memref<64xi32, #tpu.memory_space<hbm>>
      %dma_wait3A_10 = tpu.memref_slice %arg3[%mul3A_2] : memref<2048xi32, #tpu.memory_space<hbm>> -> memref<64xi32, #tpu.memory_space<hbm>>
      tpu.wait_dma2 semaphore(%run_scoped3A : memref<!tpu.dma_semaphore, #tpu.memory_space<semaphore_mem>>) src(%dma_wait3A_10 : memref<64xi32, #tpu.memory_space<hbm>>) dst(%arg5 : memref<64xi32, #tpu.memory_space<vmem>>)
      tpu.yield
    }) : () -> ()
    %dma_start3A = arith.constant 0 : i32
    %dma_start3A_3 = arith.constant 0 : i32
    %dma_start3A_4 = tpu.memref_slice %arg2[%dma_start3A, %dma_start3A_3] : memref<8192x1024xf32, #tpu.memory_space<hbm>> -> memref<8192x1024xf32, #tpu.memory_space<hbm>>
    tpu.enqueue_indirect_dma source(%dma_start3A_4 : memref<8192x1024xf32, #tpu.memory_space<hbm>>) target(%arg6 : memref<64x1024xf32, #tpu.memory_space<vmem>>) offsets(%arg5 : memref<64xi32, #tpu.memory_space<vmem>>) semaphore(%arg7 : memref<!tpu.dma_semaphore, #tpu.memory_space<semaphore_mem>>)
    %dma_wait3A = arith.constant 0 : i32
    %dma_wait3A_5 = arith.constant 0 : i32
    %dma_wait3A_6 = tpu.memref_slice %arg2[%dma_wait3A, %dma_wait3A_5] : memref<8192x1024xf32, #tpu.memory_space<hbm>> -> memref<8192x1024xf32, #tpu.memory_space<hbm>>
    tpu.wait_indirect_dma semaphore(%arg7 : memref<!tpu.dma_semaphore, #tpu.memory_space<semaphore_mem>>) src(%dma_wait3A_6 : memref<8192x1024xf32, #tpu.memory_space<hbm>>) dst(%arg6 : memref<64x1024xf32, #tpu.memory_space<vmem>>)
    "tpu.region"() ({
      %run_scoped3A = tpu.sem_alloc : memref<!tpu.dma_semaphore, #tpu.memory_space<semaphore_mem>>
      %dma_start3A_7 = arith.constant 0 : i32
      %dma_start3A_8 = tpu.memref_slice %arg4[%mul3A_2, %dma_start3A_7] : memref<2048x1024xf32, #tpu.memory_space<hbm>> -> memref<64x1024xf32, #tpu.memory_space<hbm>>
      %dma_start3A_9 = arith.constant 0 : i32
      %dma_start3A_10 = tpu.memref_slice %arg4[%mul3A_2, %dma_start3A_9] : memref<2048x1024xf32, #tpu.memory_space<hbm>> -> memref<64x1024xf32, #tpu.memory_space<hbm>>
      tpu.enqueue_dma source(%arg6 : memref<64x1024xf32, #tpu.memory_space<vmem>>) target(%dma_start3A_10 : memref<64x1024xf32, #tpu.memory_space<hbm>>) target_semaphore(%run_scoped3A : memref<!tpu.dma_semaphore, #tpu.memory_space<semaphore_mem>>)
      %dma_wait3A_11 = arith.constant 0 : i32
      %dma_wait3A_12 = tpu.memref_slice %arg4[%mul3A_2, %dma_wait3A_11] : memref<2048x1024xf32, #tpu.memory_space<hbm>> -> memref<64x1024xf32, #tpu.memory_space<hbm>>
      %dma_wait3A_13 = arith.constant 0 : i32
      %dma_wait3A_14 = tpu.memref_slice %arg4[%mul3A_2, %dma_wait3A_13] : memref<2048x1024xf32, #tpu.memory_space<hbm>> -> memref<64x1024xf32, #tpu.memory_space<hbm>>
      tpu.wait_dma2 semaphore(%run_scoped3A : memref<!tpu.dma_semaphore, #tpu.memory_space<semaphore_mem>>) src(%arg6 : memref<64x1024xf32, #tpu.memory_space<vmem>>) dst(%dma_wait3A_14 : memref<64x1024xf32, #tpu.memory_space<hbm>>)
      tpu.yield
    }) : () -> ()
    return
  }
}

#map = affine_map<(d0, d1) -> (0, 0)>
#map1 = affine_map<(d0, d1) -> (0)>
module attributes {stable_mosaic.version = 14 : i64} {
  func.func @_scupd_body(%arg0: i32, %arg1: i32, %arg2: memref<8192x1024xf32, #tpu.memory_space<hbm>>, %arg3: memref<2048xi32, #tpu.memory_space<hbm>>, %arg4: memref<2048x1024xf32, #tpu.memory_space<hbm>>, %arg5: memref<64xi32, #tpu.memory_space<vmem>>, %arg6: memref<64x1024xf32, #tpu.memory_space<vmem>>, %arg7: memref<!tpu.dma_semaphore, #tpu.memory_space<semaphore_mem>>) attributes {dimension_semantics = [#tpu.dimension_semantics<core_parallel>, #tpu.dimension_semantics<subcore_parallel>], iteration_bounds = array<i64: 2, 16>, scalar_prefetch = 0 : i64, scratch_operands = 3 : i64, tpu.core_type = #tpu.core_type<sc_vector_subcore>, window_params = [{transform_indices = #map}, {transform_indices = #map1}, {transform_indices = #map}]} {
    %mul3A = arith.constant 2 : i32
    %mul3A_0 = arith.muli %arg1, %mul3A : i32
    %add3A = arith.addi %mul3A_0, %arg0 : i32
    %mul3A_1 = arith.constant 64 : i32
    %mul3A_2 = arith.muli %add3A, %mul3A_1 : i32
    "tpu.region"() ({
      %run_scoped3A = tpu.sem_alloc : memref<!tpu.dma_semaphore, #tpu.memory_space<semaphore_mem>>
      %dma_start3A_7 = tpu.memref_slice %arg3[%mul3A_2] : memref<2048xi32, #tpu.memory_space<hbm>> -> memref<64xi32, #tpu.memory_space<hbm>>
      %dma_start3A_8 = tpu.memref_slice %arg3[%mul3A_2] : memref<2048xi32, #tpu.memory_space<hbm>> -> memref<64xi32, #tpu.memory_space<hbm>>
      tpu.enqueue_dma source(%dma_start3A_8 : memref<64xi32, #tpu.memory_space<hbm>>) target(%arg5 : memref<64xi32, #tpu.memory_space<vmem>>) target_semaphore(%run_scoped3A : memref<!tpu.dma_semaphore, #tpu.memory_space<semaphore_mem>>)
      %dma_wait3A_9 = tpu.memref_slice %arg3[%mul3A_2] : memref<2048xi32, #tpu.memory_space<hbm>> -> memref<64xi32, #tpu.memory_space<hbm>>
      %dma_wait3A_10 = tpu.memref_slice %arg3[%mul3A_2] : memref<2048xi32, #tpu.memory_space<hbm>> -> memref<64xi32, #tpu.memory_space<hbm>>
      tpu.wait_dma2 semaphore(%run_scoped3A : memref<!tpu.dma_semaphore, #tpu.memory_space<semaphore_mem>>) src(%dma_wait3A_10 : memref<64xi32, #tpu.memory_space<hbm>>) dst(%arg5 : memref<64xi32, #tpu.memory_space<vmem>>)
      tpu.yield
    }) : () -> ()
    %dma_start3A = arith.constant 0 : i32
    %dma_start3A_3 = arith.constant 0 : i32
    %dma_start3A_4 = tpu.memref_slice %arg2[%dma_start3A, %dma_start3A_3] : memref<8192x1024xf32, #tpu.memory_space<hbm>> -> memref<8192x1024xf32, #tpu.memory_space<hbm>>
    tpu.enqueue_indirect_dma source(%dma_start3A_4 : memref<8192x1024xf32, #tpu.memory_space<hbm>>) target(%arg6 : memref<64x1024xf32, #tpu.memory_space<vmem>>) offsets(%arg5 : memref<64xi32, #tpu.memory_space<vmem>>) semaphore(%arg7 : memref<!tpu.dma_semaphore, #tpu.memory_space<semaphore_mem>>)
    %dma_wait3A = arith.constant 0 : i32
    %dma_wait3A_5 = arith.constant 0 : i32
    %dma_wait3A_6 = tpu.memref_slice %arg2[%dma_wait3A, %dma_wait3A_5] : memref<8192x1024xf32, #tpu.memory_space<hbm>> -> memref<8192x1024xf32, #tpu.memory_space<hbm>>
    tpu.wait_indirect_dma semaphore(%arg7 : memref<!tpu.dma_semaphore, #tpu.memory_space<semaphore_mem>>) src(%dma_wait3A_6 : memref<8192x1024xf32, #tpu.memory_space<hbm>>) dst(%arg6 : memref<64x1024xf32, #tpu.memory_space<vmem>>)
    "tpu.region"() ({
      %run_scoped3A = tpu.sem_alloc : memref<!tpu.dma_semaphore, #tpu.memory_space<semaphore_mem>>
      %dma_start3A_7 = arith.constant 0 : i32
      %dma_start3A_8 = tpu.memref_slice %arg4[%mul3A_2, %dma_start3A_7] : memref<2048x1024xf32, #tpu.memory_space<hbm>> -> memref<64x1024xf32, #tpu.memory_space<hbm>>
      %dma_start3A_9 = arith.constant 0 : i32
      %dma_start3A_10 = tpu.memref_slice %arg4[%mul3A_2, %dma_start3A_9] : memref<2048x1024xf32, #tpu.memory_space<hbm>> -> memref<64x1024xf32, #tpu.memory_space<hbm>>
      tpu.enqueue_dma source(%arg6 : memref<64x1024xf32, #tpu.memory_space<vmem>>) target(%dma_start3A_10 : memref<64x1024xf32, #tpu.memory_space<hbm>>) target_semaphore(%run_scoped3A : memref<!tpu.dma_semaphore, #tpu.memory_space<semaphore_mem>>)
      %dma_wait3A_11 = arith.constant 0 : i32
      %dma_wait3A_12 = tpu.memref_slice %arg4[%mul3A_2, %dma_wait3A_11] : memref<2048x1024xf32, #tpu.memory_space<hbm>> -> memref<64x1024xf32, #tpu.memory_space<hbm>>
      %dma_wait3A_13 = arith.constant 0 : i32
      %dma_wait3A_14 = tpu.memref_slice %arg4[%mul3A_2, %dma_wait3A_13] : memref<2048x1024xf32, #tpu.memory_space<hbm>> -> memref<64x1024xf32, #tpu.memory_space<hbm>>
      tpu.wait_dma2 semaphore(%run_scoped3A : memref<!tpu.dma_semaphore, #tpu.memory_space<semaphore_mem>>) src(%arg6 : memref<64x1024xf32, #tpu.memory_space<vmem>>) dst(%dma_wait3A_14 : memref<64x1024xf32, #tpu.memory_space<hbm>>)
      tpu.yield
    }) : () -> ()
    return
  }
}

#map = affine_map<(d0, d1) -> (0, 0)>
#map1 = affine_map<(d0, d1) -> (0)>
module attributes {stable_mosaic.version = 14 : i64} {
  func.func @_scupd_body(%arg0: i32, %arg1: i32, %arg2: memref<8192x1024xf32, #tpu.memory_space<hbm>>, %arg3: memref<2048xi32, #tpu.memory_space<hbm>>, %arg4: memref<2048x1024xf32, #tpu.memory_space<hbm>>, %arg5: memref<64xi32, #tpu.memory_space<vmem>>, %arg6: memref<64x1024xf32, #tpu.memory_space<vmem>>, %arg7: memref<!tpu.dma_semaphore, #tpu.memory_space<semaphore_mem>>) attributes {dimension_semantics = [#tpu.dimension_semantics<core_parallel>, #tpu.dimension_semantics<subcore_parallel>], iteration_bounds = array<i64: 2, 16>, scalar_prefetch = 0 : i64, scratch_operands = 3 : i64, tpu.core_type = #tpu.core_type<sc_vector_subcore>, window_params = [{transform_indices = #map}, {transform_indices = #map1}, {transform_indices = #map}]} {
    %mul3A = arith.constant 2 : i32
    %mul3A_0 = arith.muli %arg1, %mul3A : i32
    %add3A = arith.addi %mul3A_0, %arg0 : i32
    %mul3A_1 = arith.constant 64 : i32
    %mul3A_2 = arith.muli %add3A, %mul3A_1 : i32
    "tpu.region"() ({
      %run_scoped3A = tpu.sem_alloc : memref<!tpu.dma_semaphore, #tpu.memory_space<semaphore_mem>>
      %dma_start3A_7 = tpu.memref_slice %arg3[%mul3A_2] : memref<2048xi32, #tpu.memory_space<hbm>> -> memref<64xi32, #tpu.memory_space<hbm>>
      %dma_start3A_8 = tpu.memref_slice %arg3[%mul3A_2] : memref<2048xi32, #tpu.memory_space<hbm>> -> memref<64xi32, #tpu.memory_space<hbm>>
      tpu.enqueue_dma source(%dma_start3A_8 : memref<64xi32, #tpu.memory_space<hbm>>) target(%arg5 : memref<64xi32, #tpu.memory_space<vmem>>) target_semaphore(%run_scoped3A : memref<!tpu.dma_semaphore, #tpu.memory_space<semaphore_mem>>)
      %dma_wait3A_9 = tpu.memref_slice %arg3[%mul3A_2] : memref<2048xi32, #tpu.memory_space<hbm>> -> memref<64xi32, #tpu.memory_space<hbm>>
      %dma_wait3A_10 = tpu.memref_slice %arg3[%mul3A_2] : memref<2048xi32, #tpu.memory_space<hbm>> -> memref<64xi32, #tpu.memory_space<hbm>>
      tpu.wait_dma2 semaphore(%run_scoped3A : memref<!tpu.dma_semaphore, #tpu.memory_space<semaphore_mem>>) src(%dma_wait3A_10 : memref<64xi32, #tpu.memory_space<hbm>>) dst(%arg5 : memref<64xi32, #tpu.memory_space<vmem>>)
      tpu.yield
    }) : () -> ()
    %dma_start3A = arith.constant 0 : i32
    %dma_start3A_3 = arith.constant 0 : i32
    %dma_start3A_4 = tpu.memref_slice %arg2[%dma_start3A, %dma_start3A_3] : memref<8192x1024xf32, #tpu.memory_space<hbm>> -> memref<8192x1024xf32, #tpu.memory_space<hbm>>
    tpu.enqueue_indirect_dma source(%dma_start3A_4 : memref<8192x1024xf32, #tpu.memory_space<hbm>>) target(%arg6 : memref<64x1024xf32, #tpu.memory_space<vmem>>) offsets(%arg5 : memref<64xi32, #tpu.memory_space<vmem>>) semaphore(%arg7 : memref<!tpu.dma_semaphore, #tpu.memory_space<semaphore_mem>>)
    %dma_wait3A = arith.constant 0 : i32
    %dma_wait3A_5 = arith.constant 0 : i32
    %dma_wait3A_6 = tpu.memref_slice %arg2[%dma_wait3A, %dma_wait3A_5] : memref<8192x1024xf32, #tpu.memory_space<hbm>> -> memref<8192x1024xf32, #tpu.memory_space<hbm>>
    tpu.wait_indirect_dma semaphore(%arg7 : memref<!tpu.dma_semaphore, #tpu.memory_space<semaphore_mem>>) src(%dma_wait3A_6 : memref<8192x1024xf32, #tpu.memory_space<hbm>>) dst(%arg6 : memref<64x1024xf32, #tpu.memory_space<vmem>>)
    "tpu.region"() ({
      %run_scoped3A = tpu.sem_alloc : memref<!tpu.dma_semaphore, #tpu.memory_space<semaphore_mem>>
      %dma_start3A_7 = arith.constant 0 : i32
      %dma_start3A_8 = tpu.memref_slice %arg4[%mul3A_2, %dma_start3A_7] : memref<2048x1024xf32, #tpu.memory_space<hbm>> -> memref<64x1024xf32, #tpu.memory_space<hbm>>
      %dma_start3A_9 = arith.constant 0 : i32
      %dma_start3A_10 = tpu.memref_slice %arg4[%mul3A_2, %dma_start3A_9] : memref<2048x1024xf32, #tpu.memory_space<hbm>> -> memref<64x1024xf32, #tpu.memory_space<hbm>>
      tpu.enqueue_dma source(%arg6 : memref<64x1024xf32, #tpu.memory_space<vmem>>) target(%dma_start3A_10 : memref<64x1024xf32, #tpu.memory_space<hbm>>) target_semaphore(%run_scoped3A : memref<!tpu.dma_semaphore, #tpu.memory_space<semaphore_mem>>)
      %dma_wait3A_11 = arith.constant 0 : i32
      %dma_wait3A_12 = tpu.memref_slice %arg4[%mul3A_2, %dma_wait3A_11] : memref<2048x1024xf32, #tpu.memory_space<hbm>> -> memref<64x1024xf32, #tpu.memory_space<hbm>>
      %dma_wait3A_13 = arith.constant 0 : i32
      %dma_wait3A_14 = tpu.memref_slice %arg4[%mul3A_2, %dma_wait3A_13] : memref<2048x1024xf32, #tpu.memory_space<hbm>> -> memref<64x1024xf32, #tpu.memory_space<hbm>>
      tpu.wait_dma2 semaphore(%run_scoped3A : memref<!tpu.dma_semaphore, #tpu.memory_space<semaphore_mem>>) src(%arg6 : memref<64x1024xf32, #tpu.memory_space<vmem>>) dst(%dma_wait3A_14 : memref<64x1024xf32, #tpu.memory_space<hbm>>)
      tpu.yield
    }) : () -> ()
    return
  }
}

#map = affine_map<(d0, d1) -> (0, 0)>
#map1 = affine_map<(d0, d1) -> (0)>
module attributes {stable_mosaic.version = 14 : i64} {
  func.func @_scupd_body(%arg0: i32, %arg1: i32, %arg2: memref<8192x1024xf32, #tpu.memory_space<hbm>>, %arg3: memref<2048xi32, #tpu.memory_space<hbm>>, %arg4: memref<2048x1024xf32, #tpu.memory_space<hbm>>, %arg5: memref<64xi32, #tpu.memory_space<vmem>>, %arg6: memref<64x1024xf32, #tpu.memory_space<vmem>>, %arg7: memref<!tpu.dma_semaphore, #tpu.memory_space<semaphore_mem>>) attributes {dimension_semantics = [#tpu.dimension_semantics<core_parallel>, #tpu.dimension_semantics<subcore_parallel>], iteration_bounds = array<i64: 2, 16>, scalar_prefetch = 0 : i64, scratch_operands = 3 : i64, tpu.core_type = #tpu.core_type<sc_vector_subcore>, window_params = [{transform_indices = #map}, {transform_indices = #map1}, {transform_indices = #map}]} {
    %mul3A = arith.constant 2 : i32
    %mul3A_0 = arith.muli %arg1, %mul3A : i32
    %add3A = arith.addi %mul3A_0, %arg0 : i32
    %mul3A_1 = arith.constant 64 : i32
    %mul3A_2 = arith.muli %add3A, %mul3A_1 : i32
    "tpu.region"() ({
      %run_scoped3A = tpu.sem_alloc : memref<!tpu.dma_semaphore, #tpu.memory_space<semaphore_mem>>
      %dma_start3A_7 = tpu.memref_slice %arg3[%mul3A_2] : memref<2048xi32, #tpu.memory_space<hbm>> -> memref<64xi32, #tpu.memory_space<hbm>>
      %dma_start3A_8 = tpu.memref_slice %arg3[%mul3A_2] : memref<2048xi32, #tpu.memory_space<hbm>> -> memref<64xi32, #tpu.memory_space<hbm>>
      tpu.enqueue_dma source(%dma_start3A_8 : memref<64xi32, #tpu.memory_space<hbm>>) target(%arg5 : memref<64xi32, #tpu.memory_space<vmem>>) target_semaphore(%run_scoped3A : memref<!tpu.dma_semaphore, #tpu.memory_space<semaphore_mem>>)
      %dma_wait3A_9 = tpu.memref_slice %arg3[%mul3A_2] : memref<2048xi32, #tpu.memory_space<hbm>> -> memref<64xi32, #tpu.memory_space<hbm>>
      %dma_wait3A_10 = tpu.memref_slice %arg3[%mul3A_2] : memref<2048xi32, #tpu.memory_space<hbm>> -> memref<64xi32, #tpu.memory_space<hbm>>
      tpu.wait_dma2 semaphore(%run_scoped3A : memref<!tpu.dma_semaphore, #tpu.memory_space<semaphore_mem>>) src(%dma_wait3A_10 : memref<64xi32, #tpu.memory_space<hbm>>) dst(%arg5 : memref<64xi32, #tpu.memory_space<vmem>>)
      tpu.yield
    }) : () -> ()
    %dma_start3A = arith.constant 0 : i32
    %dma_start3A_3 = arith.constant 0 : i32
    %dma_start3A_4 = tpu.memref_slice %arg2[%dma_start3A, %dma_start3A_3] : memref<8192x1024xf32, #tpu.memory_space<hbm>> -> memref<8192x1024xf32, #tpu.memory_space<hbm>>
    tpu.enqueue_indirect_dma source(%dma_start3A_4 : memref<8192x1024xf32, #tpu.memory_space<hbm>>) target(%arg6 : memref<64x1024xf32, #tpu.memory_space<vmem>>) offsets(%arg5 : memref<64xi32, #tpu.memory_space<vmem>>) semaphore(%arg7 : memref<!tpu.dma_semaphore, #tpu.memory_space<semaphore_mem>>)
    %dma_wait3A = arith.constant 0 : i32
    %dma_wait3A_5 = arith.constant 0 : i32
    %dma_wait3A_6 = tpu.memref_slice %arg2[%dma_wait3A, %dma_wait3A_5] : memref<8192x1024xf32, #tpu.memory_space<hbm>> -> memref<8192x1024xf32, #tpu.memory_space<hbm>>
    tpu.wait_indirect_dma semaphore(%arg7 : memref<!tpu.dma_semaphore, #tpu.memory_space<semaphore_mem>>) src(%dma_wait3A_6 : memref<8192x1024xf32, #tpu.memory_space<hbm>>) dst(%arg6 : memref<64x1024xf32, #tpu.memory_space<vmem>>)
    "tpu.region"() ({
      %run_scoped3A = tpu.sem_alloc : memref<!tpu.dma_semaphore, #tpu.memory_space<semaphore_mem>>
      %dma_start3A_7 = arith.constant 0 : i32
      %dma_start3A_8 = tpu.memref_slice %arg4[%mul3A_2, %dma_start3A_7] : memref<2048x1024xf32, #tpu.memory_space<hbm>> -> memref<64x1024xf32, #tpu.memory_space<hbm>>
      %dma_start3A_9 = arith.constant 0 : i32
      %dma_start3A_10 = tpu.memref_slice %arg4[%mul3A_2, %dma_start3A_9] : memref<2048x1024xf32, #tpu.memory_space<hbm>> -> memref<64x1024xf32, #tpu.memory_space<hbm>>
      tpu.enqueue_dma source(%arg6 : memref<64x1024xf32, #tpu.memory_space<vmem>>) target(%dma_start3A_10 : memref<64x1024xf32, #tpu.memory_space<hbm>>) target_semaphore(%run_scoped3A : memref<!tpu.dma_semaphore, #tpu.memory_space<semaphore_mem>>)
      %dma_wait3A_11 = arith.constant 0 : i32
      %dma_wait3A_12 = tpu.memref_slice %arg4[%mul3A_2, %dma_wait3A_11] : memref<2048x1024xf32, #tpu.memory_space<hbm>> -> memref<64x1024xf32, #tpu.memory_space<hbm>>
      %dma_wait3A_13 = arith.constant 0 : i32
      %dma_wait3A_14 = tpu.memref_slice %arg4[%mul3A_2, %dma_wait3A_13] : memref<2048x1024xf32, #tpu.memory_space<hbm>> -> memref<64x1024xf32, #tpu.memory_space<hbm>>
      tpu.wait_dma2 semaphore(%run_scoped3A : memref<!tpu.dma_semaphore, #tpu.memory_space<semaphore_mem>>) src(%arg6 : memref<64x1024xf32, #tpu.memory_space<vmem>>) dst(%dma_wait3A_14 : memref<64x1024xf32, #tpu.memory_space<hbm>>)
      tpu.yield
    }) : () -> ()
    return
  }
}

module attributes {stable_mosaic.version = 14 : i64} {
  func.func @_prep_body(%arg0: i32, %arg1: memref<1x1024x1024xf32, #tpu.memory_space<vmem>>, %arg2: memref<1x1024x1024xbf16, #tpu.memory_space<vmem>>) attributes {dimension_semantics = [#tpu.dimension_semantics<arbitrary>], iteration_bounds = array<i64: 8>, scalar_prefetch = 0 : i64, scratch_operands = 0 : i64, tpu.core_type = #tpu.core_type<tc>, window_params = [{transform_indices = @transform_0, window_bounds = array<i64: 1, 1024, 1024>}, {transform_indices = @transform_1, window_bounds = array<i64: 1, 1024, 1024>}]} {
    %get3A = arith.constant 0 : index
    %get3A_0 = arith.constant 0 : index
    %get3A_1 = arith.constant 0 : index
    %get3A_2 = vector.load %arg1[%get3A, %get3A_0, %get3A_1] : memref<1x1024x1024xf32, #tpu.memory_space<vmem>>, vector<1x1024x1024xf32>
    %get3A_3 = vector.shape_cast %get3A_2 : vector<1x1024x1024xf32> to vector<1024x1024xf32>
    %transpose3A = tpu.transpose %get3A_3, [1, 0] : vector<1024x1024xf32> -> vector<1024x1024xf32>
    %convert_element_type3A = arith.truncf %transpose3A : vector<1024x1024xf32> to vector<1024x1024xbf16>
    %swap3A = arith.constant 0 : index
    %swap3A_4 = arith.constant 0 : index
    %swap3A_5 = arith.constant 0 : index
    %swap3A_6 = vector.load %arg2[%swap3A, %swap3A_4, %swap3A_5] : memref<1x1024x1024xbf16, #tpu.memory_space<vmem>>, vector<1x1024x1024xbf16>
    %swap3A_7 = vector.shape_cast %swap3A_6 : vector<1x1024x1024xbf16> to vector<1024x1024xbf16>
    %swap3A_8 = vector.shape_cast %convert_element_type3A : vector<1024x1024xbf16> to vector<1x1024x1024xbf16>
    tpu.vector_store %arg2[%swap3A, %swap3A_4, %swap3A_5], %swap3A_8 {strides = array<i32>} : memref<1x1024x1024xbf16, #tpu.memory_space<vmem>>, vector<1x1024x1024xbf16>,
    return
  }
  func.func @transform_0(%arg0: i32) -> (i32, i32, i32) {
    %c0_i32 = arith.constant 0 : i32
    %c0_i32_0 = arith.constant 0 : i32
    %c0_i32_1 = arith.constant 0 : i32
    return %arg0, %c0_i32, %c0_i32_0 : i32, i32, i32
  }
  func.func @transform_1(%arg0: i32) -> (i32, i32, i32) {
    %c0_i32 = arith.constant 0 : i32
    %c0_i32_0 = arith.constant 0 : i32
    %c0_i32_1 = arith.constant 0 : i32
    return %arg0, %c0_i32, %c0_i32_0 : i32, i32, i32
  }
}

module attributes {stable_mosaic.version = 14 : i64} {
  func.func @_encoder_body(%arg0: i32, %arg1: memref<256x4096xf32, #tpu.memory_space<vmem>>, %arg2: memref<4096x2048xbf16, #tpu.memory_space<vmem>>, %arg3: memref<1x2048xf32, #tpu.memory_space<vmem>>, %arg4: memref<2048x1024xbf16, #tpu.memory_space<vmem>>, %arg5: memref<1x1024xf32, #tpu.memory_space<vmem>>, %arg6: memref<256x1024xf32, #tpu.memory_space<vmem>>, %arg7: memref<256x1024xf32, #tpu.memory_space<vmem>>) attributes {dimension_semantics = [#tpu.dimension_semantics<arbitrary>], iteration_bounds = array<i64: 8>, scalar_prefetch = 0 : i64, scratch_operands = 0 : i64, tpu.core_type = #tpu.core_type<tc>, window_params = [{transform_indices = @transform_0, window_bounds = array<i64: 256, 4096>}, {pipeline_mode = #tpu.pipeline_mode<synchronous>, transform_indices = @transform_1, window_bounds = array<i64: 4096, 2048>}, {pipeline_mode = #tpu.pipeline_mode<synchronous>, transform_indices = @transform_2, window_bounds = array<i64: 1, 2048>}, {pipeline_mode = #tpu.pipeline_mode<synchronous>, transform_indices = @transform_3, window_bounds = array<i64: 2048, 1024>}, {pipeline_mode = #tpu.pipeline_mode<synchronous>, transform_indices = @transform_4, window_bounds = array<i64: 1, 1024>}, {transform_indices = @transform_5, window_bounds = array<i64: 256, 1024>}, {transform_indices = @transform_6, window_bounds = array<i64: 256, 1024>}]} {
    %get3A = arith.constant 0 : index
    %get3A_0 = arith.constant 0 : index
    %get3A_1 = vector.load %arg1[%get3A, %get3A_0] : memref<256x4096xf32, #tpu.memory_space<vmem>>, vector<256x4096xf32>
    %convert_element_type3A = arith.truncf %get3A_1 : vector<256x4096xf32> to vector<256x4096xbf16>
    %get3A_2 = arith.constant 0 : index
    %get3A_3 = arith.constant 0 : index
    %get3A_4 = vector.load %arg2[%get3A_2, %get3A_3] : memref<4096x2048xbf16, #tpu.memory_space<vmem>>, vector<4096x2048xbf16>
    %dot_general3A = arith.constant dense<0.000000e+00> : vector<256x2048xf32>
    %dot_general3A_5 = tpu.matmul %convert_element_type3A, %get3A_4, %dot_general3A {dimension_numbers = #tpu.dot_dimension_numbers<[1], [0], [0], [1], [0, 0, 1, 1], [], []>, transpose_lhs_hint = false} : vector<256x4096xbf16>, vector<4096x2048xbf16>, vector<256x2048xf32> -> vector<256x2048xf32>
    %get3A_6 = arith.constant 0 : index
    %get3A_7 = arith.constant 0 : index
    %get3A_8 = vector.load %arg3[%get3A_6, %get3A_7] : memref<1x2048xf32, #tpu.memory_space<vmem>>, vector<1x2048xf32>
    %add3A = vector.broadcast %get3A_8 : vector<1x2048xf32> to vector<256x2048xf32>
    %add3A_9 = arith.addf %dot_general3A_5, %add3A : vector<256x2048xf32>
    %convert_element_type3A_10 = arith.truncf %add3A_9 : vector<256x2048xf32> to vector<256x2048xbf16>
    %get3A_11 = arith.constant 0 : index
    %get3A_12 = arith.constant 0 : index
    %get3A_13 = vector.load %arg4[%get3A_11, %get3A_12] : memref<2048x1024xbf16, #tpu.memory_space<vmem>>, vector<2048x1024xbf16>
    %dot_general3A_14 = arith.constant dense<0.000000e+00> : vector<256x1024xf32>
    %dot_general3A_15 = tpu.matmul %convert_element_type3A_10, %get3A_13, %dot_general3A_14 {dimension_numbers = #tpu.dot_dimension_numbers<[1], [0], [0], [1], [0, 0, 1, 1], [], []>, transpose_lhs_hint = false} : vector<256x2048xbf16>, vector<2048x1024xbf16>, vector<256x1024xf32> -> vector<256x1024xf32>
    %get3A_16 = arith.constant 0 : index
    %get3A_17 = arith.constant 0 : index
    %get3A_18 = vector.load %arg5[%get3A_16, %get3A_17] : memref<1x1024xf32, #tpu.memory_space<vmem>>, vector<1x1024xf32>
    %add3A_19 = vector.broadcast %get3A_18 : vector<1x1024xf32> to vector<256x1024xf32>
    %add3A_20 = arith.addf %dot_general3A_15, %add3A_19 : vector<256x1024xf32>
    %swap3A = arith.constant 0 : index
    %swap3A_21 = arith.constant 0 : index
    %swap3A_22 = vector.load %arg6[%swap3A, %swap3A_21] : memref<256x1024xf32, #tpu.memory_space<vmem>>, vector<256x1024xf32>
    tpu.vector_store %arg6[%swap3A, %swap3A_21], %add3A_20 {strides = array<i32>} : memref<256x1024xf32, #tpu.memory_space<vmem>>, vector<256x1024xf32>,
    %neg3A = arith.constant 0.000000e+00 : f32
    %neg3A_23 = vector.broadcast %neg3A : f32 to vector<256x1024xf32>
    %neg3A_24 = arith.subf %neg3A_23, %add3A_20 : vector<256x1024xf32>
    %swap3A_25 = arith.constant 0 : index
    %swap3A_26 = arith.constant 0 : index
    %swap3A_27 = vector.load %arg7[%swap3A_25, %swap3A_26] : memref<256x1024xf32, #tpu.memory_space<vmem>>, vector<256x1024xf32>
    tpu.vector_store %arg7[%swap3A_25, %swap3A_26], %neg3A_24 {strides = array<i32>} : memref<256x1024xf32, #tpu.memory_space<vmem>>, vector<256x1024xf32>,
    return
  }
  func.func @transform_0(%arg0: i32) -> (i32, i32) {
    %c0_i32 = arith.constant 0 : i32
    %c0_i32_0 = arith.constant 0 : i32
    return %arg0, %c0_i32 : i32, i32
  }
  func.func @transform_1(%arg0: i32) -> (i32, i32) {
    %c0_i32 = arith.constant 0 : i32
    %c0_i32_0 = arith.constant 0 : i32
    %c0_i32_1 = arith.constant 0 : i32
    return %c0_i32, %c0_i32_0 : i32, i32
  }
  func.func @transform_2(%arg0: i32) -> (i32, i32) {
    %c0_i32 = arith.constant 0 : i32
    %c0_i32_0 = arith.constant 0 : i32
    %c0_i32_1 = arith.constant 0 : i32
    return %c0_i32, %c0_i32_0 : i32, i32
  }
  func.func @transform_3(%arg0: i32) -> (i32, i32) {
    %c0_i32 = arith.constant 0 : i32
    %c0_i32_0 = arith.constant 0 : i32
    %c0_i32_1 = arith.constant 0 : i32
    return %c0_i32, %c0_i32_0 : i32, i32
  }
  func.func @transform_4(%arg0: i32) -> (i32, i32) {
    %c0_i32 = arith.constant 0 : i32
    %c0_i32_0 = arith.constant 0 : i32
    %c0_i32_1 = arith.constant 0 : i32
    return %c0_i32, %c0_i32_0 : i32, i32
  }
  func.func @transform_5(%arg0: i32) -> (i32, i32) {
    %c0_i32 = arith.constant 0 : i32
    %c0_i32_0 = arith.constant 0 : i32
    return %arg0, %c0_i32 : i32, i32
  }
  func.func @transform_6(%arg0: i32) -> (i32, i32) {
    %c0_i32 = arith.constant 0 : i32
    %c0_i32_0 = arith.constant 0 : i32
    return %arg0, %c0_i32 : i32, i32
  }
}

module attributes {stable_mosaic.version = 14 : i64} {
  func.func @_lambda_(%arg0: i32, %arg1: memref<1024x1024xf32, #tpu.memory_space<vmem>>, %arg2: memref<1x1024x1xf32, #tpu.memory_space<vmem>>, %arg3: memref<1x1024x1024xbf16, #tpu.memory_space<vmem>>, %arg4: memref<1x1x1024xf32, #tpu.memory_space<vmem>>, %arg5: memref<1x1x1024xi32, #tpu.memory_space<vmem>>, %arg6: memref<1x1x1024xi32, #tpu.memory_space<vmem>>, %arg7: memref<1x1xf32, #tpu.memory_space<vmem>>) attributes {dimension_semantics = [#tpu.dimension_semantics<arbitrary>], iteration_bounds = array<i64: 2>, scalar_prefetch = 0 : i64, scratch_operands = 0 : i64, tpu.core_type = #tpu.core_type<tc>, window_params = [{transform_indices = @transform_0, window_bounds = array<i64: 1024, 1024>}, {transform_indices = @transform_1, window_bounds = array<i64: 1, 1024, 1>}, {transform_indices = @transform_2, window_bounds = array<i64: 1, 1024, 1024>}, {transform_indices = @transform_3, window_bounds = array<i64: 1, 1, 1024>}, {transform_indices = @transform_4, window_bounds = array<i64: 1, 1, 1024>}, {transform_indices = @transform_5, window_bounds = array<i64: 1, 1, 1024>}, {pipeline_mode = #tpu.pipeline_mode<synchronous>, transform_indices = @transform_6, window_bounds = array<i64: 1, 1>}]} {
    %get3A = arith.constant 0 : index
    %get3A_0 = arith.constant 0 : index
    %get3A_1 = vector.load %arg1[%get3A, %get3A_0] : memref<1024x1024xf32, #tpu.memory_space<vmem>>, vector<1024x1024xf32>
    %convert_element_type3A = arith.truncf %get3A_1 : vector<1024x1024xf32> to vector<1024x1024xbf16>
    %get3A_2 = arith.constant 0 : index
    %get3A_3 = arith.constant 0 : index
    %get3A_4 = arith.constant 0 : index
    %get3A_5 = vector.load %arg3[%get3A_2, %get3A_3, %get3A_4] : memref<1x1024x1024xbf16, #tpu.memory_space<vmem>>, vector<1x1024x1024xbf16>
    %get3A_6 = vector.shape_cast %get3A_5 : vector<1x1024x1024xbf16> to vector<1024x1024xbf16>
    %dot_general3A = arith.constant dense<0.000000e+00> : vector<1024x1024xf32>
    %dot_general3A_7 = tpu.matmul %convert_element_type3A, %get3A_6, %dot_general3A {dimension_numbers = #tpu.dot_dimension_numbers<[1], [0], [0], [1], [0, 0, 1, 1], [], []>, transpose_lhs_hint = false} : vector<1024x1024xbf16>, vector<1024x1024xbf16>, vector<1024x1024xf32> -> vector<1024x1024xf32>
    %get3A_8 = arith.constant 0 : index
    %get3A_9 = arith.constant 0 : index
    %get3A_10 = arith.constant 0 : index
    %get3A_11 = vector.load %arg2[%get3A_8, %get3A_9, %get3A_10] : memref<1x1024x1xf32, #tpu.memory_space<vmem>>, vector<1x1024x1xf32>
    %get3A_12 = vector.shape_cast %get3A_11 : vector<1x1024x1xf32> to vector<1024x1xf32>
    %mul3A = arith.constant 2.000000e+00 : f32
    %mul3A_13 = vector.broadcast %mul3A : f32 to vector<1024x1024xf32>
    %mul3A_14 = arith.mulf %mul3A_13, %dot_general3A_7 : vector<1024x1024xf32>
    %add3A = vector.broadcast %get3A_12 : vector<1024x1xf32> to vector<1024x1024xf32>
    %add3A_15 = arith.addf %add3A, %mul3A_14 : vector<1024x1024xf32>
    %get3A_16 = arith.constant 0 : index
    %get3A_17 = arith.constant 0 : index
    %get3A_18 = arith.constant 0 : index
    %get3A_19 = vector.load %arg4[%get3A_16, %get3A_17, %get3A_18] : memref<1x1x1024xf32, #tpu.memory_space<vmem>>, vector<1x1x1024xf32>
    %get3A_20 = vector.shape_cast %get3A_19 : vector<1x1x1024xf32> to vector<1x1024xf32>
    %add3A_21 = vector.broadcast %get3A_20 : vector<1x1024xf32> to vector<1024x1024xf32>
    %add3A_22 = arith.addf %add3A_15, %add3A_21 : vector<1024x1024xf32>
    %reduce_min3A = arith.constant dense<0x7F800000> : vector<1024xf32>
    %reduce_min3A_23 = vector.multi_reduction <minimumf>, %add3A_22, %reduce_min3A [1] : vector<1024x1024xf32> to vector<1024xf32>
    %broadcast_in_dim3A = vector.shape_cast %reduce_min3A_23 : vector<1024xf32> to vector<1024x1xf32>
    %iota3A = tpu.iota {dimensions = array<i32: 1>} : vector<1024x1024xi32>
    %eq3A = vector.broadcast %broadcast_in_dim3A : vector<1024x1xf32> to vector<1024x1024xf32>
    %eq3A_24 = arith.cmpf oeq, %add3A_22, %eq3A : vector<1024x1024xf32>
    %jit3A = arith.constant 1024 : i32
    %broadcast_in_dim3A_25 = vector.broadcast %jit3A : i32 to vector<1024x1024xi32>
    %select_n3A = arith.select %eq3A_24, %iota3A, %broadcast_in_dim3A_25 : vector<1024x1024xi1>, vector<1024x1024xi32>
    %reduce_min3A_26 = arith.constant dense<2147483647> : vector<1024xi32>
    %reduce_min3A_27 = vector.multi_reduction <minsi>, %select_n3A, %reduce_min3A_26 [1] : vector<1024x1024xi32> to vector<1024xi32>
    %swap3A = arith.constant 0 : index
    %swap3A_28 = arith.constant 0 : index
    %swap3A_29 = arith.constant 0 : index
    %swap3A_30 = vector.load %arg5[%swap3A, %swap3A_28, %swap3A_29] : memref<1x1x1024xi32, #tpu.memory_space<vmem>>, vector<1x1x1024xi32>
    %swap3A_31 = vector.shape_cast %swap3A_30 : vector<1x1x1024xi32> to vector<1024xi32>
    %swap3A_32 = vector.shape_cast %reduce_min3A_27 : vector<1024xi32> to vector<1x1x1024xi32>
    tpu.vector_store %arg5[%swap3A, %swap3A_28, %swap3A_29], %swap3A_32 {strides = array<i32>} : memref<1x1x1024xi32, #tpu.memory_space<vmem>>, vector<1x1x1024xi32>,
    %add3A_33 = arith.constant 0 : i32
    %add3A_34 = vector.broadcast %add3A_33 : i32 to vector<1024xi32>
    %add3A_35 = arith.addi %reduce_min3A_27, %add3A_34 : vector<1024xi32>
    %swap3A_36 = arith.constant 0 : index
    %swap3A_37 = arith.constant 0 : index
    %swap3A_38 = arith.constant 0 : index
    %swap3A_39 = vector.load %arg6[%swap3A_36, %swap3A_37, %swap3A_38] : memref<1x1x1024xi32, #tpu.memory_space<vmem>>, vector<1x1x1024xi32>
    %swap3A_40 = vector.shape_cast %swap3A_39 : vector<1x1x1024xi32> to vector<1024xi32>
    %swap3A_41 = vector.shape_cast %add3A_35 : vector<1024xi32> to vector<1x1x1024xi32>
    tpu.vector_store %arg6[%swap3A_36, %swap3A_37, %swap3A_38], %swap3A_41 {strides = array<i32>} : memref<1x1x1024xi32, #tpu.memory_space<vmem>>, vector<1x1x1024xi32>,
    %eq3A_42 = arith.constant 0 : i32
    %eq3A_43 = arith.cmpi eq, %arg0, %eq3A_42 : i32
    %convert_element_type3A_44 = arith.extui %eq3A_43 : i1 to i32
    %cond3A = arith.constant 0 : i32
    %cond3A_45 = arith.cmpi ne, %convert_element_type3A_44, %cond3A : i32
    scf.if %cond3A_45 {
      %broadcast_in_dim3A_64 = arith.constant 0.000000e+00 : f32
      %broadcast_in_dim3A_65 = vector.broadcast %broadcast_in_dim3A_64 : f32 to vector<1x1xf32>
      %swap3A_66 = arith.constant 0 : index
      %swap3A_67 = arith.constant 0 : index
      %swap3A_68 = vector.load %arg7[%swap3A_66, %swap3A_67] : memref<1x1xf32, #tpu.memory_space<vmem>>, vector<1x1xf32>
      tpu.vector_store %arg7[%swap3A_66, %swap3A_67], %broadcast_in_dim3A_65 {strides = array<i32>} : memref<1x1xf32, #tpu.memory_space<vmem>>, vector<1x1xf32>,
    } else {
    }
    %get3A_46 = arith.constant 0 : index
    %get3A_47 = arith.constant 0 : index
    %get3A_48 = vector.load %arg7[%get3A_46, %get3A_47] : memref<1x1xf32, #tpu.memory_space<vmem>>, vector<1x1xf32>
    %get3A_49 = arith.constant 0 : index
    %get3A_50 = arith.constant 0 : index
    %get3A_51 = arith.constant 0 : index
    %get3A_52 = vector.load %arg2[%get3A_49, %get3A_50, %get3A_51] : memref<1x1024x1xf32, #tpu.memory_space<vmem>>, vector<1x1024x1xf32>
    %get3A_53 = vector.shape_cast %get3A_52 : vector<1x1024x1xf32> to vector<1024x1xf32>
    %reduce_sum3A = vector.shape_cast %get3A_53 : vector<1024x1xf32> to vector<1x1024x1xf32>
    %reduce_sum3A_54 = arith.constant dense<0.000000e+00> : vector<1xf32>
    %reduce_sum3A_55 = vector.multi_reduction <add>, %reduce_sum3A, %reduce_sum3A_54 [1, 2] : vector<1x1024x1xf32> to vector<1xf32>
    %reduce_sum3A_56 = vector.shape_cast %reduce_sum3A_55 : vector<1xf32> to vector<1x1x1xf32>
    %reduce_sum3A_57 = vector.extract %reduce_sum3A_56[0, 0, 0] : f32 from vector<1x1x1xf32>
    %mul3A_58 = arith.constant 4.76837158E-7 : f32
    %mul3A_59 = arith.mulf %reduce_sum3A_57, %mul3A_58 : f32
    %reshape3A = vector.broadcast %mul3A_59 : f32 to vector<1x1xf32>
    %add3A_60 = arith.addf %get3A_48, %reshape3A : vector<1x1xf32>
    %swap3A_61 = arith.constant 0 : index
    %swap3A_62 = arith.constant 0 : index
    %swap3A_63 = vector.load %arg7[%swap3A_61, %swap3A_62] : memref<1x1xf32, #tpu.memory_space<vmem>>, vector<1x1xf32>
    tpu.vector_store %arg7[%swap3A_61, %swap3A_62], %add3A_60 {strides = array<i32>} : memref<1x1xf32, #tpu.memory_space<vmem>>, vector<1x1xf32>,
    return
  }
  func.func @transform_0(%arg0: i32) -> (i32, i32) {
    %c0_i32 = arith.constant 0 : i32
    %c0_i32_0 = arith.constant 0 : i32
    return %arg0, %c0_i32 : i32, i32
  }
  func.func @transform_1(%arg0: i32) -> (i32, i32, i32) {
    %c0_i32 = arith.constant 0 : i32
    %c0_i32_0 = arith.constant 0 : i32
    %c0_i32_1 = arith.constant 0 : i32
    return %arg0, %c0_i32, %c0_i32_0 : i32, i32, i32
  }
  func.func @transform_2(%arg0: i32) -> (i32, i32, i32) {
    %c0_i32 = arith.constant 0 : i32
    %c0_i32_0 = arith.constant 0 : i32
    %c0_i32_1 = arith.constant 0 : i32
    %c0_i32_2 = arith.constant 0 : i32
    return %c0_i32, %c0_i32_0, %c0_i32_1 : i32, i32, i32
  }
  func.func @transform_3(%arg0: i32) -> (i32, i32, i32) {
    %c0_i32 = arith.constant 0 : i32
    %c0_i32_0 = arith.constant 0 : i32
    %c0_i32_1 = arith.constant 0 : i32
    %c0_i32_2 = arith.constant 0 : i32
    return %c0_i32, %c0_i32_0, %c0_i32_1 : i32, i32, i32
  }
  func.func @transform_4(%arg0: i32) -> (i32, i32, i32) {
    %c0_i32 = arith.constant 0 : i32
    %c0_i32_0 = arith.constant 0 : i32
    %c0_i32_1 = arith.constant 0 : i32
    return %arg0, %c0_i32, %c0_i32_0 : i32, i32, i32
  }
  func.func @transform_5(%arg0: i32) -> (i32, i32, i32) {
    %c0_i32 = arith.constant 0 : i32
    %c0_i32_0 = arith.constant 0 : i32
    %c0_i32_1 = arith.constant 0 : i32
    return %arg0, %c0_i32, %c0_i32_0 : i32, i32, i32
  }
  func.func @transform_6(%arg0: i32) -> (i32, i32) {
    %c0_i32 = arith.constant 0 : i32
    %c0_i32_0 = arith.constant 0 : i32
    %c0_i32_1 = arith.constant 0 : i32
    return %c0_i32, %c0_i32_0 : i32, i32
  }
}

module attributes {stable_mosaic.version = 14 : i64} {
  func.func @_lambda_(%arg0: i32, %arg1: memref<1024x1024xf32, #tpu.memory_space<vmem>>, %arg2: memref<1024x1024xf32, #tpu.memory_space<vmem>>, %arg3: memref<1x1024x1xf32, #tpu.memory_space<vmem>>, %arg4: memref<1x1024x1024xbf16, #tpu.memory_space<vmem>>, %arg5: memref<1x1x1024xf32, #tpu.memory_space<vmem>>, %arg6: memref<1024x1024xf32, #tpu.memory_space<vmem>>, %arg7: memref<1x1x1024xi32, #tpu.memory_space<vmem>>, %arg8: memref<1x1x1024xi32, #tpu.memory_space<vmem>>, %arg9: memref<1x1xf32, #tpu.memory_space<vmem>>) attributes {dimension_semantics = [#tpu.dimension_semantics<arbitrary>], iteration_bounds = array<i64: 2>, scalar_prefetch = 0 : i64, scratch_operands = 0 : i64, tpu.core_type = #tpu.core_type<tc>, window_params = [{transform_indices = @transform_0, window_bounds = array<i64: 1024, 1024>}, {transform_indices = @transform_1, window_bounds = array<i64: 1024, 1024>}, {transform_indices = @transform_2, window_bounds = array<i64: 1, 1024, 1>}, {transform_indices = @transform_3, window_bounds = array<i64: 1, 1024, 1024>}, {transform_indices = @transform_4, window_bounds = array<i64: 1, 1, 1024>}, {transform_indices = @transform_5, window_bounds = array<i64: 1024, 1024>}, {transform_indices = @transform_6, window_bounds = array<i64: 1, 1, 1024>}, {transform_indices = @transform_7, window_bounds = array<i64: 1, 1, 1024>}, {pipeline_mode = #tpu.pipeline_mode<synchronous>, transform_indices = @transform_8, window_bounds = array<i64: 1, 1>}]} {
    %get3A = arith.constant 0 : index
    %get3A_0 = arith.constant 0 : index
    %get3A_1 = vector.load %arg1[%get3A, %get3A_0] : memref<1024x1024xf32, #tpu.memory_space<vmem>>, vector<1024x1024xf32>
    %get3A_2 = arith.constant 0 : index
    %get3A_3 = arith.constant 0 : index
    %get3A_4 = vector.load %arg2[%get3A_2, %get3A_3] : memref<1024x1024xf32, #tpu.memory_space<vmem>>, vector<1024x1024xf32>
    %add3A = arith.addf %get3A_1, %get3A_4 : vector<1024x1024xf32>
    %swap3A = arith.constant 0 : index
    %swap3A_5 = arith.constant 0 : index
    %swap3A_6 = vector.load %arg6[%swap3A, %swap3A_5] : memref<1024x1024xf32, #tpu.memory_space<vmem>>, vector<1024x1024xf32>
    tpu.vector_store %arg6[%swap3A, %swap3A_5], %add3A {strides = array<i32>} : memref<1024x1024xf32, #tpu.memory_space<vmem>>, vector<1024x1024xf32>,
    %convert_element_type3A = arith.truncf %add3A : vector<1024x1024xf32> to vector<1024x1024xbf16>
    %get3A_7 = arith.constant 0 : index
    %get3A_8 = arith.constant 0 : index
    %get3A_9 = arith.constant 0 : index
    %get3A_10 = vector.load %arg4[%get3A_7, %get3A_8, %get3A_9] : memref<1x1024x1024xbf16, #tpu.memory_space<vmem>>, vector<1x1024x1024xbf16>
    %get3A_11 = vector.shape_cast %get3A_10 : vector<1x1024x1024xbf16> to vector<1024x1024xbf16>
    %dot_general3A = arith.constant dense<0.000000e+00> : vector<1024x1024xf32>
    %dot_general3A_12 = tpu.matmul %convert_element_type3A, %get3A_11, %dot_general3A {dimension_numbers = #tpu.dot_dimension_numbers<[1], [0], [0], [1], [0, 0, 1, 1], [], []>, transpose_lhs_hint = false} : vector<1024x1024xbf16>, vector<1024x1024xbf16>, vector<1024x1024xf32> -> vector<1024x1024xf32>
    %get3A_13 = arith.constant 0 : index
    %get3A_14 = arith.constant 0 : index
    %get3A_15 = arith.constant 0 : index
    %get3A_16 = vector.load %arg3[%get3A_13, %get3A_14, %get3A_15] : memref<1x1024x1xf32, #tpu.memory_space<vmem>>, vector<1x1024x1xf32>
    %get3A_17 = vector.shape_cast %get3A_16 : vector<1x1024x1xf32> to vector<1024x1xf32>
    %mul3A = arith.constant 2.000000e+00 : f32
    %mul3A_18 = vector.broadcast %mul3A : f32 to vector<1024x1024xf32>
    %mul3A_19 = arith.mulf %mul3A_18, %dot_general3A_12 : vector<1024x1024xf32>
    %add3A_20 = vector.broadcast %get3A_17 : vector<1024x1xf32> to vector<1024x1024xf32>
    %add3A_21 = arith.addf %add3A_20, %mul3A_19 : vector<1024x1024xf32>
    %get3A_22 = arith.constant 0 : index
    %get3A_23 = arith.constant 0 : index
    %get3A_24 = arith.constant 0 : index
    %get3A_25 = vector.load %arg5[%get3A_22, %get3A_23, %get3A_24] : memref<1x1x1024xf32, #tpu.memory_space<vmem>>, vector<1x1x1024xf32>
    %get3A_26 = vector.shape_cast %get3A_25 : vector<1x1x1024xf32> to vector<1x1024xf32>
    %add3A_27 = vector.broadcast %get3A_26 : vector<1x1024xf32> to vector<1024x1024xf32>
    %add3A_28 = arith.addf %add3A_21, %add3A_27 : vector<1024x1024xf32>
    %reduce_min3A = arith.constant dense<0x7F800000> : vector<1024xf32>
    %reduce_min3A_29 = vector.multi_reduction <minimumf>, %add3A_28, %reduce_min3A [1] : vector<1024x1024xf32> to vector<1024xf32>
    %broadcast_in_dim3A = vector.shape_cast %reduce_min3A_29 : vector<1024xf32> to vector<1024x1xf32>
    %iota3A = tpu.iota {dimensions = array<i32: 1>} : vector<1024x1024xi32>
    %eq3A = vector.broadcast %broadcast_in_dim3A : vector<1024x1xf32> to vector<1024x1024xf32>
    %eq3A_30 = arith.cmpf oeq, %add3A_28, %eq3A : vector<1024x1024xf32>
    %jit3A = arith.constant 1024 : i32
    %broadcast_in_dim3A_31 = vector.broadcast %jit3A : i32 to vector<1024x1024xi32>
    %select_n3A = arith.select %eq3A_30, %iota3A, %broadcast_in_dim3A_31 : vector<1024x1024xi1>, vector<1024x1024xi32>
    %reduce_min3A_32 = arith.constant dense<2147483647> : vector<1024xi32>
    %reduce_min3A_33 = vector.multi_reduction <minsi>, %select_n3A, %reduce_min3A_32 [1] : vector<1024x1024xi32> to vector<1024xi32>
    %swap3A_34 = arith.constant 0 : index
    %swap3A_35 = arith.constant 0 : index
    %swap3A_36 = arith.constant 0 : index
    %swap3A_37 = vector.load %arg7[%swap3A_34, %swap3A_35, %swap3A_36] : memref<1x1x1024xi32, #tpu.memory_space<vmem>>, vector<1x1x1024xi32>
    %swap3A_38 = vector.shape_cast %swap3A_37 : vector<1x1x1024xi32> to vector<1024xi32>
    %swap3A_39 = vector.shape_cast %reduce_min3A_33 : vector<1024xi32> to vector<1x1x1024xi32>
    tpu.vector_store %arg7[%swap3A_34, %swap3A_35, %swap3A_36], %swap3A_39 {strides = array<i32>} : memref<1x1x1024xi32, #tpu.memory_space<vmem>>, vector<1x1x1024xi32>,
    %add3A_40 = arith.constant 1024 : i32
    %add3A_41 = vector.broadcast %add3A_40 : i32 to vector<1024xi32>
    %add3A_42 = arith.addi %reduce_min3A_33, %add3A_41 : vector<1024xi32>
    %swap3A_43 = arith.constant 0 : index
    %swap3A_44 = arith.constant 0 : index
    %swap3A_45 = arith.constant 0 : index
    %swap3A_46 = vector.load %arg8[%swap3A_43, %swap3A_44, %swap3A_45] : memref<1x1x1024xi32, #tpu.memory_space<vmem>>, vector<1x1x1024xi32>
    %swap3A_47 = vector.shape_cast %swap3A_46 : vector<1x1x1024xi32> to vector<1024xi32>
    %swap3A_48 = vector.shape_cast %add3A_42 : vector<1024xi32> to vector<1x1x1024xi32>
    tpu.vector_store %arg8[%swap3A_43, %swap3A_44, %swap3A_45], %swap3A_48 {strides = array<i32>} : memref<1x1x1024xi32, #tpu.memory_space<vmem>>, vector<1x1x1024xi32>,
    %eq3A_49 = arith.constant 0 : i32
    %eq3A_50 = arith.cmpi eq, %arg0, %eq3A_49 : i32
    %convert_element_type3A_51 = arith.extui %eq3A_50 : i1 to i32
    %cond3A = arith.constant 0 : i32
    %cond3A_52 = arith.cmpi ne, %convert_element_type3A_51, %cond3A : i32
    scf.if %cond3A_52 {
      %broadcast_in_dim3A_71 = arith.constant 0.000000e+00 : f32
      %broadcast_in_dim3A_72 = vector.broadcast %broadcast_in_dim3A_71 : f32 to vector<1x1xf32>
      %swap3A_73 = arith.constant 0 : index
      %swap3A_74 = arith.constant 0 : index
      %swap3A_75 = vector.load %arg9[%swap3A_73, %swap3A_74] : memref<1x1xf32, #tpu.memory_space<vmem>>, vector<1x1xf32>
      tpu.vector_store %arg9[%swap3A_73, %swap3A_74], %broadcast_in_dim3A_72 {strides = array<i32>} : memref<1x1xf32, #tpu.memory_space<vmem>>, vector<1x1xf32>,
    } else {
    }
    %get3A_53 = arith.constant 0 : index
    %get3A_54 = arith.constant 0 : index
    %get3A_55 = vector.load %arg9[%get3A_53, %get3A_54] : memref<1x1xf32, #tpu.memory_space<vmem>>, vector<1x1xf32>
    %get3A_56 = arith.constant 0 : index
    %get3A_57 = arith.constant 0 : index
    %get3A_58 = arith.constant 0 : index
    %get3A_59 = vector.load %arg3[%get3A_56, %get3A_57, %get3A_58] : memref<1x1024x1xf32, #tpu.memory_space<vmem>>, vector<1x1024x1xf32>
    %get3A_60 = vector.shape_cast %get3A_59 : vector<1x1024x1xf32> to vector<1024x1xf32>
    %reduce_sum3A = vector.shape_cast %get3A_60 : vector<1024x1xf32> to vector<1x1024x1xf32>
    %reduce_sum3A_61 = arith.constant dense<0.000000e+00> : vector<1xf32>
    %reduce_sum3A_62 = vector.multi_reduction <add>, %reduce_sum3A, %reduce_sum3A_61 [1, 2] : vector<1x1024x1xf32> to vector<1xf32>
    %reduce_sum3A_63 = vector.shape_cast %reduce_sum3A_62 : vector<1xf32> to vector<1x1x1xf32>
    %reduce_sum3A_64 = vector.extract %reduce_sum3A_63[0, 0, 0] : f32 from vector<1x1x1xf32>
    %mul3A_65 = arith.constant 4.76837158E-7 : f32
    %mul3A_66 = arith.mulf %reduce_sum3A_64, %mul3A_65 : f32
    %reshape3A = vector.broadcast %mul3A_66 : f32 to vector<1x1xf32>
    %add3A_67 = arith.addf %get3A_55, %reshape3A : vector<1x1xf32>
    %swap3A_68 = arith.constant 0 : index
    %swap3A_69 = arith.constant 0 : index
    %swap3A_70 = vector.load %arg9[%swap3A_68, %swap3A_69] : memref<1x1xf32, #tpu.memory_space<vmem>>, vector<1x1xf32>
    tpu.vector_store %arg9[%swap3A_68, %swap3A_69], %add3A_67 {strides = array<i32>} : memref<1x1xf32, #tpu.memory_space<vmem>>, vector<1x1xf32>,
    return
  }
  func.func @transform_0(%arg0: i32) -> (i32, i32) {
    %c0_i32 = arith.constant 0 : i32
    %c0_i32_0 = arith.constant 0 : i32
    return %arg0, %c0_i32 : i32, i32
  }
  func.func @transform_1(%arg0: i32) -> (i32, i32) {
    %c0_i32 = arith.constant 0 : i32
    %c0_i32_0 = arith.constant 0 : i32
    return %arg0, %c0_i32 : i32, i32
  }
  func.func @transform_2(%arg0: i32) -> (i32, i32, i32) {
    %c0_i32 = arith.constant 0 : i32
    %c0_i32_0 = arith.constant 0 : i32
    %c0_i32_1 = arith.constant 0 : i32
    return %arg0, %c0_i32, %c0_i32_0 : i32, i32, i32
  }
  func.func @transform_3(%arg0: i32) -> (i32, i32, i32) {
    %c1_i32 = arith.constant 1 : i32
    %c0_i32 = arith.constant 0 : i32
    %c0_i32_0 = arith.constant 0 : i32
    %c0_i32_1 = arith.constant 0 : i32
    return %c1_i32, %c0_i32, %c0_i32_0 : i32, i32, i32
  }
  func.func @transform_4(%arg0: i32) -> (i32, i32, i32) {
    %c1_i32 = arith.constant 1 : i32
    %c0_i32 = arith.constant 0 : i32
    %c0_i32_0 = arith.constant 0 : i32
    %c0_i32_1 = arith.constant 0 : i32
    return %c1_i32, %c0_i32, %c0_i32_0 : i32, i32, i32
  }
  func.func @transform_5(%arg0: i32) -> (i32, i32) {
    %c0_i32 = arith.constant 0 : i32
    %c0_i32_0 = arith.constant 0 : i32
    return %arg0, %c0_i32 : i32, i32
  }
  func.func @transform_6(%arg0: i32) -> (i32, i32, i32) {
    %c0_i32 = arith.constant 0 : i32
    %c0_i32_0 = arith.constant 0 : i32
    %c0_i32_1 = arith.constant 0 : i32
    return %arg0, %c0_i32, %c0_i32_0 : i32, i32, i32
  }
  func.func @transform_7(%arg0: i32) -> (i32, i32, i32) {
    %c0_i32 = arith.constant 0 : i32
    %c0_i32_0 = arith.constant 0 : i32
    %c0_i32_1 = arith.constant 0 : i32
    return %arg0, %c0_i32, %c0_i32_0 : i32, i32, i32
  }
  func.func @transform_8(%arg0: i32) -> (i32, i32) {
    %c0_i32 = arith.constant 0 : i32
    %c0_i32_0 = arith.constant 0 : i32
    %c0_i32_1 = arith.constant 0 : i32
    return %c0_i32, %c0_i32_0 : i32, i32
  }
}

module attributes {stable_mosaic.version = 14 : i64} {
  func.func @_lambda_(%arg0: i32, %arg1: memref<1024x1024xf32, #tpu.memory_space<vmem>>, %arg2: memref<1024x1024xf32, #tpu.memory_space<vmem>>, %arg3: memref<1x1024x1xf32, #tpu.memory_space<vmem>>, %arg4: memref<1x1024x1024xbf16, #tpu.memory_space<vmem>>, %arg5: memref<1x1x1024xf32, #tpu.memory_space<vmem>>, %arg6: memref<1024x1024xf32, #tpu.memory_space<vmem>>, %arg7: memref<1x1x1024xi32, #tpu.memory_space<vmem>>, %arg8: memref<1x1x1024xi32, #tpu.memory_space<vmem>>, %arg9: memref<1x1xf32, #tpu.memory_space<vmem>>) attributes {dimension_semantics = [#tpu.dimension_semantics<arbitrary>], iteration_bounds = array<i64: 2>, scalar_prefetch = 0 : i64, scratch_operands = 0 : i64, tpu.core_type = #tpu.core_type<tc>, window_params = [{transform_indices = @transform_0, window_bounds = array<i64: 1024, 1024>}, {transform_indices = @transform_1, window_bounds = array<i64: 1024, 1024>}, {transform_indices = @transform_2, window_bounds = array<i64: 1, 1024, 1>}, {transform_indices = @transform_3, window_bounds = array<i64: 1, 1024, 1024>}, {transform_indices = @transform_4, window_bounds = array<i64: 1, 1, 1024>}, {transform_indices = @transform_5, window_bounds = array<i64: 1024, 1024>}, {transform_indices = @transform_6, window_bounds = array<i64: 1, 1, 1024>}, {transform_indices = @transform_7, window_bounds = array<i64: 1, 1, 1024>}, {pipeline_mode = #tpu.pipeline_mode<synchronous>, transform_indices = @transform_8, window_bounds = array<i64: 1, 1>}]} {
    %get3A = arith.constant 0 : index
    %get3A_0 = arith.constant 0 : index
    %get3A_1 = vector.load %arg1[%get3A, %get3A_0] : memref<1024x1024xf32, #tpu.memory_space<vmem>>, vector<1024x1024xf32>
    %get3A_2 = arith.constant 0 : index
    %get3A_3 = arith.constant 0 : index
    %get3A_4 = vector.load %arg2[%get3A_2, %get3A_3] : memref<1024x1024xf32, #tpu.memory_space<vmem>>, vector<1024x1024xf32>
    %add3A = arith.addf %get3A_1, %get3A_4 : vector<1024x1024xf32>
    %swap3A = arith.constant 0 : index
    %swap3A_5 = arith.constant 0 : index
    %swap3A_6 = vector.load %arg6[%swap3A, %swap3A_5] : memref<1024x1024xf32, #tpu.memory_space<vmem>>, vector<1024x1024xf32>
    tpu.vector_store %arg6[%swap3A, %swap3A_5], %add3A {strides = array<i32>} : memref<1024x1024xf32, #tpu.memory_space<vmem>>, vector<1024x1024xf32>,
    %convert_element_type3A = arith.truncf %add3A : vector<1024x1024xf32> to vector<1024x1024xbf16>
    %get3A_7 = arith.constant 0 : index
    %get3A_8 = arith.constant 0 : index
    %get3A_9 = arith.constant 0 : index
    %get3A_10 = vector.load %arg4[%get3A_7, %get3A_8, %get3A_9] : memref<1x1024x1024xbf16, #tpu.memory_space<vmem>>, vector<1x1024x1024xbf16>
    %get3A_11 = vector.shape_cast %get3A_10 : vector<1x1024x1024xbf16> to vector<1024x1024xbf16>
    %dot_general3A = arith.constant dense<0.000000e+00> : vector<1024x1024xf32>
    %dot_general3A_12 = tpu.matmul %convert_element_type3A, %get3A_11, %dot_general3A {dimension_numbers = #tpu.dot_dimension_numbers<[1], [0], [0], [1], [0, 0, 1, 1], [], []>, transpose_lhs_hint = false} : vector<1024x1024xbf16>, vector<1024x1024xbf16>, vector<1024x1024xf32> -> vector<1024x1024xf32>
    %get3A_13 = arith.constant 0 : index
    %get3A_14 = arith.constant 0 : index
    %get3A_15 = arith.constant 0 : index
    %get3A_16 = vector.load %arg3[%get3A_13, %get3A_14, %get3A_15] : memref<1x1024x1xf32, #tpu.memory_space<vmem>>, vector<1x1024x1xf32>
    %get3A_17 = vector.shape_cast %get3A_16 : vector<1x1024x1xf32> to vector<1024x1xf32>
    %mul3A = arith.constant 2.000000e+00 : f32
    %mul3A_18 = vector.broadcast %mul3A : f32 to vector<1024x1024xf32>
    %mul3A_19 = arith.mulf %mul3A_18, %dot_general3A_12 : vector<1024x1024xf32>
    %add3A_20 = vector.broadcast %get3A_17 : vector<1024x1xf32> to vector<1024x1024xf32>
    %add3A_21 = arith.addf %add3A_20, %mul3A_19 : vector<1024x1024xf32>
    %get3A_22 = arith.constant 0 : index
    %get3A_23 = arith.constant 0 : index
    %get3A_24 = arith.constant 0 : index
    %get3A_25 = vector.load %arg5[%get3A_22, %get3A_23, %get3A_24] : memref<1x1x1024xf32, #tpu.memory_space<vmem>>, vector<1x1x1024xf32>
    %get3A_26 = vector.shape_cast %get3A_25 : vector<1x1x1024xf32> to vector<1x1024xf32>
    %add3A_27 = vector.broadcast %get3A_26 : vector<1x1024xf32> to vector<1024x1024xf32>
    %add3A_28 = arith.addf %add3A_21, %add3A_27 : vector<1024x1024xf32>
    %reduce_min3A = arith.constant dense<0x7F800000> : vector<1024xf32>
    %reduce_min3A_29 = vector.multi_reduction <minimumf>, %add3A_28, %reduce_min3A [1] : vector<1024x1024xf32> to vector<1024xf32>
    %broadcast_in_dim3A = vector.shape_cast %reduce_min3A_29 : vector<1024xf32> to vector<1024x1xf32>
    %iota3A = tpu.iota {dimensions = array<i32: 1>} : vector<1024x1024xi32>
    %eq3A = vector.broadcast %broadcast_in_dim3A : vector<1024x1xf32> to vector<1024x1024xf32>
    %eq3A_30 = arith.cmpf oeq, %add3A_28, %eq3A : vector<1024x1024xf32>
    %jit3A = arith.constant 1024 : i32
    %broadcast_in_dim3A_31 = vector.broadcast %jit3A : i32 to vector<1024x1024xi32>
    %select_n3A = arith.select %eq3A_30, %iota3A, %broadcast_in_dim3A_31 : vector<1024x1024xi1>, vector<1024x1024xi32>
    %reduce_min3A_32 = arith.constant dense<2147483647> : vector<1024xi32>
    %reduce_min3A_33 = vector.multi_reduction <minsi>, %select_n3A, %reduce_min3A_32 [1] : vector<1024x1024xi32> to vector<1024xi32>
    %swap3A_34 = arith.constant 0 : index
    %swap3A_35 = arith.constant 0 : index
    %swap3A_36 = arith.constant 0 : index
    %swap3A_37 = vector.load %arg7[%swap3A_34, %swap3A_35, %swap3A_36] : memref<1x1x1024xi32, #tpu.memory_space<vmem>>, vector<1x1x1024xi32>
    %swap3A_38 = vector.shape_cast %swap3A_37 : vector<1x1x1024xi32> to vector<1024xi32>
    %swap3A_39 = vector.shape_cast %reduce_min3A_33 : vector<1024xi32> to vector<1x1x1024xi32>
    tpu.vector_store %arg7[%swap3A_34, %swap3A_35, %swap3A_36], %swap3A_39 {strides = array<i32>} : memref<1x1x1024xi32, #tpu.memory_space<vmem>>, vector<1x1x1024xi32>,
    %add3A_40 = arith.constant 2048 : i32
    %add3A_41 = vector.broadcast %add3A_40 : i32 to vector<1024xi32>
    %add3A_42 = arith.addi %reduce_min3A_33, %add3A_41 : vector<1024xi32>
    %swap3A_43 = arith.constant 0 : index
    %swap3A_44 = arith.constant 0 : index
    %swap3A_45 = arith.constant 0 : index
    %swap3A_46 = vector.load %arg8[%swap3A_43, %swap3A_44, %swap3A_45] : memref<1x1x1024xi32, #tpu.memory_space<vmem>>, vector<1x1x1024xi32>
    %swap3A_47 = vector.shape_cast %swap3A_46 : vector<1x1x1024xi32> to vector<1024xi32>
    %swap3A_48 = vector.shape_cast %add3A_42 : vector<1024xi32> to vector<1x1x1024xi32>
    tpu.vector_store %arg8[%swap3A_43, %swap3A_44, %swap3A_45], %swap3A_48 {strides = array<i32>} : memref<1x1x1024xi32, #tpu.memory_space<vmem>>, vector<1x1x1024xi32>,
    %eq3A_49 = arith.constant 0 : i32
    %eq3A_50 = arith.cmpi eq, %arg0, %eq3A_49 : i32
    %convert_element_type3A_51 = arith.extui %eq3A_50 : i1 to i32
    %cond3A = arith.constant 0 : i32
    %cond3A_52 = arith.cmpi ne, %convert_element_type3A_51, %cond3A : i32
    scf.if %cond3A_52 {
      %broadcast_in_dim3A_71 = arith.constant 0.000000e+00 : f32
      %broadcast_in_dim3A_72 = vector.broadcast %broadcast_in_dim3A_71 : f32 to vector<1x1xf32>
      %swap3A_73 = arith.constant 0 : index
      %swap3A_74 = arith.constant 0 : index
      %swap3A_75 = vector.load %arg9[%swap3A_73, %swap3A_74] : memref<1x1xf32, #tpu.memory_space<vmem>>, vector<1x1xf32>
      tpu.vector_store %arg9[%swap3A_73, %swap3A_74], %broadcast_in_dim3A_72 {strides = array<i32>} : memref<1x1xf32, #tpu.memory_space<vmem>>, vector<1x1xf32>,
    } else {
    }
    %get3A_53 = arith.constant 0 : index
    %get3A_54 = arith.constant 0 : index
    %get3A_55 = vector.load %arg9[%get3A_53, %get3A_54] : memref<1x1xf32, #tpu.memory_space<vmem>>, vector<1x1xf32>
    %get3A_56 = arith.constant 0 : index
    %get3A_57 = arith.constant 0 : index
    %get3A_58 = arith.constant 0 : index
    %get3A_59 = vector.load %arg3[%get3A_56, %get3A_57, %get3A_58] : memref<1x1024x1xf32, #tpu.memory_space<vmem>>, vector<1x1024x1xf32>
    %get3A_60 = vector.shape_cast %get3A_59 : vector<1x1024x1xf32> to vector<1024x1xf32>
    %reduce_sum3A = vector.shape_cast %get3A_60 : vector<1024x1xf32> to vector<1x1024x1xf32>
    %reduce_sum3A_61 = arith.constant dense<0.000000e+00> : vector<1xf32>
    %reduce_sum3A_62 = vector.multi_reduction <add>, %reduce_sum3A, %reduce_sum3A_61 [1, 2] : vector<1x1024x1xf32> to vector<1xf32>
    %reduce_sum3A_63 = vector.shape_cast %reduce_sum3A_62 : vector<1xf32> to vector<1x1x1xf32>
    %reduce_sum3A_64 = vector.extract %reduce_sum3A_63[0, 0, 0] : f32 from vector<1x1x1xf32>
    %mul3A_65 = arith.constant 4.76837158E-7 : f32
    %mul3A_66 = arith.mulf %reduce_sum3A_64, %mul3A_65 : f32
    %reshape3A = vector.broadcast %mul3A_66 : f32 to vector<1x1xf32>
    %add3A_67 = arith.addf %get3A_55, %reshape3A : vector<1x1xf32>
    %swap3A_68 = arith.constant 0 : index
    %swap3A_69 = arith.constant 0 : index
    %swap3A_70 = vector.load %arg9[%swap3A_68, %swap3A_69] : memref<1x1xf32, #tpu.memory_space<vmem>>, vector<1x1xf32>
    tpu.vector_store %arg9[%swap3A_68, %swap3A_69], %add3A_67 {strides = array<i32>} : memref<1x1xf32, #tpu.memory_space<vmem>>, vector<1x1xf32>,
    return
  }
  func.func @transform_0(%arg0: i32) -> (i32, i32) {
    %c0_i32 = arith.constant 0 : i32
    %c0_i32_0 = arith.constant 0 : i32
    return %arg0, %c0_i32 : i32, i32
  }
  func.func @transform_1(%arg0: i32) -> (i32, i32) {
    %c0_i32 = arith.constant 0 : i32
    %c0_i32_0 = arith.constant 0 : i32
    return %arg0, %c0_i32 : i32, i32
  }
  func.func @transform_2(%arg0: i32) -> (i32, i32, i32) {
    %c0_i32 = arith.constant 0 : i32
    %c0_i32_0 = arith.constant 0 : i32
    %c0_i32_1 = arith.constant 0 : i32
    return %arg0, %c0_i32, %c0_i32_0 : i32, i32, i32
  }
  func.func @transform_3(%arg0: i32) -> (i32, i32, i32) {
    %c2_i32 = arith.constant 2 : i32
    %c0_i32 = arith.constant 0 : i32
    %c0_i32_0 = arith.constant 0 : i32
    %c0_i32_1 = arith.constant 0 : i32
    return %c2_i32, %c0_i32, %c0_i32_0 : i32, i32, i32
  }
  func.func @transform_4(%arg0: i32) -> (i32, i32, i32) {
    %c2_i32 = arith.constant 2 : i32
    %c0_i32 = arith.constant 0 : i32
    %c0_i32_0 = arith.constant 0 : i32
    %c0_i32_1 = arith.constant 0 : i32
    return %c2_i32, %c0_i32, %c0_i32_0 : i32, i32, i32
  }
  func.func @transform_5(%arg0: i32) -> (i32, i32) {
    %c0_i32 = arith.constant 0 : i32
    %c0_i32_0 = arith.constant 0 : i32
    return %arg0, %c0_i32 : i32, i32
  }
  func.func @transform_6(%arg0: i32) -> (i32, i32, i32) {
    %c0_i32 = arith.constant 0 : i32
    %c0_i32_0 = arith.constant 0 : i32
    %c0_i32_1 = arith.constant 0 : i32
    return %arg0, %c0_i32, %c0_i32_0 : i32, i32, i32
  }
  func.func @transform_7(%arg0: i32) -> (i32, i32, i32) {
    %c0_i32 = arith.constant 0 : i32
    %c0_i32_0 = arith.constant 0 : i32
    %c0_i32_1 = arith.constant 0 : i32
    return %arg0, %c0_i32, %c0_i32_0 : i32, i32, i32
  }
  func.func @transform_8(%arg0: i32) -> (i32, i32) {
    %c0_i32 = arith.constant 0 : i32
    %c0_i32_0 = arith.constant 0 : i32
    %c0_i32_1 = arith.constant 0 : i32
    return %c0_i32, %c0_i32_0 : i32, i32
  }
}

module attributes {stable_mosaic.version = 14 : i64} {
  func.func @_lambda_(%arg0: i32, %arg1: memref<1024x1024xf32, #tpu.memory_space<vmem>>, %arg2: memref<1024x1024xf32, #tpu.memory_space<vmem>>, %arg3: memref<1x1024x1xf32, #tpu.memory_space<vmem>>, %arg4: memref<1x1024x1024xbf16, #tpu.memory_space<vmem>>, %arg5: memref<1x1x1024xf32, #tpu.memory_space<vmem>>, %arg6: memref<1024x1024xf32, #tpu.memory_space<vmem>>, %arg7: memref<1x1x1024xi32, #tpu.memory_space<vmem>>, %arg8: memref<1x1x1024xi32, #tpu.memory_space<vmem>>, %arg9: memref<1x1xf32, #tpu.memory_space<vmem>>) attributes {dimension_semantics = [#tpu.dimension_semantics<arbitrary>], iteration_bounds = array<i64: 2>, scalar_prefetch = 0 : i64, scratch_operands = 0 : i64, tpu.core_type = #tpu.core_type<tc>, window_params = [{transform_indices = @transform_0, window_bounds = array<i64: 1024, 1024>}, {transform_indices = @transform_1, window_bounds = array<i64: 1024, 1024>}, {transform_indices = @transform_2, window_bounds = array<i64: 1, 1024, 1>}, {transform_indices = @transform_3, window_bounds = array<i64: 1, 1024, 1024>}, {transform_indices = @transform_4, window_bounds = array<i64: 1, 1, 1024>}, {transform_indices = @transform_5, window_bounds = array<i64: 1024, 1024>}, {transform_indices = @transform_6, window_bounds = array<i64: 1, 1, 1024>}, {transform_indices = @transform_7, window_bounds = array<i64: 1, 1, 1024>}, {pipeline_mode = #tpu.pipeline_mode<synchronous>, transform_indices = @transform_8, window_bounds = array<i64: 1, 1>}]} {
    %get3A = arith.constant 0 : index
    %get3A_0 = arith.constant 0 : index
    %get3A_1 = vector.load %arg1[%get3A, %get3A_0] : memref<1024x1024xf32, #tpu.memory_space<vmem>>, vector<1024x1024xf32>
    %get3A_2 = arith.constant 0 : index
    %get3A_3 = arith.constant 0 : index
    %get3A_4 = vector.load %arg2[%get3A_2, %get3A_3] : memref<1024x1024xf32, #tpu.memory_space<vmem>>, vector<1024x1024xf32>
    %add3A = arith.addf %get3A_1, %get3A_4 : vector<1024x1024xf32>
    %swap3A = arith.constant 0 : index
    %swap3A_5 = arith.constant 0 : index
    %swap3A_6 = vector.load %arg6[%swap3A, %swap3A_5] : memref<1024x1024xf32, #tpu.memory_space<vmem>>, vector<1024x1024xf32>
    tpu.vector_store %arg6[%swap3A, %swap3A_5], %add3A {strides = array<i32>} : memref<1024x1024xf32, #tpu.memory_space<vmem>>, vector<1024x1024xf32>,
    %convert_element_type3A = arith.truncf %add3A : vector<1024x1024xf32> to vector<1024x1024xbf16>
    %get3A_7 = arith.constant 0 : index
    %get3A_8 = arith.constant 0 : index
    %get3A_9 = arith.constant 0 : index
    %get3A_10 = vector.load %arg4[%get3A_7, %get3A_8, %get3A_9] : memref<1x1024x1024xbf16, #tpu.memory_space<vmem>>, vector<1x1024x1024xbf16>
    %get3A_11 = vector.shape_cast %get3A_10 : vector<1x1024x1024xbf16> to vector<1024x1024xbf16>
    %dot_general3A = arith.constant dense<0.000000e+00> : vector<1024x1024xf32>
    %dot_general3A_12 = tpu.matmul %convert_element_type3A, %get3A_11, %dot_general3A {dimension_numbers = #tpu.dot_dimension_numbers<[1], [0], [0], [1], [0, 0, 1, 1], [], []>, transpose_lhs_hint = false} : vector<1024x1024xbf16>, vector<1024x1024xbf16>, vector<1024x1024xf32> -> vector<1024x1024xf32>
    %get3A_13 = arith.constant 0 : index
    %get3A_14 = arith.constant 0 : index
    %get3A_15 = arith.constant 0 : index
    %get3A_16 = vector.load %arg3[%get3A_13, %get3A_14, %get3A_15] : memref<1x1024x1xf32, #tpu.memory_space<vmem>>, vector<1x1024x1xf32>
    %get3A_17 = vector.shape_cast %get3A_16 : vector<1x1024x1xf32> to vector<1024x1xf32>
    %mul3A = arith.constant 2.000000e+00 : f32
    %mul3A_18 = vector.broadcast %mul3A : f32 to vector<1024x1024xf32>
    %mul3A_19 = arith.mulf %mul3A_18, %dot_general3A_12 : vector<1024x1024xf32>
    %add3A_20 = vector.broadcast %get3A_17 : vector<1024x1xf32> to vector<1024x1024xf32>
    %add3A_21 = arith.addf %add3A_20, %mul3A_19 : vector<1024x1024xf32>
    %get3A_22 = arith.constant 0 : index
    %get3A_23 = arith.constant 0 : index
    %get3A_24 = arith.constant 0 : index
    %get3A_25 = vector.load %arg5[%get3A_22, %get3A_23, %get3A_24] : memref<1x1x1024xf32, #tpu.memory_space<vmem>>, vector<1x1x1024xf32>
    %get3A_26 = vector.shape_cast %get3A_25 : vector<1x1x1024xf32> to vector<1x1024xf32>
    %add3A_27 = vector.broadcast %get3A_26 : vector<1x1024xf32> to vector<1024x1024xf32>
    %add3A_28 = arith.addf %add3A_21, %add3A_27 : vector<1024x1024xf32>
    %reduce_min3A = arith.constant dense<0x7F800000> : vector<1024xf32>
    %reduce_min3A_29 = vector.multi_reduction <minimumf>, %add3A_28, %reduce_min3A [1] : vector<1024x1024xf32> to vector<1024xf32>
    %broadcast_in_dim3A = vector.shape_cast %reduce_min3A_29 : vector<1024xf32> to vector<1024x1xf32>
    %iota3A = tpu.iota {dimensions = array<i32: 1>} : vector<1024x1024xi32>
    %eq3A = vector.broadcast %broadcast_in_dim3A : vector<1024x1xf32> to vector<1024x1024xf32>
    %eq3A_30 = arith.cmpf oeq, %add3A_28, %eq3A : vector<1024x1024xf32>
    %jit3A = arith.constant 1024 : i32
    %broadcast_in_dim3A_31 = vector.broadcast %jit3A : i32 to vector<1024x1024xi32>
    %select_n3A = arith.select %eq3A_30, %iota3A, %broadcast_in_dim3A_31 : vector<1024x1024xi1>, vector<1024x1024xi32>
    %reduce_min3A_32 = arith.constant dense<2147483647> : vector<1024xi32>
    %reduce_min3A_33 = vector.multi_reduction <minsi>, %select_n3A, %reduce_min3A_32 [1] : vector<1024x1024xi32> to vector<1024xi32>
    %swap3A_34 = arith.constant 0 : index
    %swap3A_35 = arith.constant 0 : index
    %swap3A_36 = arith.constant 0 : index
    %swap3A_37 = vector.load %arg7[%swap3A_34, %swap3A_35, %swap3A_36] : memref<1x1x1024xi32, #tpu.memory_space<vmem>>, vector<1x1x1024xi32>
    %swap3A_38 = vector.shape_cast %swap3A_37 : vector<1x1x1024xi32> to vector<1024xi32>
    %swap3A_39 = vector.shape_cast %reduce_min3A_33 : vector<1024xi32> to vector<1x1x1024xi32>
    tpu.vector_store %arg7[%swap3A_34, %swap3A_35, %swap3A_36], %swap3A_39 {strides = array<i32>} : memref<1x1x1024xi32, #tpu.memory_space<vmem>>, vector<1x1x1024xi32>,
    %add3A_40 = arith.constant 3072 : i32
    %add3A_41 = vector.broadcast %add3A_40 : i32 to vector<1024xi32>
    %add3A_42 = arith.addi %reduce_min3A_33, %add3A_41 : vector<1024xi32>
    %swap3A_43 = arith.constant 0 : index
    %swap3A_44 = arith.constant 0 : index
    %swap3A_45 = arith.constant 0 : index
    %swap3A_46 = vector.load %arg8[%swap3A_43, %swap3A_44, %swap3A_45] : memref<1x1x1024xi32, #tpu.memory_space<vmem>>, vector<1x1x1024xi32>
    %swap3A_47 = vector.shape_cast %swap3A_46 : vector<1x1x1024xi32> to vector<1024xi32>
    %swap3A_48 = vector.shape_cast %add3A_42 : vector<1024xi32> to vector<1x1x1024xi32>
    tpu.vector_store %arg8[%swap3A_43, %swap3A_44, %swap3A_45], %swap3A_48 {strides = array<i32>} : memref<1x1x1024xi32, #tpu.memory_space<vmem>>, vector<1x1x1024xi32>,
    %eq3A_49 = arith.constant 0 : i32
    %eq3A_50 = arith.cmpi eq, %arg0, %eq3A_49 : i32
    %convert_element_type3A_51 = arith.extui %eq3A_50 : i1 to i32
    %cond3A = arith.constant 0 : i32
    %cond3A_52 = arith.cmpi ne, %convert_element_type3A_51, %cond3A : i32
    scf.if %cond3A_52 {
      %broadcast_in_dim3A_71 = arith.constant 0.000000e+00 : f32
      %broadcast_in_dim3A_72 = vector.broadcast %broadcast_in_dim3A_71 : f32 to vector<1x1xf32>
      %swap3A_73 = arith.constant 0 : index
      %swap3A_74 = arith.constant 0 : index
      %swap3A_75 = vector.load %arg9[%swap3A_73, %swap3A_74] : memref<1x1xf32, #tpu.memory_space<vmem>>, vector<1x1xf32>
      tpu.vector_store %arg9[%swap3A_73, %swap3A_74], %broadcast_in_dim3A_72 {strides = array<i32>} : memref<1x1xf32, #tpu.memory_space<vmem>>, vector<1x1xf32>,
    } else {
    }
    %get3A_53 = arith.constant 0 : index
    %get3A_54 = arith.constant 0 : index
    %get3A_55 = vector.load %arg9[%get3A_53, %get3A_54] : memref<1x1xf32, #tpu.memory_space<vmem>>, vector<1x1xf32>
    %get3A_56 = arith.constant 0 : index
    %get3A_57 = arith.constant 0 : index
    %get3A_58 = arith.constant 0 : index
    %get3A_59 = vector.load %arg3[%get3A_56, %get3A_57, %get3A_58] : memref<1x1024x1xf32, #tpu.memory_space<vmem>>, vector<1x1024x1xf32>
    %get3A_60 = vector.shape_cast %get3A_59 : vector<1x1024x1xf32> to vector<1024x1xf32>
    %reduce_sum3A = vector.shape_cast %get3A_60 : vector<1024x1xf32> to vector<1x1024x1xf32>
    %reduce_sum3A_61 = arith.constant dense<0.000000e+00> : vector<1xf32>
    %reduce_sum3A_62 = vector.multi_reduction <add>, %reduce_sum3A, %reduce_sum3A_61 [1, 2] : vector<1x1024x1xf32> to vector<1xf32>
    %reduce_sum3A_63 = vector.shape_cast %reduce_sum3A_62 : vector<1xf32> to vector<1x1x1xf32>
    %reduce_sum3A_64 = vector.extract %reduce_sum3A_63[0, 0, 0] : f32 from vector<1x1x1xf32>
    %mul3A_65 = arith.constant 4.76837158E-7 : f32
    %mul3A_66 = arith.mulf %reduce_sum3A_64, %mul3A_65 : f32
    %reshape3A = vector.broadcast %mul3A_66 : f32 to vector<1x1xf32>
    %add3A_67 = arith.addf %get3A_55, %reshape3A : vector<1x1xf32>
    %swap3A_68 = arith.constant 0 : index
    %swap3A_69 = arith.constant 0 : index
    %swap3A_70 = vector.load %arg9[%swap3A_68, %swap3A_69] : memref<1x1xf32, #tpu.memory_space<vmem>>, vector<1x1xf32>
    tpu.vector_store %arg9[%swap3A_68, %swap3A_69], %add3A_67 {strides = array<i32>} : memref<1x1xf32, #tpu.memory_space<vmem>>, vector<1x1xf32>,
    return
  }
  func.func @transform_0(%arg0: i32) -> (i32, i32) {
    %c0_i32 = arith.constant 0 : i32
    %c0_i32_0 = arith.constant 0 : i32
    return %arg0, %c0_i32 : i32, i32
  }
  func.func @transform_1(%arg0: i32) -> (i32, i32) {
    %c0_i32 = arith.constant 0 : i32
    %c0_i32_0 = arith.constant 0 : i32
    return %arg0, %c0_i32 : i32, i32
  }
  func.func @transform_2(%arg0: i32) -> (i32, i32, i32) {
    %c0_i32 = arith.constant 0 : i32
    %c0_i32_0 = arith.constant 0 : i32
    %c0_i32_1 = arith.constant 0 : i32
    return %arg0, %c0_i32, %c0_i32_0 : i32, i32, i32
  }
  func.func @transform_3(%arg0: i32) -> (i32, i32, i32) {
    %c3_i32 = arith.constant 3 : i32
    %c0_i32 = arith.constant 0 : i32
    %c0_i32_0 = arith.constant 0 : i32
    %c0_i32_1 = arith.constant 0 : i32
    return %c3_i32, %c0_i32, %c0_i32_0 : i32, i32, i32
  }
  func.func @transform_4(%arg0: i32) -> (i32, i32, i32) {
    %c3_i32 = arith.constant 3 : i32
    %c0_i32 = arith.constant 0 : i32
    %c0_i32_0 = arith.constant 0 : i32
    %c0_i32_1 = arith.constant 0 : i32
    return %c3_i32, %c0_i32, %c0_i32_0 : i32, i32, i32
  }
  func.func @transform_5(%arg0: i32) -> (i32, i32) {
    %c0_i32 = arith.constant 0 : i32
    %c0_i32_0 = arith.constant 0 : i32
    return %arg0, %c0_i32 : i32, i32
  }
  func.func @transform_6(%arg0: i32) -> (i32, i32, i32) {
    %c0_i32 = arith.constant 0 : i32
    %c0_i32_0 = arith.constant 0 : i32
    %c0_i32_1 = arith.constant 0 : i32
    return %arg0, %c0_i32, %c0_i32_0 : i32, i32, i32
  }
  func.func @transform_7(%arg0: i32) -> (i32, i32, i32) {
    %c0_i32 = arith.constant 0 : i32
    %c0_i32_0 = arith.constant 0 : i32
    %c0_i32_1 = arith.constant 0 : i32
    return %arg0, %c0_i32, %c0_i32_0 : i32, i32, i32
  }
  func.func @transform_8(%arg0: i32) -> (i32, i32) {
    %c0_i32 = arith.constant 0 : i32
    %c0_i32_0 = arith.constant 0 : i32
    %c0_i32_1 = arith.constant 0 : i32
    return %c0_i32, %c0_i32_0 : i32, i32
  }
}

module attributes {stable_mosaic.version = 14 : i64} {
  func.func @_lambda_(%arg0: i32, %arg1: memref<1024x1024xf32, #tpu.memory_space<vmem>>, %arg2: memref<1024x1024xf32, #tpu.memory_space<vmem>>, %arg3: memref<1x1024x1xf32, #tpu.memory_space<vmem>>, %arg4: memref<1x1024x1024xbf16, #tpu.memory_space<vmem>>, %arg5: memref<1x1x1024xf32, #tpu.memory_space<vmem>>, %arg6: memref<1024x1024xf32, #tpu.memory_space<vmem>>, %arg7: memref<1x1x1024xi32, #tpu.memory_space<vmem>>, %arg8: memref<1x1x1024xi32, #tpu.memory_space<vmem>>, %arg9: memref<1x1xf32, #tpu.memory_space<vmem>>) attributes {dimension_semantics = [#tpu.dimension_semantics<arbitrary>], iteration_bounds = array<i64: 2>, scalar_prefetch = 0 : i64, scratch_operands = 0 : i64, tpu.core_type = #tpu.core_type<tc>, window_params = [{transform_indices = @transform_0, window_bounds = array<i64: 1024, 1024>}, {transform_indices = @transform_1, window_bounds = array<i64: 1024, 1024>}, {transform_indices = @transform_2, window_bounds = array<i64: 1, 1024, 1>}, {transform_indices = @transform_3, window_bounds = array<i64: 1, 1024, 1024>}, {transform_indices = @transform_4, window_bounds = array<i64: 1, 1, 1024>}, {transform_indices = @transform_5, window_bounds = array<i64: 1024, 1024>}, {transform_indices = @transform_6, window_bounds = array<i64: 1, 1, 1024>}, {transform_indices = @transform_7, window_bounds = array<i64: 1, 1, 1024>}, {pipeline_mode = #tpu.pipeline_mode<synchronous>, transform_indices = @transform_8, window_bounds = array<i64: 1, 1>}]} {
    %get3A = arith.constant 0 : index
    %get3A_0 = arith.constant 0 : index
    %get3A_1 = vector.load %arg1[%get3A, %get3A_0] : memref<1024x1024xf32, #tpu.memory_space<vmem>>, vector<1024x1024xf32>
    %get3A_2 = arith.constant 0 : index
    %get3A_3 = arith.constant 0 : index
    %get3A_4 = vector.load %arg2[%get3A_2, %get3A_3] : memref<1024x1024xf32, #tpu.memory_space<vmem>>, vector<1024x1024xf32>
    %add3A = arith.addf %get3A_1, %get3A_4 : vector<1024x1024xf32>
    %swap3A = arith.constant 0 : index
    %swap3A_5 = arith.constant 0 : index
    %swap3A_6 = vector.load %arg6[%swap3A, %swap3A_5] : memref<1024x1024xf32, #tpu.memory_space<vmem>>, vector<1024x1024xf32>
    tpu.vector_store %arg6[%swap3A, %swap3A_5], %add3A {strides = array<i32>} : memref<1024x1024xf32, #tpu.memory_space<vmem>>, vector<1024x1024xf32>,
    %convert_element_type3A = arith.truncf %add3A : vector<1024x1024xf32> to vector<1024x1024xbf16>
    %get3A_7 = arith.constant 0 : index
    %get3A_8 = arith.constant 0 : index
    %get3A_9 = arith.constant 0 : index
    %get3A_10 = vector.load %arg4[%get3A_7, %get3A_8, %get3A_9] : memref<1x1024x1024xbf16, #tpu.memory_space<vmem>>, vector<1x1024x1024xbf16>
    %get3A_11 = vector.shape_cast %get3A_10 : vector<1x1024x1024xbf16> to vector<1024x1024xbf16>
    %dot_general3A = arith.constant dense<0.000000e+00> : vector<1024x1024xf32>
    %dot_general3A_12 = tpu.matmul %convert_element_type3A, %get3A_11, %dot_general3A {dimension_numbers = #tpu.dot_dimension_numbers<[1], [0], [0], [1], [0, 0, 1, 1], [], []>, transpose_lhs_hint = false} : vector<1024x1024xbf16>, vector<1024x1024xbf16>, vector<1024x1024xf32> -> vector<1024x1024xf32>
    %get3A_13 = arith.constant 0 : index
    %get3A_14 = arith.constant 0 : index
    %get3A_15 = arith.constant 0 : index
    %get3A_16 = vector.load %arg3[%get3A_13, %get3A_14, %get3A_15] : memref<1x1024x1xf32, #tpu.memory_space<vmem>>, vector<1x1024x1xf32>
    %get3A_17 = vector.shape_cast %get3A_16 : vector<1x1024x1xf32> to vector<1024x1xf32>
    %mul3A = arith.constant 2.000000e+00 : f32
    %mul3A_18 = vector.broadcast %mul3A : f32 to vector<1024x1024xf32>
    %mul3A_19 = arith.mulf %mul3A_18, %dot_general3A_12 : vector<1024x1024xf32>
    %add3A_20 = vector.broadcast %get3A_17 : vector<1024x1xf32> to vector<1024x1024xf32>
    %add3A_21 = arith.addf %add3A_20, %mul3A_19 : vector<1024x1024xf32>
    %get3A_22 = arith.constant 0 : index
    %get3A_23 = arith.constant 0 : index
    %get3A_24 = arith.constant 0 : index
    %get3A_25 = vector.load %arg5[%get3A_22, %get3A_23, %get3A_24] : memref<1x1x1024xf32, #tpu.memory_space<vmem>>, vector<1x1x1024xf32>
    %get3A_26 = vector.shape_cast %get3A_25 : vector<1x1x1024xf32> to vector<1x1024xf32>
    %add3A_27 = vector.broadcast %get3A_26 : vector<1x1024xf32> to vector<1024x1024xf32>
    %add3A_28 = arith.addf %add3A_21, %add3A_27 : vector<1024x1024xf32>
    %reduce_min3A = arith.constant dense<0x7F800000> : vector<1024xf32>
    %reduce_min3A_29 = vector.multi_reduction <minimumf>, %add3A_28, %reduce_min3A [1] : vector<1024x1024xf32> to vector<1024xf32>
    %broadcast_in_dim3A = vector.shape_cast %reduce_min3A_29 : vector<1024xf32> to vector<1024x1xf32>
    %iota3A = tpu.iota {dimensions = array<i32: 1>} : vector<1024x1024xi32>
    %eq3A = vector.broadcast %broadcast_in_dim3A : vector<1024x1xf32> to vector<1024x1024xf32>
    %eq3A_30 = arith.cmpf oeq, %add3A_28, %eq3A : vector<1024x1024xf32>
    %jit3A = arith.constant 1024 : i32
    %broadcast_in_dim3A_31 = vector.broadcast %jit3A : i32 to vector<1024x1024xi32>
    %select_n3A = arith.select %eq3A_30, %iota3A, %broadcast_in_dim3A_31 : vector<1024x1024xi1>, vector<1024x1024xi32>
    %reduce_min3A_32 = arith.constant dense<2147483647> : vector<1024xi32>
    %reduce_min3A_33 = vector.multi_reduction <minsi>, %select_n3A, %reduce_min3A_32 [1] : vector<1024x1024xi32> to vector<1024xi32>
    %swap3A_34 = arith.constant 0 : index
    %swap3A_35 = arith.constant 0 : index
    %swap3A_36 = arith.constant 0 : index
    %swap3A_37 = vector.load %arg7[%swap3A_34, %swap3A_35, %swap3A_36] : memref<1x1x1024xi32, #tpu.memory_space<vmem>>, vector<1x1x1024xi32>
    %swap3A_38 = vector.shape_cast %swap3A_37 : vector<1x1x1024xi32> to vector<1024xi32>
    %swap3A_39 = vector.shape_cast %reduce_min3A_33 : vector<1024xi32> to vector<1x1x1024xi32>
    tpu.vector_store %arg7[%swap3A_34, %swap3A_35, %swap3A_36], %swap3A_39 {strides = array<i32>} : memref<1x1x1024xi32, #tpu.memory_space<vmem>>, vector<1x1x1024xi32>,
    %add3A_40 = arith.constant 4096 : i32
    %add3A_41 = vector.broadcast %add3A_40 : i32 to vector<1024xi32>
    %add3A_42 = arith.addi %reduce_min3A_33, %add3A_41 : vector<1024xi32>
    %swap3A_43 = arith.constant 0 : index
    %swap3A_44 = arith.constant 0 : index
    %swap3A_45 = arith.constant 0 : index
    %swap3A_46 = vector.load %arg8[%swap3A_43, %swap3A_44, %swap3A_45] : memref<1x1x1024xi32, #tpu.memory_space<vmem>>, vector<1x1x1024xi32>
    %swap3A_47 = vector.shape_cast %swap3A_46 : vector<1x1x1024xi32> to vector<1024xi32>
    %swap3A_48 = vector.shape_cast %add3A_42 : vector<1024xi32> to vector<1x1x1024xi32>
    tpu.vector_store %arg8[%swap3A_43, %swap3A_44, %swap3A_45], %swap3A_48 {strides = array<i32>} : memref<1x1x1024xi32, #tpu.memory_space<vmem>>, vector<1x1x1024xi32>,
    %eq3A_49 = arith.constant 0 : i32
    %eq3A_50 = arith.cmpi eq, %arg0, %eq3A_49 : i32
    %convert_element_type3A_51 = arith.extui %eq3A_50 : i1 to i32
    %cond3A = arith.constant 0 : i32
    %cond3A_52 = arith.cmpi ne, %convert_element_type3A_51, %cond3A : i32
    scf.if %cond3A_52 {
      %broadcast_in_dim3A_71 = arith.constant 0.000000e+00 : f32
      %broadcast_in_dim3A_72 = vector.broadcast %broadcast_in_dim3A_71 : f32 to vector<1x1xf32>
      %swap3A_73 = arith.constant 0 : index
      %swap3A_74 = arith.constant 0 : index
      %swap3A_75 = vector.load %arg9[%swap3A_73, %swap3A_74] : memref<1x1xf32, #tpu.memory_space<vmem>>, vector<1x1xf32>
      tpu.vector_store %arg9[%swap3A_73, %swap3A_74], %broadcast_in_dim3A_72 {strides = array<i32>} : memref<1x1xf32, #tpu.memory_space<vmem>>, vector<1x1xf32>,
    } else {
    }
    %get3A_53 = arith.constant 0 : index
    %get3A_54 = arith.constant 0 : index
    %get3A_55 = vector.load %arg9[%get3A_53, %get3A_54] : memref<1x1xf32, #tpu.memory_space<vmem>>, vector<1x1xf32>
    %get3A_56 = arith.constant 0 : index
    %get3A_57 = arith.constant 0 : index
    %get3A_58 = arith.constant 0 : index
    %get3A_59 = vector.load %arg3[%get3A_56, %get3A_57, %get3A_58] : memref<1x1024x1xf32, #tpu.memory_space<vmem>>, vector<1x1024x1xf32>
    %get3A_60 = vector.shape_cast %get3A_59 : vector<1x1024x1xf32> to vector<1024x1xf32>
    %reduce_sum3A = vector.shape_cast %get3A_60 : vector<1024x1xf32> to vector<1x1024x1xf32>
    %reduce_sum3A_61 = arith.constant dense<0.000000e+00> : vector<1xf32>
    %reduce_sum3A_62 = vector.multi_reduction <add>, %reduce_sum3A, %reduce_sum3A_61 [1, 2] : vector<1x1024x1xf32> to vector<1xf32>
    %reduce_sum3A_63 = vector.shape_cast %reduce_sum3A_62 : vector<1xf32> to vector<1x1x1xf32>
    %reduce_sum3A_64 = vector.extract %reduce_sum3A_63[0, 0, 0] : f32 from vector<1x1x1xf32>
    %mul3A_65 = arith.constant 4.76837158E-7 : f32
    %mul3A_66 = arith.mulf %reduce_sum3A_64, %mul3A_65 : f32
    %reshape3A = vector.broadcast %mul3A_66 : f32 to vector<1x1xf32>
    %add3A_67 = arith.addf %get3A_55, %reshape3A : vector<1x1xf32>
    %swap3A_68 = arith.constant 0 : index
    %swap3A_69 = arith.constant 0 : index
    %swap3A_70 = vector.load %arg9[%swap3A_68, %swap3A_69] : memref<1x1xf32, #tpu.memory_space<vmem>>, vector<1x1xf32>
    tpu.vector_store %arg9[%swap3A_68, %swap3A_69], %add3A_67 {strides = array<i32>} : memref<1x1xf32, #tpu.memory_space<vmem>>, vector<1x1xf32>,
    return
  }
  func.func @transform_0(%arg0: i32) -> (i32, i32) {
    %c0_i32 = arith.constant 0 : i32
    %c0_i32_0 = arith.constant 0 : i32
    return %arg0, %c0_i32 : i32, i32
  }
  func.func @transform_1(%arg0: i32) -> (i32, i32) {
    %c0_i32 = arith.constant 0 : i32
    %c0_i32_0 = arith.constant 0 : i32
    return %arg0, %c0_i32 : i32, i32
  }
  func.func @transform_2(%arg0: i32) -> (i32, i32, i32) {
    %c0_i32 = arith.constant 0 : i32
    %c0_i32_0 = arith.constant 0 : i32
    %c0_i32_1 = arith.constant 0 : i32
    return %arg0, %c0_i32, %c0_i32_0 : i32, i32, i32
  }
  func.func @transform_3(%arg0: i32) -> (i32, i32, i32) {
    %c4_i32 = arith.constant 4 : i32
    %c0_i32 = arith.constant 0 : i32
    %c0_i32_0 = arith.constant 0 : i32
    %c0_i32_1 = arith.constant 0 : i32
    return %c4_i32, %c0_i32, %c0_i32_0 : i32, i32, i32
  }
  func.func @transform_4(%arg0: i32) -> (i32, i32, i32) {
    %c4_i32 = arith.constant 4 : i32
    %c0_i32 = arith.constant 0 : i32
    %c0_i32_0 = arith.constant 0 : i32
    %c0_i32_1 = arith.constant 0 : i32
    return %c4_i32, %c0_i32, %c0_i32_0 : i32, i32, i32
  }
  func.func @transform_5(%arg0: i32) -> (i32, i32) {
    %c0_i32 = arith.constant 0 : i32
    %c0_i32_0 = arith.constant 0 : i32
    return %arg0, %c0_i32 : i32, i32
  }
  func.func @transform_6(%arg0: i32) -> (i32, i32, i32) {
    %c0_i32 = arith.constant 0 : i32
    %c0_i32_0 = arith.constant 0 : i32
    %c0_i32_1 = arith.constant 0 : i32
    return %arg0, %c0_i32, %c0_i32_0 : i32, i32, i32
  }
  func.func @transform_7(%arg0: i32) -> (i32, i32, i32) {
    %c0_i32 = arith.constant 0 : i32
    %c0_i32_0 = arith.constant 0 : i32
    %c0_i32_1 = arith.constant 0 : i32
    return %arg0, %c0_i32, %c0_i32_0 : i32, i32, i32
  }
  func.func @transform_8(%arg0: i32) -> (i32, i32) {
    %c0_i32 = arith.constant 0 : i32
    %c0_i32_0 = arith.constant 0 : i32
    %c0_i32_1 = arith.constant 0 : i32
    return %c0_i32, %c0_i32_0 : i32, i32
  }
}

module attributes {stable_mosaic.version = 14 : i64} {
  func.func @_lambda_(%arg0: i32, %arg1: memref<1024x1024xf32, #tpu.memory_space<vmem>>, %arg2: memref<1024x1024xf32, #tpu.memory_space<vmem>>, %arg3: memref<1x1024x1xf32, #tpu.memory_space<vmem>>, %arg4: memref<1x1024x1024xbf16, #tpu.memory_space<vmem>>, %arg5: memref<1x1x1024xf32, #tpu.memory_space<vmem>>, %arg6: memref<1024x1024xf32, #tpu.memory_space<vmem>>, %arg7: memref<1x1x1024xi32, #tpu.memory_space<vmem>>, %arg8: memref<1x1x1024xi32, #tpu.memory_space<vmem>>, %arg9: memref<1x1xf32, #tpu.memory_space<vmem>>) attributes {dimension_semantics = [#tpu.dimension_semantics<arbitrary>], iteration_bounds = array<i64: 2>, scalar_prefetch = 0 : i64, scratch_operands = 0 : i64, tpu.core_type = #tpu.core_type<tc>, window_params = [{transform_indices = @transform_0, window_bounds = array<i64: 1024, 1024>}, {transform_indices = @transform_1, window_bounds = array<i64: 1024, 1024>}, {transform_indices = @transform_2, window_bounds = array<i64: 1, 1024, 1>}, {transform_indices = @transform_3, window_bounds = array<i64: 1, 1024, 1024>}, {transform_indices = @transform_4, window_bounds = array<i64: 1, 1, 1024>}, {transform_indices = @transform_5, window_bounds = array<i64: 1024, 1024>}, {transform_indices = @transform_6, window_bounds = array<i64: 1, 1, 1024>}, {transform_indices = @transform_7, window_bounds = array<i64: 1, 1, 1024>}, {pipeline_mode = #tpu.pipeline_mode<synchronous>, transform_indices = @transform_8, window_bounds = array<i64: 1, 1>}]} {
    %get3A = arith.constant 0 : index
    %get3A_0 = arith.constant 0 : index
    %get3A_1 = vector.load %arg1[%get3A, %get3A_0] : memref<1024x1024xf32, #tpu.memory_space<vmem>>, vector<1024x1024xf32>
    %get3A_2 = arith.constant 0 : index
    %get3A_3 = arith.constant 0 : index
    %get3A_4 = vector.load %arg2[%get3A_2, %get3A_3] : memref<1024x1024xf32, #tpu.memory_space<vmem>>, vector<1024x1024xf32>
    %add3A = arith.addf %get3A_1, %get3A_4 : vector<1024x1024xf32>
    %swap3A = arith.constant 0 : index
    %swap3A_5 = arith.constant 0 : index
    %swap3A_6 = vector.load %arg6[%swap3A, %swap3A_5] : memref<1024x1024xf32, #tpu.memory_space<vmem>>, vector<1024x1024xf32>
    tpu.vector_store %arg6[%swap3A, %swap3A_5], %add3A {strides = array<i32>} : memref<1024x1024xf32, #tpu.memory_space<vmem>>, vector<1024x1024xf32>,
    %convert_element_type3A = arith.truncf %add3A : vector<1024x1024xf32> to vector<1024x1024xbf16>
    %get3A_7 = arith.constant 0 : index
    %get3A_8 = arith.constant 0 : index
    %get3A_9 = arith.constant 0 : index
    %get3A_10 = vector.load %arg4[%get3A_7, %get3A_8, %get3A_9] : memref<1x1024x1024xbf16, #tpu.memory_space<vmem>>, vector<1x1024x1024xbf16>
    %get3A_11 = vector.shape_cast %get3A_10 : vector<1x1024x1024xbf16> to vector<1024x1024xbf16>
    %dot_general3A = arith.constant dense<0.000000e+00> : vector<1024x1024xf32>
    %dot_general3A_12 = tpu.matmul %convert_element_type3A, %get3A_11, %dot_general3A {dimension_numbers = #tpu.dot_dimension_numbers<[1], [0], [0], [1], [0, 0, 1, 1], [], []>, transpose_lhs_hint = false} : vector<1024x1024xbf16>, vector<1024x1024xbf16>, vector<1024x1024xf32> -> vector<1024x1024xf32>
    %get3A_13 = arith.constant 0 : index
    %get3A_14 = arith.constant 0 : index
    %get3A_15 = arith.constant 0 : index
    %get3A_16 = vector.load %arg3[%get3A_13, %get3A_14, %get3A_15] : memref<1x1024x1xf32, #tpu.memory_space<vmem>>, vector<1x1024x1xf32>
    %get3A_17 = vector.shape_cast %get3A_16 : vector<1x1024x1xf32> to vector<1024x1xf32>
    %mul3A = arith.constant 2.000000e+00 : f32
    %mul3A_18 = vector.broadcast %mul3A : f32 to vector<1024x1024xf32>
    %mul3A_19 = arith.mulf %mul3A_18, %dot_general3A_12 : vector<1024x1024xf32>
    %add3A_20 = vector.broadcast %get3A_17 : vector<1024x1xf32> to vector<1024x1024xf32>
    %add3A_21 = arith.addf %add3A_20, %mul3A_19 : vector<1024x1024xf32>
    %get3A_22 = arith.constant 0 : index
    %get3A_23 = arith.constant 0 : index
    %get3A_24 = arith.constant 0 : index
    %get3A_25 = vector.load %arg5[%get3A_22, %get3A_23, %get3A_24] : memref<1x1x1024xf32, #tpu.memory_space<vmem>>, vector<1x1x1024xf32>
    %get3A_26 = vector.shape_cast %get3A_25 : vector<1x1x1024xf32> to vector<1x1024xf32>
    %add3A_27 = vector.broadcast %get3A_26 : vector<1x1024xf32> to vector<1024x1024xf32>
    %add3A_28 = arith.addf %add3A_21, %add3A_27 : vector<1024x1024xf32>
    %reduce_min3A = arith.constant dense<0x7F800000> : vector<1024xf32>
    %reduce_min3A_29 = vector.multi_reduction <minimumf>, %add3A_28, %reduce_min3A [1] : vector<1024x1024xf32> to vector<1024xf32>
    %broadcast_in_dim3A = vector.shape_cast %reduce_min3A_29 : vector<1024xf32> to vector<1024x1xf32>
    %iota3A = tpu.iota {dimensions = array<i32: 1>} : vector<1024x1024xi32>
    %eq3A = vector.broadcast %broadcast_in_dim3A : vector<1024x1xf32> to vector<1024x1024xf32>
    %eq3A_30 = arith.cmpf oeq, %add3A_28, %eq3A : vector<1024x1024xf32>
    %jit3A = arith.constant 1024 : i32
    %broadcast_in_dim3A_31 = vector.broadcast %jit3A : i32 to vector<1024x1024xi32>
    %select_n3A = arith.select %eq3A_30, %iota3A, %broadcast_in_dim3A_31 : vector<1024x1024xi1>, vector<1024x1024xi32>
    %reduce_min3A_32 = arith.constant dense<2147483647> : vector<1024xi32>
    %reduce_min3A_33 = vector.multi_reduction <minsi>, %select_n3A, %reduce_min3A_32 [1] : vector<1024x1024xi32> to vector<1024xi32>
    %swap3A_34 = arith.constant 0 : index
    %swap3A_35 = arith.constant 0 : index
    %swap3A_36 = arith.constant 0 : index
    %swap3A_37 = vector.load %arg7[%swap3A_34, %swap3A_35, %swap3A_36] : memref<1x1x1024xi32, #tpu.memory_space<vmem>>, vector<1x1x1024xi32>
    %swap3A_38 = vector.shape_cast %swap3A_37 : vector<1x1x1024xi32> to vector<1024xi32>
    %swap3A_39 = vector.shape_cast %reduce_min3A_33 : vector<1024xi32> to vector<1x1x1024xi32>
    tpu.vector_store %arg7[%swap3A_34, %swap3A_35, %swap3A_36], %swap3A_39 {strides = array<i32>} : memref<1x1x1024xi32, #tpu.memory_space<vmem>>, vector<1x1x1024xi32>,
    %add3A_40 = arith.constant 5120 : i32
    %add3A_41 = vector.broadcast %add3A_40 : i32 to vector<1024xi32>
    %add3A_42 = arith.addi %reduce_min3A_33, %add3A_41 : vector<1024xi32>
    %swap3A_43 = arith.constant 0 : index
    %swap3A_44 = arith.constant 0 : index
    %swap3A_45 = arith.constant 0 : index
    %swap3A_46 = vector.load %arg8[%swap3A_43, %swap3A_44, %swap3A_45] : memref<1x1x1024xi32, #tpu.memory_space<vmem>>, vector<1x1x1024xi32>
    %swap3A_47 = vector.shape_cast %swap3A_46 : vector<1x1x1024xi32> to vector<1024xi32>
    %swap3A_48 = vector.shape_cast %add3A_42 : vector<1024xi32> to vector<1x1x1024xi32>
    tpu.vector_store %arg8[%swap3A_43, %swap3A_44, %swap3A_45], %swap3A_48 {strides = array<i32>} : memref<1x1x1024xi32, #tpu.memory_space<vmem>>, vector<1x1x1024xi32>,
    %eq3A_49 = arith.constant 0 : i32
    %eq3A_50 = arith.cmpi eq, %arg0, %eq3A_49 : i32
    %convert_element_type3A_51 = arith.extui %eq3A_50 : i1 to i32
    %cond3A = arith.constant 0 : i32
    %cond3A_52 = arith.cmpi ne, %convert_element_type3A_51, %cond3A : i32
    scf.if %cond3A_52 {
      %broadcast_in_dim3A_71 = arith.constant 0.000000e+00 : f32
      %broadcast_in_dim3A_72 = vector.broadcast %broadcast_in_dim3A_71 : f32 to vector<1x1xf32>
      %swap3A_73 = arith.constant 0 : index
      %swap3A_74 = arith.constant 0 : index
      %swap3A_75 = vector.load %arg9[%swap3A_73, %swap3A_74] : memref<1x1xf32, #tpu.memory_space<vmem>>, vector<1x1xf32>
      tpu.vector_store %arg9[%swap3A_73, %swap3A_74], %broadcast_in_dim3A_72 {strides = array<i32>} : memref<1x1xf32, #tpu.memory_space<vmem>>, vector<1x1xf32>,
    } else {
    }
    %get3A_53 = arith.constant 0 : index
    %get3A_54 = arith.constant 0 : index
    %get3A_55 = vector.load %arg9[%get3A_53, %get3A_54] : memref<1x1xf32, #tpu.memory_space<vmem>>, vector<1x1xf32>
    %get3A_56 = arith.constant 0 : index
    %get3A_57 = arith.constant 0 : index
    %get3A_58 = arith.constant 0 : index
    %get3A_59 = vector.load %arg3[%get3A_56, %get3A_57, %get3A_58] : memref<1x1024x1xf32, #tpu.memory_space<vmem>>, vector<1x1024x1xf32>
    %get3A_60 = vector.shape_cast %get3A_59 : vector<1x1024x1xf32> to vector<1024x1xf32>
    %reduce_sum3A = vector.shape_cast %get3A_60 : vector<1024x1xf32> to vector<1x1024x1xf32>
    %reduce_sum3A_61 = arith.constant dense<0.000000e+00> : vector<1xf32>
    %reduce_sum3A_62 = vector.multi_reduction <add>, %reduce_sum3A, %reduce_sum3A_61 [1, 2] : vector<1x1024x1xf32> to vector<1xf32>
    %reduce_sum3A_63 = vector.shape_cast %reduce_sum3A_62 : vector<1xf32> to vector<1x1x1xf32>
    %reduce_sum3A_64 = vector.extract %reduce_sum3A_63[0, 0, 0] : f32 from vector<1x1x1xf32>
    %mul3A_65 = arith.constant 4.76837158E-7 : f32
    %mul3A_66 = arith.mulf %reduce_sum3A_64, %mul3A_65 : f32
    %reshape3A = vector.broadcast %mul3A_66 : f32 to vector<1x1xf32>
    %add3A_67 = arith.addf %get3A_55, %reshape3A : vector<1x1xf32>
    %swap3A_68 = arith.constant 0 : index
    %swap3A_69 = arith.constant 0 : index
    %swap3A_70 = vector.load %arg9[%swap3A_68, %swap3A_69] : memref<1x1xf32, #tpu.memory_space<vmem>>, vector<1x1xf32>
    tpu.vector_store %arg9[%swap3A_68, %swap3A_69], %add3A_67 {strides = array<i32>} : memref<1x1xf32, #tpu.memory_space<vmem>>, vector<1x1xf32>,
    return
  }
  func.func @transform_0(%arg0: i32) -> (i32, i32) {
    %c0_i32 = arith.constant 0 : i32
    %c0_i32_0 = arith.constant 0 : i32
    return %arg0, %c0_i32 : i32, i32
  }
  func.func @transform_1(%arg0: i32) -> (i32, i32) {
    %c0_i32 = arith.constant 0 : i32
    %c0_i32_0 = arith.constant 0 : i32
    return %arg0, %c0_i32 : i32, i32
  }
  func.func @transform_2(%arg0: i32) -> (i32, i32, i32) {
    %c0_i32 = arith.constant 0 : i32
    %c0_i32_0 = arith.constant 0 : i32
    %c0_i32_1 = arith.constant 0 : i32
    return %arg0, %c0_i32, %c0_i32_0 : i32, i32, i32
  }
  func.func @transform_3(%arg0: i32) -> (i32, i32, i32) {
    %c5_i32 = arith.constant 5 : i32
    %c0_i32 = arith.constant 0 : i32
    %c0_i32_0 = arith.constant 0 : i32
    %c0_i32_1 = arith.constant 0 : i32
    return %c5_i32, %c0_i32, %c0_i32_0 : i32, i32, i32
  }
  func.func @transform_4(%arg0: i32) -> (i32, i32, i32) {
    %c5_i32 = arith.constant 5 : i32
    %c0_i32 = arith.constant 0 : i32
    %c0_i32_0 = arith.constant 0 : i32
    %c0_i32_1 = arith.constant 0 : i32
    return %c5_i32, %c0_i32, %c0_i32_0 : i32, i32, i32
  }
  func.func @transform_5(%arg0: i32) -> (i32, i32) {
    %c0_i32 = arith.constant 0 : i32
    %c0_i32_0 = arith.constant 0 : i32
    return %arg0, %c0_i32 : i32, i32
  }
  func.func @transform_6(%arg0: i32) -> (i32, i32, i32) {
    %c0_i32 = arith.constant 0 : i32
    %c0_i32_0 = arith.constant 0 : i32
    %c0_i32_1 = arith.constant 0 : i32
    return %arg0, %c0_i32, %c0_i32_0 : i32, i32, i32
  }
  func.func @transform_7(%arg0: i32) -> (i32, i32, i32) {
    %c0_i32 = arith.constant 0 : i32
    %c0_i32_0 = arith.constant 0 : i32
    %c0_i32_1 = arith.constant 0 : i32
    return %arg0, %c0_i32, %c0_i32_0 : i32, i32, i32
  }
  func.func @transform_8(%arg0: i32) -> (i32, i32) {
    %c0_i32 = arith.constant 0 : i32
    %c0_i32_0 = arith.constant 0 : i32
    %c0_i32_1 = arith.constant 0 : i32
    return %c0_i32, %c0_i32_0 : i32, i32
  }
}

module attributes {stable_mosaic.version = 14 : i64} {
  func.func @_lambda_(%arg0: i32, %arg1: memref<1024x1024xf32, #tpu.memory_space<vmem>>, %arg2: memref<1024x1024xf32, #tpu.memory_space<vmem>>, %arg3: memref<1x1024x1xf32, #tpu.memory_space<vmem>>, %arg4: memref<1x1024x1024xbf16, #tpu.memory_space<vmem>>, %arg5: memref<1x1x1024xf32, #tpu.memory_space<vmem>>, %arg6: memref<1024x1024xf32, #tpu.memory_space<vmem>>, %arg7: memref<1x1x1024xi32, #tpu.memory_space<vmem>>, %arg8: memref<1x1x1024xi32, #tpu.memory_space<vmem>>, %arg9: memref<1x1xf32, #tpu.memory_space<vmem>>) attributes {dimension_semantics = [#tpu.dimension_semantics<arbitrary>], iteration_bounds = array<i64: 2>, scalar_prefetch = 0 : i64, scratch_operands = 0 : i64, tpu.core_type = #tpu.core_type<tc>, window_params = [{transform_indices = @transform_0, window_bounds = array<i64: 1024, 1024>}, {transform_indices = @transform_1, window_bounds = array<i64: 1024, 1024>}, {transform_indices = @transform_2, window_bounds = array<i64: 1, 1024, 1>}, {transform_indices = @transform_3, window_bounds = array<i64: 1, 1024, 1024>}, {transform_indices = @transform_4, window_bounds = array<i64: 1, 1, 1024>}, {transform_indices = @transform_5, window_bounds = array<i64: 1024, 1024>}, {transform_indices = @transform_6, window_bounds = array<i64: 1, 1, 1024>}, {transform_indices = @transform_7, window_bounds = array<i64: 1, 1, 1024>}, {pipeline_mode = #tpu.pipeline_mode<synchronous>, transform_indices = @transform_8, window_bounds = array<i64: 1, 1>}]} {
    %get3A = arith.constant 0 : index
    %get3A_0 = arith.constant 0 : index
    %get3A_1 = vector.load %arg1[%get3A, %get3A_0] : memref<1024x1024xf32, #tpu.memory_space<vmem>>, vector<1024x1024xf32>
    %get3A_2 = arith.constant 0 : index
    %get3A_3 = arith.constant 0 : index
    %get3A_4 = vector.load %arg2[%get3A_2, %get3A_3] : memref<1024x1024xf32, #tpu.memory_space<vmem>>, vector<1024x1024xf32>
    %add3A = arith.addf %get3A_1, %get3A_4 : vector<1024x1024xf32>
    %swap3A = arith.constant 0 : index
    %swap3A_5 = arith.constant 0 : index
    %swap3A_6 = vector.load %arg6[%swap3A, %swap3A_5] : memref<1024x1024xf32, #tpu.memory_space<vmem>>, vector<1024x1024xf32>
    tpu.vector_store %arg6[%swap3A, %swap3A_5], %add3A {strides = array<i32>} : memref<1024x1024xf32, #tpu.memory_space<vmem>>, vector<1024x1024xf32>,
    %convert_element_type3A = arith.truncf %add3A : vector<1024x1024xf32> to vector<1024x1024xbf16>
    %get3A_7 = arith.constant 0 : index
    %get3A_8 = arith.constant 0 : index
    %get3A_9 = arith.constant 0 : index
    %get3A_10 = vector.load %arg4[%get3A_7, %get3A_8, %get3A_9] : memref<1x1024x1024xbf16, #tpu.memory_space<vmem>>, vector<1x1024x1024xbf16>
    %get3A_11 = vector.shape_cast %get3A_10 : vector<1x1024x1024xbf16> to vector<1024x1024xbf16>
    %dot_general3A = arith.constant dense<0.000000e+00> : vector<1024x1024xf32>
    %dot_general3A_12 = tpu.matmul %convert_element_type3A, %get3A_11, %dot_general3A {dimension_numbers = #tpu.dot_dimension_numbers<[1], [0], [0], [1], [0, 0, 1, 1], [], []>, transpose_lhs_hint = false} : vector<1024x1024xbf16>, vector<1024x1024xbf16>, vector<1024x1024xf32> -> vector<1024x1024xf32>
    %get3A_13 = arith.constant 0 : index
    %get3A_14 = arith.constant 0 : index
    %get3A_15 = arith.constant 0 : index
    %get3A_16 = vector.load %arg3[%get3A_13, %get3A_14, %get3A_15] : memref<1x1024x1xf32, #tpu.memory_space<vmem>>, vector<1x1024x1xf32>
    %get3A_17 = vector.shape_cast %get3A_16 : vector<1x1024x1xf32> to vector<1024x1xf32>
    %mul3A = arith.constant 2.000000e+00 : f32
    %mul3A_18 = vector.broadcast %mul3A : f32 to vector<1024x1024xf32>
    %mul3A_19 = arith.mulf %mul3A_18, %dot_general3A_12 : vector<1024x1024xf32>
    %add3A_20 = vector.broadcast %get3A_17 : vector<1024x1xf32> to vector<1024x1024xf32>
    %add3A_21 = arith.addf %add3A_20, %mul3A_19 : vector<1024x1024xf32>
    %get3A_22 = arith.constant 0 : index
    %get3A_23 = arith.constant 0 : index
    %get3A_24 = arith.constant 0 : index
    %get3A_25 = vector.load %arg5[%get3A_22, %get3A_23, %get3A_24] : memref<1x1x1024xf32, #tpu.memory_space<vmem>>, vector<1x1x1024xf32>
    %get3A_26 = vector.shape_cast %get3A_25 : vector<1x1x1024xf32> to vector<1x1024xf32>
    %add3A_27 = vector.broadcast %get3A_26 : vector<1x1024xf32> to vector<1024x1024xf32>
    %add3A_28 = arith.addf %add3A_21, %add3A_27 : vector<1024x1024xf32>
    %reduce_min3A = arith.constant dense<0x7F800000> : vector<1024xf32>
    %reduce_min3A_29 = vector.multi_reduction <minimumf>, %add3A_28, %reduce_min3A [1] : vector<1024x1024xf32> to vector<1024xf32>
    %broadcast_in_dim3A = vector.shape_cast %reduce_min3A_29 : vector<1024xf32> to vector<1024x1xf32>
    %iota3A = tpu.iota {dimensions = array<i32: 1>} : vector<1024x1024xi32>
    %eq3A = vector.broadcast %broadcast_in_dim3A : vector<1024x1xf32> to vector<1024x1024xf32>
    %eq3A_30 = arith.cmpf oeq, %add3A_28, %eq3A : vector<1024x1024xf32>
    %jit3A = arith.constant 1024 : i32
    %broadcast_in_dim3A_31 = vector.broadcast %jit3A : i32 to vector<1024x1024xi32>
    %select_n3A = arith.select %eq3A_30, %iota3A, %broadcast_in_dim3A_31 : vector<1024x1024xi1>, vector<1024x1024xi32>
    %reduce_min3A_32 = arith.constant dense<2147483647> : vector<1024xi32>
    %reduce_min3A_33 = vector.multi_reduction <minsi>, %select_n3A, %reduce_min3A_32 [1] : vector<1024x1024xi32> to vector<1024xi32>
    %swap3A_34 = arith.constant 0 : index
    %swap3A_35 = arith.constant 0 : index
    %swap3A_36 = arith.constant 0 : index
    %swap3A_37 = vector.load %arg7[%swap3A_34, %swap3A_35, %swap3A_36] : memref<1x1x1024xi32, #tpu.memory_space<vmem>>, vector<1x1x1024xi32>
    %swap3A_38 = vector.shape_cast %swap3A_37 : vector<1x1x1024xi32> to vector<1024xi32>
    %swap3A_39 = vector.shape_cast %reduce_min3A_33 : vector<1024xi32> to vector<1x1x1024xi32>
    tpu.vector_store %arg7[%swap3A_34, %swap3A_35, %swap3A_36], %swap3A_39 {strides = array<i32>} : memref<1x1x1024xi32, #tpu.memory_space<vmem>>, vector<1x1x1024xi32>,
    %add3A_40 = arith.constant 6144 : i32
    %add3A_41 = vector.broadcast %add3A_40 : i32 to vector<1024xi32>
    %add3A_42 = arith.addi %reduce_min3A_33, %add3A_41 : vector<1024xi32>
    %swap3A_43 = arith.constant 0 : index
    %swap3A_44 = arith.constant 0 : index
    %swap3A_45 = arith.constant 0 : index
    %swap3A_46 = vector.load %arg8[%swap3A_43, %swap3A_44, %swap3A_45] : memref<1x1x1024xi32, #tpu.memory_space<vmem>>, vector<1x1x1024xi32>
    %swap3A_47 = vector.shape_cast %swap3A_46 : vector<1x1x1024xi32> to vector<1024xi32>
    %swap3A_48 = vector.shape_cast %add3A_42 : vector<1024xi32> to vector<1x1x1024xi32>
    tpu.vector_store %arg8[%swap3A_43, %swap3A_44, %swap3A_45], %swap3A_48 {strides = array<i32>} : memref<1x1x1024xi32, #tpu.memory_space<vmem>>, vector<1x1x1024xi32>,
    %eq3A_49 = arith.constant 0 : i32
    %eq3A_50 = arith.cmpi eq, %arg0, %eq3A_49 : i32
    %convert_element_type3A_51 = arith.extui %eq3A_50 : i1 to i32
    %cond3A = arith.constant 0 : i32
    %cond3A_52 = arith.cmpi ne, %convert_element_type3A_51, %cond3A : i32
    scf.if %cond3A_52 {
      %broadcast_in_dim3A_71 = arith.constant 0.000000e+00 : f32
      %broadcast_in_dim3A_72 = vector.broadcast %broadcast_in_dim3A_71 : f32 to vector<1x1xf32>
      %swap3A_73 = arith.constant 0 : index
      %swap3A_74 = arith.constant 0 : index
      %swap3A_75 = vector.load %arg9[%swap3A_73, %swap3A_74] : memref<1x1xf32, #tpu.memory_space<vmem>>, vector<1x1xf32>
      tpu.vector_store %arg9[%swap3A_73, %swap3A_74], %broadcast_in_dim3A_72 {strides = array<i32>} : memref<1x1xf32, #tpu.memory_space<vmem>>, vector<1x1xf32>,
    } else {
    }
    %get3A_53 = arith.constant 0 : index
    %get3A_54 = arith.constant 0 : index
    %get3A_55 = vector.load %arg9[%get3A_53, %get3A_54] : memref<1x1xf32, #tpu.memory_space<vmem>>, vector<1x1xf32>
    %get3A_56 = arith.constant 0 : index
    %get3A_57 = arith.constant 0 : index
    %get3A_58 = arith.constant 0 : index
    %get3A_59 = vector.load %arg3[%get3A_56, %get3A_57, %get3A_58] : memref<1x1024x1xf32, #tpu.memory_space<vmem>>, vector<1x1024x1xf32>
    %get3A_60 = vector.shape_cast %get3A_59 : vector<1x1024x1xf32> to vector<1024x1xf32>
    %reduce_sum3A = vector.shape_cast %get3A_60 : vector<1024x1xf32> to vector<1x1024x1xf32>
    %reduce_sum3A_61 = arith.constant dense<0.000000e+00> : vector<1xf32>
    %reduce_sum3A_62 = vector.multi_reduction <add>, %reduce_sum3A, %reduce_sum3A_61 [1, 2] : vector<1x1024x1xf32> to vector<1xf32>
    %reduce_sum3A_63 = vector.shape_cast %reduce_sum3A_62 : vector<1xf32> to vector<1x1x1xf32>
    %reduce_sum3A_64 = vector.extract %reduce_sum3A_63[0, 0, 0] : f32 from vector<1x1x1xf32>
    %mul3A_65 = arith.constant 4.76837158E-7 : f32
    %mul3A_66 = arith.mulf %reduce_sum3A_64, %mul3A_65 : f32
    %reshape3A = vector.broadcast %mul3A_66 : f32 to vector<1x1xf32>
    %add3A_67 = arith.addf %get3A_55, %reshape3A : vector<1x1xf32>
    %swap3A_68 = arith.constant 0 : index
    %swap3A_69 = arith.constant 0 : index
    %swap3A_70 = vector.load %arg9[%swap3A_68, %swap3A_69] : memref<1x1xf32, #tpu.memory_space<vmem>>, vector<1x1xf32>
    tpu.vector_store %arg9[%swap3A_68, %swap3A_69], %add3A_67 {strides = array<i32>} : memref<1x1xf32, #tpu.memory_space<vmem>>, vector<1x1xf32>,
    return
  }
  func.func @transform_0(%arg0: i32) -> (i32, i32) {
    %c0_i32 = arith.constant 0 : i32
    %c0_i32_0 = arith.constant 0 : i32
    return %arg0, %c0_i32 : i32, i32
  }
  func.func @transform_1(%arg0: i32) -> (i32, i32) {
    %c0_i32 = arith.constant 0 : i32
    %c0_i32_0 = arith.constant 0 : i32
    return %arg0, %c0_i32 : i32, i32
  }
  func.func @transform_2(%arg0: i32) -> (i32, i32, i32) {
    %c0_i32 = arith.constant 0 : i32
    %c0_i32_0 = arith.constant 0 : i32
    %c0_i32_1 = arith.constant 0 : i32
    return %arg0, %c0_i32, %c0_i32_0 : i32, i32, i32
  }
  func.func @transform_3(%arg0: i32) -> (i32, i32, i32) {
    %c6_i32 = arith.constant 6 : i32
    %c0_i32 = arith.constant 0 : i32
    %c0_i32_0 = arith.constant 0 : i32
    %c0_i32_1 = arith.constant 0 : i32
    return %c6_i32, %c0_i32, %c0_i32_0 : i32, i32, i32
  }
  func.func @transform_4(%arg0: i32) -> (i32, i32, i32) {
    %c6_i32 = arith.constant 6 : i32
    %c0_i32 = arith.constant 0 : i32
    %c0_i32_0 = arith.constant 0 : i32
    %c0_i32_1 = arith.constant 0 : i32
    return %c6_i32, %c0_i32, %c0_i32_0 : i32, i32, i32
  }
  func.func @transform_5(%arg0: i32) -> (i32, i32) {
    %c0_i32 = arith.constant 0 : i32
    %c0_i32_0 = arith.constant 0 : i32
    return %arg0, %c0_i32 : i32, i32
  }
  func.func @transform_6(%arg0: i32) -> (i32, i32, i32) {
    %c0_i32 = arith.constant 0 : i32
    %c0_i32_0 = arith.constant 0 : i32
    %c0_i32_1 = arith.constant 0 : i32
    return %arg0, %c0_i32, %c0_i32_0 : i32, i32, i32
  }
  func.func @transform_7(%arg0: i32) -> (i32, i32, i32) {
    %c0_i32 = arith.constant 0 : i32
    %c0_i32_0 = arith.constant 0 : i32
    %c0_i32_1 = arith.constant 0 : i32
    return %arg0, %c0_i32, %c0_i32_0 : i32, i32, i32
  }
  func.func @transform_8(%arg0: i32) -> (i32, i32) {
    %c0_i32 = arith.constant 0 : i32
    %c0_i32_0 = arith.constant 0 : i32
    %c0_i32_1 = arith.constant 0 : i32
    return %c0_i32, %c0_i32_0 : i32, i32
  }
}

module attributes {stable_mosaic.version = 14 : i64} {
  func.func @_lambda_(%arg0: i32, %arg1: memref<1024x1024xf32, #tpu.memory_space<vmem>>, %arg2: memref<1024x1024xf32, #tpu.memory_space<vmem>>, %arg3: memref<1x1024x1xf32, #tpu.memory_space<vmem>>, %arg4: memref<1x1024x1024xbf16, #tpu.memory_space<vmem>>, %arg5: memref<1x1x1024xf32, #tpu.memory_space<vmem>>, %arg6: memref<1024x1024xf32, #tpu.memory_space<vmem>>, %arg7: memref<1x1x1024xi32, #tpu.memory_space<vmem>>, %arg8: memref<1x1x1024xi32, #tpu.memory_space<vmem>>, %arg9: memref<1x1xf32, #tpu.memory_space<vmem>>) attributes {dimension_semantics = [#tpu.dimension_semantics<arbitrary>], iteration_bounds = array<i64: 2>, scalar_prefetch = 0 : i64, scratch_operands = 0 : i64, tpu.core_type = #tpu.core_type<tc>, window_params = [{transform_indices = @transform_0, window_bounds = array<i64: 1024, 1024>}, {transform_indices = @transform_1, window_bounds = array<i64: 1024, 1024>}, {transform_indices = @transform_2, window_bounds = array<i64: 1, 1024, 1>}, {transform_indices = @transform_3, window_bounds = array<i64: 1, 1024, 1024>}, {transform_indices = @transform_4, window_bounds = array<i64: 1, 1, 1024>}, {transform_indices = @transform_5, window_bounds = array<i64: 1024, 1024>}, {transform_indices = @transform_6, window_bounds = array<i64: 1, 1, 1024>}, {transform_indices = @transform_7, window_bounds = array<i64: 1, 1, 1024>}, {pipeline_mode = #tpu.pipeline_mode<synchronous>, transform_indices = @transform_8, window_bounds = array<i64: 1, 1>}]} {
    %get3A = arith.constant 0 : index
    %get3A_0 = arith.constant 0 : index
    %get3A_1 = vector.load %arg1[%get3A, %get3A_0] : memref<1024x1024xf32, #tpu.memory_space<vmem>>, vector<1024x1024xf32>
    %get3A_2 = arith.constant 0 : index
    %get3A_3 = arith.constant 0 : index
    %get3A_4 = vector.load %arg2[%get3A_2, %get3A_3] : memref<1024x1024xf32, #tpu.memory_space<vmem>>, vector<1024x1024xf32>
    %add3A = arith.addf %get3A_1, %get3A_4 : vector<1024x1024xf32>
    %swap3A = arith.constant 0 : index
    %swap3A_5 = arith.constant 0 : index
    %swap3A_6 = vector.load %arg6[%swap3A, %swap3A_5] : memref<1024x1024xf32, #tpu.memory_space<vmem>>, vector<1024x1024xf32>
    tpu.vector_store %arg6[%swap3A, %swap3A_5], %add3A {strides = array<i32>} : memref<1024x1024xf32, #tpu.memory_space<vmem>>, vector<1024x1024xf32>,
    %convert_element_type3A = arith.truncf %add3A : vector<1024x1024xf32> to vector<1024x1024xbf16>
    %get3A_7 = arith.constant 0 : index
    %get3A_8 = arith.constant 0 : index
    %get3A_9 = arith.constant 0 : index
    %get3A_10 = vector.load %arg4[%get3A_7, %get3A_8, %get3A_9] : memref<1x1024x1024xbf16, #tpu.memory_space<vmem>>, vector<1x1024x1024xbf16>
    %get3A_11 = vector.shape_cast %get3A_10 : vector<1x1024x1024xbf16> to vector<1024x1024xbf16>
    %dot_general3A = arith.constant dense<0.000000e+00> : vector<1024x1024xf32>
    %dot_general3A_12 = tpu.matmul %convert_element_type3A, %get3A_11, %dot_general3A {dimension_numbers = #tpu.dot_dimension_numbers<[1], [0], [0], [1], [0, 0, 1, 1], [], []>, transpose_lhs_hint = false} : vector<1024x1024xbf16>, vector<1024x1024xbf16>, vector<1024x1024xf32> -> vector<1024x1024xf32>
    %get3A_13 = arith.constant 0 : index
    %get3A_14 = arith.constant 0 : index
    %get3A_15 = arith.constant 0 : index
    %get3A_16 = vector.load %arg3[%get3A_13, %get3A_14, %get3A_15] : memref<1x1024x1xf32, #tpu.memory_space<vmem>>, vector<1x1024x1xf32>
    %get3A_17 = vector.shape_cast %get3A_16 : vector<1x1024x1xf32> to vector<1024x1xf32>
    %mul3A = arith.constant 2.000000e+00 : f32
    %mul3A_18 = vector.broadcast %mul3A : f32 to vector<1024x1024xf32>
    %mul3A_19 = arith.mulf %mul3A_18, %dot_general3A_12 : vector<1024x1024xf32>
    %add3A_20 = vector.broadcast %get3A_17 : vector<1024x1xf32> to vector<1024x1024xf32>
    %add3A_21 = arith.addf %add3A_20, %mul3A_19 : vector<1024x1024xf32>
    %get3A_22 = arith.constant 0 : index
    %get3A_23 = arith.constant 0 : index
    %get3A_24 = arith.constant 0 : index
    %get3A_25 = vector.load %arg5[%get3A_22, %get3A_23, %get3A_24] : memref<1x1x1024xf32, #tpu.memory_space<vmem>>, vector<1x1x1024xf32>
    %get3A_26 = vector.shape_cast %get3A_25 : vector<1x1x1024xf32> to vector<1x1024xf32>
    %add3A_27 = vector.broadcast %get3A_26 : vector<1x1024xf32> to vector<1024x1024xf32>
    %add3A_28 = arith.addf %add3A_21, %add3A_27 : vector<1024x1024xf32>
    %reduce_min3A = arith.constant dense<0x7F800000> : vector<1024xf32>
    %reduce_min3A_29 = vector.multi_reduction <minimumf>, %add3A_28, %reduce_min3A [1] : vector<1024x1024xf32> to vector<1024xf32>
    %broadcast_in_dim3A = vector.shape_cast %reduce_min3A_29 : vector<1024xf32> to vector<1024x1xf32>
    %iota3A = tpu.iota {dimensions = array<i32: 1>} : vector<1024x1024xi32>
    %eq3A = vector.broadcast %broadcast_in_dim3A : vector<1024x1xf32> to vector<1024x1024xf32>
    %eq3A_30 = arith.cmpf oeq, %add3A_28, %eq3A : vector<1024x1024xf32>
    %jit3A = arith.constant 1024 : i32
    %broadcast_in_dim3A_31 = vector.broadcast %jit3A : i32 to vector<1024x1024xi32>
    %select_n3A = arith.select %eq3A_30, %iota3A, %broadcast_in_dim3A_31 : vector<1024x1024xi1>, vector<1024x1024xi32>
    %reduce_min3A_32 = arith.constant dense<2147483647> : vector<1024xi32>
    %reduce_min3A_33 = vector.multi_reduction <minsi>, %select_n3A, %reduce_min3A_32 [1] : vector<1024x1024xi32> to vector<1024xi32>
    %swap3A_34 = arith.constant 0 : index
    %swap3A_35 = arith.constant 0 : index
    %swap3A_36 = arith.constant 0 : index
    %swap3A_37 = vector.load %arg7[%swap3A_34, %swap3A_35, %swap3A_36] : memref<1x1x1024xi32, #tpu.memory_space<vmem>>, vector<1x1x1024xi32>
    %swap3A_38 = vector.shape_cast %swap3A_37 : vector<1x1x1024xi32> to vector<1024xi32>
    %swap3A_39 = vector.shape_cast %reduce_min3A_33 : vector<1024xi32> to vector<1x1x1024xi32>
    tpu.vector_store %arg7[%swap3A_34, %swap3A_35, %swap3A_36], %swap3A_39 {strides = array<i32>} : memref<1x1x1024xi32, #tpu.memory_space<vmem>>, vector<1x1x1024xi32>,
    %add3A_40 = arith.constant 7168 : i32
    %add3A_41 = vector.broadcast %add3A_40 : i32 to vector<1024xi32>
    %add3A_42 = arith.addi %reduce_min3A_33, %add3A_41 : vector<1024xi32>
    %swap3A_43 = arith.constant 0 : index
    %swap3A_44 = arith.constant 0 : index
    %swap3A_45 = arith.constant 0 : index
    %swap3A_46 = vector.load %arg8[%swap3A_43, %swap3A_44, %swap3A_45] : memref<1x1x1024xi32, #tpu.memory_space<vmem>>, vector<1x1x1024xi32>
    %swap3A_47 = vector.shape_cast %swap3A_46 : vector<1x1x1024xi32> to vector<1024xi32>
    %swap3A_48 = vector.shape_cast %add3A_42 : vector<1024xi32> to vector<1x1x1024xi32>
    tpu.vector_store %arg8[%swap3A_43, %swap3A_44, %swap3A_45], %swap3A_48 {strides = array<i32>} : memref<1x1x1024xi32, #tpu.memory_space<vmem>>, vector<1x1x1024xi32>,
    %eq3A_49 = arith.constant 0 : i32
    %eq3A_50 = arith.cmpi eq, %arg0, %eq3A_49 : i32
    %convert_element_type3A_51 = arith.extui %eq3A_50 : i1 to i32
    %cond3A = arith.constant 0 : i32
    %cond3A_52 = arith.cmpi ne, %convert_element_type3A_51, %cond3A : i32
    scf.if %cond3A_52 {
      %broadcast_in_dim3A_71 = arith.constant 0.000000e+00 : f32
      %broadcast_in_dim3A_72 = vector.broadcast %broadcast_in_dim3A_71 : f32 to vector<1x1xf32>
      %swap3A_73 = arith.constant 0 : index
      %swap3A_74 = arith.constant 0 : index
      %swap3A_75 = vector.load %arg9[%swap3A_73, %swap3A_74] : memref<1x1xf32, #tpu.memory_space<vmem>>, vector<1x1xf32>
      tpu.vector_store %arg9[%swap3A_73, %swap3A_74], %broadcast_in_dim3A_72 {strides = array<i32>} : memref<1x1xf32, #tpu.memory_space<vmem>>, vector<1x1xf32>,
    } else {
    }
    %get3A_53 = arith.constant 0 : index
    %get3A_54 = arith.constant 0 : index
    %get3A_55 = vector.load %arg9[%get3A_53, %get3A_54] : memref<1x1xf32, #tpu.memory_space<vmem>>, vector<1x1xf32>
    %get3A_56 = arith.constant 0 : index
    %get3A_57 = arith.constant 0 : index
    %get3A_58 = arith.constant 0 : index
    %get3A_59 = vector.load %arg3[%get3A_56, %get3A_57, %get3A_58] : memref<1x1024x1xf32, #tpu.memory_space<vmem>>, vector<1x1024x1xf32>
    %get3A_60 = vector.shape_cast %get3A_59 : vector<1x1024x1xf32> to vector<1024x1xf32>
    %reduce_sum3A = vector.shape_cast %get3A_60 : vector<1024x1xf32> to vector<1x1024x1xf32>
    %reduce_sum3A_61 = arith.constant dense<0.000000e+00> : vector<1xf32>
    %reduce_sum3A_62 = vector.multi_reduction <add>, %reduce_sum3A, %reduce_sum3A_61 [1, 2] : vector<1x1024x1xf32> to vector<1xf32>
    %reduce_sum3A_63 = vector.shape_cast %reduce_sum3A_62 : vector<1xf32> to vector<1x1x1xf32>
    %reduce_sum3A_64 = vector.extract %reduce_sum3A_63[0, 0, 0] : f32 from vector<1x1x1xf32>
    %mul3A_65 = arith.constant 4.76837158E-7 : f32
    %mul3A_66 = arith.mulf %reduce_sum3A_64, %mul3A_65 : f32
    %reshape3A = vector.broadcast %mul3A_66 : f32 to vector<1x1xf32>
    %add3A_67 = arith.addf %get3A_55, %reshape3A : vector<1x1xf32>
    %swap3A_68 = arith.constant 0 : index
    %swap3A_69 = arith.constant 0 : index
    %swap3A_70 = vector.load %arg9[%swap3A_68, %swap3A_69] : memref<1x1xf32, #tpu.memory_space<vmem>>, vector<1x1xf32>
    tpu.vector_store %arg9[%swap3A_68, %swap3A_69], %add3A_67 {strides = array<i32>} : memref<1x1xf32, #tpu.memory_space<vmem>>, vector<1x1xf32>,
    return
  }
  func.func @transform_0(%arg0: i32) -> (i32, i32) {
    %c0_i32 = arith.constant 0 : i32
    %c0_i32_0 = arith.constant 0 : i32
    return %arg0, %c0_i32 : i32, i32
  }
  func.func @transform_1(%arg0: i32) -> (i32, i32) {
    %c0_i32 = arith.constant 0 : i32
    %c0_i32_0 = arith.constant 0 : i32
    return %arg0, %c0_i32 : i32, i32
  }
  func.func @transform_2(%arg0: i32) -> (i32, i32, i32) {
    %c0_i32 = arith.constant 0 : i32
    %c0_i32_0 = arith.constant 0 : i32
    %c0_i32_1 = arith.constant 0 : i32
    return %arg0, %c0_i32, %c0_i32_0 : i32, i32, i32
  }
  func.func @transform_3(%arg0: i32) -> (i32, i32, i32) {
    %c7_i32 = arith.constant 7 : i32
    %c0_i32 = arith.constant 0 : i32
    %c0_i32_0 = arith.constant 0 : i32
    %c0_i32_1 = arith.constant 0 : i32
    return %c7_i32, %c0_i32, %c0_i32_0 : i32, i32, i32
  }
  func.func @transform_4(%arg0: i32) -> (i32, i32, i32) {
    %c7_i32 = arith.constant 7 : i32
    %c0_i32 = arith.constant 0 : i32
    %c0_i32_0 = arith.constant 0 : i32
    %c0_i32_1 = arith.constant 0 : i32
    return %c7_i32, %c0_i32, %c0_i32_0 : i32, i32, i32
  }
  func.func @transform_5(%arg0: i32) -> (i32, i32) {
    %c0_i32 = arith.constant 0 : i32
    %c0_i32_0 = arith.constant 0 : i32
    return %arg0, %c0_i32 : i32, i32
  }
  func.func @transform_6(%arg0: i32) -> (i32, i32, i32) {
    %c0_i32 = arith.constant 0 : i32
    %c0_i32_0 = arith.constant 0 : i32
    %c0_i32_1 = arith.constant 0 : i32
    return %arg0, %c0_i32, %c0_i32_0 : i32, i32, i32
  }
  func.func @transform_7(%arg0: i32) -> (i32, i32, i32) {
    %c0_i32 = arith.constant 0 : i32
    %c0_i32_0 = arith.constant 0 : i32
    %c0_i32_1 = arith.constant 0 : i32
    return %arg0, %c0_i32, %c0_i32_0 : i32, i32, i32
  }
  func.func @transform_8(%arg0: i32) -> (i32, i32) {
    %c0_i32 = arith.constant 0 : i32
    %c0_i32_0 = arith.constant 0 : i32
    %c0_i32_1 = arith.constant 0 : i32
    return %c0_i32, %c0_i32_0 : i32, i32
  }
}

module attributes {stable_mosaic.version = 14 : i64} {
  func.func @_decoder_body(%arg0: i32, %arg1: memref<256x1024xf32, #tpu.memory_space<vmem>>, %arg2: memref<256x1024xf32, #tpu.memory_space<vmem>>, %arg3: memref<256x1024xf32, #tpu.memory_space<vmem>>, %arg4: memref<1024x2048xbf16, #tpu.memory_space<vmem>>, %arg5: memref<1x2048xf32, #tpu.memory_space<vmem>>, %arg6: memref<2048x4096xbf16, #tpu.memory_space<vmem>>, %arg7: memref<1x4096xf32, #tpu.memory_space<vmem>>, %arg8: memref<256x4096xf32, #tpu.memory_space<vmem>>, %arg9: memref<1x1xf32, #tpu.memory_space<vmem>>) attributes {dimension_semantics = [#tpu.dimension_semantics<arbitrary>], iteration_bounds = array<i64: 8>, scalar_prefetch = 0 : i64, scratch_operands = 0 : i64, tpu.core_type = #tpu.core_type<tc>, window_params = [{transform_indices = @transform_0, window_bounds = array<i64: 256, 1024>}, {transform_indices = @transform_1, window_bounds = array<i64: 256, 1024>}, {transform_indices = @transform_2, window_bounds = array<i64: 256, 1024>}, {pipeline_mode = #tpu.pipeline_mode<synchronous>, transform_indices = @transform_3, window_bounds = array<i64: 1024, 2048>}, {pipeline_mode = #tpu.pipeline_mode<synchronous>, transform_indices = @transform_4, window_bounds = array<i64: 1, 2048>}, {pipeline_mode = #tpu.pipeline_mode<synchronous>, transform_indices = @transform_5, window_bounds = array<i64: 2048, 4096>}, {pipeline_mode = #tpu.pipeline_mode<synchronous>, transform_indices = @transform_6, window_bounds = array<i64: 1, 4096>}, {transform_indices = @transform_7, window_bounds = array<i64: 256, 4096>}, {pipeline_mode = #tpu.pipeline_mode<synchronous>, transform_indices = @transform_8, window_bounds = array<i64: 1, 1>}]} {
    %get3A = arith.constant 0 : index
    %get3A_0 = arith.constant 0 : index
    %get3A_1 = vector.load %arg2[%get3A, %get3A_0] : memref<256x1024xf32, #tpu.memory_space<vmem>>, vector<256x1024xf32>
    %get3A_2 = arith.constant 0 : index
    %get3A_3 = arith.constant 0 : index
    %get3A_4 = vector.load %arg3[%get3A_2, %get3A_3] : memref<256x1024xf32, #tpu.memory_space<vmem>>, vector<256x1024xf32>
    %add3A = arith.addf %get3A_1, %get3A_4 : vector<256x1024xf32>
    %eq3A = arith.constant 0 : i32
    %eq3A_5 = arith.cmpi eq, %arg0, %eq3A : i32
    %convert_element_type3A = arith.extui %eq3A_5 : i1 to i32
    %cond3A = arith.constant 0 : i32
    %cond3A_6 = arith.cmpi ne, %convert_element_type3A, %cond3A : i32
    scf.if %cond3A_6 {
      %broadcast_in_dim3A = arith.constant 0.000000e+00 : f32
      %broadcast_in_dim3A_47 = vector.broadcast %broadcast_in_dim3A : f32 to vector<1x1xf32>
      %swap3A_48 = arith.constant 0 : index
      %swap3A_49 = arith.constant 0 : index
      %swap3A_50 = vector.load %arg9[%swap3A_48, %swap3A_49] : memref<1x1xf32, #tpu.memory_space<vmem>>, vector<1x1xf32>
      tpu.vector_store %arg9[%swap3A_48, %swap3A_49], %broadcast_in_dim3A_47 {strides = array<i32>} : memref<1x1xf32, #tpu.memory_space<vmem>>, vector<1x1xf32>,
    } else {
    }
    %get3A_7 = arith.constant 0 : index
    %get3A_8 = arith.constant 0 : index
    %get3A_9 = vector.load %arg9[%get3A_7, %get3A_8] : memref<1x1xf32, #tpu.memory_space<vmem>>, vector<1x1xf32>
    %mul3A = arith.mulf %add3A, %add3A : vector<256x1024xf32>
    %reduce_sum3A = vector.shape_cast %mul3A : vector<256x1024xf32> to vector<1x256x1024xf32>
    %reduce_sum3A_10 = arith.constant dense<0.000000e+00> : vector<1xf32>
    %reduce_sum3A_11 = vector.multi_reduction <add>, %reduce_sum3A, %reduce_sum3A_10 [1, 2] : vector<1x256x1024xf32> to vector<1xf32>
    %reduce_sum3A_12 = vector.shape_cast %reduce_sum3A_11 : vector<1xf32> to vector<1x1x1xf32>
    %reduce_sum3A_13 = vector.extract %reduce_sum3A_12[0, 0, 0] : f32 from vector<1x1x1xf32>
    %mul3A_14 = arith.constant 4.76837158E-7 : f32
    %mul3A_15 = arith.mulf %reduce_sum3A_13, %mul3A_14 : f32
    %reshape3A = vector.broadcast %mul3A_15 : f32 to vector<1x1xf32>
    %add3A_16 = arith.addf %get3A_9, %reshape3A : vector<1x1xf32>
    %swap3A = arith.constant 0 : index
    %swap3A_17 = arith.constant 0 : index
    %swap3A_18 = vector.load %arg9[%swap3A, %swap3A_17] : memref<1x1xf32, #tpu.memory_space<vmem>>, vector<1x1xf32>
    tpu.vector_store %arg9[%swap3A, %swap3A_17], %add3A_16 {strides = array<i32>} : memref<1x1xf32, #tpu.memory_space<vmem>>, vector<1x1xf32>,
    %get3A_19 = arith.constant 0 : index
    %get3A_20 = arith.constant 0 : index
    %get3A_21 = vector.load %arg1[%get3A_19, %get3A_20] : memref<256x1024xf32, #tpu.memory_space<vmem>>, vector<256x1024xf32>
    %add3A_22 = arith.addf %get3A_21, %add3A : vector<256x1024xf32>
    %convert_element_type3A_23 = arith.truncf %add3A_22 : vector<256x1024xf32> to vector<256x1024xbf16>
    %get3A_24 = arith.constant 0 : index
    %get3A_25 = arith.constant 0 : index
    %get3A_26 = vector.load %arg4[%get3A_24, %get3A_25] : memref<1024x2048xbf16, #tpu.memory_space<vmem>>, vector<1024x2048xbf16>
    %dot_general3A = arith.constant dense<0.000000e+00> : vector<256x2048xf32>
    %dot_general3A_27 = tpu.matmul %convert_element_type3A_23, %get3A_26, %dot_general3A {dimension_numbers = #tpu.dot_dimension_numbers<[1], [0], [0], [1], [0, 0, 1, 1], [], []>, transpose_lhs_hint = false} : vector<256x1024xbf16>, vector<1024x2048xbf16>, vector<256x2048xf32> -> vector<256x2048xf32>
    %get3A_28 = arith.constant 0 : index
    %get3A_29 = arith.constant 0 : index
    %get3A_30 = vector.load %arg5[%get3A_28, %get3A_29] : memref<1x2048xf32, #tpu.memory_space<vmem>>, vector<1x2048xf32>
    %add3A_31 = vector.broadcast %get3A_30 : vector<1x2048xf32> to vector<256x2048xf32>
    %add3A_32 = arith.addf %dot_general3A_27, %add3A_31 : vector<256x2048xf32>
    %convert_element_type3A_33 = arith.truncf %add3A_32 : vector<256x2048xf32> to vector<256x2048xbf16>
    %get3A_34 = arith.constant 0 : index
    %get3A_35 = arith.constant 0 : index
    %get3A_36 = vector.load %arg6[%get3A_34, %get3A_35] : memref<2048x4096xbf16, #tpu.memory_space<vmem>>, vector<2048x4096xbf16>
    %dot_general3A_37 = arith.constant dense<0.000000e+00> : vector<256x4096xf32>
    %dot_general3A_38 = tpu.matmul %convert_element_type3A_33, %get3A_36, %dot_general3A_37 {dimension_numbers = #tpu.dot_dimension_numbers<[1], [0], [0], [1], [0, 0, 1, 1], [], []>, transpose_lhs_hint = false} : vector<256x2048xbf16>, vector<2048x4096xbf16>, vector<256x4096xf32> -> vector<256x4096xf32>
    %get3A_39 = arith.constant 0 : index
    %get3A_40 = arith.constant 0 : index
    %get3A_41 = vector.load %arg7[%get3A_39, %get3A_40] : memref<1x4096xf32, #tpu.memory_space<vmem>>, vector<1x4096xf32>
    %add3A_42 = vector.broadcast %get3A_41 : vector<1x4096xf32> to vector<256x4096xf32>
    %add3A_43 = arith.addf %dot_general3A_38, %add3A_42 : vector<256x4096xf32>
    %swap3A_44 = arith.constant 0 : index
    %swap3A_45 = arith.constant 0 : index
    %swap3A_46 = vector.load %arg8[%swap3A_44, %swap3A_45] : memref<256x4096xf32, #tpu.memory_space<vmem>>, vector<256x4096xf32>
    tpu.vector_store %arg8[%swap3A_44, %swap3A_45], %add3A_43 {strides = array<i32>} : memref<256x4096xf32, #tpu.memory_space<vmem>>, vector<256x4096xf32>,
    return
  }
  func.func @transform_0(%arg0: i32) -> (i32, i32) {
    %c0_i32 = arith.constant 0 : i32
    %c0_i32_0 = arith.constant 0 : i32
    return %arg0, %c0_i32 : i32, i32
  }
  func.func @transform_1(%arg0: i32) -> (i32, i32) {
    %c0_i32 = arith.constant 0 : i32
    %c0_i32_0 = arith.constant 0 : i32
    return %arg0, %c0_i32 : i32, i32
  }
  func.func @transform_2(%arg0: i32) -> (i32, i32) {
    %c0_i32 = arith.constant 0 : i32
    %c0_i32_0 = arith.constant 0 : i32
    return %arg0, %c0_i32 : i32, i32
  }
  func.func @transform_3(%arg0: i32) -> (i32, i32) {
    %c0_i32 = arith.constant 0 : i32
    %c0_i32_0 = arith.constant 0 : i32
    %c0_i32_1 = arith.constant 0 : i32
    return %c0_i32, %c0_i32_0 : i32, i32
  }
  func.func @transform_4(%arg0: i32) -> (i32, i32) {
    %c0_i32 = arith.constant 0 : i32
    %c0_i32_0 = arith.constant 0 : i32
    %c0_i32_1 = arith.constant 0 : i32
    return %c0_i32, %c0_i32_0 : i32, i32
  }
  func.func @transform_5(%arg0: i32) -> (i32, i32) {
    %c0_i32 = arith.constant 0 : i32
    %c0_i32_0 = arith.constant 0 : i32
    %c0_i32_1 = arith.constant 0 : i32
    return %c0_i32, %c0_i32_0 : i32, i32
  }
  func.func @transform_6(%arg0: i32) -> (i32, i32) {
    %c0_i32 = arith.constant 0 : i32
    %c0_i32_0 = arith.constant 0 : i32
    %c0_i32_1 = arith.constant 0 : i32
    return %c0_i32, %c0_i32_0 : i32, i32
  }
  func.func @transform_7(%arg0: i32) -> (i32, i32) {
    %c0_i32 = arith.constant 0 : i32
    %c0_i32_0 = arith.constant 0 : i32
    return %arg0, %c0_i32 : i32, i32
  }
  func.func @transform_8(%arg0: i32) -> (i32, i32) {
    %c0_i32 = arith.constant 0 : i32
    %c0_i32_0 = arith.constant 0 : i32
    %c0_i32_1 = arith.constant 0 : i32
    return %c0_i32, %c0_i32_0 : i32, i32
  }
}

</mosaic_0001>

<sc_bundles>
// kernel: kernel.21.cloned.1.call-start
scs
__scs_entry_jumppad:
0x0: {  	(pc) =	sbr.rel $0x88, $3  }
0x1: {  	(tag) =	ssettag $0x0;
	lr =	simm.s32 $0x1  }
0x2: {  	[smem:$0x3F97] =	sst lr;
	_ =	strace $0xD0000000  }
0x3: {  	_ = 	snop  }
0x4: {  	_ = 	snop  }
0x5: {  	_ = 	snop  }
0x6: {  	_ = 	snop  }
0x7: {  	_ = 	snop  }
__scs_overlays_trampoline_lowered:
0x8: {  	[smem:$0x3FA6] =	sst s0  }
0x9: {  	[smem:$0x3FA7] =	sst s1  }
0xa: {  	[smem:$0x3FA8] =	sst s2  }
0xb: {  	[smem:$0x3FA9] =	sst s3  }
0xc: {  	[smem:$0x3FAA] =	sst s4  }
0xd: {  	[smem:$0x3FAB] =	sst s5  }
0xe: {  	[smem:$0x3FAC] =	sst s6  }
0xf: {  	[smem:$0x3FAD] =	sst s7  }
0x10: {  	[smem:$0x3FAE] =	sst s8  }
0x11: {  	[smem:$0x3FAF] =	sst s9;
	s0 =	simm.s32 @!p0 $0x0  }
0x12: {  	s1 =	sld [smem:$0x3F95];
	s0 =	simm.s32 @p0 $0x1  }
0x13: {  	[smem:$0x3FB0] =	sst s0;
	s0 =	simm.s32 @!p1 $0x0  }
0x14: {  	s2 =	sld [smem:$0x3F94];
	s0 =	simm.s32 @p1 $0x1  }
0x15: {  	[smem:$0x3FB1] =	sst s0;
	s0 =	simm.s32 @!p2 $0x0  }
0x16: {  	s3 =	sld [smem:$0x3FDB];
	s0 =	simm.s32 @p2 $0x1  }
0x17: {  	s4 =	simm.s32 $0x1BF5;
	[smem:$0x3FB3] =	sst s0  }
0x18: {  	s0 =	sld [smem:$0x3F96];
	_ =	swait.ge [sflag:s4], $0x0  }
0x19: {  	s7 =	sld [smem:$0x3F97]  }
0x1a: {  	s8 =	sadd.s32 $0xFFFFE003, lr  }
0x1b: {  	s9 =	sadd.s32 $0xFFFFFEF7, lr;
	s5 =	simm.s32 $0xFFFFFFFF;
	p2 =	slt.u32 s8, $0xFFFFF086  }
0x1c: {  	p1 =	slt.u32 s9, $0xF7A;
	s5 =	simm.s32 @!p2 $0x0  }
0x1d: {  	s5 =	simm.s32 @p1 $0x1;
	p0 =	seq.s32 s7, s2  }
0x1e: {  	s7 =	smul.u32 @!p0 $0xF7A, s2;
	p2 =	seq.s32 @!p0 s5, $0x0  }
0x1f: {  	s9 =	smul.u32 $0xF7A, s1;
	s8 =	simm.s32 @!p0 $0x1BF5;
	p2 =	por !p2, p0  }
0x20: {  	[sflag:s8] =	ssyncset.s32 @!p0 $0xFFFFF086;
	s6 =	sadd.s32 @!p0 s3, s7;
	s7 =	simm.s32 @!p0 $0x108  }
0x21: {  	s3 =	sadd.s32 s3, s9;
	s6 =	sadd.s32 @!p0 $0x88, s6;
	s7 =	simm.s32 @p2 $0x1082  }
0x22: {  	[simem:s7], [sflag:s8] =	dma.local @!p0 [hbm:s6], $0xF7A  }
0x23: {  	s9 =	sor.u32 $0xD0000000, s2;
	s6 =	simm.s32 $0x108;
	_ =	swait.ge @!p0 [sflag:s8], $0x0  }
0x24: {  	s3 =	sadd.s32 $0x88, s3;
	s6 =	simm.s32 @!p1 $0x1082;
	[sflag:s4] =	ssyncset.s32 $0xFFFFF086  }
0x25: {  	[simem:s6], [sflag:s4] =	dma.local [hbm:s3], $0xF7A  }
0x26: {  	[smem:$0x3F97] =	sst s1;
	(tag) =	ssettag s2;
	_ =	strace s9  }
0x27: {  	s1 =	sld [smem:$0x3FA7]  }
0x28: {  	s2 =	sld [smem:$0x3FA8]  }
0x29: {  	s4 =	sld [smem:$0x3FAA]  }
0x2a: {  	p0 =	seq.s32 s5, $0x0;
	s5 =	sld [smem:$0x3FAB]  }
0x2b: {  	s6 =	sld [smem:$0x3FAC]  }
0x2c: {  	s7 =	sld [smem:$0x3FAD]  }
0x2d: {  	s3 =	simm.s32 $0x108;
	s8 =	sld [smem:$0x3FAE]  }
0x2e: {  	s3 =	simm.s32 @!p0 $0x1082;
	s9 =	sld [smem:$0x3FAF]  }
0x2f: {  	lr =	sadd.s32 s0, s3;
	s0 =	sld [smem:$0x3FA6]  }
0x30: {  	s3 =	sld [smem:$0x3FA9]  }
0x31: {  	[smem:$0x3FB2] =	sst s10  }
0x32: {  	s10 =	sld [smem:$0x3FB0];
	_ =	sdelay $0x3  }
0x33: {  	p0 =	seq.s32 s10, $0x1;
	s10 =	sld [smem:$0x3FB2];
	_ =	sdelay $0x3  }
0x34: {  	[smem:$0x3FB2] =	sst s10  }
0x35: {  	s10 =	sld [smem:$0x3FB1];
	_ =	sdelay $0x3  }
0x36: {  	p1 =	seq.s32 s10, $0x1;
	s10 =	sld [smem:$0x3FB2];
	_ =	sdelay $0x3  }
0x37: {  	[smem:$0x3FB2] =	sst s10  }
0x38: {  	s10 =	sld [smem:$0x3FB3]  }
0x39: {  	_ = 	snop;
	(pc) =	sbr.ind lr, $3  }
0x3a: {  	_ = 	snop  }
0x3b: {  	_ = 	snop  }
0x3c: {  	p2 =	seq.s32 s10, $0x1;
	s10 =	sld [smem:$0x3FB2]  }
0x3d: {  	_ =	shalt  }
0x3e: {  	_ =	shalt  }
0x3f: {  	_ =	shalt  }
0x40: {  	_ =	shalt  }
0x41: {  	_ =	shalt  }
0x42: {  	_ =	shalt  }
0x43: {  	_ =	shalt  }
0x44: {  	_ =	shalt  }
0x45: {  	_ =	shalt  }
0x46: {  	_ =	shalt  }
0x47: {  	_ =	shalt  }
0x48: {  	_ =	shalt  }
0x49: {  	_ =	shalt  }
0x4a: {  	_ =	shalt  }
0x4b: {  	_ =	shalt  }
0x4c: {  	_ =	shalt  }
0x4d: {  	_ =	shalt  }
0x4e: {  	_ =	shalt  }
0x4f: {  	_ =	shalt  }
0x50: {  	_ =	shalt  }
0x51: {  	_ =	shalt  }
0x52: {  	_ =	shalt  }
0x53: {  	_ =	shalt  }
0x54: {  	_ =	shalt  }
0x55: {  	_ =	shalt  }
0x56: {  	_ =	shalt  }
0x57: {  	_ =	shalt  }
0x58: {  	_ =	shalt  }
0x59: {  	_ =	shalt  }
0x5a: {  	_ =	shalt  }
0x5b: {  	_ =	shalt  }
0x5c: {  	_ =	shalt  }
0x5d: {  	_ =	shalt  }
0x5e: {  	_ =	shalt  }
0x5f: {  	_ =	shalt  }
0x60: {  	_ =	shalt  }
0x61: {  	_ =	shalt  }
0x62: {  	_ =	shalt  }
0x63: {  	_ =	shalt  }
0x64: {  	_ =	shalt  }
0x65: {  	_ =	shalt  }
0x66: {  	_ =	shalt  }
0x67: {  	_ =	shalt  }
0x68: {  	_ =	shalt  }
0x69: {  	_ =	shalt  }
0x6a: {  	_ =	shalt  }
0x6b: {  	_ =	shalt  }
0x6c: {  	_ =	shalt  }
0x6d: {  	_ =	shalt  }
0x6e: {  	_ =	shalt  }
0x6f: {  	_ =	shalt  }
0x70: {  	_ =	shalt  }
0x71: {  	_ =	shalt  }
0x72: {  	_ =	shalt  }
0x73: {  	_ =	shalt  }
0x74: {  	_ =	shalt  }
0x75: {  	_ =	shalt  }
0x76: {  	_ =	shalt  }
0x77: {  	_ =	shalt  }
0x78: {  	_ =	shalt  }
0x79: {  	_ =	shalt  }
0x7a: {  	_ =	shalt  }
0x7b: {  	_ =	shalt  }
0x7c: {  	_ =	shalt  }
0x7d: {  	_ =	shalt  }
0x7e: {  	_ =	shalt  }
0x7f: {  	_ =	shalt  }
0x80: {  	_ =	shalt  }
0x81: {  	_ =	shalt  }
0x82: {  	_ =	shalt  }
0x83: {  	_ =	shalt  }
0x84: {  	_ =	shalt  }
0x85: {  	_ =	shalt  }
0x86: {  	_ =	shalt  }
0x87: {  	_ =	shalt  }
.Lfunc_end0:
.L_simem_size_0:
called_computation_lowered:
.L_overlay_start_0:
0x88: {  	s2 =	sld [smem:$0x3FD9]  }
0x89: {  	s3 =	sld [smem:$0x3FFE];
	_ =	sdelay $0x1  }
0x8a: {  	s1 =	srdreg.scid  }
0x8b: {  	s0 =	sand.u32 $0x1, s1  }
0x8c: {  	s14 =	sshll.u32 s0, $0xA;
	s2 =	sadd.s32 s3, s2  }
0x8d: {  	s2 =	sadd.s32 s2, s14  }
0x8e: {  	[smem:$0x3FBE] =	sst s2  }
0x8f: {  	_ = 	snop  }
0x90: {  	s2 =	sld [smem:$0x3FD0];
	_ =	sdelay $0x2  }
0x91: {  	s4 =	simm.s32 $0xA;
	s5 =	simm.s32 $0x10;
	s15 =	sld [smem:$0x3FC4]  }
0x92: {  	[smem:s5], [sflag:s4] =	dma.local [hbm:s2], $0x1  }
0x93: {  	_ =	swait.eq [sflag:s4], $0x1  }
0x94: {  	[sflag:s4] =	ssyncset.done $0x0  }
0x95: {  	[sflag:s4] =	ssyncadd.s32 $0xFFFFFFFF  }
0x96: {  	s16 =	sld [smem:$0x11];
	(tm) =	ssettm $0x1  }
0x97: {  	s17 =	sld [smem:$0x3FFB];
	_ =	sdelay $0x3  }
0x98: {  	_ =	strace s17  }
0x99: {  	s4 =	sld [smem:$0x3FFC];
	_ =	sdelay $0x3  }
0x9a: {  	_ =	strace s4  }
0x9b: {  	s4 =	sld [smem:$0x3FFD];
	_ =	sdelay $0x3  }
0x9c: {  	_ =	strace s4  }
0x9d: {  	_ =	strace $0x8FFFFFFF  }
0x9e: {  	s18 =	sld [smem:$0x3FDB];
	_ =	sdelay $0x1  }
0x9f: {  	s19 =	simm.s32 $_scs_section_size  }
0xa0: {  	s6 =	simm.s32 $_size__tile_overlayer_lowered;
	s7 =	simm.s32 $_tile_overlayer_lowered  }
0xa1: {  	s22 =	simm.s32 $0x1BFF;
	s21 =	sshll.u32 s7, $0x1;
	s4 =	sadd.s32 s19, s18  }
0xa2: {  	s8 =	simm.s32 $0x0;
	s20 =	sshll.u32 s6, $0x1;
	s6 =	sadd.s32 s21, s4  }
0xa3: {  	[timem:s8], [sflag:s22] =	dma.local [hbm:s6], s20  }
0xa4: {  	_ =	swait.ge [sflag:s22], s20  }
0xa5: {  	s5 =	ssub.s32 $0x0, s20;
	[sflag:s22] =	ssyncset.done $0x0  }
0xa6: {  	[sflag:s22] =	ssyncadd.s32 s5;
	_ =	sdelay $0x1  }
0xa7: {  	s23 =	simm.s32 $0x1B8B  }
0xa8: {  	_ =	swait.ge [sflag:s23], $0x1  }
0xa9: {  	[sflag:s23] =	ssyncset.done $0x0  }
0xaa: {  	s25 =	simm.s32 $0x1B8E;
	s24 =	sld [smem:$0x3FFE];
	[sflag:s23] =	ssyncadd.s32 $0xFFFFFFFF  }
0xab: {  	s26 =	simm.s32 $execute0_lowered;
	[smem:$0x3FD2] =	sst s25  }
0xac: {  	s6 =	sshll.u32 s26, $0x1;
	_ =	strace $0x80000046;
	[dreg:$0x1] =	wrdreg $0xFFFFFFFF  }
0xad: {  	s28 =	simm.s32 $_size_execute0_lowered;
	s4 =	sadd.s32 s4, s6;
	[dreg:$0x0] =	wrdreg $0x0  }
0xae: {  	s6 =	sshll.u32 s28, $0x1;
	[dreg:$0x2] =	wrdreg s4  }
0xaf: {  	[dreg:$0x3] =	wrdreg s6  }
0xb0: {  	[dreg:$0x4] =	wrdreg $0xC0  }
0xb1: {  	_ =	task [dreg:s8], $0x5FFFF  }
0xb2: {  	[dreg:$0x1] =	wrdreg $0xFFFFFFFF  }
0xb3: {  	[dreg:$0x0] =	wrdreg $0x60  }
0xb4: {  	[dreg:$0x2] =	wrdreg s15  }
0xb5: {  	[dreg:$0x3] =	wrdreg s16  }
0xb6: {  	[dreg:$0x4] =	wrdreg s24  }
0xb7: {  	[dreg:$0x5] =	wrdreg $0x9  }
0xb8: {  	_ =	task.clear_ibuf [dreg:s8], $0x6FFFF;
	_ =	strace $0x90000046  }
0xb9: {  	s29 =	simm.s32 $0x9;
	_ =	strace $0x80000048  }
0xba: {  	_ =	swait.ge [sflag:s29], $0x1  }
0xbb: {  	[sflag:s29] =	ssyncadd.s32 $0xFFFFFFFF  }
0xbc: {  	_ =	strace $0x90000048  }
0xbd: {  	_ =	sfence  }
0xbe: {  	s30 =	sld [smem:$0x0];
	_ =	sdelay $0x2  }
0xbf: {  	s31 =	sshll.u32 s1, $0xD;
	s1 =	sshrl.u32 s1, $0x2  }
0xc0: {  	s3 =	sand.u32 $0x4000, s31;
	s1 =	sadd.s32 s1, s30  }
0xc1: {  	s0 =	sor.u32 s3, s0;
	s1 =	sshll.u32 s1, $0x11  }
0xc2: {  	s0 =	sor.u32 s1, s0  }
0xc3: {  	s0 =	sadd.s32 $0x8F2B, s0  }
0xc4: {  	[sflag:s0] =	ssyncadd.remote.s32 $0x1  }
0xc5: {  	_ =	sfence.sel $0xFFFF  }
0xc6: {  	[dreg:$0x0] =	wrdreg $0xFFFFFFFF;
	(pc) =	sbr.abs _section_cstart, $3  }
0xc7: {  	[dreg:$0x1] =	wrdreg $0xFFFFFFFF  }
0xc8: {  	_ =	task.clear_ibuf [dreg:s8], $0x2FFFF;
	_ =	strace $0x9FFFFFFF  }
0xc9: {  	(tm) =	ssettm $0x7FFFFFFF  }
tec
execute0_lowered:
.L_overlay_start_1:
0x0: {  	(tag) =	ssettag $0x1  }
0x1: {  	s1 =	rddreg [dreg:$0x0]  }
0x2: {  	s2 =	srdreg.scid;
	s4 =	rddreg [dreg:$0x1]  }
0x3: {  	s0 =	stileid.u32;
	s5 =	rddreg [dreg:$0x2];
	s3 =	simm.s32 $0x0  }
0x4: {  	s17 =	simm.s32 $0x880;
	s18 =	simm.s32 $0x1080;
	s19 =	simm.s32 $0x1880  }
0x5: {  	s21 =	simm.s32 $0x2080;
	s22 =	simm.s32 $0x2880;
	s23 =	simm.s32 $0x3080  }
0x6: {  	s24 =	simm.s32 $0x3880;
	s8 =	simm.s32 $0x4080;
	[smem:$0x7FF] =	sst s3  }
0x7: {  	s25 =	simm.s32 $0x4880;
	_ =	strace $0x80000047;
	[dreg:$0x6] =	wrdreg s17  }
0x8: {  	s26 =	simm.s32 $0x5080;
	s9 =	simm.s32 $0x80;
	[dreg:$0x7] =	wrdreg s18  }
0x9: {  	s11 =	simm.s32 $0x6080;
	s12 =	simm.s32 $0x6880;
	[dreg:$0x8] =	wrdreg s19  }
0xa: {  	s13 =	simm.s32 $0x7080;
	s14 =	simm.s32 $0x7880;
	[dreg:$0x9] =	wrdreg s21  }
0xb: {  	s15 =	simm.s32 $0x8080;
	s28 =	simm.s32 $0xE080;
	[dreg:$0xa] =	wrdreg s22  }
0xc: {  	s29 =	simm.s32 $0xE880;
	s30 =	simm.s32 $0xF080;
	[dreg:$0xb] =	wrdreg s23  }
0xd: {  	s31 =	simm.s32 $0xF880;
	s2 =	sand.u32 $0x1, s2;
	[dreg:$0xc] =	wrdreg s24  }
0xe: {  	s6 =	sshll.u32 s0, $0x7;
	s7 =	sshll.u32 s2, $0x6;
	[dreg:$0xd] =	wrdreg s8  }
0xf: {  	s2 =	ssub.s32 $0x2, s2;
	s8 =	simm.s32 $0x2;
	[dreg:$0xe] =	wrdreg s25  }
0x10: {  	[dreg:$0xf] =	wrdreg s26;
	s17 =	simm.s32 $0x9080;
	s18 =	simm.s32 $0x9880  }
0x11: {  	s19 =	simm.s32 $0xA080;
	s21 =	simm.s32 $0xB080;
	s22 =	simm.s32 $0xB880  }
0x12: {  	s23 =	simm.s32 $0xC080;
	s24 =	simm.s32 $0xC880;
	s25 =	simm.s32 $0xD080  }
0x13: {  	s26 =	simm.s32 $0xD880;
	s6 =	sor.u32 s7, s6;
	s20 =	sshrl.u32 s2, $0x1  }
0x14: {  	s7 =	sshll.u32 s6, $0x7;
	s6 =	sshrl.u32 s6, $0x3;
	s2 =	ssub.s32 s2, s20  }
0x15: {  	s20 =	simm.s32 $0xA880;
	s5 =	sadd.s32 s7, s5;
	s4 =	sadd.s32 s4, s6  }
0x16: {  	v2 =	vlaneseq.u32;
	s6 =	sadd.s32 $0x300, s1;
	s7 =	smax.u32 s2, $0x1;
	s2 =	simm.s32 $0x1  }
0x17: {  	vm0 =	vmmov $0xffff;
	v1 =	vshrl.u32 v2, $0x3;
	[dreg:$0x4] =	wrdreg s4;
	s16 =	sadd.s32 $0x85C00, s5;
	s4 =	sadd.s32 $0x100, s1  }
0x18: {  	v0 =	vand.u32 $0x7, v2;
	v2 =	vor.u32 $0x8, v2;
	v1 =	vmul.u32 $0x8, v1;
	s5 =	sadd.s32 $0x200, s1;
	[dreg:$0x5] =	wrdreg s16;
	s16 =	simm.s32 $0x8880  }
.LBB2_1:
0x19: {  	s0 =	rddreg [dreg:$0x4]  }
0x1a: {  	[tilespmem:s3], [sflag:$0x2] =	stream.linear.gather [hbm4b:s0+s3], $0x40, $0x38;
	[tilespmem:$0x10080] =	vst v63  }
0x1b: {  	_ =	swait.ge [sflag:s8], $0x40  }
0x1c: {  	[sflag:s8] =	ssyncset.done $0x0  }
0x1d: {  	[sflag:s8] =	ssyncadd.s32 $0xFFFFFFC0  }
0x1e: {  	v3 =	vld [tilespmem:$0x0];
	_ =	sdelay $0x4  }
0x1f: {  	v4 =	vshll.u32 v3, $0x3  }
0x20: {  	v3 =	vand.u32 $0x7, v3;
	v4 =	vand.u32 $0xFFFFFFC0, v4  }
0x21: {  	v3 =	vor.u32 v3, v4  }
0x22: {  	v4 =	vperm.xlane v3, v0;
	_ =	sdelay $0x1  }
0x23: {  	v4 =	vadd.s32 v1, v4;
	_ =	sdelay $0x4  }
0x24: {  	[tilespmem:s9], [sflag:$0x1] =	stream.indirect_vreg.gather [hbm4b:s1+s3], $0x80, v4, vm0, $0xb8;
	[tilespmem:$0x10080] =	vst v63  }
0x25: {  	s0 =	rddreg [dreg:$0x6];
	v3 =	vperm.xlane v3, v2  }
0x26: {  	[tilespmem:s0], [sflag:$0x1] =	stream.indirect_vreg.gather [hbm4b:s4+s3], $0x80, v4, vm0, $0xb8;
	[tilespmem:$0x10080] =	vst v63  }
0x27: {  	s10 =	rddreg [dreg:$0x7];
	v3 =	vadd.s32 v1, v3  }
0x28: {  	[tilespmem:s10], [sflag:$0x1] =	stream.indirect_vreg.gather [hbm4b:s5+s3], $0x80, v4, vm0, $0xb8;
	[tilespmem:$0x10080] =	vst v63  }
0x29: {  	s0 =	rddreg [dreg:$0x8]  }
0x2a: {  	[tilespmem:s0], [sflag:$0x1] =	stream.indirect_vreg.gather [hbm4b:s6+s3], $0x80, v4, vm0, $0xb8;
	[tilespmem:$0x10080] =	vst v63  }
0x2b: {  	s10 =	rddreg [dreg:$0x9]  }
0x2c: {  	[tilespmem:s10], [sflag:$0x1] =	stream.indirect_vreg.gather [hbm4b:s1+s3], $0x80, v3, vm0, $0xb8;
	[tilespmem:$0x10080] =	vst v63  }
0x2d: {  	s0 =	rddreg [dreg:$0xa]  }
0x2e: {  	[tilespmem:s0], [sflag:$0x1] =	stream.indirect_vreg.gather [hbm4b:s4+s3], $0x80, v3, vm0, $0xb8;
	[tilespmem:$0x10080] =	vst v63  }
0x2f: {  	s10 =	rddreg [dreg:$0xb]  }
0x30: {  	[tilespmem:s10], [sflag:$0x1] =	stream.indirect_vreg.gather [hbm4b:s5+s3], $0x80, v3, vm0, $0xb8;
	[tilespmem:$0x10080] =	vst v63  }
0x31: {  	s0 =	rddreg [dreg:$0xc]  }
0x32: {  	[tilespmem:s0], [sflag:$0x1] =	stream.indirect_vreg.gather [hbm4b:s6+s3], $0x80, v3, vm0, $0xb8;
	[tilespmem:$0x10080] =	vst v63  }
0x33: {  	v3 =	vld [tilespmem:$0x10];
	_ =	sdelay $0x4  }
0x34: {  	v61 =	vshll.u32 v3, $0x3  }
0x35: {  	v3 =	vand.u32 $0x7, v3;
	v4 =	vand.u32 $0xFFFFFFC0, v61  }
0x36: {  	v3 =	vor.u32 v3, v4  }
0x37: {  	v4 =	vperm.xlane v3, v0;
	_ =	sdelay $0x1  }
0x38: {  	v4 =	vadd.s32 v1, v4;
	_ =	sdelay $0x3  }
0x39: {  	s0 =	rddreg [dreg:$0xd]  }
0x3a: {  	[tilespmem:s0], [sflag:$0x1] =	stream.indirect_vreg.gather [hbm4b:s1+s3], $0x80, v4, vm0, $0xb8;
	[tilespmem:$0x10080] =	vst v63  }
0x3b: {  	s10 =	rddreg [dreg:$0xe];
	v3 =	vperm.xlane v3, v2  }
0x3c: {  	[tilespmem:s10], [sflag:$0x1] =	stream.indirect_vreg.gather [hbm4b:s4+s3], $0x80, v4, vm0, $0xb8;
	[tilespmem:$0x10080] =	vst v63  }
0x3d: {  	v3 =	vadd.s32 v1, v3;
	s0 =	rddreg [dreg:$0xf]  }
0x3e: {  	[tilespmem:s0], [sflag:$0x1] =	stream.indirect_vreg.gather [hbm4b:s5+s3], $0x80, v4, vm0, $0xb8;
	[tilespmem:$0x10080] =	vst v63  }
0x3f: {  	s10 =	simm.s32 $0x5880  }
0x40: {  	[tilespmem:s10], [sflag:$0x1] =	stream.indirect_vreg.gather [hbm4b:s6+s3], $0x80, v4, vm0, $0xb8;
	[tilespmem:$0x10080] =	vst v63  }
0x41: {  	_ = 	snop  }
0x42: {  	[tilespmem:s11], [sflag:$0x1] =	stream.indirect_vreg.gather [hbm4b:s1+s3], $0x80, v3, vm0, $0xb8;
	[tilespmem:$0x10080] =	vst v63  }
0x43: {  	_ = 	snop  }
0x44: {  	[tilespmem:s12], [sflag:$0x1] =	stream.indirect_vreg.gather [hbm4b:s4+s3], $0x80, v3, vm0, $0xb8;
	[tilespmem:$0x10080] =	vst v63  }
0x45: {  	_ = 	snop  }
0x46: {  	[tilespmem:s13], [sflag:$0x1] =	stream.indirect_vreg.gather [hbm4b:s5+s3], $0x80, v3, vm0, $0xb8;
	[tilespmem:$0x10080] =	vst v63  }
0x47: {  	_ = 	snop  }
0x48: {  	[tilespmem:s14], [sflag:$0x1] =	stream.indirect_vreg.gather [hbm4b:s6+s3], $0x80, v3, vm0, $0xb8;
	[tilespmem:$0x10080] =	vst v63  }
0x49: {  	v3 =	vld [tilespmem:$0x20];
	_ =	sdelay $0x4  }
0x4a: {  	v62 =	vshll.u32 v3, $0x3  }
0x4b: {  	v3 =	vand.u32 $0x7, v3;
	v4 =	vand.u32 $0xFFFFFFC0, v62  }
0x4c: {  	v3 =	vor.u32 v3, v4  }
0x4d: {  	v4 =	vperm.xlane v3, v0;
	_ =	sdelay $0x1  }
0x4e: {  	v4 =	vadd.s32 v1, v4;
	_ =	sdelay $0x4  }
0x4f: {  	[tilespmem:s15], [sflag:$0x1] =	stream.indirect_vreg.gather [hbm4b:s1+s3], $0x80, v4, vm0, $0xb8;
	[tilespmem:$0x10080] =	vst v63  }
0x50: {  	v3 =	vperm.xlane v3, v2  }
0x51: {  	[tilespmem:s16], [sflag:$0x1] =	stream.indirect_vreg.gather [hbm4b:s4+s3], $0x80, v4, vm0, $0xb8;
	[tilespmem:$0x10080] =	vst v63  }
0x52: {  	v3 =	vadd.s32 v1, v3  }
0x53: {  	[tilespmem:s17], [sflag:$0x1] =	stream.indirect_vreg.gather [hbm4b:s5+s3], $0x80, v4, vm0, $0xb8;
	[tilespmem:$0x10080] =	vst v63  }
0x54: {  	_ = 	snop  }
0x55: {  	[tilespmem:s18], [sflag:$0x1] =	stream.indirect_vreg.gather [hbm4b:s6+s3], $0x80, v4, vm0, $0xb8;
	[tilespmem:$0x10080] =	vst v63  }
0x56: {  	_ = 	snop  }
0x57: {  	[tilespmem:s19], [sflag:$0x1] =	stream.indirect_vreg.gather [hbm4b:s1+s3], $0x80, v3, vm0, $0xb8;
	[tilespmem:$0x10080] =	vst v63  }
0x58: {  	_ = 	snop  }
0x59: {  	[tilespmem:s20], [sflag:$0x1] =	stream.indirect_vreg.gather [hbm4b:s4+s3], $0x80, v3, vm0, $0xb8;
	[tilespmem:$0x10080] =	vst v63  }
0x5a: {  	_ = 	snop  }
0x5b: {  	[tilespmem:s21], [sflag:$0x1] =	stream.indirect_vreg.gather [hbm4b:s5+s3], $0x80, v3, vm0, $0xb8;
	[tilespmem:$0x10080] =	vst v63  }
0x5c: {  	_ = 	snop  }
0x5d: {  	[tilespmem:s22], [sflag:$0x1] =	stream.indirect_vreg.gather [hbm4b:s6+s3], $0x80, v3, vm0, $0xb8;
	[tilespmem:$0x10080] =	vst v63  }
0x5e: {  	v3 =	vld [tilespmem:$0x30];
	_ =	sdelay $0x4  }
0x5f: {  	v63 =	vshll.u32 v3, $0x3  }
0x60: {  	v3 =	vand.u32 $0x7, v3;
	v4 =	vand.u32 $0xFFFFFFC0, v63  }
0x61: {  	v3 =	vor.u32 v3, v4  }
0x62: {  	v4 =	vperm.xlane v3, v0;
	_ =	sdelay $0x1  }
0x63: {  	v4 =	vadd.s32 v1, v4;
	_ =	sdelay $0x4  }
0x64: {  	[tilespmem:s23], [sflag:$0x1] =	stream.indirect_vreg.gather [hbm4b:s1+s3], $0x80, v4, vm0, $0xb8;
	[tilespmem:$0x10080] =	vst v63  }
0x65: {  	v3 =	vperm.xlane v3, v2  }
0x66: {  	[tilespmem:s24], [sflag:$0x1] =	stream.indirect_vreg.gather [hbm4b:s4+s3], $0x80, v4, vm0, $0xb8;
	[tilespmem:$0x10080] =	vst v63  }
0x67: {  	v3 =	vadd.s32 v1, v3  }
0x68: {  	[tilespmem:s25], [sflag:$0x1] =	stream.indirect_vreg.gather [hbm4b:s5+s3], $0x80, v4, vm0, $0xb8;
	[tilespmem:$0x10080] =	vst v63  }
0x69: {  	_ = 	snop  }
0x6a: {  	[tilespmem:s26], [sflag:$0x1] =	stream.indirect_vreg.gather [hbm4b:s6+s3], $0x80, v4, vm0, $0xb8;
	[tilespmem:$0x10080] =	vst v63  }
0x6b: {  	_ = 	snop  }
0x6c: {  	[tilespmem:s28], [sflag:$0x1] =	stream.indirect_vreg.gather [hbm4b:s1+s3], $0x80, v3, vm0, $0xb8;
	[tilespmem:$0x10080] =	vst v63  }
0x6d: {  	_ = 	snop  }
0x6e: {  	[tilespmem:s29], [sflag:$0x1] =	stream.indirect_vreg.gather [hbm4b:s4+s3], $0x80, v3, vm0, $0xb8;
	[tilespmem:$0x10080] =	vst v63  }
0x6f: {  	_ = 	snop  }
0x70: {  	[tilespmem:s30], [sflag:$0x1] =	stream.indirect_vreg.gather [hbm4b:s5+s3], $0x80, v3, vm0, $0xb8;
	[tilespmem:$0x10080] =	vst v63  }
0x71: {  	_ = 	snop  }
0x72: {  	[tilespmem:s31], [sflag:$0x1] =	stream.indirect_vreg.gather [hbm4b:s6+s3], $0x80, v3, vm0, $0xb8;
	[tilespmem:$0x10080] =	vst v63  }
0x73: {  	_ =	swait.ge [sflag:s2], $0x10000  }
0x74: {  	p0 =	sne.s32 s7, $0x1;
	[sflag:s2] =	ssyncset.done $0x0  }
.Ltmp0:
0x75: {  	s10 =	rddreg [dreg:$0x5];
	[sflag:s2] =	ssyncadd.s32 $0xFFFF0000;
	(pc) =	sbr.rel @p0 .LBB2_1-.Ltmp0, $4  }
0x76: {  	[hbm4b:s10+s3] =	stream.linear.scatter [tilespmem:s9], [sflag:$0x2], $0x10000, $0x38;
	[tilespmem:$0x10080] =	vst v63  }
0x77: {  	_ =	swait.ge [sflag:s8], $0x10000  }
0x78: {  	[sflag:s8] =	ssyncset.done $0x0  }
0x79: {  	s7 =	sadd.s32 $0xFFFFFFFF, s7;
	[sflag:s8] =	ssyncadd.s32 $0xFFFF0000  }
0x7a: {  	_ =	sfence.sel $0x180000  }
0x7b: {  	[bflag:$0x0] =	sbarrier.arrive $0xFFFF  }
0x7c: {  	_ =	strace $0x90000047  }
0x7d: {  	s0 =	stileid.u32;
	[bflag:$0x2] =	sbarrier.arrive $0xFFFF  }
0x7e: {  	p0 =	sne.s32 s0, $0x0;
	s0 =	rddreg [dreg:$0x3]  }
0x7f: {  	s0 =	sadd.s32 @!p0 $0x100000, s0  }
0x80: {  	[sflag:s0] =	ssyncadd.tile.s32 @!p0 $0x1;
	_ =	shalt  }
.Lfunc_end2:
_tile_overlayer_lowered:
.L_overlay_start_2:
0x81: {  	(tag) =	ssettag $0x2  }
0x82: {  	s0 =	rddreg [dreg:$0x0];
	s2 =	stileid.u32  }
0x83: {  	s1 =	rddreg [dreg:$0x1];
	p0 =	sne.s32 s2, $0x0  }
0x84: {  	s3 =	rddreg [dreg:$0x2];
	[bflag:$0x3] =	sbarrier.arrive $0xFFFF;
	s2 =	simm.s32 @!p0 $0x1C02  }
0x85: {  	[timem:s3], [sflag:s2] =	dma.local @!p0 [hbm:s0], s1  }
0x86: {  	s0 =	simm.s32 @!p0 $0x2  }
0x87: {  	_ =	swait.ge @!p0 [sflag:s0], s1  }
0x88: {  	s1 =	ssub.s32 @!p0 $0x0, s1;
	[sflag:s0] =	ssyncset.done @!p0 $0x0  }
0x89: {  	[sflag:s0] =	ssyncadd.s32 @!p0 s1  }
0x8a: {  	[bflag:$0x3] =	sbarrier.arrive $0xFFFF  }
0x8b: {  	_ =	shalt  }

// kernel: kernel.24.cloned.1.call-start
scs
__scs_entry_jumppad:
0x0: {  	(pc) =	sbr.rel $0x88, $3  }
0x1: {  	(tag) =	ssettag $0x0;
	lr =	simm.s32 $0x1  }
0x2: {  	[smem:$0x3F97] =	sst lr;
	_ =	strace $0xD0000000  }
0x3: {  	_ = 	snop  }
0x4: {  	_ = 	snop  }
0x5: {  	_ = 	snop  }
0x6: {  	_ = 	snop  }
0x7: {  	_ = 	snop  }
__scs_overlays_trampoline_lowered:
0x8: {  	[smem:$0x3FA6] =	sst s0  }
0x9: {  	[smem:$0x3FA7] =	sst s1  }
0xa: {  	[smem:$0x3FA8] =	sst s2  }
0xb: {  	[smem:$0x3FA9] =	sst s3  }
0xc: {  	[smem:$0x3FAA] =	sst s4  }
0xd: {  	[smem:$0x3FAB] =	sst s5  }
0xe: {  	[smem:$0x3FAC] =	sst s6  }
0xf: {  	[smem:$0x3FAD] =	sst s7  }
0x10: {  	[smem:$0x3FAE] =	sst s8  }
0x11: {  	[smem:$0x3FAF] =	sst s9;
	s0 =	simm.s32 @!p0 $0x0  }
0x12: {  	s1 =	sld [smem:$0x3F95];
	s0 =	simm.s32 @p0 $0x1  }
0x13: {  	[smem:$0x3FB0] =	sst s0;
	s0 =	simm.s32 @!p1 $0x0  }
0x14: {  	s2 =	sld [smem:$0x3F94];
	s0 =	simm.s32 @p1 $0x1  }
0x15: {  	[smem:$0x3FB1] =	sst s0;
	s0 =	simm.s32 @!p2 $0x0  }
0x16: {  	s3 =	sld [smem:$0x3FDB];
	s0 =	simm.s32 @p2 $0x1  }
0x17: {  	s4 =	simm.s32 $0x1BF5;
	[smem:$0x3FB3] =	sst s0  }
0x18: {  	s0 =	sld [smem:$0x3F96];
	_ =	swait.ge [sflag:s4], $0x0  }
0x19: {  	s7 =	sld [smem:$0x3F97]  }
0x1a: {  	s8 =	sadd.s32 $0xFFFFE003, lr  }
0x1b: {  	s9 =	sadd.s32 $0xFFFFFEF7, lr;
	s5 =	simm.s32 $0xFFFFFFFF;
	p2 =	slt.u32 s8, $0xFFFFF086  }
0x1c: {  	p1 =	slt.u32 s9, $0xF7A;
	s5 =	simm.s32 @!p2 $0x0  }
0x1d: {  	s5 =	simm.s32 @p1 $0x1;
	p0 =	seq.s32 s7, s2  }
0x1e: {  	s7 =	smul.u32 @!p0 $0xF7A, s2;
	p2 =	seq.s32 @!p0 s5, $0x0  }
0x1f: {  	s9 =	smul.u32 $0xF7A, s1;
	s8 =	simm.s32 @!p0 $0x1BF5;
	p2 =	por !p2, p0  }
0x20: {  	[sflag:s8] =	ssyncset.s32 @!p0 $0xFFFFF086;
	s6 =	sadd.s32 @!p0 s3, s7;
	s7 =	simm.s32 @!p0 $0x108  }
0x21: {  	s3 =	sadd.s32 s3, s9;
	s6 =	sadd.s32 @!p0 $0x88, s6;
	s7 =	simm.s32 @p2 $0x1082  }
0x22: {  	[simem:s7], [sflag:s8] =	dma.local @!p0 [hbm:s6], $0xF7A  }
0x23: {  	s9 =	sor.u32 $0xD0000000, s2;
	s6 =	simm.s32 $0x108;
	_ =	swait.ge @!p0 [sflag:s8], $0x0  }
0x24: {  	s3 =	sadd.s32 $0x88, s3;
	s6 =	simm.s32 @!p1 $0x1082;
	[sflag:s4] =	ssyncset.s32 $0xFFFFF086  }
0x25: {  	[simem:s6], [sflag:s4] =	dma.local [hbm:s3], $0xF7A  }
0x26: {  	[smem:$0x3F97] =	sst s1;
	(tag) =	ssettag s2;
	_ =	strace s9  }
0x27: {  	s1 =	sld [smem:$0x3FA7]  }
0x28: {  	s2 =	sld [smem:$0x3FA8]  }
0x29: {  	s4 =	sld [smem:$0x3FAA]  }
0x2a: {  	p0 =	seq.s32 s5, $0x0;
	s5 =	sld [smem:$0x3FAB]  }
0x2b: {  	s6 =	sld [smem:$0x3FAC]  }
0x2c: {  	s7 =	sld [smem:$0x3FAD]  }
0x2d: {  	s3 =	simm.s32 $0x108;
	s8 =	sld [smem:$0x3FAE]  }
0x2e: {  	s3 =	simm.s32 @!p0 $0x1082;
	s9 =	sld [smem:$0x3FAF]  }
0x2f: {  	lr =	sadd.s32 s0, s3;
	s0 =	sld [smem:$0x3FA6]  }
0x30: {  	s3 =	sld [smem:$0x3FA9]  }
0x31: {  	[smem:$0x3FB2] =	sst s10  }
0x32: {  	s10 =	sld [smem:$0x3FB0];
	_ =	sdelay $0x3  }
0x33: {  	p0 =	seq.s32 s10, $0x1;
	s10 =	sld [smem:$0x3FB2];
	_ =	sdelay $0x3  }
0x34: {  	[smem:$0x3FB2] =	sst s10  }
0x35: {  	s10 =	sld [smem:$0x3FB1];
	_ =	sdelay $0x3  }
0x36: {  	p1 =	seq.s32 s10, $0x1;
	s10 =	sld [smem:$0x3FB2];
	_ =	sdelay $0x3  }
0x37: {  	[smem:$0x3FB2] =	sst s10  }
0x38: {  	s10 =	sld [smem:$0x3FB3]  }
0x39: {  	_ = 	snop;
	(pc) =	sbr.ind lr, $3  }
0x3a: {  	_ = 	snop  }
0x3b: {  	_ = 	snop  }
0x3c: {  	p2 =	seq.s32 s10, $0x1;
	s10 =	sld [smem:$0x3FB2]  }
0x3d: {  	_ =	shalt  }
0x3e: {  	_ =	shalt  }
0x3f: {  	_ =	shalt  }
0x40: {  	_ =	shalt  }
0x41: {  	_ =	shalt  }
0x42: {  	_ =	shalt  }
0x43: {  	_ =	shalt  }
0x44: {  	_ =	shalt  }
0x45: {  	_ =	shalt  }
0x46: {  	_ =	shalt  }
0x47: {  	_ =	shalt  }
0x48: {  	_ =	shalt  }
0x49: {  	_ =	shalt  }
0x4a: {  	_ =	shalt  }
0x4b: {  	_ =	shalt  }
0x4c: {  	_ =	shalt  }
0x4d: {  	_ =	shalt  }
0x4e: {  	_ =	shalt  }
0x4f: {  	_ =	shalt  }
0x50: {  	_ =	shalt  }
0x51: {  	_ =	shalt  }
0x52: {  	_ =	shalt  }
0x53: {  	_ =	shalt  }
0x54: {  	_ =	shalt  }
0x55: {  	_ =	shalt  }
0x56: {  	_ =	shalt  }
0x57: {  	_ =	shalt  }
0x58: {  	_ =	shalt  }
0x59: {  	_ =	shalt  }
0x5a: {  	_ =	shalt  }
0x5b: {  	_ =	shalt  }
0x5c: {  	_ =	shalt  }
0x5d: {  	_ =	shalt  }
0x5e: {  	_ =	shalt  }
0x5f: {  	_ =	shalt  }
0x60: {  	_ =	shalt  }
0x61: {  	_ =	shalt  }
0x62: {  	_ =	shalt  }
0x63: {  	_ =	shalt  }
0x64: {  	_ =	shalt  }
0x65: {  	_ =	shalt  }
0x66: {  	_ =	shalt  }
0x67: {  	_ =	shalt  }
0x68: {  	_ =	shalt  }
0x69: {  	_ =	shalt  }
0x6a: {  	_ =	shalt  }
0x6b: {  	_ =	shalt  }
0x6c: {  	_ =	shalt  }
0x6d: {  	_ =	shalt  }
0x6e: {  	_ =	shalt  }
0x6f: {  	_ =	shalt  }
0x70: {  	_ =	shalt  }
0x71: {  	_ =	shalt  }
0x72: {  	_ =	shalt  }
0x73: {  	_ =	shalt  }
0x74: {  	_ =	shalt  }
0x75: {  	_ =	shalt  }
0x76: {  	_ =	shalt  }
0x77: {  	_ =	shalt  }
0x78: {  	_ =	shalt  }
0x79: {  	_ =	shalt  }
0x7a: {  	_ =	shalt  }
0x7b: {  	_ =	shalt  }
0x7c: {  	_ =	shalt  }
0x7d: {  	_ =	shalt  }
0x7e: {  	_ =	shalt  }
0x7f: {  	_ =	shalt  }
0x80: {  	_ =	shalt  }
0x81: {  	_ =	shalt  }
0x82: {  	_ =	shalt  }
0x83: {  	_ =	shalt  }
0x84: {  	_ =	shalt  }
0x85: {  	_ =	shalt  }
0x86: {  	_ =	shalt  }
0x87: {  	_ =	shalt  }
.Lfunc_end0:
.L_simem_size_0:
called_computation.1_lowered:
.L_overlay_start_0:
0x88: {  	s2 =	sld [smem:$0x3FD9]  }
0x89: {  	s3 =	sld [smem:$0x3FFE];
	_ =	sdelay $0x1  }
0x8a: {  	s1 =	srdreg.scid  }
0x8b: {  	s0 =	sand.u32 $0x1, s1  }
0x8c: {  	s14 =	sshll.u32 s0, $0xA;
	s2 =	sadd.s32 s3, s2  }
0x8d: {  	s2 =	sadd.s32 s2, s14  }
0x8e: {  	[smem:$0x3FBE] =	sst s2  }
0x8f: {  	_ = 	snop  }
0x90: {  	s2 =	sld [smem:$0x3FD0];
	_ =	sdelay $0x2  }
0x91: {  	s4 =	simm.s32 $0xA;
	s5 =	simm.s32 $0x10;
	s15 =	sld [smem:$0x3FC4]  }
0x92: {  	[smem:s5], [sflag:s4] =	dma.local [hbm:s2], $0x1  }
0x93: {  	_ =	swait.eq [sflag:s4], $0x1  }
0x94: {  	[sflag:s4] =	ssyncset.done $0x0  }
0x95: {  	[sflag:s4] =	ssyncadd.s32 $0xFFFFFFFF  }
0x96: {  	s16 =	sld [smem:$0x11];
	(tm) =	ssettm $0x1  }
0x97: {  	s17 =	sld [smem:$0x3FFB];
	_ =	sdelay $0x3  }
0x98: {  	_ =	strace s17  }
0x99: {  	s4 =	sld [smem:$0x3FFC];
	_ =	sdelay $0x3  }
0x9a: {  	_ =	strace s4  }
0x9b: {  	s4 =	sld [smem:$0x3FFD];
	_ =	sdelay $0x3  }
0x9c: {  	_ =	strace s4  }
0x9d: {  	_ =	strace $0x8FFFFFFF  }
0x9e: {  	s18 =	sld [smem:$0x3FDB];
	_ =	sdelay $0x1  }
0x9f: {  	s19 =	simm.s32 $_scs_section_size  }
0xa0: {  	s6 =	simm.s32 $_size__tile_overlayer_lowered;
	s7 =	simm.s32 $_tile_overlayer_lowered  }
0xa1: {  	s22 =	simm.s32 $0x1BFF;
	s21 =	sshll.u32 s7, $0x1;
	s4 =	sadd.s32 s19, s18  }
0xa2: {  	s8 =	simm.s32 $0x0;
	s20 =	sshll.u32 s6, $0x1;
	s6 =	sadd.s32 s21, s4  }
0xa3: {  	[timem:s8], [sflag:s22] =	dma.local [hbm:s6], s20  }
0xa4: {  	_ =	swait.ge [sflag:s22], s20  }
0xa5: {  	s5 =	ssub.s32 $0x0, s20;
	[sflag:s22] =	ssyncset.done $0x0  }
0xa6: {  	[sflag:s22] =	ssyncadd.s32 s5;
	_ =	sdelay $0x1  }
0xa7: {  	s23 =	simm.s32 $0x1B8B  }
0xa8: {  	_ =	swait.ge [sflag:s23], $0x1  }
0xa9: {  	[sflag:s23] =	ssyncset.done $0x0  }
0xaa: {  	s25 =	simm.s32 $0x1B8E;
	s24 =	sld [smem:$0x3FFE];
	[sflag:s23] =	ssyncadd.s32 $0xFFFFFFFF  }
0xab: {  	s26 =	simm.s32 $execute0_lowered;
	[smem:$0x3FD2] =	sst s25  }
0xac: {  	s6 =	sshll.u32 s26, $0x1;
	_ =	strace $0x80000049;
	[dreg:$0x1] =	wrdreg $0xFFFFFFFF  }
0xad: {  	s28 =	simm.s32 $_size_execute0_lowered;
	s4 =	sadd.s32 s4, s6;
	[dreg:$0x0] =	wrdreg $0x0  }
0xae: {  	s6 =	sshll.u32 s28, $0x1;
	[dreg:$0x2] =	wrdreg s4  }
0xaf: {  	[dreg:$0x3] =	wrdreg s6  }
0xb0: {  	[dreg:$0x4] =	wrdreg $0xC0  }
0xb1: {  	_ =	task [dreg:s8], $0x5FFFF  }
0xb2: {  	[dreg:$0x1] =	wrdreg $0xFFFFFFFF  }
0xb3: {  	[dreg:$0x0] =	wrdreg $0x60  }
0xb4: {  	[dreg:$0x2] =	wrdreg s15  }
0xb5: {  	[dreg:$0x3] =	wrdreg s16  }
0xb6: {  	[dreg:$0x4] =	wrdreg s24  }
0xb7: {  	[dreg:$0x5] =	wrdreg $0x9  }
0xb8: {  	_ =	task.clear_ibuf [dreg:s8], $0x6FFFF;
	_ =	strace $0x90000049  }
0xb9: {  	s29 =	simm.s32 $0x9;
	_ =	strace $0x8000004B  }
0xba: {  	_ =	swait.ge [sflag:s29], $0x1  }
0xbb: {  	[sflag:s29] =	ssyncadd.s32 $0xFFFFFFFF  }
0xbc: {  	_ =	strace $0x9000004B  }
0xbd: {  	_ =	sfence  }
0xbe: {  	s30 =	sld [smem:$0x0];
	_ =	sdelay $0x2  }
0xbf: {  	s31 =	sshll.u32 s1, $0xD;
	s1 =	sshrl.u32 s1, $0x2  }
0xc0: {  	s3 =	sand.u32 $0x4000, s31;
	s1 =	sadd.s32 s1, s30  }
0xc1: {  	s0 =	sor.u32 s3, s0;
	s1 =	sshll.u32 s1, $0x11  }
0xc2: {  	s0 =	sor.u32 s1, s0  }
0xc3: {  	s0 =	sadd.s32 $0x8F2B, s0  }
0xc4: {  	[sflag:s0] =	ssyncadd.remote.s32 $0x1  }
0xc5: {  	_ =	sfence.sel $0xFFFF  }
0xc6: {  	[dreg:$0x0] =	wrdreg $0xFFFFFFFF;
	(pc) =	sbr.abs _section_cstart, $3  }
0xc7: {  	[dreg:$0x1] =	wrdreg $0xFFFFFFFF  }
0xc8: {  	_ =	task.clear_ibuf [dreg:s8], $0x2FFFF;
	_ =	strace $0x9FFFFFFF  }
0xc9: {  	(tm) =	ssettm $0x7FFFFFFF  }
tec
execute0_lowered:
.L_overlay_start_1:
0x0: {  	(tag) =	ssettag $0x1  }
0x1: {  	s1 =	rddreg [dreg:$0x0]  }
0x2: {  	s2 =	srdreg.scid;
	s4 =	rddreg [dreg:$0x1]  }
0x3: {  	s0 =	stileid.u32;
	s5 =	rddreg [dreg:$0x2];
	s3 =	simm.s32 $0x0  }
0x4: {  	s17 =	simm.s32 $0x880;
	s18 =	simm.s32 $0x1080;
	s19 =	simm.s32 $0x1880  }
0x5: {  	s21 =	simm.s32 $0x2080;
	s22 =	simm.s32 $0x2880;
	s23 =	simm.s32 $0x3080  }
0x6: {  	s24 =	simm.s32 $0x3880;
	s8 =	simm.s32 $0x4080;
	[smem:$0x7FF] =	sst s3  }
0x7: {  	s25 =	simm.s32 $0x4880;
	_ =	strace $0x8000004A;
	[dreg:$0x6] =	wrdreg s17  }
0x8: {  	s26 =	simm.s32 $0x5080;
	s9 =	simm.s32 $0x80;
	[dreg:$0x7] =	wrdreg s18  }
0x9: {  	s11 =	simm.s32 $0x6080;
	s12 =	simm.s32 $0x6880;
	[dreg:$0x8] =	wrdreg s19  }
0xa: {  	s13 =	simm.s32 $0x7080;
	s14 =	simm.s32 $0x7880;
	[dreg:$0x9] =	wrdreg s21  }
0xb: {  	s15 =	simm.s32 $0x8080;
	s28 =	simm.s32 $0xE080;
	[dreg:$0xa] =	wrdreg s22  }
0xc: {  	s29 =	simm.s32 $0xE880;
	s30 =	simm.s32 $0xF080;
	[dreg:$0xb] =	wrdreg s23  }
0xd: {  	s31 =	simm.s32 $0xF880;
	s2 =	sand.u32 $0x1, s2;
	[dreg:$0xc] =	wrdreg s24  }
0xe: {  	s6 =	sshll.u32 s0, $0x7;
	s7 =	sshll.u32 s2, $0x6;
	[dreg:$0xd] =	wrdreg s8  }
0xf: {  	s2 =	ssub.s32 $0x2, s2;
	s8 =	simm.s32 $0x2;
	[dreg:$0xe] =	wrdreg s25  }
0x10: {  	[dreg:$0xf] =	wrdreg s26;
	s17 =	simm.s32 $0x9080;
	s18 =	simm.s32 $0x9880  }
0x11: {  	s19 =	simm.s32 $0xA080;
	s21 =	simm.s32 $0xB080;
	s22 =	simm.s32 $0xB880  }
0x12: {  	s23 =	simm.s32 $0xC080;
	s24 =	simm.s32 $0xC880;
	s25 =	simm.s32 $0xD080  }
0x13: {  	s26 =	simm.s32 $0xD880;
	s6 =	sor.u32 s7, s6;
	s20 =	sshrl.u32 s2, $0x1  }
0x14: {  	s7 =	sshll.u32 s6, $0x7;
	s6 =	sshrl.u32 s6, $0x3;
	s2 =	ssub.s32 s2, s20  }
0x15: {  	s20 =	simm.s32 $0xA880;
	s5 =	sadd.s32 s7, s5;
	s4 =	sadd.s32 s4, s6  }
0x16: {  	v2 =	vlaneseq.u32;
	s6 =	sadd.s32 $0x300, s1;
	s7 =	smax.u32 s2, $0x1;
	s2 =	simm.s32 $0x1  }
0x17: {  	vm0 =	vmmov $0xffff;
	v1 =	vshrl.u32 v2, $0x3;
	[dreg:$0x4] =	wrdreg s4;
	s16 =	sadd.s32 $0x105E00, s5;
	s4 =	sadd.s32 $0x100, s1  }
0x18: {  	v0 =	vand.u32 $0x7, v2;
	v2 =	vor.u32 $0x8, v2;
	v1 =	vmul.u32 $0x8, v1;
	s5 =	sadd.s32 $0x200, s1;
	[dreg:$0x5] =	wrdreg s16;
	s16 =	simm.s32 $0x8880  }
.LBB2_1:
0x19: {  	s0 =	rddreg [dreg:$0x4]  }
0x1a: {  	[tilespmem:s3], [sflag:$0x2] =	stream.linear.gather [hbm4b:s0+s3], $0x40, $0x38;
	[tilespmem:$0x10080] =	vst v63  }
0x1b: {  	_ =	swait.ge [sflag:s8], $0x40  }
0x1c: {  	[sflag:s8] =	ssyncset.done $0x0  }
0x1d: {  	[sflag:s8] =	ssyncadd.s32 $0xFFFFFFC0  }
0x1e: {  	v3 =	vld [tilespmem:$0x0];
	_ =	sdelay $0x4  }
0x1f: {  	v4 =	vshll.u32 v3, $0x3  }
0x20: {  	v3 =	vand.u32 $0x7, v3;
	v4 =	vand.u32 $0xFFFFFFC0, v4  }
0x21: {  	v3 =	vor.u32 v3, v4  }
0x22: {  	v4 =	vperm.xlane v3, v0;
	_ =	sdelay $0x1  }
0x23: {  	v4 =	vadd.s32 v1, v4;
	_ =	sdelay $0x4  }
0x24: {  	[tilespmem:s9], [sflag:$0x1] =	stream.indirect_vreg.gather [hbm4b:s1+s3], $0x80, v4, vm0, $0xb8;
	[tilespmem:$0x10080] =	vst v63  }
0x25: {  	s0 =	rddreg [dreg:$0x6];
	v3 =	vperm.xlane v3, v2  }
0x26: {  	[tilespmem:s0], [sflag:$0x1] =	stream.indirect_vreg.gather [hbm4b:s4+s3], $0x80, v4, vm0, $0xb8;
	[tilespmem:$0x10080] =	vst v63  }
0x27: {  	s10 =	rddreg [dreg:$0x7];
	v3 =	vadd.s32 v1, v3  }
0x28: {  	[tilespmem:s10], [sflag:$0x1] =	stream.indirect_vreg.gather [hbm4b:s5+s3], $0x80, v4, vm0, $0xb8;
	[tilespmem:$0x10080] =	vst v63  }
0x29: {  	s0 =	rddreg [dreg:$0x8]  }
0x2a: {  	[tilespmem:s0], [sflag:$0x1] =	stream.indirect_vreg.gather [hbm4b:s6+s3], $0x80, v4, vm0, $0xb8;
	[tilespmem:$0x10080] =	vst v63  }
0x2b: {  	s10 =	rddreg [dreg:$0x9]  }
0x2c: {  	[tilespmem:s10], [sflag:$0x1] =	stream.indirect_vreg.gather [hbm4b:s1+s3], $0x80, v3, vm0, $0xb8;
	[tilespmem:$0x10080] =	vst v63  }
0x2d: {  	s0 =	rddreg [dreg:$0xa]  }
0x2e: {  	[tilespmem:s0], [sflag:$0x1] =	stream.indirect_vreg.gather [hbm4b:s4+s3], $0x80, v3, vm0, $0xb8;
	[tilespmem:$0x10080] =	vst v63  }
0x2f: {  	s10 =	rddreg [dreg:$0xb]  }
0x30: {  	[tilespmem:s10], [sflag:$0x1] =	stream.indirect_vreg.gather [hbm4b:s5+s3], $0x80, v3, vm0, $0xb8;
	[tilespmem:$0x10080] =	vst v63  }
0x31: {  	s0 =	rddreg [dreg:$0xc]  }
0x32: {  	[tilespmem:s0], [sflag:$0x1] =	stream.indirect_vreg.gather [hbm4b:s6+s3], $0x80, v3, vm0, $0xb8;
	[tilespmem:$0x10080] =	vst v63  }
0x33: {  	v3 =	vld [tilespmem:$0x10];
	_ =	sdelay $0x4  }
0x34: {  	v61 =	vshll.u32 v3, $0x3  }
0x35: {  	v3 =	vand.u32 $0x7, v3;
	v4 =	vand.u32 $0xFFFFFFC0, v61  }
0x36: {  	v3 =	vor.u32 v3, v4  }
0x37: {  	v4 =	vperm.xlane v3, v0;
	_ =	sdelay $0x1  }
0x38: {  	v4 =	vadd.s32 v1, v4;
	_ =	sdelay $0x3  }
0x39: {  	s0 =	rddreg [dreg:$0xd]  }
0x3a: {  	[tilespmem:s0], [sflag:$0x1] =	stream.indirect_vreg.gather [hbm4b:s1+s3], $0x80, v4, vm0, $0xb8;
	[tilespmem:$0x10080] =	vst v63  }
0x3b: {  	s10 =	rddreg [dreg:$0xe];
	v3 =	vperm.xlane v3, v2  }
0x3c: {  	[tilespmem:s10], [sflag:$0x1] =	stream.indirect_vreg.gather [hbm4b:s4+s3], $0x80, v4, vm0, $0xb8;
	[tilespmem:$0x10080] =	vst v63  }
0x3d: {  	v3 =	vadd.s32 v1, v3;
	s0 =	rddreg [dreg:$0xf]  }
0x3e: {  	[tilespmem:s0], [sflag:$0x1] =	stream.indirect_vreg.gather [hbm4b:s5+s3], $0x80, v4, vm0, $0xb8;
	[tilespmem:$0x10080] =	vst v63  }
0x3f: {  	s10 =	simm.s32 $0x5880  }
0x40: {  	[tilespmem:s10], [sflag:$0x1] =	stream.indirect_vreg.gather [hbm4b:s6+s3], $0x80, v4, vm0, $0xb8;
	[tilespmem:$0x10080] =	vst v63  }
0x41: {  	_ = 	snop  }
0x42: {  	[tilespmem:s11], [sflag:$0x1] =	stream.indirect_vreg.gather [hbm4b:s1+s3], $0x80, v3, vm0, $0xb8;
	[tilespmem:$0x10080] =	vst v63  }
0x43: {  	_ = 	snop  }
0x44: {  	[tilespmem:s12], [sflag:$0x1] =	stream.indirect_vreg.gather [hbm4b:s4+s3], $0x80, v3, vm0, $0xb8;
	[tilespmem:$0x10080] =	vst v63  }
0x45: {  	_ = 	snop  }
0x46: {  	[tilespmem:s13], [sflag:$0x1] =	stream.indirect_vreg.gather [hbm4b:s5+s3], $0x80, v3, vm0, $0xb8;
	[tilespmem:$0x10080] =	vst v63  }
0x47: {  	_ = 	snop  }
0x48: {  	[tilespmem:s14], [sflag:$0x1] =	stream.indirect_vreg.gather [hbm4b:s6+s3], $0x80, v3, vm0, $0xb8;
	[tilespmem:$0x10080] =	vst v63  }
0x49: {  	v3 =	vld [tilespmem:$0x20];
	_ =	sdelay $0x4  }
0x4a: {  	v62 =	vshll.u32 v3, $0x3  }
0x4b: {  	v3 =	vand.u32 $0x7, v3;
	v4 =	vand.u32 $0xFFFFFFC0, v62  }
0x4c: {  	v3 =	vor.u32 v3, v4  }
0x4d: {  	v4 =	vperm.xlane v3, v0;
	_ =	sdelay $0x1  }
0x4e: {  	v4 =	vadd.s32 v1, v4;
	_ =	sdelay $0x4  }
0x4f: {  	[tilespmem:s15], [sflag:$0x1] =	stream.indirect_vreg.gather [hbm4b:s1+s3], $0x80, v4, vm0, $0xb8;
	[tilespmem:$0x10080] =	vst v63  }
0x50: {  	v3 =	vperm.xlane v3, v2  }
0x51: {  	[tilespmem:s16], [sflag:$0x1] =	stream.indirect_vreg.gather [hbm4b:s4+s3], $0x80, v4, vm0, $0xb8;
	[tilespmem:$0x10080] =	vst v63  }
0x52: {  	v3 =	vadd.s32 v1, v3  }
0x53: {  	[tilespmem:s17], [sflag:$0x1] =	stream.indirect_vreg.gather [hbm4b:s5+s3], $0x80, v4, vm0, $0xb8;
	[tilespmem:$0x10080] =	vst v63  }
0x54: {  	_ = 	snop  }
0x55: {  	[tilespmem:s18], [sflag:$0x1] =	stream.indirect_vreg.gather [hbm4b:s6+s3], $0x80, v4, vm0, $0xb8;
	[tilespmem:$0x10080] =	vst v63  }
0x56: {  	_ = 	snop  }
0x57: {  	[tilespmem:s19], [sflag:$0x1] =	stream.indirect_vreg.gather [hbm4b:s1+s3], $0x80, v3, vm0, $0xb8;
	[tilespmem:$0x10080] =	vst v63  }
0x58: {  	_ = 	snop  }
0x59: {  	[tilespmem:s20], [sflag:$0x1] =	stream.indirect_vreg.gather [hbm4b:s4+s3], $0x80, v3, vm0, $0xb8;
	[tilespmem:$0x10080] =	vst v63  }
0x5a: {  	_ = 	snop  }
0x5b: {  	[tilespmem:s21], [sflag:$0x1] =	stream.indirect_vreg.gather [hbm4b:s5+s3], $0x80, v3, vm0, $0xb8;
	[tilespmem:$0x10080] =	vst v63  }
0x5c: {  	_ = 	snop  }
0x5d: {  	[tilespmem:s22], [sflag:$0x1] =	stream.indirect_vreg.gather [hbm4b:s6+s3], $0x80, v3, vm0, $0xb8;
	[tilespmem:$0x10080] =	vst v63  }
0x5e: {  	v3 =	vld [tilespmem:$0x30];
	_ =	sdelay $0x4  }
0x5f: {  	v63 =	vshll.u32 v3, $0x3  }
0x60: {  	v3 =	vand.u32 $0x7, v3;
	v4 =	vand.u32 $0xFFFFFFC0, v63  }
0x61: {  	v3 =	vor.u32 v3, v4  }
0x62: {  	v4 =	vperm.xlane v3, v0;
	_ =	sdelay $0x1  }
0x63: {  	v4 =	vadd.s32 v1, v4;
	_ =	sdelay $0x4  }
0x64: {  	[tilespmem:s23], [sflag:$0x1] =	stream.indirect_vreg.gather [hbm4b:s1+s3], $0x80, v4, vm0, $0xb8;
	[tilespmem:$0x10080] =	vst v63  }
0x65: {  	v3 =	vperm.xlane v3, v2  }
0x66: {  	[tilespmem:s24], [sflag:$0x1] =	stream.indirect_vreg.gather [hbm4b:s4+s3], $0x80, v4, vm0, $0xb8;
	[tilespmem:$0x10080] =	vst v63  }
0x67: {  	v3 =	vadd.s32 v1, v3  }
0x68: {  	[tilespmem:s25], [sflag:$0x1] =	stream.indirect_vreg.gather [hbm4b:s5+s3], $0x80, v4, vm0, $0xb8;
	[tilespmem:$0x10080] =	vst v63  }
0x69: {  	_ = 	snop  }
0x6a: {  	[tilespmem:s26], [sflag:$0x1] =	stream.indirect_vreg.gather [hbm4b:s6+s3], $0x80, v4, vm0, $0xb8;
	[tilespmem:$0x10080] =	vst v63  }
0x6b: {  	_ = 	snop  }
0x6c: {  	[tilespmem:s28], [sflag:$0x1] =	stream.indirect_vreg.gather [hbm4b:s1+s3], $0x80, v3, vm0, $0xb8;
	[tilespmem:$0x10080] =	vst v63  }
0x6d: {  	_ = 	snop  }
0x6e: {  	[tilespmem:s29], [sflag:$0x1] =	stream.indirect_vreg.gather [hbm4b:s4+s3], $0x80, v3, vm0, $0xb8;
	[tilespmem:$0x10080] =	vst v63  }
0x6f: {  	_ = 	snop  }
0x70: {  	[tilespmem:s30], [sflag:$0x1] =	stream.indirect_vreg.gather [hbm4b:s5+s3], $0x80, v3, vm0, $0xb8;
	[tilespmem:$0x10080] =	vst v63  }
0x71: {  	_ = 	snop  }
0x72: {  	[tilespmem:s31], [sflag:$0x1] =	stream.indirect_vreg.gather [hbm4b:s6+s3], $0x80, v3, vm0, $0xb8;
	[tilespmem:$0x10080] =	vst v63  }
0x73: {  	_ =	swait.ge [sflag:s2], $0x10000  }
0x74: {  	p0 =	sne.s32 s7, $0x1;
	[sflag:s2] =	ssyncset.done $0x0  }
.Ltmp0:
0x75: {  	s10 =	rddreg [dreg:$0x5];
	[sflag:s2] =	ssyncadd.s32 $0xFFFF0000;
	(pc) =	sbr.rel @p0 .LBB2_1-.Ltmp0, $4  }
0x76: {  	[hbm4b:s10+s3] =	stream.linear.scatter [tilespmem:s9], [sflag:$0x2], $0x10000, $0x38;
	[tilespmem:$0x10080] =	vst v63  }
0x77: {  	_ =	swait.ge [sflag:s8], $0x10000  }
0x78: {  	[sflag:s8] =	ssyncset.done $0x0  }
0x79: {  	s7 =	sadd.s32 $0xFFFFFFFF, s7;
	[sflag:s8] =	ssyncadd.s32 $0xFFFF0000  }
0x7a: {  	_ =	sfence.sel $0x180000  }
0x7b: {  	[bflag:$0x0] =	sbarrier.arrive $0xFFFF  }
0x7c: {  	_ =	strace $0x9000004A  }
0x7d: {  	s0 =	stileid.u32;
	[bflag:$0x2] =	sbarrier.arrive $0xFFFF  }
0x7e: {  	p0 =	sne.s32 s0, $0x0;
	s0 =	rddreg [dreg:$0x3]  }
0x7f: {  	s0 =	sadd.s32 @!p0 $0x100000, s0  }
0x80: {  	[sflag:s0] =	ssyncadd.tile.s32 @!p0 $0x1;
	_ =	shalt  }
.Lfunc_end2:
_tile_overlayer_lowered:
.L_overlay_start_2:
0x81: {  	(tag) =	ssettag $0x2  }
0x82: {  	s0 =	rddreg [dreg:$0x0];
	s2 =	stileid.u32  }
0x83: {  	s1 =	rddreg [dreg:$0x1];
	p0 =	sne.s32 s2, $0x0  }
0x84: {  	s3 =	rddreg [dreg:$0x2];
	[bflag:$0x3] =	sbarrier.arrive $0xFFFF;
	s2 =	simm.s32 @!p0 $0x1C02  }
0x85: {  	[timem:s3], [sflag:s2] =	dma.local @!p0 [hbm:s0], s1  }
0x86: {  	s0 =	simm.s32 @!p0 $0x2  }
0x87: {  	_ =	swait.ge @!p0 [sflag:s0], s1  }
0x88: {  	s1 =	ssub.s32 @!p0 $0x0, s1;
	[sflag:s0] =	ssyncset.done @!p0 $0x0  }
0x89: {  	[sflag:s0] =	ssyncadd.s32 @!p0 s1  }
0x8a: {  	[bflag:$0x3] =	sbarrier.arrive $0xFFFF  }
0x8b: {  	_ =	shalt  }

// kernel: kernel.27.cloned.1.call-start
scs
__scs_entry_jumppad:
0x0: {  	(pc) =	sbr.rel $0x88, $3  }
0x1: {  	(tag) =	ssettag $0x0;
	lr =	simm.s32 $0x1  }
0x2: {  	[smem:$0x3F97] =	sst lr;
	_ =	strace $0xD0000000  }
0x3: {  	_ = 	snop  }
0x4: {  	_ = 	snop  }
0x5: {  	_ = 	snop  }
0x6: {  	_ = 	snop  }
0x7: {  	_ = 	snop  }
__scs_overlays_trampoline_lowered:
0x8: {  	[smem:$0x3FA6] =	sst s0  }
0x9: {  	[smem:$0x3FA7] =	sst s1  }
0xa: {  	[smem:$0x3FA8] =	sst s2  }
0xb: {  	[smem:$0x3FA9] =	sst s3  }
0xc: {  	[smem:$0x3FAA] =	sst s4  }
0xd: {  	[smem:$0x3FAB] =	sst s5  }
0xe: {  	[smem:$0x3FAC] =	sst s6  }
0xf: {  	[smem:$0x3FAD] =	sst s7  }
0x10: {  	[smem:$0x3FAE] =	sst s8  }
0x11: {  	[smem:$0x3FAF] =	sst s9;
	s0 =	simm.s32 @!p0 $0x0  }
0x12: {  	s1 =	sld [smem:$0x3F95];
	s0 =	simm.s32 @p0 $0x1  }
0x13: {  	[smem:$0x3FB0] =	sst s0;
	s0 =	simm.s32 @!p1 $0x0  }
0x14: {  	s2 =	sld [smem:$0x3F94];
	s0 =	simm.s32 @p1 $0x1  }
0x15: {  	[smem:$0x3FB1] =	sst s0;
	s0 =	simm.s32 @!p2 $0x0  }
0x16: {  	s3 =	sld [smem:$0x3FDB];
	s0 =	simm.s32 @p2 $0x1  }
0x17: {  	s4 =	simm.s32 $0x1BF5;
	[smem:$0x3FB3] =	sst s0  }
0x18: {  	s0 =	sld [smem:$0x3F96];
	_ =	swait.ge [sflag:s4], $0x0  }
0x19: {  	s7 =	sld [smem:$0x3F97]  }
0x1a: {  	s8 =	sadd.s32 $0xFFFFE003, lr  }
0x1b: {  	s9 =	sadd.s32 $0xFFFFFEF7, lr;
	s5 =	simm.s32 $0xFFFFFFFF;
	p2 =	slt.u32 s8, $0xFFFFF086  }
0x1c: {  	p1 =	slt.u32 s9, $0xF7A;
	s5 =	simm.s32 @!p2 $0x0  }
0x1d: {  	s5 =	simm.s32 @p1 $0x1;
	p0 =	seq.s32 s7, s2  }
0x1e: {  	s7 =	smul.u32 @!p0 $0xF7A, s2;
	p2 =	seq.s32 @!p0 s5, $0x0  }
0x1f: {  	s9 =	smul.u32 $0xF7A, s1;
	s8 =	simm.s32 @!p0 $0x1BF5;
	p2 =	por !p2, p0  }
0x20: {  	[sflag:s8] =	ssyncset.s32 @!p0 $0xFFFFF086;
	s6 =	sadd.s32 @!p0 s3, s7;
	s7 =	simm.s32 @!p0 $0x108  }
0x21: {  	s3 =	sadd.s32 s3, s9;
	s6 =	sadd.s32 @!p0 $0x88, s6;
	s7 =	simm.s32 @p2 $0x1082  }
0x22: {  	[simem:s7], [sflag:s8] =	dma.local @!p0 [hbm:s6], $0xF7A  }
0x23: {  	s9 =	sor.u32 $0xD0000000, s2;
	s6 =	simm.s32 $0x108;
	_ =	swait.ge @!p0 [sflag:s8], $0x0  }
0x24: {  	s3 =	sadd.s32 $0x88, s3;
	s6 =	simm.s32 @!p1 $0x1082;
	[sflag:s4] =	ssyncset.s32 $0xFFFFF086  }
0x25: {  	[simem:s6], [sflag:s4] =	dma.local [hbm:s3], $0xF7A  }
0x26: {  	[smem:$0x3F97] =	sst s1;
	(tag) =	ssettag s2;
	_ =	strace s9  }
0x27: {  	s1 =	sld [smem:$0x3FA7]  }
0x28: {  	s2 =	sld [smem:$0x3FA8]  }
0x29: {  	s4 =	sld [smem:$0x3FAA]  }
0x2a: {  	p0 =	seq.s32 s5, $0x0;
	s5 =	sld [smem:$0x3FAB]  }
0x2b: {  	s6 =	sld [smem:$0x3FAC]  }
0x2c: {  	s7 =	sld [smem:$0x3FAD]  }
0x2d: {  	s3 =	simm.s32 $0x108;
	s8 =	sld [smem:$0x3FAE]  }
0x2e: {  	s3 =	simm.s32 @!p0 $0x1082;
	s9 =	sld [smem:$0x3FAF]  }
0x2f: {  	lr =	sadd.s32 s0, s3;
	s0 =	sld [smem:$0x3FA6]  }
0x30: {  	s3 =	sld [smem:$0x3FA9]  }
0x31: {  	[smem:$0x3FB2] =	sst s10  }
0x32: {  	s10 =	sld [smem:$0x3FB0];
	_ =	sdelay $0x3  }
0x33: {  	p0 =	seq.s32 s10, $0x1;
	s10 =	sld [smem:$0x3FB2];
	_ =	sdelay $0x3  }
0x34: {  	[smem:$0x3FB2] =	sst s10  }
0x35: {  	s10 =	sld [smem:$0x3FB1];
	_ =	sdelay $0x3  }
0x36: {  	p1 =	seq.s32 s10, $0x1;
	s10 =	sld [smem:$0x3FB2];
	_ =	sdelay $0x3  }
0x37: {  	[smem:$0x3FB2] =	sst s10  }
0x38: {  	s10 =	sld [smem:$0x3FB3]  }
0x39: {  	_ = 	snop;
	(pc) =	sbr.ind lr, $3  }
0x3a: {  	_ = 	snop  }
0x3b: {  	_ = 	snop  }
0x3c: {  	p2 =	seq.s32 s10, $0x1;
	s10 =	sld [smem:$0x3FB2]  }
0x3d: {  	_ =	shalt  }
0x3e: {  	_ =	shalt  }
0x3f: {  	_ =	shalt  }
0x40: {  	_ =	shalt  }
0x41: {  	_ =	shalt  }
0x42: {  	_ =	shalt  }
0x43: {  	_ =	shalt  }
0x44: {  	_ =	shalt  }
0x45: {  	_ =	shalt  }
0x46: {  	_ =	shalt  }
0x47: {  	_ =	shalt  }
0x48: {  	_ =	shalt  }
0x49: {  	_ =	shalt  }
0x4a: {  	_ =	shalt  }
0x4b: {  	_ =	shalt  }
0x4c: {  	_ =	shalt  }
0x4d: {  	_ =	shalt  }
0x4e: {  	_ =	shalt  }
0x4f: {  	_ =	shalt  }
0x50: {  	_ =	shalt  }
0x51: {  	_ =	shalt  }
0x52: {  	_ =	shalt  }
0x53: {  	_ =	shalt  }
0x54: {  	_ =	shalt  }
0x55: {  	_ =	shalt  }
0x56: {  	_ =	shalt  }
0x57: {  	_ =	shalt  }
0x58: {  	_ =	shalt  }
0x59: {  	_ =	shalt  }
0x5a: {  	_ =	shalt  }
0x5b: {  	_ =	shalt  }
0x5c: {  	_ =	shalt  }
0x5d: {  	_ =	shalt  }
0x5e: {  	_ =	shalt  }
0x5f: {  	_ =	shalt  }
0x60: {  	_ =	shalt  }
0x61: {  	_ =	shalt  }
0x62: {  	_ =	shalt  }
0x63: {  	_ =	shalt  }
0x64: {  	_ =	shalt  }
0x65: {  	_ =	shalt  }
0x66: {  	_ =	shalt  }
0x67: {  	_ =	shalt  }
0x68: {  	_ =	shalt  }
0x69: {  	_ =	shalt  }
0x6a: {  	_ =	shalt  }
0x6b: {  	_ =	shalt  }
0x6c: {  	_ =	shalt  }
0x6d: {  	_ =	shalt  }
0x6e: {  	_ =	shalt  }
0x6f: {  	_ =	shalt  }
0x70: {  	_ =	shalt  }
0x71: {  	_ =	shalt  }
0x72: {  	_ =	shalt  }
0x73: {  	_ =	shalt  }
0x74: {  	_ =	shalt  }
0x75: {  	_ =	shalt  }
0x76: {  	_ =	shalt  }
0x77: {  	_ =	shalt  }
0x78: {  	_ =	shalt  }
0x79: {  	_ =	shalt  }
0x7a: {  	_ =	shalt  }
0x7b: {  	_ =	shalt  }
0x7c: {  	_ =	shalt  }
0x7d: {  	_ =	shalt  }
0x7e: {  	_ =	shalt  }
0x7f: {  	_ =	shalt  }
0x80: {  	_ =	shalt  }
0x81: {  	_ =	shalt  }
0x82: {  	_ =	shalt  }
0x83: {  	_ =	shalt  }
0x84: {  	_ =	shalt  }
0x85: {  	_ =	shalt  }
0x86: {  	_ =	shalt  }
0x87: {  	_ =	shalt  }
.Lfunc_end0:
.L_simem_size_0:
called_computation.2_lowered:
.L_overlay_start_0:
0x88: {  	s2 =	sld [smem:$0x3FD9]  }
0x89: {  	s3 =	sld [smem:$0x3FFE];
	_ =	sdelay $0x1  }
0x8a: {  	s1 =	srdreg.scid  }
0x8b: {  	s0 =	sand.u32 $0x1, s1  }
0x8c: {  	s14 =	sshll.u32 s0, $0xA;
	s2 =	sadd.s32 s3, s2  }
0x8d: {  	s2 =	sadd.s32 s2, s14  }
0x8e: {  	[smem:$0x3FBE] =	sst s2  }
0x8f: {  	_ = 	snop  }
0x90: {  	s2 =	sld [smem:$0x3FD0];
	_ =	sdelay $0x2  }
0x91: {  	s4 =	simm.s32 $0xA;
	s5 =	simm.s32 $0x10;
	s15 =	sld [smem:$0x3FC4]  }
0x92: {  	[smem:s5], [sflag:s4] =	dma.local [hbm:s2], $0x1  }
0x93: {  	_ =	swait.eq [sflag:s4], $0x1  }
0x94: {  	[sflag:s4] =	ssyncset.done $0x0  }
0x95: {  	[sflag:s4] =	ssyncadd.s32 $0xFFFFFFFF  }
0x96: {  	s16 =	sld [smem:$0x11];
	(tm) =	ssettm $0x1  }
0x97: {  	s17 =	sld [smem:$0x3FFB];
	_ =	sdelay $0x3  }
0x98: {  	_ =	strace s17  }
0x99: {  	s4 =	sld [smem:$0x3FFC];
	_ =	sdelay $0x3  }
0x9a: {  	_ =	strace s4  }
0x9b: {  	s4 =	sld [smem:$0x3FFD];
	_ =	sdelay $0x3  }
0x9c: {  	_ =	strace s4  }
0x9d: {  	_ =	strace $0x8FFFFFFF  }
0x9e: {  	s18 =	sld [smem:$0x3FDB];
	_ =	sdelay $0x1  }
0x9f: {  	s19 =	simm.s32 $_scs_section_size  }
0xa0: {  	s6 =	simm.s32 $_size__tile_overlayer_lowered;
	s7 =	simm.s32 $_tile_overlayer_lowered  }
0xa1: {  	s22 =	simm.s32 $0x1BFF;
	s21 =	sshll.u32 s7, $0x1;
	s4 =	sadd.s32 s19, s18  }
0xa2: {  	s8 =	simm.s32 $0x0;
	s20 =	sshll.u32 s6, $0x1;
	s6 =	sadd.s32 s21, s4  }
0xa3: {  	[timem:s8], [sflag:s22] =	dma.local [hbm:s6], s20  }
0xa4: {  	_ =	swait.ge [sflag:s22], s20  }
0xa5: {  	s5 =	ssub.s32 $0x0, s20;
	[sflag:s22] =	ssyncset.done $0x0  }
0xa6: {  	[sflag:s22] =	ssyncadd.s32 s5;
	_ =	sdelay $0x1  }
0xa7: {  	s23 =	simm.s32 $0x1B8B  }
0xa8: {  	_ =	swait.ge [sflag:s23], $0x1  }
0xa9: {  	[sflag:s23] =	ssyncset.done $0x0  }
0xaa: {  	s25 =	simm.s32 $0x1B8E;
	s24 =	sld [smem:$0x3FFE];
	[sflag:s23] =	ssyncadd.s32 $0xFFFFFFFF  }
0xab: {  	s26 =	simm.s32 $execute0_lowered;
	[smem:$0x3FD2] =	sst s25  }
0xac: {  	s6 =	sshll.u32 s26, $0x1;
	_ =	strace $0x8000004C;
	[dreg:$0x1] =	wrdreg $0xFFFFFFFF  }
0xad: {  	s28 =	simm.s32 $_size_execute0_lowered;
	s4 =	sadd.s32 s4, s6;
	[dreg:$0x0] =	wrdreg $0x0  }
0xae: {  	s6 =	sshll.u32 s28, $0x1;
	[dreg:$0x2] =	wrdreg s4  }
0xaf: {  	[dreg:$0x3] =	wrdreg s6  }
0xb0: {  	[dreg:$0x4] =	wrdreg $0xC0  }
0xb1: {  	_ =	task [dreg:s8], $0x5FFFF  }
0xb2: {  	[dreg:$0x1] =	wrdreg $0xFFFFFFFF  }
0xb3: {  	[dreg:$0x0] =	wrdreg $0x60  }
0xb4: {  	[dreg:$0x2] =	wrdreg s15  }
0xb5: {  	[dreg:$0x3] =	wrdreg s16  }
0xb6: {  	[dreg:$0x4] =	wrdreg s24  }
0xb7: {  	[dreg:$0x5] =	wrdreg $0x9  }
0xb8: {  	_ =	task.clear_ibuf [dreg:s8], $0x6FFFF;
	_ =	strace $0x9000004C  }
0xb9: {  	s29 =	simm.s32 $0x9;
	_ =	strace $0x8000004E  }
0xba: {  	_ =	swait.ge [sflag:s29], $0x1  }
0xbb: {  	[sflag:s29] =	ssyncadd.s32 $0xFFFFFFFF  }
0xbc: {  	_ =	strace $0x9000004E  }
0xbd: {  	_ =	sfence  }
0xbe: {  	s30 =	sld [smem:$0x0];
	_ =	sdelay $0x2  }
0xbf: {  	s31 =	sshll.u32 s1, $0xD;
	s1 =	sshrl.u32 s1, $0x2  }
0xc0: {  	s3 =	sand.u32 $0x4000, s31;
	s1 =	sadd.s32 s1, s30  }
0xc1: {  	s0 =	sor.u32 s3, s0;
	s1 =	sshll.u32 s1, $0x11  }
0xc2: {  	s0 =	sor.u32 s1, s0  }
0xc3: {  	s0 =	sadd.s32 $0x8F2B, s0  }
0xc4: {  	[sflag:s0] =	ssyncadd.remote.s32 $0x1  }
0xc5: {  	_ =	sfence.sel $0xFFFF  }
0xc6: {  	[dreg:$0x0] =	wrdreg $0xFFFFFFFF;
	(pc) =	sbr.abs _section_cstart, $3  }
0xc7: {  	[dreg:$0x1] =	wrdreg $0xFFFFFFFF  }
0xc8: {  	_ =	task.clear_ibuf [dreg:s8], $0x2FFFF;
	_ =	strace $0x9FFFFFFF  }
0xc9: {  	(tm) =	ssettm $0x7FFFFFFF  }
tec
execute0_lowered:
.L_overlay_start_1:
0x0: {  	(tag) =	ssettag $0x1  }
0x1: {  	s1 =	rddreg [dreg:$0x0]  }
0x2: {  	s2 =	srdreg.scid;
	s4 =	rddreg [dreg:$0x1]  }
0x3: {  	s0 =	stileid.u32;
	s5 =	rddreg [dreg:$0x2];
	s3 =	simm.s32 $0x0  }
0x4: {  	s17 =	simm.s32 $0x880;
	s18 =	simm.s32 $0x1080;
	s19 =	simm.s32 $0x1880  }
0x5: {  	s21 =	simm.s32 $0x2080;
	s22 =	simm.s32 $0x2880;
	s23 =	simm.s32 $0x3080  }
0x6: {  	s24 =	simm.s32 $0x3880;
	s8 =	simm.s32 $0x4080;
	[smem:$0x7FF] =	sst s3  }
0x7: {  	s25 =	simm.s32 $0x4880;
	_ =	strace $0x8000004D;
	[dreg:$0x6] =	wrdreg s17  }
0x8: {  	s26 =	simm.s32 $0x5080;
	s9 =	simm.s32 $0x80;
	[dreg:$0x7] =	wrdreg s18  }
0x9: {  	s11 =	simm.s32 $0x6080;
	s12 =	simm.s32 $0x6880;
	[dreg:$0x8] =	wrdreg s19  }
0xa: {  	s13 =	simm.s32 $0x7080;
	s14 =	simm.s32 $0x7880;
	[dreg:$0x9] =	wrdreg s21  }
0xb: {  	s15 =	simm.s32 $0x8080;
	s28 =	simm.s32 $0xE080;
	[dreg:$0xa] =	wrdreg s22  }
0xc: {  	s29 =	simm.s32 $0xE880;
	s30 =	simm.s32 $0xF080;
	[dreg:$0xb] =	wrdreg s23  }
0xd: {  	s31 =	simm.s32 $0xF880;
	s2 =	sand.u32 $0x1, s2;
	[dreg:$0xc] =	wrdreg s24  }
0xe: {  	s6 =	sshll.u32 s0, $0x7;
	s7 =	sshll.u32 s2, $0x6;
	[dreg:$0xd] =	wrdreg s8  }
0xf: {  	s2 =	ssub.s32 $0x2, s2;
	s8 =	simm.s32 $0x2;
	[dreg:$0xe] =	wrdreg s25  }
0x10: {  	[dreg:$0xf] =	wrdreg s26;
	s17 =	simm.s32 $0x9080;
	s18 =	simm.s32 $0x9880  }
0x11: {  	s19 =	simm.s32 $0xA080;
	s21 =	simm.s32 $0xB080;
	s22 =	simm.s32 $0xB880  }
0x12: {  	s23 =	simm.s32 $0xC080;
	s24 =	simm.s32 $0xC880;
	s25 =	simm.s32 $0xD080  }
0x13: {  	s26 =	simm.s32 $0xD880;
	s6 =	sor.u32 s7, s6;
	s20 =	sshrl.u32 s2, $0x1  }
0x14: {  	s7 =	sshll.u32 s6, $0x7;
	s6 =	sshrl.u32 s6, $0x3;
	s2 =	ssub.s32 s2, s20  }
0x15: {  	s20 =	simm.s32 $0xA880;
	s5 =	sadd.s32 s7, s5;
	s4 =	sadd.s32 s4, s6  }
0x16: {  	v2 =	vlaneseq.u32;
	s6 =	sadd.s32 $0x300, s1;
	s7 =	smax.u32 s2, $0x1;
	s2 =	simm.s32 $0x1  }
0x17: {  	vm0 =	vmmov $0xffff;
	v1 =	vshrl.u32 v2, $0x3;
	[dreg:$0x4] =	wrdreg s4;
	s16 =	sadd.s32 $0xC5E00, s5;
	s4 =	sadd.s32 $0x100, s1  }
0x18: {  	v0 =	vand.u32 $0x7, v2;
	v2 =	vor.u32 $0x8, v2;
	v1 =	vmul.u32 $0x8, v1;
	s5 =	sadd.s32 $0x200, s1;
	[dreg:$0x5] =	wrdreg s16;
	s16 =	simm.s32 $0x8880  }
.LBB2_1:
0x19: {  	s0 =	rddreg [dreg:$0x4]  }
0x1a: {  	[tilespmem:s3], [sflag:$0x2] =	stream.linear.gather [hbm4b:s0+s3], $0x40, $0x38;
	[tilespmem:$0x10080] =	vst v63  }
0x1b: {  	_ =	swait.ge [sflag:s8], $0x40  }
0x1c: {  	[sflag:s8] =	ssyncset.done $0x0  }
0x1d: {  	[sflag:s8] =	ssyncadd.s32 $0xFFFFFFC0  }
0x1e: {  	v3 =	vld [tilespmem:$0x0];
	_ =	sdelay $0x4  }
0x1f: {  	v4 =	vshll.u32 v3, $0x3  }
0x20: {  	v3 =	vand.u32 $0x7, v3;
	v4 =	vand.u32 $0xFFFFFFC0, v4  }
0x21: {  	v3 =	vor.u32 v3, v4  }
0x22: {  	v4 =	vperm.xlane v3, v0;
	_ =	sdelay $0x1  }
0x23: {  	v4 =	vadd.s32 v1, v4;
	_ =	sdelay $0x4  }
0x24: {  	[tilespmem:s9], [sflag:$0x1] =	stream.indirect_vreg.gather [hbm4b:s1+s3], $0x80, v4, vm0, $0xb8;
	[tilespmem:$0x10080] =	vst v63  }
0x25: {  	s0 =	rddreg [dreg:$0x6];
	v3 =	vperm.xlane v3, v2  }
0x26: {  	[tilespmem:s0], [sflag:$0x1] =	stream.indirect_vreg.gather [hbm4b:s4+s3], $0x80, v4, vm0, $0xb8;
	[tilespmem:$0x10080] =	vst v63  }
0x27: {  	s10 =	rddreg [dreg:$0x7];
	v3 =	vadd.s32 v1, v3  }
0x28: {  	[tilespmem:s10], [sflag:$0x1] =	stream.indirect_vreg.gather [hbm4b:s5+s3], $0x80, v4, vm0, $0xb8;
	[tilespmem:$0x10080] =	vst v63  }
0x29: {  	s0 =	rddreg [dreg:$0x8]  }
0x2a: {  	[tilespmem:s0], [sflag:$0x1] =	stream.indirect_vreg.gather [hbm4b:s6+s3], $0x80, v4, vm0, $0xb8;
	[tilespmem:$0x10080] =	vst v63  }
0x2b: {  	s10 =	rddreg [dreg:$0x9]  }
0x2c: {  	[tilespmem:s10], [sflag:$0x1] =	stream.indirect_vreg.gather [hbm4b:s1+s3], $0x80, v3, vm0, $0xb8;
	[tilespmem:$0x10080] =	vst v63  }
0x2d: {  	s0 =	rddreg [dreg:$0xa]  }
0x2e: {  	[tilespmem:s0], [sflag:$0x1] =	stream.indirect_vreg.gather [hbm4b:s4+s3], $0x80, v3, vm0, $0xb8;
	[tilespmem:$0x10080] =	vst v63  }
0x2f: {  	s10 =	rddreg [dreg:$0xb]  }
0x30: {  	[tilespmem:s10], [sflag:$0x1] =	stream.indirect_vreg.gather [hbm4b:s5+s3], $0x80, v3, vm0, $0xb8;
	[tilespmem:$0x10080] =	vst v63  }
0x31: {  	s0 =	rddreg [dreg:$0xc]  }
0x32: {  	[tilespmem:s0], [sflag:$0x1] =	stream.indirect_vreg.gather [hbm4b:s6+s3], $0x80, v3, vm0, $0xb8;
	[tilespmem:$0x10080] =	vst v63  }
0x33: {  	v3 =	vld [tilespmem:$0x10];
	_ =	sdelay $0x4  }
0x34: {  	v61 =	vshll.u32 v3, $0x3  }
0x35: {  	v3 =	vand.u32 $0x7, v3;
	v4 =	vand.u32 $0xFFFFFFC0, v61  }
0x36: {  	v3 =	vor.u32 v3, v4  }
0x37: {  	v4 =	vperm.xlane v3, v0;
	_ =	sdelay $0x1  }
0x38: {  	v4 =	vadd.s32 v1, v4;
	_ =	sdelay $0x3  }
0x39: {  	s0 =	rddreg [dreg:$0xd]  }
0x3a: {  	[tilespmem:s0], [sflag:$0x1] =	stream.indirect_vreg.gather [hbm4b:s1+s3], $0x80, v4, vm0, $0xb8;
	[tilespmem:$0x10080] =	vst v63  }
0x3b: {  	s10 =	rddreg [dreg:$0xe];
	v3 =	vperm.xlane v3, v2  }
0x3c: {  	[tilespmem:s10], [sflag:$0x1] =	stream.indirect_vreg.gather [hbm4b:s4+s3], $0x80, v4, vm0, $0xb8;
	[tilespmem:$0x10080] =	vst v63  }
0x3d: {  	v3 =	vadd.s32 v1, v3;
	s0 =	rddreg [dreg:$0xf]  }
0x3e: {  	[tilespmem:s0], [sflag:$0x1] =	stream.indirect_vreg.gather [hbm4b:s5+s3], $0x80, v4, vm0, $0xb8;
	[tilespmem:$0x10080] =	vst v63  }
0x3f: {  	s10 =	simm.s32 $0x5880  }
0x40: {  	[tilespmem:s10], [sflag:$0x1] =	stream.indirect_vreg.gather [hbm4b:s6+s3], $0x80, v4, vm0, $0xb8;
	[tilespmem:$0x10080] =	vst v63  }
0x41: {  	_ = 	snop  }
0x42: {  	[tilespmem:s11], [sflag:$0x1] =	stream.indirect_vreg.gather [hbm4b:s1+s3], $0x80, v3, vm0, $0xb8;
	[tilespmem:$0x10080] =	vst v63  }
0x43: {  	_ = 	snop  }
0x44: {  	[tilespmem:s12], [sflag:$0x1] =	stream.indirect_vreg.gather [hbm4b:s4+s3], $0x80, v3, vm0, $0xb8;
	[tilespmem:$0x10080] =	vst v63  }
0x45: {  	_ = 	snop  }
0x46: {  	[tilespmem:s13], [sflag:$0x1] =	stream.indirect_vreg.gather [hbm4b:s5+s3], $0x80, v3, vm0, $0xb8;
	[tilespmem:$0x10080] =	vst v63  }
0x47: {  	_ = 	snop  }
0x48: {  	[tilespmem:s14], [sflag:$0x1] =	stream.indirect_vreg.gather [hbm4b:s6+s3], $0x80, v3, vm0, $0xb8;
	[tilespmem:$0x10080] =	vst v63  }
0x49: {  	v3 =	vld [tilespmem:$0x20];
	_ =	sdelay $0x4  }
0x4a: {  	v62 =	vshll.u32 v3, $0x3  }
0x4b: {  	v3 =	vand.u32 $0x7, v3;
	v4 =	vand.u32 $0xFFFFFFC0, v62  }
0x4c: {  	v3 =	vor.u32 v3, v4  }
0x4d: {  	v4 =	vperm.xlane v3, v0;
	_ =	sdelay $0x1  }
0x4e: {  	v4 =	vadd.s32 v1, v4;
	_ =	sdelay $0x4  }
0x4f: {  	[tilespmem:s15], [sflag:$0x1] =	stream.indirect_vreg.gather [hbm4b:s1+s3], $0x80, v4, vm0, $0xb8;
	[tilespmem:$0x10080] =	vst v63  }
0x50: {  	v3 =	vperm.xlane v3, v2  }
0x51: {  	[tilespmem:s16], [sflag:$0x1] =	stream.indirect_vreg.gather [hbm4b:s4+s3], $0x80, v4, vm0, $0xb8;
	[tilespmem:$0x10080] =	vst v63  }
0x52: {  	v3 =	vadd.s32 v1, v3  }
0x53: {  	[tilespmem:s17], [sflag:$0x1] =	stream.indirect_vreg.gather [hbm4b:s5+s3], $0x80, v4, vm0, $0xb8;
	[tilespmem:$0x10080] =	vst v63  }
0x54: {  	_ = 	snop  }
0x55: {  	[tilespmem:s18], [sflag:$0x1] =	stream.indirect_vreg.gather [hbm4b:s6+s3], $0x80, v4, vm0, $0xb8;
	[tilespmem:$0x10080] =	vst v63  }
0x56: {  	_ = 	snop  }
0x57: {  	[tilespmem:s19], [sflag:$0x1] =	stream.indirect_vreg.gather [hbm4b:s1+s3], $0x80, v3, vm0, $0xb8;
	[tilespmem:$0x10080] =	vst v63  }
0x58: {  	_ = 	snop  }
0x59: {  	[tilespmem:s20], [sflag:$0x1] =	stream.indirect_vreg.gather [hbm4b:s4+s3], $0x80, v3, vm0, $0xb8;
	[tilespmem:$0x10080] =	vst v63  }
0x5a: {  	_ = 	snop  }
0x5b: {  	[tilespmem:s21], [sflag:$0x1] =	stream.indirect_vreg.gather [hbm4b:s5+s3], $0x80, v3, vm0, $0xb8;
	[tilespmem:$0x10080] =	vst v63  }
0x5c: {  	_ = 	snop  }
0x5d: {  	[tilespmem:s22], [sflag:$0x1] =	stream.indirect_vreg.gather [hbm4b:s6+s3], $0x80, v3, vm0, $0xb8;
	[tilespmem:$0x10080] =	vst v63  }
0x5e: {  	v3 =	vld [tilespmem:$0x30];
	_ =	sdelay $0x4  }
0x5f: {  	v63 =	vshll.u32 v3, $0x3  }
0x60: {  	v3 =	vand.u32 $0x7, v3;
	v4 =	vand.u32 $0xFFFFFFC0, v63  }
0x61: {  	v3 =	vor.u32 v3, v4  }
0x62: {  	v4 =	vperm.xlane v3, v0;
	_ =	sdelay $0x1  }
0x63: {  	v4 =	vadd.s32 v1, v4;
	_ =	sdelay $0x4  }
0x64: {  	[tilespmem:s23], [sflag:$0x1] =	stream.indirect_vreg.gather [hbm4b:s1+s3], $0x80, v4, vm0, $0xb8;
	[tilespmem:$0x10080] =	vst v63  }
0x65: {  	v3 =	vperm.xlane v3, v2  }
0x66: {  	[tilespmem:s24], [sflag:$0x1] =	stream.indirect_vreg.gather [hbm4b:s4+s3], $0x80, v4, vm0, $0xb8;
	[tilespmem:$0x10080] =	vst v63  }
0x67: {  	v3 =	vadd.s32 v1, v3  }
0x68: {  	[tilespmem:s25], [sflag:$0x1] =	stream.indirect_vreg.gather [hbm4b:s5+s3], $0x80, v4, vm0, $0xb8;
	[tilespmem:$0x10080] =	vst v63  }
0x69: {  	_ = 	snop  }
0x6a: {  	[tilespmem:s26], [sflag:$0x1] =	stream.indirect_vreg.gather [hbm4b:s6+s3], $0x80, v4, vm0, $0xb8;
	[tilespmem:$0x10080] =	vst v63  }
0x6b: {  	_ = 	snop  }
0x6c: {  	[tilespmem:s28], [sflag:$0x1] =	stream.indirect_vreg.gather [hbm4b:s1+s3], $0x80, v3, vm0, $0xb8;
	[tilespmem:$0x10080] =	vst v63  }
0x6d: {  	_ = 	snop  }
0x6e: {  	[tilespmem:s29], [sflag:$0x1] =	stream.indirect_vreg.gather [hbm4b:s4+s3], $0x80, v3, vm0, $0xb8;
	[tilespmem:$0x10080] =	vst v63  }
0x6f: {  	_ = 	snop  }
0x70: {  	[tilespmem:s30], [sflag:$0x1] =	stream.indirect_vreg.gather [hbm4b:s5+s3], $0x80, v3, vm0, $0xb8;
	[tilespmem:$0x10080] =	vst v63  }
0x71: {  	_ = 	snop  }
0x72: {  	[tilespmem:s31], [sflag:$0x1] =	stream.indirect_vreg.gather [hbm4b:s6+s3], $0x80, v3, vm0, $0xb8;
	[tilespmem:$0x10080] =	vst v63  }
0x73: {  	_ =	swait.ge [sflag:s2], $0x10000  }
0x74: {  	p0 =	sne.s32 s7, $0x1;
	[sflag:s2] =	ssyncset.done $0x0  }
.Ltmp0:
0x75: {  	s10 =	rddreg [dreg:$0x5];
	[sflag:s2] =	ssyncadd.s32 $0xFFFF0000;
	(pc) =	sbr.rel @p0 .LBB2_1-.Ltmp0, $4  }
0x76: {  	[hbm4b:s10+s3] =	stream.linear.scatter [tilespmem:s9], [sflag:$0x2], $0x10000, $0x38;
	[tilespmem:$0x10080] =	vst v63  }
0x77: {  	_ =	swait.ge [sflag:s8], $0x10000  }
0x78: {  	[sflag:s8] =	ssyncset.done $0x0  }
0x79: {  	s7 =	sadd.s32 $0xFFFFFFFF, s7;
	[sflag:s8] =	ssyncadd.s32 $0xFFFF0000  }
0x7a: {  	_ =	sfence.sel $0x180000  }
0x7b: {  	[bflag:$0x0] =	sbarrier.arrive $0xFFFF  }
0x7c: {  	_ =	strace $0x9000004D  }
0x7d: {  	s0 =	stileid.u32;
	[bflag:$0x2] =	sbarrier.arrive $0xFFFF  }
0x7e: {  	p0 =	sne.s32 s0, $0x0;
	s0 =	rddreg [dreg:$0x3]  }
0x7f: {  	s0 =	sadd.s32 @!p0 $0x100000, s0  }
0x80: {  	[sflag:s0] =	ssyncadd.tile.s32 @!p0 $0x1;
	_ =	shalt  }
.Lfunc_end2:
_tile_overlayer_lowered:
.L_overlay_start_2:
0x81: {  	(tag) =	ssettag $0x2  }
0x82: {  	s0 =	rddreg [dreg:$0x0];
	s2 =	stileid.u32  }
0x83: {  	s1 =	rddreg [dreg:$0x1];
	p0 =	sne.s32 s2, $0x0  }
0x84: {  	s3 =	rddreg [dreg:$0x2];
	[bflag:$0x3] =	sbarrier.arrive $0xFFFF;
	s2 =	simm.s32 @!p0 $0x1C02  }
0x85: {  	[timem:s3], [sflag:s2] =	dma.local @!p0 [hbm:s0], s1  }
0x86: {  	s0 =	simm.s32 @!p0 $0x2  }
0x87: {  	_ =	swait.ge @!p0 [sflag:s0], s1  }
0x88: {  	s1 =	ssub.s32 @!p0 $0x0, s1;
	[sflag:s0] =	ssyncset.done @!p0 $0x0  }
0x89: {  	[sflag:s0] =	ssyncadd.s32 @!p0 s1  }
0x8a: {  	[bflag:$0x3] =	sbarrier.arrive $0xFFFF  }
0x8b: {  	_ =	shalt  }

// kernel: kernel.30.cloned.1.call-start
scs
__scs_entry_jumppad:
0x0: {  	(pc) =	sbr.rel $0x88, $3  }
0x1: {  	(tag) =	ssettag $0x0;
	lr =	simm.s32 $0x1  }
0x2: {  	[smem:$0x3F97] =	sst lr;
	_ =	strace $0xD0000000  }
0x3: {  	_ = 	snop  }
0x4: {  	_ = 	snop  }
0x5: {  	_ = 	snop  }
0x6: {  	_ = 	snop  }
0x7: {  	_ = 	snop  }
__scs_overlays_trampoline_lowered:
0x8: {  	[smem:$0x3FA6] =	sst s0  }
0x9: {  	[smem:$0x3FA7] =	sst s1  }
0xa: {  	[smem:$0x3FA8] =	sst s2  }
0xb: {  	[smem:$0x3FA9] =	sst s3  }
0xc: {  	[smem:$0x3FAA] =	sst s4  }
0xd: {  	[smem:$0x3FAB] =	sst s5  }
0xe: {  	[smem:$0x3FAC] =	sst s6  }
0xf: {  	[smem:$0x3FAD] =	sst s7  }
0x10: {  	[smem:$0x3FAE] =	sst s8  }
0x11: {  	[smem:$0x3FAF] =	sst s9;
	s0 =	simm.s32 @!p0 $0x0  }
0x12: {  	s1 =	sld [smem:$0x3F95];
	s0 =	simm.s32 @p0 $0x1  }
0x13: {  	[smem:$0x3FB0] =	sst s0;
	s0 =	simm.s32 @!p1 $0x0  }
0x14: {  	s2 =	sld [smem:$0x3F94];
	s0 =	simm.s32 @p1 $0x1  }
0x15: {  	[smem:$0x3FB1] =	sst s0;
	s0 =	simm.s32 @!p2 $0x0  }
0x16: {  	s3 =	sld [smem:$0x3FDB];
	s0 =	simm.s32 @p2 $0x1  }
0x17: {  	s4 =	simm.s32 $0x1BF5;
	[smem:$0x3FB3] =	sst s0  }
0x18: {  	s0 =	sld [smem:$0x3F96];
	_ =	swait.ge [sflag:s4], $0x0  }
0x19: {  	s7 =	sld [smem:$0x3F97]  }
0x1a: {  	s8 =	sadd.s32 $0xFFFFE003, lr  }
0x1b: {  	s9 =	sadd.s32 $0xFFFFFEF7, lr;
	s5 =	simm.s32 $0xFFFFFFFF;
	p2 =	slt.u32 s8, $0xFFFFF086  }
0x1c: {  	p1 =	slt.u32 s9, $0xF7A;
	s5 =	simm.s32 @!p2 $0x0  }
0x1d: {  	s5 =	simm.s32 @p1 $0x1;
	p0 =	seq.s32 s7, s2  }
0x1e: {  	s7 =	smul.u32 @!p0 $0xF7A, s2;
	p2 =	seq.s32 @!p0 s5, $0x0  }
0x1f: {  	s9 =	smul.u32 $0xF7A, s1;
	s8 =	simm.s32 @!p0 $0x1BF5;
	p2 =	por !p2, p0  }
0x20: {  	[sflag:s8] =	ssyncset.s32 @!p0 $0xFFFFF086;
	s6 =	sadd.s32 @!p0 s3, s7;
	s7 =	simm.s32 @!p0 $0x108  }
0x21: {  	s3 =	sadd.s32 s3, s9;
	s6 =	sadd.s32 @!p0 $0x88, s6;
	s7 =	simm.s32 @p2 $0x1082  }
0x22: {  	[simem:s7], [sflag:s8] =	dma.local @!p0 [hbm:s6], $0xF7A  }
0x23: {  	s9 =	sor.u32 $0xD0000000, s2;
	s6 =	simm.s32 $0x108;
	_ =	swait.ge @!p0 [sflag:s8], $0x0  }
0x24: {  	s3 =	sadd.s32 $0x88, s3;
	s6 =	simm.s32 @!p1 $0x1082;
	[sflag:s4] =	ssyncset.s32 $0xFFFFF086  }
0x25: {  	[simem:s6], [sflag:s4] =	dma.local [hbm:s3], $0xF7A  }
0x26: {  	[smem:$0x3F97] =	sst s1;
	(tag) =	ssettag s2;
	_ =	strace s9  }
0x27: {  	s1 =	sld [smem:$0x3FA7]  }
0x28: {  	s2 =	sld [smem:$0x3FA8]  }
0x29: {  	s4 =	sld [smem:$0x3FAA]  }
0x2a: {  	p0 =	seq.s32 s5, $0x0;
	s5 =	sld [smem:$0x3FAB]  }
0x2b: {  	s6 =	sld [smem:$0x3FAC]  }
0x2c: {  	s7 =	sld [smem:$0x3FAD]  }
0x2d: {  	s3 =	simm.s32 $0x108;
	s8 =	sld [smem:$0x3FAE]  }
0x2e: {  	s3 =	simm.s32 @!p0 $0x1082;
	s9 =	sld [smem:$0x3FAF]  }
0x2f: {  	lr =	sadd.s32 s0, s3;
	s0 =	sld [smem:$0x3FA6]  }
0x30: {  	s3 =	sld [smem:$0x3FA9]  }
0x31: {  	[smem:$0x3FB2] =	sst s10  }
0x32: {  	s10 =	sld [smem:$0x3FB0];
	_ =	sdelay $0x3  }
0x33: {  	p0 =	seq.s32 s10, $0x1;
	s10 =	sld [smem:$0x3FB2];
	_ =	sdelay $0x3  }
0x34: {  	[smem:$0x3FB2] =	sst s10  }
0x35: {  	s10 =	sld [smem:$0x3FB1];
	_ =	sdelay $0x3  }
0x36: {  	p1 =	seq.s32 s10, $0x1;
	s10 =	sld [smem:$0x3FB2];
	_ =	sdelay $0x3  }
0x37: {  	[smem:$0x3FB2] =	sst s10  }
0x38: {  	s10 =	sld [smem:$0x3FB3]  }
0x39: {  	_ = 	snop;
	(pc) =	sbr.ind lr, $3  }
0x3a: {  	_ = 	snop  }
0x3b: {  	_ = 	snop  }
0x3c: {  	p2 =	seq.s32 s10, $0x1;
	s10 =	sld [smem:$0x3FB2]  }
0x3d: {  	_ =	shalt  }
0x3e: {  	_ =	shalt  }
0x3f: {  	_ =	shalt  }
0x40: {  	_ =	shalt  }
0x41: {  	_ =	shalt  }
0x42: {  	_ =	shalt  }
0x43: {  	_ =	shalt  }
0x44: {  	_ =	shalt  }
0x45: {  	_ =	shalt  }
0x46: {  	_ =	shalt  }
0x47: {  	_ =	shalt  }
0x48: {  	_ =	shalt  }
0x49: {  	_ =	shalt  }
0x4a: {  	_ =	shalt  }
0x4b: {  	_ =	shalt  }
0x4c: {  	_ =	shalt  }
0x4d: {  	_ =	shalt  }
0x4e: {  	_ =	shalt  }
0x4f: {  	_ =	shalt  }
0x50: {  	_ =	shalt  }
0x51: {  	_ =	shalt  }
0x52: {  	_ =	shalt  }
0x53: {  	_ =	shalt  }
0x54: {  	_ =	shalt  }
0x55: {  	_ =	shalt  }
0x56: {  	_ =	shalt  }
0x57: {  	_ =	shalt  }
0x58: {  	_ =	shalt  }
0x59: {  	_ =	shalt  }
0x5a: {  	_ =	shalt  }
0x5b: {  	_ =	shalt  }
0x5c: {  	_ =	shalt  }
0x5d: {  	_ =	shalt  }
0x5e: {  	_ =	shalt  }
0x5f: {  	_ =	shalt  }
0x60: {  	_ =	shalt  }
0x61: {  	_ =	shalt  }
0x62: {  	_ =	shalt  }
0x63: {  	_ =	shalt  }
0x64: {  	_ =	shalt  }
0x65: {  	_ =	shalt  }
0x66: {  	_ =	shalt  }
0x67: {  	_ =	shalt  }
0x68: {  	_ =	shalt  }
0x69: {  	_ =	shalt  }
0x6a: {  	_ =	shalt  }
0x6b: {  	_ =	shalt  }
0x6c: {  	_ =	shalt  }
0x6d: {  	_ =	shalt  }
0x6e: {  	_ =	shalt  }
0x6f: {  	_ =	shalt  }
0x70: {  	_ =	shalt  }
0x71: {  	_ =	shalt  }
0x72: {  	_ =	shalt  }
0x73: {  	_ =	shalt  }
0x74: {  	_ =	shalt  }
0x75: {  	_ =	shalt  }
0x76: {  	_ =	shalt  }
0x77: {  	_ =	shalt  }
0x78: {  	_ =	shalt  }
0x79: {  	_ =	shalt  }
0x7a: {  	_ =	shalt  }
0x7b: {  	_ =	shalt  }
0x7c: {  	_ =	shalt  }
0x7d: {  	_ =	shalt  }
0x7e: {  	_ =	shalt  }
0x7f: {  	_ =	shalt  }
0x80: {  	_ =	shalt  }
0x81: {  	_ =	shalt  }
0x82: {  	_ =	shalt  }
0x83: {  	_ =	shalt  }
0x84: {  	_ =	shalt  }
0x85: {  	_ =	shalt  }
0x86: {  	_ =	shalt  }
0x87: {  	_ =	shalt  }
.Lfunc_end0:
.L_simem_size_0:
called_computation.3_lowered:
.L_overlay_start_0:
0x88: {  	s2 =	sld [smem:$0x3FD9]  }
0x89: {  	s3 =	sld [smem:$0x3FFE];
	_ =	sdelay $0x1  }
0x8a: {  	s1 =	srdreg.scid  }
0x8b: {  	s0 =	sand.u32 $0x1, s1  }
0x8c: {  	s14 =	sshll.u32 s0, $0xA;
	s2 =	sadd.s32 s3, s2  }
0x8d: {  	s2 =	sadd.s32 s2, s14  }
0x8e: {  	[smem:$0x3FBE] =	sst s2  }
0x8f: {  	_ = 	snop  }
0x90: {  	s2 =	sld [smem:$0x3FD0];
	_ =	sdelay $0x2  }
0x91: {  	s4 =	simm.s32 $0xA;
	s5 =	simm.s32 $0x10;
	s15 =	sld [smem:$0x3FC4]  }
0x92: {  	[smem:s5], [sflag:s4] =	dma.local [hbm:s2], $0x1  }
0x93: {  	_ =	swait.eq [sflag:s4], $0x1  }
0x94: {  	[sflag:s4] =	ssyncset.done $0x0  }
0x95: {  	[sflag:s4] =	ssyncadd.s32 $0xFFFFFFFF  }
0x96: {  	s16 =	sld [smem:$0x11];
	(tm) =	ssettm $0x1  }
0x97: {  	s17 =	sld [smem:$0x3FFB];
	_ =	sdelay $0x3  }
0x98: {  	_ =	strace s17  }
0x99: {  	s4 =	sld [smem:$0x3FFC];
	_ =	sdelay $0x3  }
0x9a: {  	_ =	strace s4  }
0x9b: {  	s4 =	sld [smem:$0x3FFD];
	_ =	sdelay $0x3  }
0x9c: {  	_ =	strace s4  }
0x9d: {  	_ =	strace $0x8FFFFFFF  }
0x9e: {  	s18 =	sld [smem:$0x3FDB];
	_ =	sdelay $0x1  }
0x9f: {  	s19 =	simm.s32 $_scs_section_size  }
0xa0: {  	s6 =	simm.s32 $_size__tile_overlayer_lowered;
	s7 =	simm.s32 $_tile_overlayer_lowered  }
0xa1: {  	s22 =	simm.s32 $0x1BFF;
	s21 =	sshll.u32 s7, $0x1;
	s4 =	sadd.s32 s19, s18  }
0xa2: {  	s8 =	simm.s32 $0x0;
	s20 =	sshll.u32 s6, $0x1;
	s6 =	sadd.s32 s21, s4  }
0xa3: {  	[timem:s8], [sflag:s22] =	dma.local [hbm:s6], s20  }
0xa4: {  	_ =	swait.ge [sflag:s22], s20  }
0xa5: {  	s5 =	ssub.s32 $0x0, s20;
	[sflag:s22] =	ssyncset.done $0x0  }
0xa6: {  	[sflag:s22] =	ssyncadd.s32 s5;
	_ =	sdelay $0x1  }
0xa7: {  	s23 =	simm.s32 $0x1B8B  }
0xa8: {  	_ =	swait.ge [sflag:s23], $0x1  }
0xa9: {  	[sflag:s23] =	ssyncset.done $0x0  }
0xaa: {  	s25 =	simm.s32 $0x1B8E;
	s24 =	sld [smem:$0x3FFE];
	[sflag:s23] =	ssyncadd.s32 $0xFFFFFFFF  }
0xab: {  	s26 =	simm.s32 $execute0_lowered;
	[smem:$0x3FD2] =	sst s25  }
0xac: {  	s6 =	sshll.u32 s26, $0x1;
	_ =	strace $0x8000004F;
	[dreg:$0x1] =	wrdreg $0xFFFFFFFF  }
0xad: {  	s28 =	simm.s32 $_size_execute0_lowered;
	s4 =	sadd.s32 s4, s6;
	[dreg:$0x0] =	wrdreg $0x0  }
0xae: {  	s6 =	sshll.u32 s28, $0x1;
	[dreg:$0x2] =	wrdreg s4  }
0xaf: {  	[dreg:$0x3] =	wrdreg s6  }
0xb0: {  	[dreg:$0x4] =	wrdreg $0xC0  }
0xb1: {  	_ =	task [dreg:s8], $0x5FFFF  }
0xb2: {  	[dreg:$0x1] =	wrdreg $0xFFFFFFFF  }
0xb3: {  	[dreg:$0x0] =	wrdreg $0x60  }
0xb4: {  	[dreg:$0x2] =	wrdreg s15  }
0xb5: {  	[dreg:$0x3] =	wrdreg s16  }
0xb6: {  	[dreg:$0x4] =	wrdreg s24  }
0xb7: {  	[dreg:$0x5] =	wrdreg $0x9  }
0xb8: {  	_ =	task.clear_ibuf [dreg:s8], $0x6FFFF;
	_ =	strace $0x9000004F  }
0xb9: {  	s29 =	simm.s32 $0x9;
	_ =	strace $0x80000051  }
0xba: {  	_ =	swait.ge [sflag:s29], $0x1  }
0xbb: {  	[sflag:s29] =	ssyncadd.s32 $0xFFFFFFFF  }
0xbc: {  	_ =	strace $0x90000051  }
0xbd: {  	_ =	sfence  }
0xbe: {  	s30 =	sld [smem:$0x0];
	_ =	sdelay $0x2  }
0xbf: {  	s31 =	sshll.u32 s1, $0xD;
	s1 =	sshrl.u32 s1, $0x2  }
0xc0: {  	s3 =	sand.u32 $0x4000, s31;
	s1 =	sadd.s32 s1, s30  }
0xc1: {  	s0 =	sor.u32 s3, s0;
	s1 =	sshll.u32 s1, $0x11  }
0xc2: {  	s0 =	sor.u32 s1, s0  }
0xc3: {  	s0 =	sadd.s32 $0x8F2B, s0  }
0xc4: {  	[sflag:s0] =	ssyncadd.remote.s32 $0x1  }
0xc5: {  	_ =	sfence.sel $0xFFFF  }
0xc6: {  	[dreg:$0x0] =	wrdreg $0xFFFFFFFF;
	(pc) =	sbr.abs _section_cstart, $3  }
0xc7: {  	[dreg:$0x1] =	wrdreg $0xFFFFFFFF  }
0xc8: {  	_ =	task.clear_ibuf [dreg:s8], $0x2FFFF;
	_ =	strace $0x9FFFFFFF  }
0xc9: {  	(tm) =	ssettm $0x7FFFFFFF  }
tec
execute0_lowered:
.L_overlay_start_1:
0x0: {  	(tag) =	ssettag $0x1  }
0x1: {  	s1 =	rddreg [dreg:$0x0]  }
0x2: {  	s2 =	srdreg.scid;
	s4 =	rddreg [dreg:$0x1]  }
0x3: {  	s0 =	stileid.u32;
	s5 =	rddreg [dreg:$0x2];
	s3 =	simm.s32 $0x0  }
0x4: {  	s17 =	simm.s32 $0x880;
	s18 =	simm.s32 $0x1080;
	s19 =	simm.s32 $0x1880  }
0x5: {  	s21 =	simm.s32 $0x2080;
	s22 =	simm.s32 $0x2880;
	s23 =	simm.s32 $0x3080  }
0x6: {  	s24 =	simm.s32 $0x3880;
	s8 =	simm.s32 $0x4080;
	[smem:$0x7FF] =	sst s3  }
0x7: {  	s25 =	simm.s32 $0x4880;
	_ =	strace $0x80000050;
	[dreg:$0x6] =	wrdreg s17  }
0x8: {  	s26 =	simm.s32 $0x5080;
	s9 =	simm.s32 $0x80;
	[dreg:$0x7] =	wrdreg s18  }
0x9: {  	s11 =	simm.s32 $0x6080;
	s12 =	simm.s32 $0x6880;
	[dreg:$0x8] =	wrdreg s19  }
0xa: {  	s13 =	simm.s32 $0x7080;
	s14 =	simm.s32 $0x7880;
	[dreg:$0x9] =	wrdreg s21  }
0xb: {  	s15 =	simm.s32 $0x8080;
	s28 =	simm.s32 $0xE080;
	[dreg:$0xa] =	wrdreg s22  }
0xc: {  	s29 =	simm.s32 $0xE880;
	s30 =	simm.s32 $0xF080;
	[dreg:$0xb] =	wrdreg s23  }
0xd: {  	s31 =	simm.s32 $0xF880;
	s2 =	sand.u32 $0x1, s2;
	[dreg:$0xc] =	wrdreg s24  }
0xe: {  	s6 =	sshll.u32 s0, $0x7;
	s7 =	sshll.u32 s2, $0x6;
	[dreg:$0xd] =	wrdreg s8  }
0xf: {  	s2 =	ssub.s32 $0x2, s2;
	s8 =	simm.s32 $0x2;
	[dreg:$0xe] =	wrdreg s25  }
0x10: {  	[dreg:$0xf] =	wrdreg s26;
	s17 =	simm.s32 $0x9080;
	s18 =	simm.s32 $0x9880  }
0x11: {  	s19 =	simm.s32 $0xA080;
	s21 =	simm.s32 $0xB080;
	s22 =	simm.s32 $0xB880  }
0x12: {  	s23 =	simm.s32 $0xC080;
	s24 =	simm.s32 $0xC880;
	s25 =	simm.s32 $0xD080  }
0x13: {  	s26 =	simm.s32 $0xD880;
	s6 =	sor.u32 s7, s6;
	s20 =	sshrl.u32 s2, $0x1  }
0x14: {  	s7 =	sshll.u32 s6, $0x7;
	s6 =	sshrl.u32 s6, $0x3;
	s2 =	ssub.s32 s2, s20  }
0x15: {  	s20 =	simm.s32 $0xA880;
	s5 =	sadd.s32 s7, s5;
	s4 =	sadd.s32 s4, s6  }
0x16: {  	v2 =	vlaneseq.u32;
	s6 =	sadd.s32 $0x300, s1;
	s7 =	smax.u32 s2, $0x1;
	s2 =	simm.s32 $0x1  }
0x17: {  	vm0 =	vmmov $0xffff;
	v1 =	vshrl.u32 v2, $0x3;
	[dreg:$0x4] =	wrdreg s4;
	s16 =	sadd.s32 $0xC5E00, s5;
	s4 =	sadd.s32 $0x100, s1  }
0x18: {  	v0 =	vand.u32 $0x7, v2;
	v2 =	vor.u32 $0x8, v2;
	v1 =	vmul.u32 $0x8, v1;
	s5 =	sadd.s32 $0x200, s1;
	[dreg:$0x5] =	wrdreg s16;
	s16 =	simm.s32 $0x8880  }
.LBB2_1:
0x19: {  	s0 =	rddreg [dreg:$0x4]  }
0x1a: {  	[tilespmem:s3], [sflag:$0x2] =	stream.linear.gather [hbm4b:s0+s3], $0x40, $0x38;
	[tilespmem:$0x10080] =	vst v63  }
0x1b: {  	_ =	swait.ge [sflag:s8], $0x40  }
0x1c: {  	[sflag:s8] =	ssyncset.done $0x0  }
0x1d: {  	[sflag:s8] =	ssyncadd.s32 $0xFFFFFFC0  }
0x1e: {  	v3 =	vld [tilespmem:$0x0];
	_ =	sdelay $0x4  }
0x1f: {  	v4 =	vshll.u32 v3, $0x3  }
0x20: {  	v3 =	vand.u32 $0x7, v3;
	v4 =	vand.u32 $0xFFFFFFC0, v4  }
0x21: {  	v3 =	vor.u32 v3, v4  }
0x22: {  	v4 =	vperm.xlane v3, v0;
	_ =	sdelay $0x1  }
0x23: {  	v4 =	vadd.s32 v1, v4;
	_ =	sdelay $0x4  }
0x24: {  	[tilespmem:s9], [sflag:$0x1] =	stream.indirect_vreg.gather [hbm4b:s1+s3], $0x80, v4, vm0, $0xb8;
	[tilespmem:$0x10080] =	vst v63  }
0x25: {  	s0 =	rddreg [dreg:$0x6];
	v3 =	vperm.xlane v3, v2  }
0x26: {  	[tilespmem:s0], [sflag:$0x1] =	stream.indirect_vreg.gather [hbm4b:s4+s3], $0x80, v4, vm0, $0xb8;
	[tilespmem:$0x10080] =	vst v63  }
0x27: {  	s10 =	rddreg [dreg:$0x7];
	v3 =	vadd.s32 v1, v3  }
0x28: {  	[tilespmem:s10], [sflag:$0x1] =	stream.indirect_vreg.gather [hbm4b:s5+s3], $0x80, v4, vm0, $0xb8;
	[tilespmem:$0x10080] =	vst v63  }
0x29: {  	s0 =	rddreg [dreg:$0x8]  }
0x2a: {  	[tilespmem:s0], [sflag:$0x1] =	stream.indirect_vreg.gather [hbm4b:s6+s3], $0x80, v4, vm0, $0xb8;
	[tilespmem:$0x10080] =	vst v63  }
0x2b: {  	s10 =	rddreg [dreg:$0x9]  }
0x2c: {  	[tilespmem:s10], [sflag:$0x1] =	stream.indirect_vreg.gather [hbm4b:s1+s3], $0x80, v3, vm0, $0xb8;
	[tilespmem:$0x10080] =	vst v63  }
0x2d: {  	s0 =	rddreg [dreg:$0xa]  }
0x2e: {  	[tilespmem:s0], [sflag:$0x1] =	stream.indirect_vreg.gather [hbm4b:s4+s3], $0x80, v3, vm0, $0xb8;
	[tilespmem:$0x10080] =	vst v63  }
0x2f: {  	s10 =	rddreg [dreg:$0xb]  }
0x30: {  	[tilespmem:s10], [sflag:$0x1] =	stream.indirect_vreg.gather [hbm4b:s5+s3], $0x80, v3, vm0, $0xb8;
	[tilespmem:$0x10080] =	vst v63  }
0x31: {  	s0 =	rddreg [dreg:$0xc]  }
0x32: {  	[tilespmem:s0], [sflag:$0x1] =	stream.indirect_vreg.gather [hbm4b:s6+s3], $0x80, v3, vm0, $0xb8;
	[tilespmem:$0x10080] =	vst v63  }
0x33: {  	v3 =	vld [tilespmem:$0x10];
	_ =	sdelay $0x4  }
0x34: {  	v61 =	vshll.u32 v3, $0x3  }
0x35: {  	v3 =	vand.u32 $0x7, v3;
	v4 =	vand.u32 $0xFFFFFFC0, v61  }
0x36: {  	v3 =	vor.u32 v3, v4  }
0x37: {  	v4 =	vperm.xlane v3, v0;
	_ =	sdelay $0x1  }
0x38: {  	v4 =	vadd.s32 v1, v4;
	_ =	sdelay $0x3  }
0x39: {  	s0 =	rddreg [dreg:$0xd]  }
0x3a: {  	[tilespmem:s0], [sflag:$0x1] =	stream.indirect_vreg.gather [hbm4b:s1+s3], $0x80, v4, vm0, $0xb8;
	[tilespmem:$0x10080] =	vst v63  }
0x3b: {  	s10 =	rddreg [dreg:$0xe];
	v3 =	vperm.xlane v3, v2  }
0x3c: {  	[tilespmem:s10], [sflag:$0x1] =	stream.indirect_vreg.gather [hbm4b:s4+s3], $0x80, v4, vm0, $0xb8;
	[tilespmem:$0x10080] =	vst v63  }
0x3d: {  	v3 =	vadd.s32 v1, v3;
	s0 =	rddreg [dreg:$0xf]  }
0x3e: {  	[tilespmem:s0], [sflag:$0x1] =	stream.indirect_vreg.gather [hbm4b:s5+s3], $0x80, v4, vm0, $0xb8;
	[tilespmem:$0x10080] =	vst v63  }
0x3f: {  	s10 =	simm.s32 $0x5880  }
0x40: {  	[tilespmem:s10], [sflag:$0x1] =	stream.indirect_vreg.gather [hbm4b:s6+s3], $0x80, v4, vm0, $0xb8;
	[tilespmem:$0x10080] =	vst v63  }
0x41: {  	_ = 	snop  }
0x42: {  	[tilespmem:s11], [sflag:$0x1] =	stream.indirect_vreg.gather [hbm4b:s1+s3], $0x80, v3, vm0, $0xb8;
	[tilespmem:$0x10080] =	vst v63  }
0x43: {  	_ = 	snop  }
0x44: {  	[tilespmem:s12], [sflag:$0x1] =	stream.indirect_vreg.gather [hbm4b:s4+s3], $0x80, v3, vm0, $0xb8;
	[tilespmem:$0x10080] =	vst v63  }
0x45: {  	_ = 	snop  }
0x46: {  	[tilespmem:s13], [sflag:$0x1] =	stream.indirect_vreg.gather [hbm4b:s5+s3], $0x80, v3, vm0, $0xb8;
	[tilespmem:$0x10080] =	vst v63  }
0x47: {  	_ = 	snop  }
0x48: {  	[tilespmem:s14], [sflag:$0x1] =	stream.indirect_vreg.gather [hbm4b:s6+s3], $0x80, v3, vm0, $0xb8;
	[tilespmem:$0x10080] =	vst v63  }
0x49: {  	v3 =	vld [tilespmem:$0x20];
	_ =	sdelay $0x4  }
0x4a: {  	v62 =	vshll.u32 v3, $0x3  }
0x4b: {  	v3 =	vand.u32 $0x7, v3;
	v4 =	vand.u32 $0xFFFFFFC0, v62  }
0x4c: {  	v3 =	vor.u32 v3, v4  }
0x4d: {  	v4 =	vperm.xlane v3, v0;
	_ =	sdelay $0x1  }
0x4e: {  	v4 =	vadd.s32 v1, v4;
	_ =	sdelay $0x4  }
0x4f: {  	[tilespmem:s15], [sflag:$0x1] =	stream.indirect_vreg.gather [hbm4b:s1+s3], $0x80, v4, vm0, $0xb8;
	[tilespmem:$0x10080] =	vst v63  }
0x50: {  	v3 =	vperm.xlane v3, v2  }
0x51: {  	[tilespmem:s16], [sflag:$0x1] =	stream.indirect_vreg.gather [hbm4b:s4+s3], $0x80, v4, vm0, $0xb8;
	[tilespmem:$0x10080] =	vst v63  }
0x52: {  	v3 =	vadd.s32 v1, v3  }
0x53: {  	[tilespmem:s17], [sflag:$0x1] =	stream.indirect_vreg.gather [hbm4b:s5+s3], $0x80, v4, vm0, $0xb8;
	[tilespmem:$0x10080] =	vst v63  }
0x54: {  	_ = 	snop  }
0x55: {  	[tilespmem:s18], [sflag:$0x1] =	stream.indirect_vreg.gather [hbm4b:s6+s3], $0x80, v4, vm0, $0xb8;
	[tilespmem:$0x10080] =	vst v63  }
0x56: {  	_ = 	snop  }
0x57: {  	[tilespmem:s19], [sflag:$0x1] =	stream.indirect_vreg.gather [hbm4b:s1+s3], $0x80, v3, vm0, $0xb8;
	[tilespmem:$0x10080] =	vst v63  }
0x58: {  	_ = 	snop  }
0x59: {  	[tilespmem:s20], [sflag:$0x1] =	stream.indirect_vreg.gather [hbm4b:s4+s3], $0x80, v3, vm0, $0xb8;
	[tilespmem:$0x10080] =	vst v63  }
0x5a: {  	_ = 	snop  }
0x5b: {  	[tilespmem:s21], [sflag:$0x1] =	stream.indirect_vreg.gather [hbm4b:s5+s3], $0x80, v3, vm0, $0xb8;
	[tilespmem:$0x10080] =	vst v63  }
0x5c: {  	_ = 	snop  }
0x5d: {  	[tilespmem:s22], [sflag:$0x1] =	stream.indirect_vreg.gather [hbm4b:s6+s3], $0x80, v3, vm0, $0xb8;
	[tilespmem:$0x10080] =	vst v63  }
0x5e: {  	v3 =	vld [tilespmem:$0x30];
	_ =	sdelay $0x4  }
0x5f: {  	v63 =	vshll.u32 v3, $0x3  }
0x60: {  	v3 =	vand.u32 $0x7, v3;
	v4 =	vand.u32 $0xFFFFFFC0, v63  }
0x61: {  	v3 =	vor.u32 v3, v4  }
0x62: {  	v4 =	vperm.xlane v3, v0;
	_ =	sdelay $0x1  }
0x63: {  	v4 =	vadd.s32 v1, v4;
	_ =	sdelay $0x4  }
0x64: {  	[tilespmem:s23], [sflag:$0x1] =	stream.indirect_vreg.gather [hbm4b:s1+s3], $0x80, v4, vm0, $0xb8;
	[tilespmem:$0x10080] =	vst v63  }
0x65: {  	v3 =	vperm.xlane v3, v2  }
0x66: {  	[tilespmem:s24], [sflag:$0x1] =	stream.indirect_vreg.gather [hbm4b:s4+s3], $0x80, v4, vm0, $0xb8;
	[tilespmem:$0x10080] =	vst v63  }
0x67: {  	v3 =	vadd.s32 v1, v3  }
0x68: {  	[tilespmem:s25], [sflag:$0x1] =	stream.indirect_vreg.gather [hbm4b:s5+s3], $0x80, v4, vm0, $0xb8;
	[tilespmem:$0x10080] =	vst v63  }
0x69: {  	_ = 	snop  }
0x6a: {  	[tilespmem:s26], [sflag:$0x1] =	stream.indirect_vreg.gather [hbm4b:s6+s3], $0x80, v4, vm0, $0xb8;
	[tilespmem:$0x10080] =	vst v63  }
0x6b: {  	_ = 	snop  }
0x6c: {  	[tilespmem:s28], [sflag:$0x1] =	stream.indirect_vreg.gather [hbm4b:s1+s3], $0x80, v3, vm0, $0xb8;
	[tilespmem:$0x10080] =	vst v63  }
0x6d: {  	_ = 	snop  }
0x6e: {  	[tilespmem:s29], [sflag:$0x1] =	stream.indirect_vreg.gather [hbm4b:s4+s3], $0x80, v3, vm0, $0xb8;
	[tilespmem:$0x10080] =	vst v63  }
0x6f: {  	_ = 	snop  }
0x70: {  	[tilespmem:s30], [sflag:$0x1] =	stream.indirect_vreg.gather [hbm4b:s5+s3], $0x80, v3, vm0, $0xb8;
	[tilespmem:$0x10080] =	vst v63  }
0x71: {  	_ = 	snop  }
0x72: {  	[tilespmem:s31], [sflag:$0x1] =	stream.indirect_vreg.gather [hbm4b:s6+s3], $0x80, v3, vm0, $0xb8;
	[tilespmem:$0x10080] =	vst v63  }
0x73: {  	_ =	swait.ge [sflag:s2], $0x10000  }
0x74: {  	p0 =	sne.s32 s7, $0x1;
	[sflag:s2] =	ssyncset.done $0x0  }
.Ltmp0:
0x75: {  	s10 =	rddreg [dreg:$0x5];
	[sflag:s2] =	ssyncadd.s32 $0xFFFF0000;
	(pc) =	sbr.rel @p0 .LBB2_1-.Ltmp0, $4  }
0x76: {  	[hbm4b:s10+s3] =	stream.linear.scatter [tilespmem:s9], [sflag:$0x2], $0x10000, $0x38;
	[tilespmem:$0x10080] =	vst v63  }
0x77: {  	_ =	swait.ge [sflag:s8], $0x10000  }
0x78: {  	[sflag:s8] =	ssyncset.done $0x0  }
0x79: {  	s7 =	sadd.s32 $0xFFFFFFFF, s7;
	[sflag:s8] =	ssyncadd.s32 $0xFFFF0000  }
0x7a: {  	_ =	sfence.sel $0x180000  }
0x7b: {  	[bflag:$0x0] =	sbarrier.arrive $0xFFFF  }
0x7c: {  	_ =	strace $0x90000050  }
0x7d: {  	s0 =	stileid.u32;
	[bflag:$0x2] =	sbarrier.arrive $0xFFFF  }
0x7e: {  	p0 =	sne.s32 s0, $0x0;
	s0 =	rddreg [dreg:$0x3]  }
0x7f: {  	s0 =	sadd.s32 @!p0 $0x100000, s0  }
0x80: {  	[sflag:s0] =	ssyncadd.tile.s32 @!p0 $0x1;
	_ =	shalt  }
.Lfunc_end2:
_tile_overlayer_lowered:
.L_overlay_start_2:
0x81: {  	(tag) =	ssettag $0x2  }
0x82: {  	s0 =	rddreg [dreg:$0x0];
	s2 =	stileid.u32  }
0x83: {  	s1 =	rddreg [dreg:$0x1];
	p0 =	sne.s32 s2, $0x0  }
0x84: {  	s3 =	rddreg [dreg:$0x2];
	[bflag:$0x3] =	sbarrier.arrive $0xFFFF;
	s2 =	simm.s32 @!p0 $0x1C02  }
0x85: {  	[timem:s3], [sflag:s2] =	dma.local @!p0 [hbm:s0], s1  }
0x86: {  	s0 =	simm.s32 @!p0 $0x2  }
0x87: {  	_ =	swait.ge @!p0 [sflag:s0], s1  }
0x88: {  	s1 =	ssub.s32 @!p0 $0x0, s1;
	[sflag:s0] =	ssyncset.done @!p0 $0x0  }
0x89: {  	[sflag:s0] =	ssyncadd.s32 @!p0 s1  }
0x8a: {  	[bflag:$0x3] =	sbarrier.arrive $0xFFFF  }
0x8b: {  	_ =	shalt  }

// kernel: kernel.33.cloned.1.call-start
scs
__scs_entry_jumppad:
0x0: {  	(pc) =	sbr.rel $0x88, $3  }
0x1: {  	(tag) =	ssettag $0x0;
	lr =	simm.s32 $0x1  }
0x2: {  	[smem:$0x3F97] =	sst lr;
	_ =	strace $0xD0000000  }
0x3: {  	_ = 	snop  }
0x4: {  	_ = 	snop  }
0x5: {  	_ = 	snop  }
0x6: {  	_ = 	snop  }
0x7: {  	_ = 	snop  }
__scs_overlays_trampoline_lowered:
0x8: {  	[smem:$0x3FA6] =	sst s0  }
0x9: {  	[smem:$0x3FA7] =	sst s1  }
0xa: {  	[smem:$0x3FA8] =	sst s2  }
0xb: {  	[smem:$0x3FA9] =	sst s3  }
0xc: {  	[smem:$0x3FAA] =	sst s4  }
0xd: {  	[smem:$0x3FAB] =	sst s5  }
0xe: {  	[smem:$0x3FAC] =	sst s6  }
0xf: {  	[smem:$0x3FAD] =	sst s7  }
0x10: {  	[smem:$0x3FAE] =	sst s8  }
0x11: {  	[smem:$0x3FAF] =	sst s9;
	s0 =	simm.s32 @!p0 $0x0  }
0x12: {  	s1 =	sld [smem:$0x3F95];
	s0 =	simm.s32 @p0 $0x1  }
0x13: {  	[smem:$0x3FB0] =	sst s0;
	s0 =	simm.s32 @!p1 $0x0  }
0x14: {  	s2 =	sld [smem:$0x3F94];
	s0 =	simm.s32 @p1 $0x1  }
0x15: {  	[smem:$0x3FB1] =	sst s0;
	s0 =	simm.s32 @!p2 $0x0  }
0x16: {  	s3 =	sld [smem:$0x3FDB];
	s0 =	simm.s32 @p2 $0x1  }
0x17: {  	s4 =	simm.s32 $0x1BF5;
	[smem:$0x3FB3] =	sst s0  }
0x18: {  	s0 =	sld [smem:$0x3F96];
	_ =	swait.ge [sflag:s4], $0x0  }
0x19: {  	s7 =	sld [smem:$0x3F97]  }
0x1a: {  	s8 =	sadd.s32 $0xFFFFE003, lr  }
0x1b: {  	s9 =	sadd.s32 $0xFFFFFEF7, lr;
	s5 =	simm.s32 $0xFFFFFFFF;
	p2 =	slt.u32 s8, $0xFFFFF086  }
0x1c: {  	p1 =	slt.u32 s9, $0xF7A;
	s5 =	simm.s32 @!p2 $0x0  }
0x1d: {  	s5 =	simm.s32 @p1 $0x1;
	p0 =	seq.s32 s7, s2  }
0x1e: {  	s7 =	smul.u32 @!p0 $0xF7A, s2;
	p2 =	seq.s32 @!p0 s5, $0x0  }
0x1f: {  	s9 =	smul.u32 $0xF7A, s1;
	s8 =	simm.s32 @!p0 $0x1BF5;
	p2 =	por !p2, p0  }
0x20: {  	[sflag:s8] =	ssyncset.s32 @!p0 $0xFFFFF086;
	s6 =	sadd.s32 @!p0 s3, s7;
	s7 =	simm.s32 @!p0 $0x108  }
0x21: {  	s3 =	sadd.s32 s3, s9;
	s6 =	sadd.s32 @!p0 $0x88, s6;
	s7 =	simm.s32 @p2 $0x1082  }
0x22: {  	[simem:s7], [sflag:s8] =	dma.local @!p0 [hbm:s6], $0xF7A  }
0x23: {  	s9 =	sor.u32 $0xD0000000, s2;
	s6 =	simm.s32 $0x108;
	_ =	swait.ge @!p0 [sflag:s8], $0x0  }
0x24: {  	s3 =	sadd.s32 $0x88, s3;
	s6 =	simm.s32 @!p1 $0x1082;
	[sflag:s4] =	ssyncset.s32 $0xFFFFF086  }
0x25: {  	[simem:s6], [sflag:s4] =	dma.local [hbm:s3], $0xF7A  }
0x26: {  	[smem:$0x3F97] =	sst s1;
	(tag) =	ssettag s2;
	_ =	strace s9  }
0x27: {  	s1 =	sld [smem:$0x3FA7]  }
0x28: {  	s2 =	sld [smem:$0x3FA8]  }
0x29: {  	s4 =	sld [smem:$0x3FAA]  }
0x2a: {  	p0 =	seq.s32 s5, $0x0;
	s5 =	sld [smem:$0x3FAB]  }
0x2b: {  	s6 =	sld [smem:$0x3FAC]  }
0x2c: {  	s7 =	sld [smem:$0x3FAD]  }
0x2d: {  	s3 =	simm.s32 $0x108;
	s8 =	sld [smem:$0x3FAE]  }
0x2e: {  	s3 =	simm.s32 @!p0 $0x1082;
	s9 =	sld [smem:$0x3FAF]  }
0x2f: {  	lr =	sadd.s32 s0, s3;
	s0 =	sld [smem:$0x3FA6]  }
0x30: {  	s3 =	sld [smem:$0x3FA9]  }
0x31: {  	[smem:$0x3FB2] =	sst s10  }
0x32: {  	s10 =	sld [smem:$0x3FB0];
	_ =	sdelay $0x3  }
0x33: {  	p0 =	seq.s32 s10, $0x1;
	s10 =	sld [smem:$0x3FB2];
	_ =	sdelay $0x3  }
0x34: {  	[smem:$0x3FB2] =	sst s10  }
0x35: {  	s10 =	sld [smem:$0x3FB1];
	_ =	sdelay $0x3  }
0x36: {  	p1 =	seq.s32 s10, $0x1;
	s10 =	sld [smem:$0x3FB2];
	_ =	sdelay $0x3  }
0x37: {  	[smem:$0x3FB2] =	sst s10  }
0x38: {  	s10 =	sld [smem:$0x3FB3]  }
0x39: {  	_ = 	snop;
	(pc) =	sbr.ind lr, $3  }
0x3a: {  	_ = 	snop  }
0x3b: {  	_ = 	snop  }
0x3c: {  	p2 =	seq.s32 s10, $0x1;
	s10 =	sld [smem:$0x3FB2]  }
0x3d: {  	_ =	shalt  }
0x3e: {  	_ =	shalt  }
0x3f: {  	_ =	shalt  }
0x40: {  	_ =	shalt  }
0x41: {  	_ =	shalt  }
0x42: {  	_ =	shalt  }
0x43: {  	_ =	shalt  }
0x44: {  	_ =	shalt  }
0x45: {  	_ =	shalt  }
0x46: {  	_ =	shalt  }
0x47: {  	_ =	shalt  }
0x48: {  	_ =	shalt  }
0x49: {  	_ =	shalt  }
0x4a: {  	_ =	shalt  }
0x4b: {  	_ =	shalt  }
0x4c: {  	_ =	shalt  }
0x4d: {  	_ =	shalt  }
0x4e: {  	_ =	shalt  }
0x4f: {  	_ =	shalt  }
0x50: {  	_ =	shalt  }
0x51: {  	_ =	shalt  }
0x52: {  	_ =	shalt  }
0x53: {  	_ =	shalt  }
0x54: {  	_ =	shalt  }
0x55: {  	_ =	shalt  }
0x56: {  	_ =	shalt  }
0x57: {  	_ =	shalt  }
0x58: {  	_ =	shalt  }
0x59: {  	_ =	shalt  }
0x5a: {  	_ =	shalt  }
0x5b: {  	_ =	shalt  }
0x5c: {  	_ =	shalt  }
0x5d: {  	_ =	shalt  }
0x5e: {  	_ =	shalt  }
0x5f: {  	_ =	shalt  }
0x60: {  	_ =	shalt  }
0x61: {  	_ =	shalt  }
0x62: {  	_ =	shalt  }
0x63: {  	_ =	shalt  }
0x64: {  	_ =	shalt  }
0x65: {  	_ =	shalt  }
0x66: {  	_ =	shalt  }
0x67: {  	_ =	shalt  }
0x68: {  	_ =	shalt  }
0x69: {  	_ =	shalt  }
0x6a: {  	_ =	shalt  }
0x6b: {  	_ =	shalt  }
0x6c: {  	_ =	shalt  }
0x6d: {  	_ =	shalt  }
0x6e: {  	_ =	shalt  }
0x6f: {  	_ =	shalt  }
0x70: {  	_ =	shalt  }
0x71: {  	_ =	shalt  }
0x72: {  	_ =	shalt  }
0x73: {  	_ =	shalt  }
0x74: {  	_ =	shalt  }
0x75: {  	_ =	shalt  }
0x76: {  	_ =	shalt  }
0x77: {  	_ =	shalt  }
0x78: {  	_ =	shalt  }
0x79: {  	_ =	shalt  }
0x7a: {  	_ =	shalt  }
0x7b: {  	_ =	shalt  }
0x7c: {  	_ =	shalt  }
0x7d: {  	_ =	shalt  }
0x7e: {  	_ =	shalt  }
0x7f: {  	_ =	shalt  }
0x80: {  	_ =	shalt  }
0x81: {  	_ =	shalt  }
0x82: {  	_ =	shalt  }
0x83: {  	_ =	shalt  }
0x84: {  	_ =	shalt  }
0x85: {  	_ =	shalt  }
0x86: {  	_ =	shalt  }
0x87: {  	_ =	shalt  }
.Lfunc_end0:
.L_simem_size_0:
called_computation.4_lowered:
.L_overlay_start_0:
0x88: {  	s2 =	sld [smem:$0x3FD9]  }
0x89: {  	s3 =	sld [smem:$0x3FFE];
	_ =	sdelay $0x1  }
0x8a: {  	s1 =	srdreg.scid  }
0x8b: {  	s0 =	sand.u32 $0x1, s1  }
0x8c: {  	s14 =	sshll.u32 s0, $0xA;
	s2 =	sadd.s32 s3, s2  }
0x8d: {  	s2 =	sadd.s32 s2, s14  }
0x8e: {  	[smem:$0x3FBE] =	sst s2  }
0x8f: {  	_ = 	snop  }
0x90: {  	s2 =	sld [smem:$0x3FD0];
	_ =	sdelay $0x2  }
0x91: {  	s4 =	simm.s32 $0xA;
	s5 =	simm.s32 $0x10;
	s15 =	sld [smem:$0x3FC4]  }
0x92: {  	[smem:s5], [sflag:s4] =	dma.local [hbm:s2], $0x1  }
0x93: {  	_ =	swait.eq [sflag:s4], $0x1  }
0x94: {  	[sflag:s4] =	ssyncset.done $0x0  }
0x95: {  	[sflag:s4] =	ssyncadd.s32 $0xFFFFFFFF  }
0x96: {  	s16 =	sld [smem:$0x11];
	(tm) =	ssettm $0x1  }
0x97: {  	s17 =	sld [smem:$0x3FFB];
	_ =	sdelay $0x3  }
0x98: {  	_ =	strace s17  }
0x99: {  	s4 =	sld [smem:$0x3FFC];
	_ =	sdelay $0x3  }
0x9a: {  	_ =	strace s4  }
0x9b: {  	s4 =	sld [smem:$0x3FFD];
	_ =	sdelay $0x3  }
0x9c: {  	_ =	strace s4  }
0x9d: {  	_ =	strace $0x8FFFFFFF  }
0x9e: {  	s18 =	sld [smem:$0x3FDB];
	_ =	sdelay $0x1  }
0x9f: {  	s19 =	simm.s32 $_scs_section_size  }
0xa0: {  	s6 =	simm.s32 $_size__tile_overlayer_lowered;
	s7 =	simm.s32 $_tile_overlayer_lowered  }
0xa1: {  	s22 =	simm.s32 $0x1BFF;
	s21 =	sshll.u32 s7, $0x1;
	s4 =	sadd.s32 s19, s18  }
0xa2: {  	s8 =	simm.s32 $0x0;
	s20 =	sshll.u32 s6, $0x1;
	s6 =	sadd.s32 s21, s4  }
0xa3: {  	[timem:s8], [sflag:s22] =	dma.local [hbm:s6], s20  }
0xa4: {  	_ =	swait.ge [sflag:s22], s20  }
0xa5: {  	s5 =	ssub.s32 $0x0, s20;
	[sflag:s22] =	ssyncset.done $0x0  }
0xa6: {  	[sflag:s22] =	ssyncadd.s32 s5;
	_ =	sdelay $0x1  }
0xa7: {  	s23 =	simm.s32 $0x1B8B  }
0xa8: {  	_ =	swait.ge [sflag:s23], $0x1  }
0xa9: {  	[sflag:s23] =	ssyncset.done $0x0  }
0xaa: {  	s25 =	simm.s32 $0x1B8E;
	s24 =	sld [smem:$0x3FFE];
	[sflag:s23] =	ssyncadd.s32 $0xFFFFFFFF  }
0xab: {  	s26 =	simm.s32 $execute0_lowered;
	[smem:$0x3FD2] =	sst s25  }
0xac: {  	s6 =	sshll.u32 s26, $0x1;
	_ =	strace $0x80000052;
	[dreg:$0x1] =	wrdreg $0xFFFFFFFF  }
0xad: {  	s28 =	simm.s32 $_size_execute0_lowered;
	s4 =	sadd.s32 s4, s6;
	[dreg:$0x0] =	wrdreg $0x0  }
0xae: {  	s6 =	sshll.u32 s28, $0x1;
	[dreg:$0x2] =	wrdreg s4  }
0xaf: {  	[dreg:$0x3] =	wrdreg s6  }
0xb0: {  	[dreg:$0x4] =	wrdreg $0xC0  }
0xb1: {  	_ =	task [dreg:s8], $0x5FFFF  }
0xb2: {  	[dreg:$0x1] =	wrdreg $0xFFFFFFFF  }
0xb3: {  	[dreg:$0x0] =	wrdreg $0x60  }
0xb4: {  	[dreg:$0x2] =	wrdreg s15  }
0xb5: {  	[dreg:$0x3] =	wrdreg s16  }
0xb6: {  	[dreg:$0x4] =	wrdreg s24  }
0xb7: {  	[dreg:$0x5] =	wrdreg $0x9  }
0xb8: {  	_ =	task.clear_ibuf [dreg:s8], $0x6FFFF;
	_ =	strace $0x90000052  }
0xb9: {  	s29 =	simm.s32 $0x9;
	_ =	strace $0x80000054  }
0xba: {  	_ =	swait.ge [sflag:s29], $0x1  }
0xbb: {  	[sflag:s29] =	ssyncadd.s32 $0xFFFFFFFF  }
0xbc: {  	_ =	strace $0x90000054  }
0xbd: {  	_ =	sfence  }
0xbe: {  	s30 =	sld [smem:$0x0];
	_ =	sdelay $0x2  }
0xbf: {  	s31 =	sshll.u32 s1, $0xD;
	s1 =	sshrl.u32 s1, $0x2  }
0xc0: {  	s3 =	sand.u32 $0x4000, s31;
	s1 =	sadd.s32 s1, s30  }
0xc1: {  	s0 =	sor.u32 s3, s0;
	s1 =	sshll.u32 s1, $0x11  }
0xc2: {  	s0 =	sor.u32 s1, s0  }
0xc3: {  	s0 =	sadd.s32 $0x8F2B, s0  }
0xc4: {  	[sflag:s0] =	ssyncadd.remote.s32 $0x1  }
0xc5: {  	_ =	sfence.sel $0xFFFF  }
0xc6: {  	[dreg:$0x0] =	wrdreg $0xFFFFFFFF;
	(pc) =	sbr.abs _section_cstart, $3  }
0xc7: {  	[dreg:$0x1] =	wrdreg $0xFFFFFFFF  }
0xc8: {  	_ =	task.clear_ibuf [dreg:s8], $0x2FFFF;
	_ =	strace $0x9FFFFFFF  }
0xc9: {  	(tm) =	ssettm $0x7FFFFFFF  }
tec
execute0_lowered:
.L_overlay_start_1:
0x0: {  	(tag) =	ssettag $0x1  }
0x1: {  	s1 =	rddreg [dreg:$0x0]  }
0x2: {  	s2 =	srdreg.scid;
	s4 =	rddreg [dreg:$0x1]  }
0x3: {  	s0 =	stileid.u32;
	s5 =	rddreg [dreg:$0x2];
	s3 =	simm.s32 $0x0  }
0x4: {  	s17 =	simm.s32 $0x880;
	s18 =	simm.s32 $0x1080;
	s19 =	simm.s32 $0x1880  }
0x5: {  	s21 =	simm.s32 $0x2080;
	s22 =	simm.s32 $0x2880;
	s23 =	simm.s32 $0x3080  }
0x6: {  	s24 =	simm.s32 $0x3880;
	s8 =	simm.s32 $0x4080;
	[smem:$0x7FF] =	sst s3  }
0x7: {  	s25 =	simm.s32 $0x4880;
	_ =	strace $0x80000053;
	[dreg:$0x6] =	wrdreg s17  }
0x8: {  	s26 =	simm.s32 $0x5080;
	s9 =	simm.s32 $0x80;
	[dreg:$0x7] =	wrdreg s18  }
0x9: {  	s11 =	simm.s32 $0x6080;
	s12 =	simm.s32 $0x6880;
	[dreg:$0x8] =	wrdreg s19  }
0xa: {  	s13 =	simm.s32 $0x7080;
	s14 =	simm.s32 $0x7880;
	[dreg:$0x9] =	wrdreg s21  }
0xb: {  	s15 =	simm.s32 $0x8080;
	s28 =	simm.s32 $0xE080;
	[dreg:$0xa] =	wrdreg s22  }
0xc: {  	s29 =	simm.s32 $0xE880;
	s30 =	simm.s32 $0xF080;
	[dreg:$0xb] =	wrdreg s23  }
0xd: {  	s31 =	simm.s32 $0xF880;
	s2 =	sand.u32 $0x1, s2;
	[dreg:$0xc] =	wrdreg s24  }
0xe: {  	s6 =	sshll.u32 s0, $0x7;
	s7 =	sshll.u32 s2, $0x6;
	[dreg:$0xd] =	wrdreg s8  }
0xf: {  	s2 =	ssub.s32 $0x2, s2;
	s8 =	simm.s32 $0x2;
	[dreg:$0xe] =	wrdreg s25  }
0x10: {  	[dreg:$0xf] =	wrdreg s26;
	s17 =	simm.s32 $0x9080;
	s18 =	simm.s32 $0x9880  }
0x11: {  	s19 =	simm.s32 $0xA080;
	s21 =	simm.s32 $0xB080;
	s22 =	simm.s32 $0xB880  }
0x12: {  	s23 =	simm.s32 $0xC080;
	s24 =	simm.s32 $0xC880;
	s25 =	simm.s32 $0xD080  }
0x13: {  	s26 =	simm.s32 $0xD880;
	s6 =	sor.u32 s7, s6;
	s20 =	sshrl.u32 s2, $0x1  }
0x14: {  	s7 =	sshll.u32 s6, $0x7;
	s6 =	sshrl.u32 s6, $0x3;
	s2 =	ssub.s32 s2, s20  }
0x15: {  	s20 =	simm.s32 $0xA880;
	s5 =	sadd.s32 s7, s5;
	s4 =	sadd.s32 s4, s6  }
0x16: {  	v2 =	vlaneseq.u32;
	s6 =	sadd.s32 $0x300, s1;
	s7 =	smax.u32 s2, $0x1;
	s2 =	simm.s32 $0x1  }
0x17: {  	vm0 =	vmmov $0xffff;
	v1 =	vshrl.u32 v2, $0x3;
	[dreg:$0x4] =	wrdreg s4;
	s16 =	sadd.s32 $0xC5E00, s5;
	s4 =	sadd.s32 $0x100, s1  }
0x18: {  	v0 =	vand.u32 $0x7, v2;
	v2 =	vor.u32 $0x8, v2;
	v1 =	vmul.u32 $0x8, v1;
	s5 =	sadd.s32 $0x200, s1;
	[dreg:$0x5] =	wrdreg s16;
	s16 =	simm.s32 $0x8880  }
.LBB2_1:
0x19: {  	s0 =	rddreg [dreg:$0x4]  }
0x1a: {  	[tilespmem:s3], [sflag:$0x2] =	stream.linear.gather [hbm4b:s0+s3], $0x40, $0x38;
	[tilespmem:$0x10080] =	vst v63  }
0x1b: {  	_ =	swait.ge [sflag:s8], $0x40  }
0x1c: {  	[sflag:s8] =	ssyncset.done $0x0  }
0x1d: {  	[sflag:s8] =	ssyncadd.s32 $0xFFFFFFC0  }
0x1e: {  	v3 =	vld [tilespmem:$0x0];
	_ =	sdelay $0x4  }
0x1f: {  	v4 =	vshll.u32 v3, $0x3  }
0x20: {  	v3 =	vand.u32 $0x7, v3;
	v4 =	vand.u32 $0xFFFFFFC0, v4  }
0x21: {  	v3 =	vor.u32 v3, v4  }
0x22: {  	v4 =	vperm.xlane v3, v0;
	_ =	sdelay $0x1  }
0x23: {  	v4 =	vadd.s32 v1, v4;
	_ =	sdelay $0x4  }
0x24: {  	[tilespmem:s9], [sflag:$0x1] =	stream.indirect_vreg.gather [hbm4b:s1+s3], $0x80, v4, vm0, $0xb8;
	[tilespmem:$0x10080] =	vst v63  }
0x25: {  	s0 =	rddreg [dreg:$0x6];
	v3 =	vperm.xlane v3, v2  }
0x26: {  	[tilespmem:s0], [sflag:$0x1] =	stream.indirect_vreg.gather [hbm4b:s4+s3], $0x80, v4, vm0, $0xb8;
	[tilespmem:$0x10080] =	vst v63  }
0x27: {  	s10 =	rddreg [dreg:$0x7];
	v3 =	vadd.s32 v1, v3  }
0x28: {  	[tilespmem:s10], [sflag:$0x1] =	stream.indirect_vreg.gather [hbm4b:s5+s3], $0x80, v4, vm0, $0xb8;
	[tilespmem:$0x10080] =	vst v63  }
0x29: {  	s0 =	rddreg [dreg:$0x8]  }
0x2a: {  	[tilespmem:s0], [sflag:$0x1] =	stream.indirect_vreg.gather [hbm4b:s6+s3], $0x80, v4, vm0, $0xb8;
	[tilespmem:$0x10080] =	vst v63  }
0x2b: {  	s10 =	rddreg [dreg:$0x9]  }
0x2c: {  	[tilespmem:s10], [sflag:$0x1] =	stream.indirect_vreg.gather [hbm4b:s1+s3], $0x80, v3, vm0, $0xb8;
	[tilespmem:$0x10080] =	vst v63  }
0x2d: {  	s0 =	rddreg [dreg:$0xa]  }
0x2e: {  	[tilespmem:s0], [sflag:$0x1] =	stream.indirect_vreg.gather [hbm4b:s4+s3], $0x80, v3, vm0, $0xb8;
	[tilespmem:$0x10080] =	vst v63  }
0x2f: {  	s10 =	rddreg [dreg:$0xb]  }
0x30: {  	[tilespmem:s10], [sflag:$0x1] =	stream.indirect_vreg.gather [hbm4b:s5+s3], $0x80, v3, vm0, $0xb8;
	[tilespmem:$0x10080] =	vst v63  }
0x31: {  	s0 =	rddreg [dreg:$0xc]  }
0x32: {  	[tilespmem:s0], [sflag:$0x1] =	stream.indirect_vreg.gather [hbm4b:s6+s3], $0x80, v3, vm0, $0xb8;
	[tilespmem:$0x10080] =	vst v63  }
0x33: {  	v3 =	vld [tilespmem:$0x10];
	_ =	sdelay $0x4  }
0x34: {  	v61 =	vshll.u32 v3, $0x3  }
0x35: {  	v3 =	vand.u32 $0x7, v3;
	v4 =	vand.u32 $0xFFFFFFC0, v61  }
0x36: {  	v3 =	vor.u32 v3, v4  }
0x37: {  	v4 =	vperm.xlane v3, v0;
	_ =	sdelay $0x1  }
0x38: {  	v4 =	vadd.s32 v1, v4;
	_ =	sdelay $0x3  }
0x39: {  	s0 =	rddreg [dreg:$0xd]  }
0x3a: {  	[tilespmem:s0], [sflag:$0x1] =	stream.indirect_vreg.gather [hbm4b:s1+s3], $0x80, v4, vm0, $0xb8;
	[tilespmem:$0x10080] =	vst v63  }
0x3b: {  	s10 =	rddreg [dreg:$0xe];
	v3 =	vperm.xlane v3, v2  }
0x3c: {  	[tilespmem:s10], [sflag:$0x1] =	stream.indirect_vreg.gather [hbm4b:s4+s3], $0x80, v4, vm0, $0xb8;
	[tilespmem:$0x10080] =	vst v63  }
0x3d: {  	v3 =	vadd.s32 v1, v3;
	s0 =	rddreg [dreg:$0xf]  }
0x3e: {  	[tilespmem:s0], [sflag:$0x1] =	stream.indirect_vreg.gather [hbm4b:s5+s3], $0x80, v4, vm0, $0xb8;
	[tilespmem:$0x10080] =	vst v63  }
0x3f: {  	s10 =	simm.s32 $0x5880  }
0x40: {  	[tilespmem:s10], [sflag:$0x1] =	stream.indirect_vreg.gather [hbm4b:s6+s3], $0x80, v4, vm0, $0xb8;
	[tilespmem:$0x10080] =	vst v63  }
0x41: {  	_ = 	snop  }
0x42: {  	[tilespmem:s11], [sflag:$0x1] =	stream.indirect_vreg.gather [hbm4b:s1+s3], $0x80, v3, vm0, $0xb8;
	[tilespmem:$0x10080] =	vst v63  }
0x43: {  	_ = 	snop  }
0x44: {  	[tilespmem:s12], [sflag:$0x1] =	stream.indirect_vreg.gather [hbm4b:s4+s3], $0x80, v3, vm0, $0xb8;
	[tilespmem:$0x10080] =	vst v63  }
0x45: {  	_ = 	snop  }
0x46: {  	[tilespmem:s13], [sflag:$0x1] =	stream.indirect_vreg.gather [hbm4b:s5+s3], $0x80, v3, vm0, $0xb8;
	[tilespmem:$0x10080] =	vst v63  }
0x47: {  	_ = 	snop  }
0x48: {  	[tilespmem:s14], [sflag:$0x1] =	stream.indirect_vreg.gather [hbm4b:s6+s3], $0x80, v3, vm0, $0xb8;
	[tilespmem:$0x10080] =	vst v63  }
0x49: {  	v3 =	vld [tilespmem:$0x20];
	_ =	sdelay $0x4  }
0x4a: {  	v62 =	vshll.u32 v3, $0x3  }
0x4b: {  	v3 =	vand.u32 $0x7, v3;
	v4 =	vand.u32 $0xFFFFFFC0, v62  }
0x4c: {  	v3 =	vor.u32 v3, v4  }
0x4d: {  	v4 =	vperm.xlane v3, v0;
	_ =	sdelay $0x1  }
0x4e: {  	v4 =	vadd.s32 v1, v4;
	_ =	sdelay $0x4  }
0x4f: {  	[tilespmem:s15], [sflag:$0x1] =	stream.indirect_vreg.gather [hbm4b:s1+s3], $0x80, v4, vm0, $0xb8;
	[tilespmem:$0x10080] =	vst v63  }
0x50: {  	v3 =	vperm.xlane v3, v2  }
0x51: {  	[tilespmem:s16], [sflag:$0x1] =	stream.indirect_vreg.gather [hbm4b:s4+s3], $0x80, v4, vm0, $0xb8;
	[tilespmem:$0x10080] =	vst v63  }
0x52: {  	v3 =	vadd.s32 v1, v3  }
0x53: {  	[tilespmem:s17], [sflag:$0x1] =	stream.indirect_vreg.gather [hbm4b:s5+s3], $0x80, v4, vm0, $0xb8;
	[tilespmem:$0x10080] =	vst v63  }
0x54: {  	_ = 	snop  }
0x55: {  	[tilespmem:s18], [sflag:$0x1] =	stream.indirect_vreg.gather [hbm4b:s6+s3], $0x80, v4, vm0, $0xb8;
	[tilespmem:$0x10080] =	vst v63  }
0x56: {  	_ = 	snop  }
0x57: {  	[tilespmem:s19], [sflag:$0x1] =	stream.indirect_vreg.gather [hbm4b:s1+s3], $0x80, v3, vm0, $0xb8;
	[tilespmem:$0x10080] =	vst v63  }
0x58: {  	_ = 	snop  }
0x59: {  	[tilespmem:s20], [sflag:$0x1] =	stream.indirect_vreg.gather [hbm4b:s4+s3], $0x80, v3, vm0, $0xb8;
	[tilespmem:$0x10080] =	vst v63  }
0x5a: {  	_ = 	snop  }
0x5b: {  	[tilespmem:s21], [sflag:$0x1] =	stream.indirect_vreg.gather [hbm4b:s5+s3], $0x80, v3, vm0, $0xb8;
	[tilespmem:$0x10080] =	vst v63  }
0x5c: {  	_ = 	snop  }
0x5d: {  	[tilespmem:s22], [sflag:$0x1] =	stream.indirect_vreg.gather [hbm4b:s6+s3], $0x80, v3, vm0, $0xb8;
	[tilespmem:$0x10080] =	vst v63  }
0x5e: {  	v3 =	vld [tilespmem:$0x30];
	_ =	sdelay $0x4  }
0x5f: {  	v63 =	vshll.u32 v3, $0x3  }
0x60: {  	v3 =	vand.u32 $0x7, v3;
	v4 =	vand.u32 $0xFFFFFFC0, v63  }
0x61: {  	v3 =	vor.u32 v3, v4  }
0x62: {  	v4 =	vperm.xlane v3, v0;
	_ =	sdelay $0x1  }
0x63: {  	v4 =	vadd.s32 v1, v4;
	_ =	sdelay $0x4  }
0x64: {  	[tilespmem:s23], [sflag:$0x1] =	stream.indirect_vreg.gather [hbm4b:s1+s3], $0x80, v4, vm0, $0xb8;
	[tilespmem:$0x10080] =	vst v63  }
0x65: {  	v3 =	vperm.xlane v3, v2  }
0x66: {  	[tilespmem:s24], [sflag:$0x1] =	stream.indirect_vreg.gather [hbm4b:s4+s3], $0x80, v4, vm0, $0xb8;
	[tilespmem:$0x10080] =	vst v63  }
0x67: {  	v3 =	vadd.s32 v1, v3  }
0x68: {  	[tilespmem:s25], [sflag:$0x1] =	stream.indirect_vreg.gather [hbm4b:s5+s3], $0x80, v4, vm0, $0xb8;
	[tilespmem:$0x10080] =	vst v63  }
0x69: {  	_ = 	snop  }
0x6a: {  	[tilespmem:s26], [sflag:$0x1] =	stream.indirect_vreg.gather [hbm4b:s6+s3], $0x80, v4, vm0, $0xb8;
	[tilespmem:$0x10080] =	vst v63  }
0x6b: {  	_ = 	snop  }
0x6c: {  	[tilespmem:s28], [sflag:$0x1] =	stream.indirect_vreg.gather [hbm4b:s1+s3], $0x80, v3, vm0, $0xb8;
	[tilespmem:$0x10080] =	vst v63  }
0x6d: {  	_ = 	snop  }
0x6e: {  	[tilespmem:s29], [sflag:$0x1] =	stream.indirect_vreg.gather [hbm4b:s4+s3], $0x80, v3, vm0, $0xb8;
	[tilespmem:$0x10080] =	vst v63  }
0x6f: {  	_ = 	snop  }
0x70: {  	[tilespmem:s30], [sflag:$0x1] =	stream.indirect_vreg.gather [hbm4b:s5+s3], $0x80, v3, vm0, $0xb8;
	[tilespmem:$0x10080] =	vst v63  }
0x71: {  	_ = 	snop  }
0x72: {  	[tilespmem:s31], [sflag:$0x1] =	stream.indirect_vreg.gather [hbm4b:s6+s3], $0x80, v3, vm0, $0xb8;
	[tilespmem:$0x10080] =	vst v63  }
0x73: {  	_ =	swait.ge [sflag:s2], $0x10000  }
0x74: {  	p0 =	sne.s32 s7, $0x1;
	[sflag:s2] =	ssyncset.done $0x0  }
.Ltmp0:
0x75: {  	s10 =	rddreg [dreg:$0x5];
	[sflag:s2] =	ssyncadd.s32 $0xFFFF0000;
	(pc) =	sbr.rel @p0 .LBB2_1-.Ltmp0, $4  }
0x76: {  	[hbm4b:s10+s3] =	stream.linear.scatter [tilespmem:s9], [sflag:$0x2], $0x10000, $0x38;
	[tilespmem:$0x10080] =	vst v63  }
0x77: {  	_ =	swait.ge [sflag:s8], $0x10000  }
0x78: {  	[sflag:s8] =	ssyncset.done $0x0  }
0x79: {  	s7 =	sadd.s32 $0xFFFFFFFF, s7;
	[sflag:s8] =	ssyncadd.s32 $0xFFFF0000  }
0x7a: {  	_ =	sfence.sel $0x180000  }
0x7b: {  	[bflag:$0x0] =	sbarrier.arrive $0xFFFF  }
0x7c: {  	_ =	strace $0x90000053  }
0x7d: {  	s0 =	stileid.u32;
	[bflag:$0x2] =	sbarrier.arrive $0xFFFF  }
0x7e: {  	p0 =	sne.s32 s0, $0x0;
	s0 =	rddreg [dreg:$0x3]  }
0x7f: {  	s0 =	sadd.s32 @!p0 $0x100000, s0  }
0x80: {  	[sflag:s0] =	ssyncadd.tile.s32 @!p0 $0x1;
	_ =	shalt  }
.Lfunc_end2:
_tile_overlayer_lowered:
.L_overlay_start_2:
0x81: {  	(tag) =	ssettag $0x2  }
0x82: {  	s0 =	rddreg [dreg:$0x0];
	s2 =	stileid.u32  }
0x83: {  	s1 =	rddreg [dreg:$0x1];
	p0 =	sne.s32 s2, $0x0  }
0x84: {  	s3 =	rddreg [dreg:$0x2];
	[bflag:$0x3] =	sbarrier.arrive $0xFFFF;
	s2 =	simm.s32 @!p0 $0x1C02  }
0x85: {  	[timem:s3], [sflag:s2] =	dma.local @!p0 [hbm:s0], s1  }
0x86: {  	s0 =	simm.s32 @!p0 $0x2  }
0x87: {  	_ =	swait.ge @!p0 [sflag:s0], s1  }
0x88: {  	s1 =	ssub.s32 @!p0 $0x0, s1;
	[sflag:s0] =	ssyncset.done @!p0 $0x0  }
0x89: {  	[sflag:s0] =	ssyncadd.s32 @!p0 s1  }
0x8a: {  	[bflag:$0x3] =	sbarrier.arrive $0xFFFF  }
0x8b: {  	_ =	shalt  }

// kernel: kernel.36.cloned.1.call-start
scs
__scs_entry_jumppad:
0x0: {  	(pc) =	sbr.rel $0x88, $3  }
0x1: {  	(tag) =	ssettag $0x0;
	lr =	simm.s32 $0x1  }
0x2: {  	[smem:$0x3F97] =	sst lr;
	_ =	strace $0xD0000000  }
0x3: {  	_ = 	snop  }
0x4: {  	_ = 	snop  }
0x5: {  	_ = 	snop  }
0x6: {  	_ = 	snop  }
0x7: {  	_ = 	snop  }
__scs_overlays_trampoline_lowered:
0x8: {  	[smem:$0x3FA6] =	sst s0  }
0x9: {  	[smem:$0x3FA7] =	sst s1  }
0xa: {  	[smem:$0x3FA8] =	sst s2  }
0xb: {  	[smem:$0x3FA9] =	sst s3  }
0xc: {  	[smem:$0x3FAA] =	sst s4  }
0xd: {  	[smem:$0x3FAB] =	sst s5  }
0xe: {  	[smem:$0x3FAC] =	sst s6  }
0xf: {  	[smem:$0x3FAD] =	sst s7  }
0x10: {  	[smem:$0x3FAE] =	sst s8  }
0x11: {  	[smem:$0x3FAF] =	sst s9;
	s0 =	simm.s32 @!p0 $0x0  }
0x12: {  	s1 =	sld [smem:$0x3F95];
	s0 =	simm.s32 @p0 $0x1  }
0x13: {  	[smem:$0x3FB0] =	sst s0;
	s0 =	simm.s32 @!p1 $0x0  }
0x14: {  	s2 =	sld [smem:$0x3F94];
	s0 =	simm.s32 @p1 $0x1  }
0x15: {  	[smem:$0x3FB1] =	sst s0;
	s0 =	simm.s32 @!p2 $0x0  }
0x16: {  	s3 =	sld [smem:$0x3FDB];
	s0 =	simm.s32 @p2 $0x1  }
0x17: {  	s4 =	simm.s32 $0x1BF5;
	[smem:$0x3FB3] =	sst s0  }
0x18: {  	s0 =	sld [smem:$0x3F96];
	_ =	swait.ge [sflag:s4], $0x0  }
0x19: {  	s7 =	sld [smem:$0x3F97]  }
0x1a: {  	s8 =	sadd.s32 $0xFFFFE003, lr  }
0x1b: {  	s9 =	sadd.s32 $0xFFFFFEF7, lr;
	s5 =	simm.s32 $0xFFFFFFFF;
	p2 =	slt.u32 s8, $0xFFFFF086  }
0x1c: {  	p1 =	slt.u32 s9, $0xF7A;
	s5 =	simm.s32 @!p2 $0x0  }
0x1d: {  	s5 =	simm.s32 @p1 $0x1;
	p0 =	seq.s32 s7, s2  }
0x1e: {  	s7 =	smul.u32 @!p0 $0xF7A, s2;
	p2 =	seq.s32 @!p0 s5, $0x0  }
0x1f: {  	s9 =	smul.u32 $0xF7A, s1;
	s8 =	simm.s32 @!p0 $0x1BF5;
	p2 =	por !p2, p0  }
0x20: {  	[sflag:s8] =	ssyncset.s32 @!p0 $0xFFFFF086;
	s6 =	sadd.s32 @!p0 s3, s7;
	s7 =	simm.s32 @!p0 $0x108  }
0x21: {  	s3 =	sadd.s32 s3, s9;
	s6 =	sadd.s32 @!p0 $0x88, s6;
	s7 =	simm.s32 @p2 $0x1082  }
0x22: {  	[simem:s7], [sflag:s8] =	dma.local @!p0 [hbm:s6], $0xF7A  }
0x23: {  	s9 =	sor.u32 $0xD0000000, s2;
	s6 =	simm.s32 $0x108;
	_ =	swait.ge @!p0 [sflag:s8], $0x0  }
0x24: {  	s3 =	sadd.s32 $0x88, s3;
	s6 =	simm.s32 @!p1 $0x1082;
	[sflag:s4] =	ssyncset.s32 $0xFFFFF086  }
0x25: {  	[simem:s6], [sflag:s4] =	dma.local [hbm:s3], $0xF7A  }
0x26: {  	[smem:$0x3F97] =	sst s1;
	(tag) =	ssettag s2;
	_ =	strace s9  }
0x27: {  	s1 =	sld [smem:$0x3FA7]  }
0x28: {  	s2 =	sld [smem:$0x3FA8]  }
0x29: {  	s4 =	sld [smem:$0x3FAA]  }
0x2a: {  	p0 =	seq.s32 s5, $0x0;
	s5 =	sld [smem:$0x3FAB]  }
0x2b: {  	s6 =	sld [smem:$0x3FAC]  }
0x2c: {  	s7 =	sld [smem:$0x3FAD]  }
0x2d: {  	s3 =	simm.s32 $0x108;
	s8 =	sld [smem:$0x3FAE]  }
0x2e: {  	s3 =	simm.s32 @!p0 $0x1082;
	s9 =	sld [smem:$0x3FAF]  }
0x2f: {  	lr =	sadd.s32 s0, s3;
	s0 =	sld [smem:$0x3FA6]  }
0x30: {  	s3 =	sld [smem:$0x3FA9]  }
0x31: {  	[smem:$0x3FB2] =	sst s10  }
0x32: {  	s10 =	sld [smem:$0x3FB0];
	_ =	sdelay $0x3  }
0x33: {  	p0 =	seq.s32 s10, $0x1;
	s10 =	sld [smem:$0x3FB2];
	_ =	sdelay $0x3  }
0x34: {  	[smem:$0x3FB2] =	sst s10  }
0x35: {  	s10 =	sld [smem:$0x3FB1];
	_ =	sdelay $0x3  }
0x36: {  	p1 =	seq.s32 s10, $0x1;
	s10 =	sld [smem:$0x3FB2];
	_ =	sdelay $0x3  }
0x37: {  	[smem:$0x3FB2] =	sst s10  }
0x38: {  	s10 =	sld [smem:$0x3FB3]  }
0x39: {  	_ = 	snop;
	(pc) =	sbr.ind lr, $3  }
0x3a: {  	_ = 	snop  }
0x3b: {  	_ = 	snop  }
0x3c: {  	p2 =	seq.s32 s10, $0x1;
	s10 =	sld [smem:$0x3FB2]  }
0x3d: {  	_ =	shalt  }
0x3e: {  	_ =	shalt  }
0x3f: {  	_ =	shalt  }
0x40: {  	_ =	shalt  }
0x41: {  	_ =	shalt  }
0x42: {  	_ =	shalt  }
0x43: {  	_ =	shalt  }
0x44: {  	_ =	shalt  }
0x45: {  	_ =	shalt  }
0x46: {  	_ =	shalt  }
0x47: {  	_ =	shalt  }
0x48: {  	_ =	shalt  }
0x49: {  	_ =	shalt  }
0x4a: {  	_ =	shalt  }
0x4b: {  	_ =	shalt  }
0x4c: {  	_ =	shalt  }
0x4d: {  	_ =	shalt  }
0x4e: {  	_ =	shalt  }
0x4f: {  	_ =	shalt  }
0x50: {  	_ =	shalt  }
0x51: {  	_ =	shalt  }
0x52: {  	_ =	shalt  }
0x53: {  	_ =	shalt  }
0x54: {  	_ =	shalt  }
0x55: {  	_ =	shalt  }
0x56: {  	_ =	shalt  }
0x57: {  	_ =	shalt  }
0x58: {  	_ =	shalt  }
0x59: {  	_ =	shalt  }
0x5a: {  	_ =	shalt  }
0x5b: {  	_ =	shalt  }
0x5c: {  	_ =	shalt  }
0x5d: {  	_ =	shalt  }
0x5e: {  	_ =	shalt  }
0x5f: {  	_ =	shalt  }
0x60: {  	_ =	shalt  }
0x61: {  	_ =	shalt  }
0x62: {  	_ =	shalt  }
0x63: {  	_ =	shalt  }
0x64: {  	_ =	shalt  }
0x65: {  	_ =	shalt  }
0x66: {  	_ =	shalt  }
0x67: {  	_ =	shalt  }
0x68: {  	_ =	shalt  }
0x69: {  	_ =	shalt  }
0x6a: {  	_ =	shalt  }
0x6b: {  	_ =	shalt  }
0x6c: {  	_ =	shalt  }
0x6d: {  	_ =	shalt  }
0x6e: {  	_ =	shalt  }
0x6f: {  	_ =	shalt  }
0x70: {  	_ =	shalt  }
0x71: {  	_ =	shalt  }
0x72: {  	_ =	shalt  }
0x73: {  	_ =	shalt  }
0x74: {  	_ =	shalt  }
0x75: {  	_ =	shalt  }
0x76: {  	_ =	shalt  }
0x77: {  	_ =	shalt  }
0x78: {  	_ =	shalt  }
0x79: {  	_ =	shalt  }
0x7a: {  	_ =	shalt  }
0x7b: {  	_ =	shalt  }
0x7c: {  	_ =	shalt  }
0x7d: {  	_ =	shalt  }
0x7e: {  	_ =	shalt  }
0x7f: {  	_ =	shalt  }
0x80: {  	_ =	shalt  }
0x81: {  	_ =	shalt  }
0x82: {  	_ =	shalt  }
0x83: {  	_ =	shalt  }
0x84: {  	_ =	shalt  }
0x85: {  	_ =	shalt  }
0x86: {  	_ =	shalt  }
0x87: {  	_ =	shalt  }
.Lfunc_end0:
.L_simem_size_0:
called_computation.5_lowered:
.L_overlay_start_0:
0x88: {  	s2 =	sld [smem:$0x3FD9]  }
0x89: {  	s3 =	sld [smem:$0x3FFE];
	_ =	sdelay $0x1  }
0x8a: {  	s1 =	srdreg.scid  }
0x8b: {  	s0 =	sand.u32 $0x1, s1  }
0x8c: {  	s14 =	sshll.u32 s0, $0xA;
	s2 =	sadd.s32 s3, s2  }
0x8d: {  	s2 =	sadd.s32 s2, s14  }
0x8e: {  	[smem:$0x3FBE] =	sst s2  }
0x8f: {  	_ = 	snop  }
0x90: {  	s2 =	sld [smem:$0x3FD0];
	_ =	sdelay $0x2  }
0x91: {  	s4 =	simm.s32 $0xA;
	s5 =	simm.s32 $0x10;
	s15 =	sld [smem:$0x3FC4]  }
0x92: {  	[smem:s5], [sflag:s4] =	dma.local [hbm:s2], $0x1  }
0x93: {  	_ =	swait.eq [sflag:s4], $0x1  }
0x94: {  	[sflag:s4] =	ssyncset.done $0x0  }
0x95: {  	[sflag:s4] =	ssyncadd.s32 $0xFFFFFFFF  }
0x96: {  	s16 =	sld [smem:$0x11];
	(tm) =	ssettm $0x1  }
0x97: {  	s17 =	sld [smem:$0x3FFB];
	_ =	sdelay $0x3  }
0x98: {  	_ =	strace s17  }
0x99: {  	s4 =	sld [smem:$0x3FFC];
	_ =	sdelay $0x3  }
0x9a: {  	_ =	strace s4  }
0x9b: {  	s4 =	sld [smem:$0x3FFD];
	_ =	sdelay $0x3  }
0x9c: {  	_ =	strace s4  }
0x9d: {  	_ =	strace $0x8FFFFFFF  }
0x9e: {  	s18 =	sld [smem:$0x3FDB];
	_ =	sdelay $0x1  }
0x9f: {  	s19 =	simm.s32 $_scs_section_size  }
0xa0: {  	s6 =	simm.s32 $_size__tile_overlayer_lowered;
	s7 =	simm.s32 $_tile_overlayer_lowered  }
0xa1: {  	s22 =	simm.s32 $0x1BFF;
	s21 =	sshll.u32 s7, $0x1;
	s4 =	sadd.s32 s19, s18  }
0xa2: {  	s8 =	simm.s32 $0x0;
	s20 =	sshll.u32 s6, $0x1;
	s6 =	sadd.s32 s21, s4  }
0xa3: {  	[timem:s8], [sflag:s22] =	dma.local [hbm:s6], s20  }
0xa4: {  	_ =	swait.ge [sflag:s22], s20  }
0xa5: {  	s5 =	ssub.s32 $0x0, s20;
	[sflag:s22] =	ssyncset.done $0x0  }
0xa6: {  	[sflag:s22] =	ssyncadd.s32 s5;
	_ =	sdelay $0x1  }
0xa7: {  	s23 =	simm.s32 $0x1B8B  }
0xa8: {  	_ =	swait.ge [sflag:s23], $0x1  }
0xa9: {  	[sflag:s23] =	ssyncset.done $0x0  }
0xaa: {  	s25 =	simm.s32 $0x1B8E;
	s24 =	sld [smem:$0x3FFE];
	[sflag:s23] =	ssyncadd.s32 $0xFFFFFFFF  }
0xab: {  	s26 =	simm.s32 $execute0_lowered;
	[smem:$0x3FD2] =	sst s25  }
0xac: {  	s6 =	sshll.u32 s26, $0x1;
	_ =	strace $0x80000055;
	[dreg:$0x1] =	wrdreg $0xFFFFFFFF  }
0xad: {  	s28 =	simm.s32 $_size_execute0_lowered;
	s4 =	sadd.s32 s4, s6;
	[dreg:$0x0] =	wrdreg $0x0  }
0xae: {  	s6 =	sshll.u32 s28, $0x1;
	[dreg:$0x2] =	wrdreg s4  }
0xaf: {  	[dreg:$0x3] =	wrdreg s6  }
0xb0: {  	[dreg:$0x4] =	wrdreg $0xC0  }
0xb1: {  	_ =	task [dreg:s8], $0x5FFFF  }
0xb2: {  	[dreg:$0x1] =	wrdreg $0xFFFFFFFF  }
0xb3: {  	[dreg:$0x0] =	wrdreg $0x60  }
0xb4: {  	[dreg:$0x2] =	wrdreg s15  }
0xb5: {  	[dreg:$0x3] =	wrdreg s16  }
0xb6: {  	[dreg:$0x4] =	wrdreg s24  }
0xb7: {  	[dreg:$0x5] =	wrdreg $0x9  }
0xb8: {  	_ =	task.clear_ibuf [dreg:s8], $0x6FFFF;
	_ =	strace $0x90000055  }
0xb9: {  	s29 =	simm.s32 $0x9;
	_ =	strace $0x80000057  }
0xba: {  	_ =	swait.ge [sflag:s29], $0x1  }
0xbb: {  	[sflag:s29] =	ssyncadd.s32 $0xFFFFFFFF  }
0xbc: {  	_ =	strace $0x90000057  }
0xbd: {  	_ =	sfence  }
0xbe: {  	s30 =	sld [smem:$0x0];
	_ =	sdelay $0x2  }
0xbf: {  	s31 =	sshll.u32 s1, $0xD;
	s1 =	sshrl.u32 s1, $0x2  }
0xc0: {  	s3 =	sand.u32 $0x4000, s31;
	s1 =	sadd.s32 s1, s30  }
0xc1: {  	s0 =	sor.u32 s3, s0;
	s1 =	sshll.u32 s1, $0x11  }
0xc2: {  	s0 =	sor.u32 s1, s0  }
0xc3: {  	s0 =	sadd.s32 $0x8F2B, s0  }
0xc4: {  	[sflag:s0] =	ssyncadd.remote.s32 $0x1  }
0xc5: {  	_ =	sfence.sel $0xFFFF  }
0xc6: {  	[dreg:$0x0] =	wrdreg $0xFFFFFFFF;
	(pc) =	sbr.abs _section_cstart, $3  }
0xc7: {  	[dreg:$0x1] =	wrdreg $0xFFFFFFFF  }
0xc8: {  	_ =	task.clear_ibuf [dreg:s8], $0x2FFFF;
	_ =	strace $0x9FFFFFFF  }
0xc9: {  	(tm) =	ssettm $0x7FFFFFFF  }
tec
execute0_lowered:
.L_overlay_start_1:
0x0: {  	(tag) =	ssettag $0x1  }
0x1: {  	s1 =	rddreg [dreg:$0x0]  }
0x2: {  	s2 =	srdreg.scid;
	s4 =	rddreg [dreg:$0x1]  }
0x3: {  	s0 =	stileid.u32;
	s5 =	rddreg [dreg:$0x2];
	s3 =	simm.s32 $0x0  }
0x4: {  	s17 =	simm.s32 $0x880;
	s18 =	simm.s32 $0x1080;
	s19 =	simm.s32 $0x1880  }
0x5: {  	s21 =	simm.s32 $0x2080;
	s22 =	simm.s32 $0x2880;
	s23 =	simm.s32 $0x3080  }
0x6: {  	s24 =	simm.s32 $0x3880;
	s8 =	simm.s32 $0x4080;
	[smem:$0x7FF] =	sst s3  }
0x7: {  	s25 =	simm.s32 $0x4880;
	_ =	strace $0x80000056;
	[dreg:$0x6] =	wrdreg s17  }
0x8: {  	s26 =	simm.s32 $0x5080;
	s9 =	simm.s32 $0x80;
	[dreg:$0x7] =	wrdreg s18  }
0x9: {  	s11 =	simm.s32 $0x6080;
	s12 =	simm.s32 $0x6880;
	[dreg:$0x8] =	wrdreg s19  }
0xa: {  	s13 =	simm.s32 $0x7080;
	s14 =	simm.s32 $0x7880;
	[dreg:$0x9] =	wrdreg s21  }
0xb: {  	s15 =	simm.s32 $0x8080;
	s28 =	simm.s32 $0xE080;
	[dreg:$0xa] =	wrdreg s22  }
0xc: {  	s29 =	simm.s32 $0xE880;
	s30 =	simm.s32 $0xF080;
	[dreg:$0xb] =	wrdreg s23  }
0xd: {  	s31 =	simm.s32 $0xF880;
	s2 =	sand.u32 $0x1, s2;
	[dreg:$0xc] =	wrdreg s24  }
0xe: {  	s6 =	sshll.u32 s0, $0x7;
	s7 =	sshll.u32 s2, $0x6;
	[dreg:$0xd] =	wrdreg s8  }
0xf: {  	s2 =	ssub.s32 $0x2, s2;
	s8 =	simm.s32 $0x2;
	[dreg:$0xe] =	wrdreg s25  }
0x10: {  	[dreg:$0xf] =	wrdreg s26;
	s17 =	simm.s32 $0x9080;
	s18 =	simm.s32 $0x9880  }
0x11: {  	s19 =	simm.s32 $0xA080;
	s21 =	simm.s32 $0xB080;
	s22 =	simm.s32 $0xB880  }
0x12: {  	s23 =	simm.s32 $0xC080;
	s24 =	simm.s32 $0xC880;
	s25 =	simm.s32 $0xD080  }
0x13: {  	s26 =	simm.s32 $0xD880;
	s6 =	sor.u32 s7, s6;
	s20 =	sshrl.u32 s2, $0x1  }
0x14: {  	s7 =	sshll.u32 s6, $0x7;
	s6 =	sshrl.u32 s6, $0x3;
	s2 =	ssub.s32 s2, s20  }
0x15: {  	s20 =	simm.s32 $0xA880;
	s5 =	sadd.s32 s7, s5;
	s4 =	sadd.s32 s4, s6  }
0x16: {  	v2 =	vlaneseq.u32;
	s6 =	sadd.s32 $0x300, s1;
	s7 =	smax.u32 s2, $0x1;
	s2 =	simm.s32 $0x1  }
0x17: {  	vm0 =	vmmov $0xffff;
	v1 =	vshrl.u32 v2, $0x3;
	[dreg:$0x4] =	wrdreg s4;
	s16 =	sadd.s32 $0xC5E00, s5;
	s4 =	sadd.s32 $0x100, s1  }
0x18: {  	v0 =	vand.u32 $0x7, v2;
	v2 =	vor.u32 $0x8, v2;
	v1 =	vmul.u32 $0x8, v1;
	s5 =	sadd.s32 $0x200, s1;
	[dreg:$0x5] =	wrdreg s16;
	s16 =	simm.s32 $0x8880  }
.LBB2_1:
0x19: {  	s0 =	rddreg [dreg:$0x4]  }
0x1a: {  	[tilespmem:s3], [sflag:$0x2] =	stream.linear.gather [hbm4b:s0+s3], $0x40, $0x38;
	[tilespmem:$0x10080] =	vst v63  }
0x1b: {  	_ =	swait.ge [sflag:s8], $0x40  }
0x1c: {  	[sflag:s8] =	ssyncset.done $0x0  }
0x1d: {  	[sflag:s8] =	ssyncadd.s32 $0xFFFFFFC0  }
0x1e: {  	v3 =	vld [tilespmem:$0x0];
	_ =	sdelay $0x4  }
0x1f: {  	v4 =	vshll.u32 v3, $0x3  }
0x20: {  	v3 =	vand.u32 $0x7, v3;
	v4 =	vand.u32 $0xFFFFFFC0, v4  }
0x21: {  	v3 =	vor.u32 v3, v4  }
0x22: {  	v4 =	vperm.xlane v3, v0;
	_ =	sdelay $0x1  }
0x23: {  	v4 =	vadd.s32 v1, v4;
	_ =	sdelay $0x4  }
0x24: {  	[tilespmem:s9], [sflag:$0x1] =	stream.indirect_vreg.gather [hbm4b:s1+s3], $0x80, v4, vm0, $0xb8;
	[tilespmem:$0x10080] =	vst v63  }
0x25: {  	s0 =	rddreg [dreg:$0x6];
	v3 =	vperm.xlane v3, v2  }
0x26: {  	[tilespmem:s0], [sflag:$0x1] =	stream.indirect_vreg.gather [hbm4b:s4+s3], $0x80, v4, vm0, $0xb8;
	[tilespmem:$0x10080] =	vst v63  }
0x27: {  	s10 =	rddreg [dreg:$0x7];
	v3 =	vadd.s32 v1, v3  }
0x28: {  	[tilespmem:s10], [sflag:$0x1] =	stream.indirect_vreg.gather [hbm4b:s5+s3], $0x80, v4, vm0, $0xb8;
	[tilespmem:$0x10080] =	vst v63  }
0x29: {  	s0 =	rddreg [dreg:$0x8]  }
0x2a: {  	[tilespmem:s0], [sflag:$0x1] =	stream.indirect_vreg.gather [hbm4b:s6+s3], $0x80, v4, vm0, $0xb8;
	[tilespmem:$0x10080] =	vst v63  }
0x2b: {  	s10 =	rddreg [dreg:$0x9]  }
0x2c: {  	[tilespmem:s10], [sflag:$0x1] =	stream.indirect_vreg.gather [hbm4b:s1+s3], $0x80, v3, vm0, $0xb8;
	[tilespmem:$0x10080] =	vst v63  }
0x2d: {  	s0 =	rddreg [dreg:$0xa]  }
0x2e: {  	[tilespmem:s0], [sflag:$0x1] =	stream.indirect_vreg.gather [hbm4b:s4+s3], $0x80, v3, vm0, $0xb8;
	[tilespmem:$0x10080] =	vst v63  }
0x2f: {  	s10 =	rddreg [dreg:$0xb]  }
0x30: {  	[tilespmem:s10], [sflag:$0x1] =	stream.indirect_vreg.gather [hbm4b:s5+s3], $0x80, v3, vm0, $0xb8;
	[tilespmem:$0x10080] =	vst v63  }
0x31: {  	s0 =	rddreg [dreg:$0xc]  }
0x32: {  	[tilespmem:s0], [sflag:$0x1] =	stream.indirect_vreg.gather [hbm4b:s6+s3], $0x80, v3, vm0, $0xb8;
	[tilespmem:$0x10080] =	vst v63  }
0x33: {  	v3 =	vld [tilespmem:$0x10];
	_ =	sdelay $0x4  }
0x34: {  	v61 =	vshll.u32 v3, $0x3  }
0x35: {  	v3 =	vand.u32 $0x7, v3;
	v4 =	vand.u32 $0xFFFFFFC0, v61  }
0x36: {  	v3 =	vor.u32 v3, v4  }
0x37: {  	v4 =	vperm.xlane v3, v0;
	_ =	sdelay $0x1  }
0x38: {  	v4 =	vadd.s32 v1, v4;
	_ =	sdelay $0x3  }
0x39: {  	s0 =	rddreg [dreg:$0xd]  }
0x3a: {  	[tilespmem:s0], [sflag:$0x1] =	stream.indirect_vreg.gather [hbm4b:s1+s3], $0x80, v4, vm0, $0xb8;
	[tilespmem:$0x10080] =	vst v63  }
0x3b: {  	s10 =	rddreg [dreg:$0xe];
	v3 =	vperm.xlane v3, v2  }
0x3c: {  	[tilespmem:s10], [sflag:$0x1] =	stream.indirect_vreg.gather [hbm4b:s4+s3], $0x80, v4, vm0, $0xb8;
	[tilespmem:$0x10080] =	vst v63  }
0x3d: {  	v3 =	vadd.s32 v1, v3;
	s0 =	rddreg [dreg:$0xf]  }
0x3e: {  	[tilespmem:s0], [sflag:$0x1] =	stream.indirect_vreg.gather [hbm4b:s5+s3], $0x80, v4, vm0, $0xb8;
	[tilespmem:$0x10080] =	vst v63  }
0x3f: {  	s10 =	simm.s32 $0x5880  }
0x40: {  	[tilespmem:s10], [sflag:$0x1] =	stream.indirect_vreg.gather [hbm4b:s6+s3], $0x80, v4, vm0, $0xb8;
	[tilespmem:$0x10080] =	vst v63  }
0x41: {  	_ = 	snop  }
0x42: {  	[tilespmem:s11], [sflag:$0x1] =	stream.indirect_vreg.gather [hbm4b:s1+s3], $0x80, v3, vm0, $0xb8;
	[tilespmem:$0x10080] =	vst v63  }
0x43: {  	_ = 	snop  }
0x44: {  	[tilespmem:s12], [sflag:$0x1] =	stream.indirect_vreg.gather [hbm4b:s4+s3], $0x80, v3, vm0, $0xb8;
	[tilespmem:$0x10080] =	vst v63  }
0x45: {  	_ = 	snop  }
0x46: {  	[tilespmem:s13], [sflag:$0x1] =	stream.indirect_vreg.gather [hbm4b:s5+s3], $0x80, v3, vm0, $0xb8;
	[tilespmem:$0x10080] =	vst v63  }
0x47: {  	_ = 	snop  }
0x48: {  	[tilespmem:s14], [sflag:$0x1] =	stream.indirect_vreg.gather [hbm4b:s6+s3], $0x80, v3, vm0, $0xb8;
	[tilespmem:$0x10080] =	vst v63  }
0x49: {  	v3 =	vld [tilespmem:$0x20];
	_ =	sdelay $0x4  }
0x4a: {  	v62 =	vshll.u32 v3, $0x3  }
0x4b: {  	v3 =	vand.u32 $0x7, v3;
	v4 =	vand.u32 $0xFFFFFFC0, v62  }
0x4c: {  	v3 =	vor.u32 v3, v4  }
0x4d: {  	v4 =	vperm.xlane v3, v0;
	_ =	sdelay $0x1  }
0x4e: {  	v4 =	vadd.s32 v1, v4;
	_ =	sdelay $0x4  }
0x4f: {  	[tilespmem:s15], [sflag:$0x1] =	stream.indirect_vreg.gather [hbm4b:s1+s3], $0x80, v4, vm0, $0xb8;
	[tilespmem:$0x10080] =	vst v63  }
0x50: {  	v3 =	vperm.xlane v3, v2  }
0x51: {  	[tilespmem:s16], [sflag:$0x1] =	stream.indirect_vreg.gather [hbm4b:s4+s3], $0x80, v4, vm0, $0xb8;
	[tilespmem:$0x10080] =	vst v63  }
0x52: {  	v3 =	vadd.s32 v1, v3  }
0x53: {  	[tilespmem:s17], [sflag:$0x1] =	stream.indirect_vreg.gather [hbm4b:s5+s3], $0x80, v4, vm0, $0xb8;
	[tilespmem:$0x10080] =	vst v63  }
0x54: {  	_ = 	snop  }
0x55: {  	[tilespmem:s18], [sflag:$0x1] =	stream.indirect_vreg.gather [hbm4b:s6+s3], $0x80, v4, vm0, $0xb8;
	[tilespmem:$0x10080] =	vst v63  }
0x56: {  	_ = 	snop  }
0x57: {  	[tilespmem:s19], [sflag:$0x1] =	stream.indirect_vreg.gather [hbm4b:s1+s3], $0x80, v3, vm0, $0xb8;
	[tilespmem:$0x10080] =	vst v63  }
0x58: {  	_ = 	snop  }
0x59: {  	[tilespmem:s20], [sflag:$0x1] =	stream.indirect_vreg.gather [hbm4b:s4+s3], $0x80, v3, vm0, $0xb8;
	[tilespmem:$0x10080] =	vst v63  }
0x5a: {  	_ = 	snop  }
0x5b: {  	[tilespmem:s21], [sflag:$0x1] =	stream.indirect_vreg.gather [hbm4b:s5+s3], $0x80, v3, vm0, $0xb8;
	[tilespmem:$0x10080] =	vst v63  }
0x5c: {  	_ = 	snop  }
0x5d: {  	[tilespmem:s22], [sflag:$0x1] =	stream.indirect_vreg.gather [hbm4b:s6+s3], $0x80, v3, vm0, $0xb8;
	[tilespmem:$0x10080] =	vst v63  }
0x5e: {  	v3 =	vld [tilespmem:$0x30];
	_ =	sdelay $0x4  }
0x5f: {  	v63 =	vshll.u32 v3, $0x3  }
0x60: {  	v3 =	vand.u32 $0x7, v3;
	v4 =	vand.u32 $0xFFFFFFC0, v63  }
0x61: {  	v3 =	vor.u32 v3, v4  }
0x62: {  	v4 =	vperm.xlane v3, v0;
	_ =	sdelay $0x1  }
0x63: {  	v4 =	vadd.s32 v1, v4;
	_ =	sdelay $0x4  }
0x64: {  	[tilespmem:s23], [sflag:$0x1] =	stream.indirect_vreg.gather [hbm4b:s1+s3], $0x80, v4, vm0, $0xb8;
	[tilespmem:$0x10080] =	vst v63  }
0x65: {  	v3 =	vperm.xlane v3, v2  }
0x66: {  	[tilespmem:s24], [sflag:$0x1] =	stream.indirect_vreg.gather [hbm4b:s4+s3], $0x80, v4, vm0, $0xb8;
	[tilespmem:$0x10080] =	vst v63  }
0x67: {  	v3 =	vadd.s32 v1, v3  }
0x68: {  	[tilespmem:s25], [sflag:$0x1] =	stream.indirect_vreg.gather [hbm4b:s5+s3], $0x80, v4, vm0, $0xb8;
	[tilespmem:$0x10080] =	vst v63  }
0x69: {  	_ = 	snop  }
0x6a: {  	[tilespmem:s26], [sflag:$0x1] =	stream.indirect_vreg.gather [hbm4b:s6+s3], $0x80, v4, vm0, $0xb8;
	[tilespmem:$0x10080] =	vst v63  }
0x6b: {  	_ = 	snop  }
0x6c: {  	[tilespmem:s28], [sflag:$0x1] =	stream.indirect_vreg.gather [hbm4b:s1+s3], $0x80, v3, vm0, $0xb8;
	[tilespmem:$0x10080] =	vst v63  }
0x6d: {  	_ = 	snop  }
0x6e: {  	[tilespmem:s29], [sflag:$0x1] =	stream.indirect_vreg.gather [hbm4b:s4+s3], $0x80, v3, vm0, $0xb8;
	[tilespmem:$0x10080] =	vst v63  }
0x6f: {  	_ = 	snop  }
0x70: {  	[tilespmem:s30], [sflag:$0x1] =	stream.indirect_vreg.gather [hbm4b:s5+s3], $0x80, v3, vm0, $0xb8;
	[tilespmem:$0x10080] =	vst v63  }
0x71: {  	_ = 	snop  }
0x72: {  	[tilespmem:s31], [sflag:$0x1] =	stream.indirect_vreg.gather [hbm4b:s6+s3], $0x80, v3, vm0, $0xb8;
	[tilespmem:$0x10080] =	vst v63  }
0x73: {  	_ =	swait.ge [sflag:s2], $0x10000  }
0x74: {  	p0 =	sne.s32 s7, $0x1;
	[sflag:s2] =	ssyncset.done $0x0  }
.Ltmp0:
0x75: {  	s10 =	rddreg [dreg:$0x5];
	[sflag:s2] =	ssyncadd.s32 $0xFFFF0000;
	(pc) =	sbr.rel @p0 .LBB2_1-.Ltmp0, $4  }
0x76: {  	[hbm4b:s10+s3] =	stream.linear.scatter [tilespmem:s9], [sflag:$0x2], $0x10000, $0x38;
	[tilespmem:$0x10080] =	vst v63  }
0x77: {  	_ =	swait.ge [sflag:s8], $0x10000  }
0x78: {  	[sflag:s8] =	ssyncset.done $0x0  }
0x79: {  	s7 =	sadd.s32 $0xFFFFFFFF, s7;
	[sflag:s8] =	ssyncadd.s32 $0xFFFF0000  }
0x7a: {  	_ =	sfence.sel $0x180000  }
0x7b: {  	[bflag:$0x0] =	sbarrier.arrive $0xFFFF  }
0x7c: {  	_ =	strace $0x90000056  }
0x7d: {  	s0 =	stileid.u32;
	[bflag:$0x2] =	sbarrier.arrive $0xFFFF  }
0x7e: {  	p0 =	sne.s32 s0, $0x0;
	s0 =	rddreg [dreg:$0x3]  }
0x7f: {  	s0 =	sadd.s32 @!p0 $0x100000, s0  }
0x80: {  	[sflag:s0] =	ssyncadd.tile.s32 @!p0 $0x1;
	_ =	shalt  }
.Lfunc_end2:
_tile_overlayer_lowered:
.L_overlay_start_2:
0x81: {  	(tag) =	ssettag $0x2  }
0x82: {  	s0 =	rddreg [dreg:$0x0];
	s2 =	stileid.u32  }
0x83: {  	s1 =	rddreg [dreg:$0x1];
	p0 =	sne.s32 s2, $0x0  }
0x84: {  	s3 =	rddreg [dreg:$0x2];
	[bflag:$0x3] =	sbarrier.arrive $0xFFFF;
	s2 =	simm.s32 @!p0 $0x1C02  }
0x85: {  	[timem:s3], [sflag:s2] =	dma.local @!p0 [hbm:s0], s1  }
0x86: {  	s0 =	simm.s32 @!p0 $0x2  }
0x87: {  	_ =	swait.ge @!p0 [sflag:s0], s1  }
0x88: {  	s1 =	ssub.s32 @!p0 $0x0, s1;
	[sflag:s0] =	ssyncset.done @!p0 $0x0  }
0x89: {  	[sflag:s0] =	ssyncadd.s32 @!p0 s1  }
0x8a: {  	[bflag:$0x3] =	sbarrier.arrive $0xFFFF  }
0x8b: {  	_ =	shalt  }

// kernel: kernel.39.cloned.1.call-start
scs
__scs_entry_jumppad:
0x0: {  	(pc) =	sbr.rel $0x88, $3  }
0x1: {  	(tag) =	ssettag $0x0;
	lr =	simm.s32 $0x1  }
0x2: {  	[smem:$0x3F97] =	sst lr;
	_ =	strace $0xD0000000  }
0x3: {  	_ = 	snop  }
0x4: {  	_ = 	snop  }
0x5: {  	_ = 	snop  }
0x6: {  	_ = 	snop  }
0x7: {  	_ = 	snop  }
__scs_overlays_trampoline_lowered:
0x8: {  	[smem:$0x3FA6] =	sst s0  }
0x9: {  	[smem:$0x3FA7] =	sst s1  }
0xa: {  	[smem:$0x3FA8] =	sst s2  }
0xb: {  	[smem:$0x3FA9] =	sst s3  }
0xc: {  	[smem:$0x3FAA] =	sst s4  }
0xd: {  	[smem:$0x3FAB] =	sst s5  }
0xe: {  	[smem:$0x3FAC] =	sst s6  }
0xf: {  	[smem:$0x3FAD] =	sst s7  }
0x10: {  	[smem:$0x3FAE] =	sst s8  }
0x11: {  	[smem:$0x3FAF] =	sst s9;
	s0 =	simm.s32 @!p0 $0x0  }
0x12: {  	s1 =	sld [smem:$0x3F95];
	s0 =	simm.s32 @p0 $0x1  }
0x13: {  	[smem:$0x3FB0] =	sst s0;
	s0 =	simm.s32 @!p1 $0x0  }
0x14: {  	s2 =	sld [smem:$0x3F94];
	s0 =	simm.s32 @p1 $0x1  }
0x15: {  	[smem:$0x3FB1] =	sst s0;
	s0 =	simm.s32 @!p2 $0x0  }
0x16: {  	s3 =	sld [smem:$0x3FDB];
	s0 =	simm.s32 @p2 $0x1  }
0x17: {  	s4 =	simm.s32 $0x1BF5;
	[smem:$0x3FB3] =	sst s0  }
0x18: {  	s0 =	sld [smem:$0x3F96];
	_ =	swait.ge [sflag:s4], $0x0  }
0x19: {  	s7 =	sld [smem:$0x3F97]  }
0x1a: {  	s8 =	sadd.s32 $0xFFFFE003, lr  }
0x1b: {  	s9 =	sadd.s32 $0xFFFFFEF7, lr;
	s5 =	simm.s32 $0xFFFFFFFF;
	p2 =	slt.u32 s8, $0xFFFFF086  }
0x1c: {  	p1 =	slt.u32 s9, $0xF7A;
	s5 =	simm.s32 @!p2 $0x0  }
0x1d: {  	s5 =	simm.s32 @p1 $0x1;
	p0 =	seq.s32 s7, s2  }
0x1e: {  	s7 =	smul.u32 @!p0 $0xF7A, s2;
	p2 =	seq.s32 @!p0 s5, $0x0  }
0x1f: {  	s9 =	smul.u32 $0xF7A, s1;
	s8 =	simm.s32 @!p0 $0x1BF5;
	p2 =	por !p2, p0  }
0x20: {  	[sflag:s8] =	ssyncset.s32 @!p0 $0xFFFFF086;
	s6 =	sadd.s32 @!p0 s3, s7;
	s7 =	simm.s32 @!p0 $0x108  }
0x21: {  	s3 =	sadd.s32 s3, s9;
	s6 =	sadd.s32 @!p0 $0x88, s6;
	s7 =	simm.s32 @p2 $0x1082  }
0x22: {  	[simem:s7], [sflag:s8] =	dma.local @!p0 [hbm:s6], $0xF7A  }
0x23: {  	s9 =	sor.u32 $0xD0000000, s2;
	s6 =	simm.s32 $0x108;
	_ =	swait.ge @!p0 [sflag:s8], $0x0  }
0x24: {  	s3 =	sadd.s32 $0x88, s3;
	s6 =	simm.s32 @!p1 $0x1082;
	[sflag:s4] =	ssyncset.s32 $0xFFFFF086  }
0x25: {  	[simem:s6], [sflag:s4] =	dma.local [hbm:s3], $0xF7A  }
0x26: {  	[smem:$0x3F97] =	sst s1;
	(tag) =	ssettag s2;
	_ =	strace s9  }
0x27: {  	s1 =	sld [smem:$0x3FA7]  }
0x28: {  	s2 =	sld [smem:$0x3FA8]  }
0x29: {  	s4 =	sld [smem:$0x3FAA]  }
0x2a: {  	p0 =	seq.s32 s5, $0x0;
	s5 =	sld [smem:$0x3FAB]  }
0x2b: {  	s6 =	sld [smem:$0x3FAC]  }
0x2c: {  	s7 =	sld [smem:$0x3FAD]  }
0x2d: {  	s3 =	simm.s32 $0x108;
	s8 =	sld [smem:$0x3FAE]  }
0x2e: {  	s3 =	simm.s32 @!p0 $0x1082;
	s9 =	sld [smem:$0x3FAF]  }
0x2f: {  	lr =	sadd.s32 s0, s3;
	s0 =	sld [smem:$0x3FA6]  }
0x30: {  	s3 =	sld [smem:$0x3FA9]  }
0x31: {  	[smem:$0x3FB2] =	sst s10  }
0x32: {  	s10 =	sld [smem:$0x3FB0];
	_ =	sdelay $0x3  }
0x33: {  	p0 =	seq.s32 s10, $0x1;
	s10 =	sld [smem:$0x3FB2];
	_ =	sdelay $0x3  }
0x34: {  	[smem:$0x3FB2] =	sst s10  }
0x35: {  	s10 =	sld [smem:$0x3FB1];
	_ =	sdelay $0x3  }
0x36: {  	p1 =	seq.s32 s10, $0x1;
	s10 =	sld [smem:$0x3FB2];
	_ =	sdelay $0x3  }
0x37: {  	[smem:$0x3FB2] =	sst s10  }
0x38: {  	s10 =	sld [smem:$0x3FB3]  }
0x39: {  	_ = 	snop;
	(pc) =	sbr.ind lr, $3  }
0x3a: {  	_ = 	snop  }
0x3b: {  	_ = 	snop  }
0x3c: {  	p2 =	seq.s32 s10, $0x1;
	s10 =	sld [smem:$0x3FB2]  }
0x3d: {  	_ =	shalt  }
0x3e: {  	_ =	shalt  }
0x3f: {  	_ =	shalt  }
0x40: {  	_ =	shalt  }
0x41: {  	_ =	shalt  }
0x42: {  	_ =	shalt  }
0x43: {  	_ =	shalt  }
0x44: {  	_ =	shalt  }
0x45: {  	_ =	shalt  }
0x46: {  	_ =	shalt  }
0x47: {  	_ =	shalt  }
0x48: {  	_ =	shalt  }
0x49: {  	_ =	shalt  }
0x4a: {  	_ =	shalt  }
0x4b: {  	_ =	shalt  }
0x4c: {  	_ =	shalt  }
0x4d: {  	_ =	shalt  }
0x4e: {  	_ =	shalt  }
0x4f: {  	_ =	shalt  }
0x50: {  	_ =	shalt  }
0x51: {  	_ =	shalt  }
0x52: {  	_ =	shalt  }
0x53: {  	_ =	shalt  }
0x54: {  	_ =	shalt  }
0x55: {  	_ =	shalt  }
0x56: {  	_ =	shalt  }
0x57: {  	_ =	shalt  }
0x58: {  	_ =	shalt  }
0x59: {  	_ =	shalt  }
0x5a: {  	_ =	shalt  }
0x5b: {  	_ =	shalt  }
0x5c: {  	_ =	shalt  }
0x5d: {  	_ =	shalt  }
0x5e: {  	_ =	shalt  }
0x5f: {  	_ =	shalt  }
0x60: {  	_ =	shalt  }
0x61: {  	_ =	shalt  }
0x62: {  	_ =	shalt  }
0x63: {  	_ =	shalt  }
0x64: {  	_ =	shalt  }
0x65: {  	_ =	shalt  }
0x66: {  	_ =	shalt  }
0x67: {  	_ =	shalt  }
0x68: {  	_ =	shalt  }
0x69: {  	_ =	shalt  }
0x6a: {  	_ =	shalt  }
0x6b: {  	_ =	shalt  }
0x6c: {  	_ =	shalt  }
0x6d: {  	_ =	shalt  }
0x6e: {  	_ =	shalt  }
0x6f: {  	_ =	shalt  }
0x70: {  	_ =	shalt  }
0x71: {  	_ =	shalt  }
0x72: {  	_ =	shalt  }
0x73: {  	_ =	shalt  }
0x74: {  	_ =	shalt  }
0x75: {  	_ =	shalt  }
0x76: {  	_ =	shalt  }
0x77: {  	_ =	shalt  }
0x78: {  	_ =	shalt  }
0x79: {  	_ =	shalt  }
0x7a: {  	_ =	shalt  }
0x7b: {  	_ =	shalt  }
0x7c: {  	_ =	shalt  }
0x7d: {  	_ =	shalt  }
0x7e: {  	_ =	shalt  }
0x7f: {  	_ =	shalt  }
0x80: {  	_ =	shalt  }
0x81: {  	_ =	shalt  }
0x82: {  	_ =	shalt  }
0x83: {  	_ =	shalt  }
0x84: {  	_ =	shalt  }
0x85: {  	_ =	shalt  }
0x86: {  	_ =	shalt  }
0x87: {  	_ =	shalt  }
.Lfunc_end0:
.L_simem_size_0:
called_computation.6_lowered:
.L_overlay_start_0:
0x88: {  	s2 =	sld [smem:$0x3FD9]  }
0x89: {  	s3 =	sld [smem:$0x3FFE];
	_ =	sdelay $0x1  }
0x8a: {  	s1 =	srdreg.scid  }
0x8b: {  	s0 =	sand.u32 $0x1, s1  }
0x8c: {  	s14 =	sshll.u32 s0, $0xA;
	s2 =	sadd.s32 s3, s2  }
0x8d: {  	s2 =	sadd.s32 s2, s14  }
0x8e: {  	[smem:$0x3FBE] =	sst s2  }
0x8f: {  	_ = 	snop  }
0x90: {  	s2 =	sld [smem:$0x3FD0];
	_ =	sdelay $0x2  }
0x91: {  	s4 =	simm.s32 $0xA;
	s5 =	simm.s32 $0x10;
	s15 =	sld [smem:$0x3FC4]  }
0x92: {  	[smem:s5], [sflag:s4] =	dma.local [hbm:s2], $0x1  }
0x93: {  	_ =	swait.eq [sflag:s4], $0x1  }
0x94: {  	[sflag:s4] =	ssyncset.done $0x0  }
0x95: {  	[sflag:s4] =	ssyncadd.s32 $0xFFFFFFFF  }
0x96: {  	s16 =	sld [smem:$0x11];
	(tm) =	ssettm $0x1  }
0x97: {  	s17 =	sld [smem:$0x3FFB];
	_ =	sdelay $0x3  }
0x98: {  	_ =	strace s17  }
0x99: {  	s4 =	sld [smem:$0x3FFC];
	_ =	sdelay $0x3  }
0x9a: {  	_ =	strace s4  }
0x9b: {  	s4 =	sld [smem:$0x3FFD];
	_ =	sdelay $0x3  }
0x9c: {  	_ =	strace s4  }
0x9d: {  	_ =	strace $0x8FFFFFFF  }
0x9e: {  	s18 =	sld [smem:$0x3FDB];
	_ =	sdelay $0x1  }
0x9f: {  	s19 =	simm.s32 $_scs_section_size  }
0xa0: {  	s6 =	simm.s32 $_size__tile_overlayer_lowered;
	s7 =	simm.s32 $_tile_overlayer_lowered  }
0xa1: {  	s22 =	simm.s32 $0x1BFF;
	s21 =	sshll.u32 s7, $0x1;
	s4 =	sadd.s32 s19, s18  }
0xa2: {  	s8 =	simm.s32 $0x0;
	s20 =	sshll.u32 s6, $0x1;
	s6 =	sadd.s32 s21, s4  }
0xa3: {  	[timem:s8], [sflag:s22] =	dma.local [hbm:s6], s20  }
0xa4: {  	_ =	swait.ge [sflag:s22], s20  }
0xa5: {  	s5 =	ssub.s32 $0x0, s20;
	[sflag:s22] =	ssyncset.done $0x0  }
0xa6: {  	[sflag:s22] =	ssyncadd.s32 s5;
	_ =	sdelay $0x1  }
0xa7: {  	s23 =	simm.s32 $0x1B8B  }
0xa8: {  	_ =	swait.ge [sflag:s23], $0x1  }
0xa9: {  	[sflag:s23] =	ssyncset.done $0x0  }
0xaa: {  	s25 =	simm.s32 $0x1B8E;
	s24 =	sld [smem:$0x3FFE];
	[sflag:s23] =	ssyncadd.s32 $0xFFFFFFFF  }
0xab: {  	s26 =	simm.s32 $execute0_lowered;
	[smem:$0x3FD2] =	sst s25  }
0xac: {  	s6 =	sshll.u32 s26, $0x1;
	_ =	strace $0x80000058;
	[dreg:$0x1] =	wrdreg $0xFFFFFFFF  }
0xad: {  	s28 =	simm.s32 $_size_execute0_lowered;
	s4 =	sadd.s32 s4, s6;
	[dreg:$0x0] =	wrdreg $0x0  }
0xae: {  	s6 =	sshll.u32 s28, $0x1;
	[dreg:$0x2] =	wrdreg s4  }
0xaf: {  	[dreg:$0x3] =	wrdreg s6  }
0xb0: {  	[dreg:$0x4] =	wrdreg $0xC0  }
0xb1: {  	_ =	task [dreg:s8], $0x5FFFF  }
0xb2: {  	[dreg:$0x1] =	wrdreg $0xFFFFFFFF  }
0xb3: {  	[dreg:$0x0] =	wrdreg $0x60  }
0xb4: {  	[dreg:$0x2] =	wrdreg s15  }
0xb5: {  	[dreg:$0x3] =	wrdreg s16  }
0xb6: {  	[dreg:$0x4] =	wrdreg s24  }
0xb7: {  	[dreg:$0x5] =	wrdreg $0x9  }
0xb8: {  	_ =	task.clear_ibuf [dreg:s8], $0x6FFFF;
	_ =	strace $0x90000058  }
0xb9: {  	s29 =	simm.s32 $0x9;
	_ =	strace $0x8000005A  }
0xba: {  	_ =	swait.ge [sflag:s29], $0x1  }
0xbb: {  	[sflag:s29] =	ssyncadd.s32 $0xFFFFFFFF  }
0xbc: {  	_ =	strace $0x9000005A  }
0xbd: {  	_ =	sfence  }
0xbe: {  	s30 =	sld [smem:$0x0];
	_ =	sdelay $0x2  }
0xbf: {  	s31 =	sshll.u32 s1, $0xD;
	s1 =	sshrl.u32 s1, $0x2  }
0xc0: {  	s3 =	sand.u32 $0x4000, s31;
	s1 =	sadd.s32 s1, s30  }
0xc1: {  	s0 =	sor.u32 s3, s0;
	s1 =	sshll.u32 s1, $0x11  }
0xc2: {  	s0 =	sor.u32 s1, s0  }
0xc3: {  	s0 =	sadd.s32 $0x8F2B, s0  }
0xc4: {  	[sflag:s0] =	ssyncadd.remote.s32 $0x1  }
0xc5: {  	_ =	sfence.sel $0xFFFF  }
0xc6: {  	[dreg:$0x0] =	wrdreg $0xFFFFFFFF;
	(pc) =	sbr.abs _section_cstart, $3  }
0xc7: {  	[dreg:$0x1] =	wrdreg $0xFFFFFFFF  }
0xc8: {  	_ =	task.clear_ibuf [dreg:s8], $0x2FFFF;
	_ =	strace $0x9FFFFFFF  }
0xc9: {  	(tm) =	ssettm $0x7FFFFFFF  }
tec
execute0_lowered:
.L_overlay_start_1:
0x0: {  	(tag) =	ssettag $0x1  }
0x1: {  	s1 =	rddreg [dreg:$0x0]  }
0x2: {  	s2 =	srdreg.scid;
	s4 =	rddreg [dreg:$0x1]  }
0x3: {  	s0 =	stileid.u32;
	s5 =	rddreg [dreg:$0x2];
	s3 =	simm.s32 $0x0  }
0x4: {  	s17 =	simm.s32 $0x880;
	s18 =	simm.s32 $0x1080;
	s19 =	simm.s32 $0x1880  }
0x5: {  	s21 =	simm.s32 $0x2080;
	s22 =	simm.s32 $0x2880;
	s23 =	simm.s32 $0x3080  }
0x6: {  	s24 =	simm.s32 $0x3880;
	s8 =	simm.s32 $0x4080;
	[smem:$0x7FF] =	sst s3  }
0x7: {  	s25 =	simm.s32 $0x4880;
	_ =	strace $0x80000059;
	[dreg:$0x6] =	wrdreg s17  }
0x8: {  	s26 =	simm.s32 $0x5080;
	s9 =	simm.s32 $0x80;
	[dreg:$0x7] =	wrdreg s18  }
0x9: {  	s11 =	simm.s32 $0x6080;
	s12 =	simm.s32 $0x6880;
	[dreg:$0x8] =	wrdreg s19  }
0xa: {  	s13 =	simm.s32 $0x7080;
	s14 =	simm.s32 $0x7880;
	[dreg:$0x9] =	wrdreg s21  }
0xb: {  	s15 =	simm.s32 $0x8080;
	s28 =	simm.s32 $0xE080;
	[dreg:$0xa] =	wrdreg s22  }
0xc: {  	s29 =	simm.s32 $0xE880;
	s30 =	simm.s32 $0xF080;
	[dreg:$0xb] =	wrdreg s23  }
0xd: {  	s31 =	simm.s32 $0xF880;
	s2 =	sand.u32 $0x1, s2;
	[dreg:$0xc] =	wrdreg s24  }
0xe: {  	s6 =	sshll.u32 s0, $0x7;
	s7 =	sshll.u32 s2, $0x6;
	[dreg:$0xd] =	wrdreg s8  }
0xf: {  	s2 =	ssub.s32 $0x2, s2;
	s8 =	simm.s32 $0x2;
	[dreg:$0xe] =	wrdreg s25  }
0x10: {  	[dreg:$0xf] =	wrdreg s26;
	s17 =	simm.s32 $0x9080;
	s18 =	simm.s32 $0x9880  }
0x11: {  	s19 =	simm.s32 $0xA080;
	s21 =	simm.s32 $0xB080;
	s22 =	simm.s32 $0xB880  }
0x12: {  	s23 =	simm.s32 $0xC080;
	s24 =	simm.s32 $0xC880;
	s25 =	simm.s32 $0xD080  }
0x13: {  	s26 =	simm.s32 $0xD880;
	s6 =	sor.u32 s7, s6;
	s20 =	sshrl.u32 s2, $0x1  }
0x14: {  	s7 =	sshll.u32 s6, $0x7;
	s6 =	sshrl.u32 s6, $0x3;
	s2 =	ssub.s32 s2, s20  }
0x15: {  	s20 =	simm.s32 $0xA880;
	s5 =	sadd.s32 s7, s5;
	s4 =	sadd.s32 s4, s6  }
0x16: {  	v2 =	vlaneseq.u32;
	s6 =	sadd.s32 $0x300, s1;
	s7 =	smax.u32 s2, $0x1;
	s2 =	simm.s32 $0x1  }
0x17: {  	vm0 =	vmmov $0xffff;
	v1 =	vshrl.u32 v2, $0x3;
	[dreg:$0x4] =	wrdreg s4;
	s16 =	sadd.s32 $0xC5E00, s5;
	s4 =	sadd.s32 $0x100, s1  }
0x18: {  	v0 =	vand.u32 $0x7, v2;
	v2 =	vor.u32 $0x8, v2;
	v1 =	vmul.u32 $0x8, v1;
	s5 =	sadd.s32 $0x200, s1;
	[dreg:$0x5] =	wrdreg s16;
	s16 =	simm.s32 $0x8880  }
.LBB2_1:
0x19: {  	s0 =	rddreg [dreg:$0x4]  }
0x1a: {  	[tilespmem:s3], [sflag:$0x2] =	stream.linear.gather [hbm4b:s0+s3], $0x40, $0x38;
	[tilespmem:$0x10080] =	vst v63  }
0x1b: {  	_ =	swait.ge [sflag:s8], $0x40  }
0x1c: {  	[sflag:s8] =	ssyncset.done $0x0  }
0x1d: {  	[sflag:s8] =	ssyncadd.s32 $0xFFFFFFC0  }
0x1e: {  	v3 =	vld [tilespmem:$0x0];
	_ =	sdelay $0x4  }
0x1f: {  	v4 =	vshll.u32 v3, $0x3  }
0x20: {  	v3 =	vand.u32 $0x7, v3;
	v4 =	vand.u32 $0xFFFFFFC0, v4  }
0x21: {  	v3 =	vor.u32 v3, v4  }
0x22: {  	v4 =	vperm.xlane v3, v0;
	_ =	sdelay $0x1  }
0x23: {  	v4 =	vadd.s32 v1, v4;
	_ =	sdelay $0x4  }
0x24: {  	[tilespmem:s9], [sflag:$0x1] =	stream.indirect_vreg.gather [hbm4b:s1+s3], $0x80, v4, vm0, $0xb8;
	[tilespmem:$0x10080] =	vst v63  }
0x25: {  	s0 =	rddreg [dreg:$0x6];
	v3 =	vperm.xlane v3, v2  }
0x26: {  	[tilespmem:s0], [sflag:$0x1] =	stream.indirect_vreg.gather [hbm4b:s4+s3], $0x80, v4, vm0, $0xb8;
	[tilespmem:$0x10080] =	vst v63  }
0x27: {  	s10 =	rddreg [dreg:$0x7];
	v3 =	vadd.s32 v1, v3  }
0x28: {  	[tilespmem:s10], [sflag:$0x1] =	stream.indirect_vreg.gather [hbm4b:s5+s3], $0x80, v4, vm0, $0xb8;
	[tilespmem:$0x10080] =	vst v63  }
0x29: {  	s0 =	rddreg [dreg:$0x8]  }
0x2a: {  	[tilespmem:s0], [sflag:$0x1] =	stream.indirect_vreg.gather [hbm4b:s6+s3], $0x80, v4, vm0, $0xb8;
	[tilespmem:$0x10080] =	vst v63  }
0x2b: {  	s10 =	rddreg [dreg:$0x9]  }
0x2c: {  	[tilespmem:s10], [sflag:$0x1] =	stream.indirect_vreg.gather [hbm4b:s1+s3], $0x80, v3, vm0, $0xb8;
	[tilespmem:$0x10080] =	vst v63  }
0x2d: {  	s0 =	rddreg [dreg:$0xa]  }
0x2e: {  	[tilespmem:s0], [sflag:$0x1] =	stream.indirect_vreg.gather [hbm4b:s4+s3], $0x80, v3, vm0, $0xb8;
	[tilespmem:$0x10080] =	vst v63  }
0x2f: {  	s10 =	rddreg [dreg:$0xb]  }
0x30: {  	[tilespmem:s10], [sflag:$0x1] =	stream.indirect_vreg.gather [hbm4b:s5+s3], $0x80, v3, vm0, $0xb8;
	[tilespmem:$0x10080] =	vst v63  }
0x31: {  	s0 =	rddreg [dreg:$0xc]  }
0x32: {  	[tilespmem:s0], [sflag:$0x1] =	stream.indirect_vreg.gather [hbm4b:s6+s3], $0x80, v3, vm0, $0xb8;
	[tilespmem:$0x10080] =	vst v63  }
0x33: {  	v3 =	vld [tilespmem:$0x10];
	_ =	sdelay $0x4  }
0x34: {  	v61 =	vshll.u32 v3, $0x3  }
0x35: {  	v3 =	vand.u32 $0x7, v3;
	v4 =	vand.u32 $0xFFFFFFC0, v61  }
0x36: {  	v3 =	vor.u32 v3, v4  }
0x37: {  	v4 =	vperm.xlane v3, v0;
	_ =	sdelay $0x1  }
0x38: {  	v4 =	vadd.s32 v1, v4;
	_ =	sdelay $0x3  }
0x39: {  	s0 =	rddreg [dreg:$0xd]  }
0x3a: {  	[tilespmem:s0], [sflag:$0x1] =	stream.indirect_vreg.gather [hbm4b:s1+s3], $0x80, v4, vm0, $0xb8;
	[tilespmem:$0x10080] =	vst v63  }
0x3b: {  	s10 =	rddreg [dreg:$0xe];
	v3 =	vperm.xlane v3, v2  }
0x3c: {  	[tilespmem:s10], [sflag:$0x1] =	stream.indirect_vreg.gather [hbm4b:s4+s3], $0x80, v4, vm0, $0xb8;
	[tilespmem:$0x10080] =	vst v63  }
0x3d: {  	v3 =	vadd.s32 v1, v3;
	s0 =	rddreg [dreg:$0xf]  }
0x3e: {  	[tilespmem:s0], [sflag:$0x1] =	stream.indirect_vreg.gather [hbm4b:s5+s3], $0x80, v4, vm0, $0xb8;
	[tilespmem:$0x10080] =	vst v63  }
0x3f: {  	s10 =	simm.s32 $0x5880  }
0x40: {  	[tilespmem:s10], [sflag:$0x1] =	stream.indirect_vreg.gather [hbm4b:s6+s3], $0x80, v4, vm0, $0xb8;
	[tilespmem:$0x10080] =	vst v63  }
0x41: {  	_ = 	snop  }
0x42: {  	[tilespmem:s11], [sflag:$0x1] =	stream.indirect_vreg.gather [hbm4b:s1+s3], $0x80, v3, vm0, $0xb8;
	[tilespmem:$0x10080] =	vst v63  }
0x43: {  	_ = 	snop  }
0x44: {  	[tilespmem:s12], [sflag:$0x1] =	stream.indirect_vreg.gather [hbm4b:s4+s3], $0x80, v3, vm0, $0xb8;
	[tilespmem:$0x10080] =	vst v63  }
0x45: {  	_ = 	snop  }
0x46: {  	[tilespmem:s13], [sflag:$0x1] =	stream.indirect_vreg.gather [hbm4b:s5+s3], $0x80, v3, vm0, $0xb8;
	[tilespmem:$0x10080] =	vst v63  }
0x47: {  	_ = 	snop  }
0x48: {  	[tilespmem:s14], [sflag:$0x1] =	stream.indirect_vreg.gather [hbm4b:s6+s3], $0x80, v3, vm0, $0xb8;
	[tilespmem:$0x10080] =	vst v63  }
0x49: {  	v3 =	vld [tilespmem:$0x20];
	_ =	sdelay $0x4  }
0x4a: {  	v62 =	vshll.u32 v3, $0x3  }
0x4b: {  	v3 =	vand.u32 $0x7, v3;
	v4 =	vand.u32 $0xFFFFFFC0, v62  }
0x4c: {  	v3 =	vor.u32 v3, v4  }
0x4d: {  	v4 =	vperm.xlane v3, v0;
	_ =	sdelay $0x1  }
0x4e: {  	v4 =	vadd.s32 v1, v4;
	_ =	sdelay $0x4  }
0x4f: {  	[tilespmem:s15], [sflag:$0x1] =	stream.indirect_vreg.gather [hbm4b:s1+s3], $0x80, v4, vm0, $0xb8;
	[tilespmem:$0x10080] =	vst v63  }
0x50: {  	v3 =	vperm.xlane v3, v2  }
0x51: {  	[tilespmem:s16], [sflag:$0x1] =	stream.indirect_vreg.gather [hbm4b:s4+s3], $0x80, v4, vm0, $0xb8;
	[tilespmem:$0x10080] =	vst v63  }
0x52: {  	v3 =	vadd.s32 v1, v3  }
0x53: {  	[tilespmem:s17], [sflag:$0x1] =	stream.indirect_vreg.gather [hbm4b:s5+s3], $0x80, v4, vm0, $0xb8;
	[tilespmem:$0x10080] =	vst v63  }
0x54: {  	_ = 	snop  }
0x55: {  	[tilespmem:s18], [sflag:$0x1] =	stream.indirect_vreg.gather [hbm4b:s6+s3], $0x80, v4, vm0, $0xb8;
	[tilespmem:$0x10080] =	vst v63  }
0x56: {  	_ = 	snop  }
0x57: {  	[tilespmem:s19], [sflag:$0x1] =	stream.indirect_vreg.gather [hbm4b:s1+s3], $0x80, v3, vm0, $0xb8;
	[tilespmem:$0x10080] =	vst v63  }
0x58: {  	_ = 	snop  }
0x59: {  	[tilespmem:s20], [sflag:$0x1] =	stream.indirect_vreg.gather [hbm4b:s4+s3], $0x80, v3, vm0, $0xb8;
	[tilespmem:$0x10080] =	vst v63  }
0x5a: {  	_ = 	snop  }
0x5b: {  	[tilespmem:s21], [sflag:$0x1] =	stream.indirect_vreg.gather [hbm4b:s5+s3], $0x80, v3, vm0, $0xb8;
	[tilespmem:$0x10080] =	vst v63  }
0x5c: {  	_ = 	snop  }
0x5d: {  	[tilespmem:s22], [sflag:$0x1] =	stream.indirect_vreg.gather [hbm4b:s6+s3], $0x80, v3, vm0, $0xb8;
	[tilespmem:$0x10080] =	vst v63  }
0x5e: {  	v3 =	vld [tilespmem:$0x30];
	_ =	sdelay $0x4  }
0x5f: {  	v63 =	vshll.u32 v3, $0x3  }
0x60: {  	v3 =	vand.u32 $0x7, v3;
	v4 =	vand.u32 $0xFFFFFFC0, v63  }
0x61: {  	v3 =	vor.u32 v3, v4  }
0x62: {  	v4 =	vperm.xlane v3, v0;
	_ =	sdelay $0x1  }
0x63: {  	v4 =	vadd.s32 v1, v4;
	_ =	sdelay $0x4  }
0x64: {  	[tilespmem:s23], [sflag:$0x1] =	stream.indirect_vreg.gather [hbm4b:s1+s3], $0x80, v4, vm0, $0xb8;
	[tilespmem:$0x10080] =	vst v63  }
0x65: {  	v3 =	vperm.xlane v3, v2  }
0x66: {  	[tilespmem:s24], [sflag:$0x1] =	stream.indirect_vreg.gather [hbm4b:s4+s3], $0x80, v4, vm0, $0xb8;
	[tilespmem:$0x10080] =	vst v63  }
0x67: {  	v3 =	vadd.s32 v1, v3  }
0x68: {  	[tilespmem:s25], [sflag:$0x1] =	stream.indirect_vreg.gather [hbm4b:s5+s3], $0x80, v4, vm0, $0xb8;
	[tilespmem:$0x10080] =	vst v63  }
0x69: {  	_ = 	snop  }
0x6a: {  	[tilespmem:s26], [sflag:$0x1] =	stream.indirect_vreg.gather [hbm4b:s6+s3], $0x80, v4, vm0, $0xb8;
	[tilespmem:$0x10080] =	vst v63  }
0x6b: {  	_ = 	snop  }
0x6c: {  	[tilespmem:s28], [sflag:$0x1] =	stream.indirect_vreg.gather [hbm4b:s1+s3], $0x80, v3, vm0, $0xb8;
	[tilespmem:$0x10080] =	vst v63  }
0x6d: {  	_ = 	snop  }
0x6e: {  	[tilespmem:s29], [sflag:$0x1] =	stream.indirect_vreg.gather [hbm4b:s4+s3], $0x80, v3, vm0, $0xb8;
	[tilespmem:$0x10080] =	vst v63  }
0x6f: {  	_ = 	snop  }
0x70: {  	[tilespmem:s30], [sflag:$0x1] =	stream.indirect_vreg.gather [hbm4b:s5+s3], $0x80, v3, vm0, $0xb8;
	[tilespmem:$0x10080] =	vst v63  }
0x71: {  	_ = 	snop  }
0x72: {  	[tilespmem:s31], [sflag:$0x1] =	stream.indirect_vreg.gather [hbm4b:s6+s3], $0x80, v3, vm0, $0xb8;
	[tilespmem:$0x10080] =	vst v63  }
0x73: {  	_ =	swait.ge [sflag:s2], $0x10000  }
0x74: {  	p0 =	sne.s32 s7, $0x1;
	[sflag:s2] =	ssyncset.done $0x0  }
.Ltmp0:
0x75: {  	s10 =	rddreg [dreg:$0x5];
	[sflag:s2] =	ssyncadd.s32 $0xFFFF0000;
	(pc) =	sbr.rel @p0 .LBB2_1-.Ltmp0, $4  }
0x76: {  	[hbm4b:s10+s3] =	stream.linear.scatter [tilespmem:s9], [sflag:$0x2], $0x10000, $0x38;
	[tilespmem:$0x10080] =	vst v63  }
0x77: {  	_ =	swait.ge [sflag:s8], $0x10000  }
0x78: {  	[sflag:s8] =	ssyncset.done $0x0  }
0x79: {  	s7 =	sadd.s32 $0xFFFFFFFF, s7;
	[sflag:s8] =	ssyncadd.s32 $0xFFFF0000  }
0x7a: {  	_ =	sfence.sel $0x180000  }
0x7b: {  	[bflag:$0x0] =	sbarrier.arrive $0xFFFF  }
0x7c: {  	_ =	strace $0x90000059  }
0x7d: {  	s0 =	stileid.u32;
	[bflag:$0x2] =	sbarrier.arrive $0xFFFF  }
0x7e: {  	p0 =	sne.s32 s0, $0x0;
	s0 =	rddreg [dreg:$0x3]  }
0x7f: {  	s0 =	sadd.s32 @!p0 $0x100000, s0  }
0x80: {  	[sflag:s0] =	ssyncadd.tile.s32 @!p0 $0x1;
	_ =	shalt  }
.Lfunc_end2:
_tile_overlayer_lowered:
.L_overlay_start_2:
0x81: {  	(tag) =	ssettag $0x2  }
0x82: {  	s0 =	rddreg [dreg:$0x0];
	s2 =	stileid.u32  }
0x83: {  	s1 =	rddreg [dreg:$0x1];
	p0 =	sne.s32 s2, $0x0  }
0x84: {  	s3 =	rddreg [dreg:$0x2];
	[bflag:$0x3] =	sbarrier.arrive $0xFFFF;
	s2 =	simm.s32 @!p0 $0x1C02  }
0x85: {  	[timem:s3], [sflag:s2] =	dma.local @!p0 [hbm:s0], s1  }
0x86: {  	s0 =	simm.s32 @!p0 $0x2  }
0x87: {  	_ =	swait.ge @!p0 [sflag:s0], s1  }
0x88: {  	s1 =	ssub.s32 @!p0 $0x0, s1;
	[sflag:s0] =	ssyncset.done @!p0 $0x0  }
0x89: {  	[sflag:s0] =	ssyncadd.s32 @!p0 s1  }
0x8a: {  	[bflag:$0x3] =	sbarrier.arrive $0xFFFF  }
0x8b: {  	_ =	shalt  }

// kernel: kernel.42.cloned.1.call-start
scs
__scs_entry_jumppad:
0x0: {  	(pc) =	sbr.rel $0x88, $3  }
0x1: {  	(tag) =	ssettag $0x0;
	lr =	simm.s32 $0x1  }
0x2: {  	[smem:$0x3F97] =	sst lr;
	_ =	strace $0xD0000000  }
0x3: {  	_ = 	snop  }
0x4: {  	_ = 	snop  }
0x5: {  	_ = 	snop  }
0x6: {  	_ = 	snop  }
0x7: {  	_ = 	snop  }
__scs_overlays_trampoline_lowered:
0x8: {  	[smem:$0x3FA6] =	sst s0  }
0x9: {  	[smem:$0x3FA7] =	sst s1  }
0xa: {  	[smem:$0x3FA8] =	sst s2  }
0xb: {  	[smem:$0x3FA9] =	sst s3  }
0xc: {  	[smem:$0x3FAA] =	sst s4  }
0xd: {  	[smem:$0x3FAB] =	sst s5  }
0xe: {  	[smem:$0x3FAC] =	sst s6  }
0xf: {  	[smem:$0x3FAD] =	sst s7  }
0x10: {  	[smem:$0x3FAE] =	sst s8  }
0x11: {  	[smem:$0x3FAF] =	sst s9;
	s0 =	simm.s32 @!p0 $0x0  }
0x12: {  	s1 =	sld [smem:$0x3F95];
	s0 =	simm.s32 @p0 $0x1  }
0x13: {  	[smem:$0x3FB0] =	sst s0;
	s0 =	simm.s32 @!p1 $0x0  }
0x14: {  	s2 =	sld [smem:$0x3F94];
	s0 =	simm.s32 @p1 $0x1  }
0x15: {  	[smem:$0x3FB1] =	sst s0;
	s0 =	simm.s32 @!p2 $0x0  }
0x16: {  	s3 =	sld [smem:$0x3FDB];
	s0 =	simm.s32 @p2 $0x1  }
0x17: {  	s4 =	simm.s32 $0x1BF5;
	[smem:$0x3FB3] =	sst s0  }
0x18: {  	s0 =	sld [smem:$0x3F96];
	_ =	swait.ge [sflag:s4], $0x0  }
0x19: {  	s7 =	sld [smem:$0x3F97]  }
0x1a: {  	s8 =	sadd.s32 $0xFFFFE003, lr  }
0x1b: {  	s9 =	sadd.s32 $0xFFFFFEF7, lr;
	s5 =	simm.s32 $0xFFFFFFFF;
	p2 =	slt.u32 s8, $0xFFFFF086  }
0x1c: {  	p1 =	slt.u32 s9, $0xF7A;
	s5 =	simm.s32 @!p2 $0x0  }
0x1d: {  	s5 =	simm.s32 @p1 $0x1;
	p0 =	seq.s32 s7, s2  }
0x1e: {  	s7 =	smul.u32 @!p0 $0xF7A, s2;
	p2 =	seq.s32 @!p0 s5, $0x0  }
0x1f: {  	s9 =	smul.u32 $0xF7A, s1;
	s8 =	simm.s32 @!p0 $0x1BF5;
	p2 =	por !p2, p0  }
0x20: {  	[sflag:s8] =	ssyncset.s32 @!p0 $0xFFFFF086;
	s6 =	sadd.s32 @!p0 s3, s7;
	s7 =	simm.s32 @!p0 $0x108  }
0x21: {  	s3 =	sadd.s32 s3, s9;
	s6 =	sadd.s32 @!p0 $0x88, s6;
	s7 =	simm.s32 @p2 $0x1082  }
0x22: {  	[simem:s7], [sflag:s8] =	dma.local @!p0 [hbm:s6], $0xF7A  }
0x23: {  	s9 =	sor.u32 $0xD0000000, s2;
	s6 =	simm.s32 $0x108;
	_ =	swait.ge @!p0 [sflag:s8], $0x0  }
0x24: {  	s3 =	sadd.s32 $0x88, s3;
	s6 =	simm.s32 @!p1 $0x1082;
	[sflag:s4] =	ssyncset.s32 $0xFFFFF086  }
0x25: {  	[simem:s6], [sflag:s4] =	dma.local [hbm:s3], $0xF7A  }
0x26: {  	[smem:$0x3F97] =	sst s1;
	(tag) =	ssettag s2;
	_ =	strace s9  }
0x27: {  	s1 =	sld [smem:$0x3FA7]  }
0x28: {  	s2 =	sld [smem:$0x3FA8]  }
0x29: {  	s4 =	sld [smem:$0x3FAA]  }
0x2a: {  	p0 =	seq.s32 s5, $0x0;
	s5 =	sld [smem:$0x3FAB]  }
0x2b: {  	s6 =	sld [smem:$0x3FAC]  }
0x2c: {  	s7 =	sld [smem:$0x3FAD]  }
0x2d: {  	s3 =	simm.s32 $0x108;
	s8 =	sld [smem:$0x3FAE]  }
0x2e: {  	s3 =	simm.s32 @!p0 $0x1082;
	s9 =	sld [smem:$0x3FAF]  }
0x2f: {  	lr =	sadd.s32 s0, s3;
	s0 =	sld [smem:$0x3FA6]  }
0x30: {  	s3 =	sld [smem:$0x3FA9]  }
0x31: {  	[smem:$0x3FB2] =	sst s10  }
0x32: {  	s10 =	sld [smem:$0x3FB0];
	_ =	sdelay $0x3  }
0x33: {  	p0 =	seq.s32 s10, $0x1;
	s10 =	sld [smem:$0x3FB2];
	_ =	sdelay $0x3  }
0x34: {  	[smem:$0x3FB2] =	sst s10  }
0x35: {  	s10 =	sld [smem:$0x3FB1];
	_ =	sdelay $0x3  }
0x36: {  	p1 =	seq.s32 s10, $0x1;
	s10 =	sld [smem:$0x3FB2];
	_ =	sdelay $0x3  }
0x37: {  	[smem:$0x3FB2] =	sst s10  }
0x38: {  	s10 =	sld [smem:$0x3FB3]  }
0x39: {  	_ = 	snop;
	(pc) =	sbr.ind lr, $3  }
0x3a: {  	_ = 	snop  }
0x3b: {  	_ = 	snop  }
0x3c: {  	p2 =	seq.s32 s10, $0x1;
	s10 =	sld [smem:$0x3FB2]  }
0x3d: {  	_ =	shalt  }
0x3e: {  	_ =	shalt  }
0x3f: {  	_ =	shalt  }
0x40: {  	_ =	shalt  }
0x41: {  	_ =	shalt  }
0x42: {  	_ =	shalt  }
0x43: {  	_ =	shalt  }
0x44: {  	_ =	shalt  }
0x45: {  	_ =	shalt  }
0x46: {  	_ =	shalt  }
0x47: {  	_ =	shalt  }
0x48: {  	_ =	shalt  }
0x49: {  	_ =	shalt  }
0x4a: {  	_ =	shalt  }
0x4b: {  	_ =	shalt  }
0x4c: {  	_ =	shalt  }
0x4d: {  	_ =	shalt  }
0x4e: {  	_ =	shalt  }
0x4f: {  	_ =	shalt  }
0x50: {  	_ =	shalt  }
0x51: {  	_ =	shalt  }
0x52: {  	_ =	shalt  }
0x53: {  	_ =	shalt  }
0x54: {  	_ =	shalt  }
0x55: {  	_ =	shalt  }
0x56: {  	_ =	shalt  }
0x57: {  	_ =	shalt  }
0x58: {  	_ =	shalt  }
0x59: {  	_ =	shalt  }
0x5a: {  	_ =	shalt  }
0x5b: {  	_ =	shalt  }
0x5c: {  	_ =	shalt  }
0x5d: {  	_ =	shalt  }
0x5e: {  	_ =	shalt  }
0x5f: {  	_ =	shalt  }
0x60: {  	_ =	shalt  }
0x61: {  	_ =	shalt  }
0x62: {  	_ =	shalt  }
0x63: {  	_ =	shalt  }
0x64: {  	_ =	shalt  }
0x65: {  	_ =	shalt  }
0x66: {  	_ =	shalt  }
0x67: {  	_ =	shalt  }
0x68: {  	_ =	shalt  }
0x69: {  	_ =	shalt  }
0x6a: {  	_ =	shalt  }
0x6b: {  	_ =	shalt  }
0x6c: {  	_ =	shalt  }
0x6d: {  	_ =	shalt  }
0x6e: {  	_ =	shalt  }
0x6f: {  	_ =	shalt  }
0x70: {  	_ =	shalt  }
0x71: {  	_ =	shalt  }
0x72: {  	_ =	shalt  }
0x73: {  	_ =	shalt  }
0x74: {  	_ =	shalt  }
0x75: {  	_ =	shalt  }
0x76: {  	_ =	shalt  }
0x77: {  	_ =	shalt  }
0x78: {  	_ =	shalt  }
0x79: {  	_ =	shalt  }
0x7a: {  	_ =	shalt  }
0x7b: {  	_ =	shalt  }
0x7c: {  	_ =	shalt  }
0x7d: {  	_ =	shalt  }
0x7e: {  	_ =	shalt  }
0x7f: {  	_ =	shalt  }
0x80: {  	_ =	shalt  }
0x81: {  	_ =	shalt  }
0x82: {  	_ =	shalt  }
0x83: {  	_ =	shalt  }
0x84: {  	_ =	shalt  }
0x85: {  	_ =	shalt  }
0x86: {  	_ =	shalt  }
0x87: {  	_ =	shalt  }
.Lfunc_end0:
.L_simem_size_0:
called_computation.7_lowered:
.L_overlay_start_0:
0x88: {  	s2 =	sld [smem:$0x3FD9]  }
0x89: {  	s3 =	sld [smem:$0x3FFE];
	_ =	sdelay $0x1  }
0x8a: {  	s1 =	srdreg.scid  }
0x8b: {  	s0 =	sand.u32 $0x1, s1  }
0x8c: {  	s17 =	sshll.u32 s0, $0xA;
	s2 =	sadd.s32 s3, s2  }
0x8d: {  	s2 =	sadd.s32 s2, s17  }
0x8e: {  	[smem:$0x3FBE] =	sst s2  }
0x8f: {  	_ = 	snop  }
0x90: {  	s2 =	sld [smem:$0x3FC4];
	(tm) =	ssettm $0x1  }
0x91: {  	s18 =	sld [smem:$0x3FFB];
	_ =	sdelay $0x3  }
0x92: {  	_ =	strace s18  }
0x93: {  	s3 =	sld [smem:$0x3FFC];
	_ =	sdelay $0x3  }
0x94: {  	_ =	strace s3  }
0x95: {  	s3 =	sld [smem:$0x3FFD];
	_ =	sdelay $0x3  }
0x96: {  	_ =	strace s3  }
0x97: {  	_ =	strace $0x8FFFFFFF  }
0x98: {  	s19 =	sld [smem:$0x3FDB];
	_ =	sdelay $0x1  }
0x99: {  	s4 =	simm.s32 $_scs_section_size  }
0x9a: {  	s5 =	simm.s32 $_size__tile_overlayer_lowered;
	s6 =	simm.s32 $_tile_overlayer_lowered  }
0x9b: {  	s22 =	simm.s32 $0x1BFF;
	s21 =	sshll.u32 s6, $0x1;
	s3 =	sadd.s32 s4, s19  }
0x9c: {  	s7 =	simm.s32 $0x0;
	s20 =	sshll.u32 s5, $0x1;
	s5 =	sadd.s32 s21, s3  }
0x9d: {  	[timem:s7], [sflag:s22] =	dma.local [hbm:s5], s20  }
0x9e: {  	_ =	swait.ge [sflag:s22], s20  }
0x9f: {  	s4 =	ssub.s32 $0x0, s20;
	[sflag:s22] =	ssyncset.done $0x0  }
0xa0: {  	[sflag:s22] =	ssyncadd.s32 s4;
	_ =	sdelay $0x1  }
0xa1: {  	s23 =	simm.s32 $0x1B8B  }
0xa2: {  	_ =	swait.ge [sflag:s23], $0x1  }
0xa3: {  	[sflag:s23] =	ssyncset.done $0x0  }
0xa4: {  	s25 =	simm.s32 $0x1B8E;
	s24 =	sld [smem:$0x3FFE];
	[sflag:s23] =	ssyncadd.s32 $0xFFFFFFFF  }
0xa5: {  	s26 =	simm.s32 $execute0_lowered;
	[smem:$0x3FD2] =	sst s25  }
0xa6: {  	s5 =	sshll.u32 s26, $0x1;
	_ =	strace $0x8000005B;
	[dreg:$0x1] =	wrdreg $0xFFFFFFFF  }
0xa7: {  	s28 =	simm.s32 $_size_execute0_lowered;
	s3 =	sadd.s32 s3, s5;
	[dreg:$0x0] =	wrdreg $0x0  }
0xa8: {  	s5 =	sshll.u32 s28, $0x1;
	[dreg:$0x2] =	wrdreg s3  }
0xa9: {  	[dreg:$0x3] =	wrdreg s5  }
0xaa: {  	[dreg:$0x4] =	wrdreg $0xC0  }
0xab: {  	_ =	task [dreg:s7], $0x5FFFF  }
0xac: {  	[dreg:$0x1] =	wrdreg $0xFFFFFFFF  }
0xad: {  	[dreg:$0x0] =	wrdreg $0x60  }
0xae: {  	[dreg:$0x2] =	wrdreg s2  }
0xaf: {  	[dreg:$0x3] =	wrdreg s24  }
0xb0: {  	[dreg:$0x4] =	wrdreg $0x9  }
0xb1: {  	_ =	task.clear_ibuf [dreg:s7], $0x5FFFF;
	_ =	strace $0x9000005B  }
0xb2: {  	s29 =	simm.s32 $0x9;
	_ =	strace $0x8000005D  }
0xb3: {  	_ =	swait.ge [sflag:s29], $0x1  }
0xb4: {  	[sflag:s29] =	ssyncadd.s32 $0xFFFFFFFF  }
0xb5: {  	_ =	strace $0x9000005D  }
0xb6: {  	_ =	sfence  }
0xb7: {  	s30 =	sld [smem:$0x0];
	_ =	sdelay $0x2  }
0xb8: {  	s31 =	sshll.u32 s1, $0xD;
	s1 =	sshrl.u32 s1, $0x2  }
0xb9: {  	s3 =	sand.u32 $0x4000, s31;
	s1 =	sadd.s32 s1, s30  }
0xba: {  	s0 =	sor.u32 s3, s0;
	s1 =	sshll.u32 s1, $0x11  }
0xbb: {  	s0 =	sor.u32 s1, s0  }
0xbc: {  	s0 =	sadd.s32 $0x8F2B, s0  }
0xbd: {  	[sflag:s0] =	ssyncadd.remote.s32 $0x1  }
0xbe: {  	_ =	sfence.sel $0xFFFF  }
0xbf: {  	[dreg:$0x0] =	wrdreg $0xFFFFFFFF;
	(pc) =	sbr.abs _section_cstart, $3  }
0xc0: {  	[dreg:$0x1] =	wrdreg $0xFFFFFFFF  }
0xc1: {  	_ =	task.clear_ibuf [dreg:s7], $0x2FFFF;
	_ =	strace $0x9FFFFFFF  }
0xc2: {  	(tm) =	ssettm $0x7FFFFFFF  }
0xc3: {  	_ =	shalt  }
tec
execute0_lowered:
.L_overlay_start_1:
0x0: {  	(tag) =	ssettag $0x1  }
0x1: {  	s1 =	srdreg.scid  }
0x2: {  	s0 =	stileid.u32;
	s2 =	rddreg [dreg:$0x0]  }
0x3: {  	s5 =	rddreg [dreg:$0x1];
	s18 =	simm.s32 $0x880;
	s19 =	simm.s32 $0x1080  }
0x4: {  	s20 =	simm.s32 $0x1880;
	s22 =	simm.s32 $0x2080;
	s23 =	simm.s32 $0x2880  }
0x5: {  	s24 =	simm.s32 $0x3080;
	s7 =	simm.s32 $0x3880;
	s8 =	simm.s32 $0x4080  }
0x6: {  	s25 =	simm.s32 $0x4880;
	s26 =	simm.s32 $0x5080;
	s1 =	sand.u32 $0x1, s1  }
0x7: {  	s9 =	simm.s32 $0x80;
	s3 =	sshll.u32 s0, $0x7;
	s4 =	sshll.u32 s1, $0x6  }
0x8: {  	s11 =	simm.s32 $0x6080;
	s4 =	sor.u32 s4, s3;
	s3 =	simm.s32 $0x0  }
0x9: {  	s12 =	simm.s32 $0x6880;
	s13 =	simm.s32 $0x7080;
	[smem:$0x7FF] =	sst s3  }
0xa: {  	s14 =	simm.s32 $0x7880;
	_ =	strace $0x8000005C;
	[dreg:$0x5] =	wrdreg s18  }
0xb: {  	s15 =	simm.s32 $0x8080;
	s16 =	simm.s32 $0x8880;
	[dreg:$0x6] =	wrdreg s19  }
0xc: {  	s28 =	simm.s32 $0xE080;
	s29 =	simm.s32 $0xE880;
	[dreg:$0x7] =	wrdreg s20  }
0xd: {  	s30 =	simm.s32 $0xF080;
	s1 =	ssub.s32 $0x2, s1;
	[dreg:$0x8] =	wrdreg s22  }
0xe: {  	s31 =	simm.s32 $0xF880;
	s21 =	sshrl.u32 s1, $0x1;
	[dreg:$0x9] =	wrdreg s23  }
0xf: {  	s6 =	sshrl.u32 s4, $0x3;
	s4 =	sshll.u32 s4, $0x7;
	[dreg:$0xa] =	wrdreg s24  }
0x10: {  	s1 =	ssub.s32 s1, s21;
	s21 =	simm.s32 $0xB080;
	[dreg:$0xb] =	wrdreg s7  }
0x11: {  	s6 =	sadd.s32 s6, s5;
	s4 =	sadd.s32 s4, s5;
	[dreg:$0xc] =	wrdreg s8  }
0x12: {  	s5 =	sadd.s32 $0x200, s2;
	s7 =	smax.u32 s1, $0x1;
	[dreg:$0xd] =	wrdreg s25  }
0x13: {  	s8 =	simm.s32 $0x2;
	[dreg:$0xe] =	wrdreg s26;
	s18 =	simm.s32 $0x9880  }
0x14: {  	s19 =	simm.s32 $0xA080;
	s20 =	simm.s32 $0xA880;
	s22 =	simm.s32 $0xB880  }
0x15: {  	s23 =	simm.s32 $0xC080;
	s24 =	simm.s32 $0xC880;
	s25 =	simm.s32 $0xD080  }
0x16: {  	v2 =	vlaneseq.u32;
	s26 =	simm.s32 $0xD880;
	s1 =	simm.s32 $0x1;
	s17 =	sadd.s32 $0x87200, s6  }
0x17: {  	vm0 =	vmmov $0xffff;
	v1 =	vshrl.u32 v2, $0x3;
	s4 =	sadd.s32 $0x45A00, s4;
	s6 =	sadd.s32 $0x300, s2;
	[dreg:$0x3] =	wrdreg s17  }
0x18: {  	v0 =	vand.u32 $0x7, v2;
	v2 =	vor.u32 $0x8, v2;
	v1 =	vmul.u32 $0x8, v1;
	[dreg:$0x4] =	wrdreg s4;
	s4 =	sadd.s32 $0x100, s2;
	s17 =	simm.s32 $0x9080  }
.LBB2_1:
0x19: {  	s0 =	rddreg [dreg:$0x3]  }
0x1a: {  	[tilespmem:s3], [sflag:$0x2] =	stream.linear.gather [hbm4b:s0+s3], $0x40, $0x38;
	[tilespmem:$0x10080] =	vst v63  }
0x1b: {  	_ =	swait.ge [sflag:s8], $0x40  }
0x1c: {  	[sflag:s8] =	ssyncset.done $0x0  }
0x1d: {  	[sflag:s8] =	ssyncadd.s32 $0xFFFFFFC0  }
0x1e: {  	v3 =	vld [tilespmem:$0x0];
	_ =	sdelay $0x4  }
0x1f: {  	v4 =	vshll.u32 v3, $0x3  }
0x20: {  	v3 =	vand.u32 $0x7, v3;
	v4 =	vand.u32 $0xFFFFFFC0, v4  }
0x21: {  	v3 =	vor.u32 v3, v4  }
0x22: {  	v4 =	vperm.xlane v3, v0;
	_ =	sdelay $0x1  }
0x23: {  	v4 =	vadd.s32 v1, v4;
	_ =	sdelay $0x4  }
0x24: {  	[tilespmem:s9], [sflag:$0x1] =	stream.indirect_vreg.gather [hbm4b:s2+s3], $0x80, v4, vm0, $0xb8;
	[tilespmem:$0x10080] =	vst v63  }
0x25: {  	s0 =	rddreg [dreg:$0x5];
	v3 =	vperm.xlane v3, v2  }
0x26: {  	[tilespmem:s0], [sflag:$0x1] =	stream.indirect_vreg.gather [hbm4b:s4+s3], $0x80, v4, vm0, $0xb8;
	[tilespmem:$0x10080] =	vst v63  }
0x27: {  	s10 =	rddreg [dreg:$0x6];
	v3 =	vadd.s32 v1, v3  }
0x28: {  	[tilespmem:s10], [sflag:$0x1] =	stream.indirect_vreg.gather [hbm4b:s5+s3], $0x80, v4, vm0, $0xb8;
	[tilespmem:$0x10080] =	vst v63  }
0x29: {  	s0 =	rddreg [dreg:$0x7]  }
0x2a: {  	[tilespmem:s0], [sflag:$0x1] =	stream.indirect_vreg.gather [hbm4b:s6+s3], $0x80, v4, vm0, $0xb8;
	[tilespmem:$0x10080] =	vst v63  }
0x2b: {  	s10 =	rddreg [dreg:$0x8]  }
0x2c: {  	[tilespmem:s10], [sflag:$0x1] =	stream.indirect_vreg.gather [hbm4b:s2+s3], $0x80, v3, vm0, $0xb8;
	[tilespmem:$0x10080] =	vst v63  }
0x2d: {  	s0 =	rddreg [dreg:$0x9]  }
0x2e: {  	[tilespmem:s0], [sflag:$0x1] =	stream.indirect_vreg.gather [hbm4b:s4+s3], $0x80, v3, vm0, $0xb8;
	[tilespmem:$0x10080] =	vst v63  }
0x2f: {  	s10 =	rddreg [dreg:$0xa]  }
0x30: {  	[tilespmem:s10], [sflag:$0x1] =	stream.indirect_vreg.gather [hbm4b:s5+s3], $0x80, v3, vm0, $0xb8;
	[tilespmem:$0x10080] =	vst v63  }
0x31: {  	s0 =	rddreg [dreg:$0xb]  }
0x32: {  	[tilespmem:s0], [sflag:$0x1] =	stream.indirect_vreg.gather [hbm4b:s6+s3], $0x80, v3, vm0, $0xb8;
	[tilespmem:$0x10080] =	vst v63  }
0x33: {  	v3 =	vld [tilespmem:$0x10];
	_ =	sdelay $0x4  }
0x34: {  	v61 =	vshll.u32 v3, $0x3  }
0x35: {  	v3 =	vand.u32 $0x7, v3;
	v4 =	vand.u32 $0xFFFFFFC0, v61  }
0x36: {  	v3 =	vor.u32 v3, v4  }
0x37: {  	v4 =	vperm.xlane v3, v0;
	_ =	sdelay $0x1  }
0x38: {  	v4 =	vadd.s32 v1, v4;
	_ =	sdelay $0x3  }
0x39: {  	s0 =	rddreg [dreg:$0xc]  }
0x3a: {  	[tilespmem:s0], [sflag:$0x1] =	stream.indirect_vreg.gather [hbm4b:s2+s3], $0x80, v4, vm0, $0xb8;
	[tilespmem:$0x10080] =	vst v63  }
0x3b: {  	s10 =	rddreg [dreg:$0xd];
	v3 =	vperm.xlane v3, v2  }
0x3c: {  	[tilespmem:s10], [sflag:$0x1] =	stream.indirect_vreg.gather [hbm4b:s4+s3], $0x80, v4, vm0, $0xb8;
	[tilespmem:$0x10080] =	vst v63  }
0x3d: {  	v3 =	vadd.s32 v1, v3;
	s0 =	rddreg [dreg:$0xe]  }
0x3e: {  	[tilespmem:s0], [sflag:$0x1] =	stream.indirect_vreg.gather [hbm4b:s5+s3], $0x80, v4, vm0, $0xb8;
	[tilespmem:$0x10080] =	vst v63  }
0x3f: {  	s10 =	simm.s32 $0x5880  }
0x40: {  	[tilespmem:s10], [sflag:$0x1] =	stream.indirect_vreg.gather [hbm4b:s6+s3], $0x80, v4, vm0, $0xb8;
	[tilespmem:$0x10080] =	vst v63  }
0x41: {  	_ = 	snop  }
0x42: {  	[tilespmem:s11], [sflag:$0x1] =	stream.indirect_vreg.gather [hbm4b:s2+s3], $0x80, v3, vm0, $0xb8;
	[tilespmem:$0x10080] =	vst v63  }
0x43: {  	_ = 	snop  }
0x44: {  	[tilespmem:s12], [sflag:$0x1] =	stream.indirect_vreg.gather [hbm4b:s4+s3], $0x80, v3, vm0, $0xb8;
	[tilespmem:$0x10080] =	vst v63  }
0x45: {  	_ = 	snop  }
0x46: {  	[tilespmem:s13], [sflag:$0x1] =	stream.indirect_vreg.gather [hbm4b:s5+s3], $0x80, v3, vm0, $0xb8;
	[tilespmem:$0x10080] =	vst v63  }
0x47: {  	_ = 	snop  }
0x48: {  	[tilespmem:s14], [sflag:$0x1] =	stream.indirect_vreg.gather [hbm4b:s6+s3], $0x80, v3, vm0, $0xb8;
	[tilespmem:$0x10080] =	vst v63  }
0x49: {  	v3 =	vld [tilespmem:$0x20];
	_ =	sdelay $0x4  }
0x4a: {  	v62 =	vshll.u32 v3, $0x3  }
0x4b: {  	v3 =	vand.u32 $0x7, v3;
	v4 =	vand.u32 $0xFFFFFFC0, v62  }
0x4c: {  	v3 =	vor.u32 v3, v4  }
0x4d: {  	v4 =	vperm.xlane v3, v0;
	_ =	sdelay $0x1  }
0x4e: {  	v4 =	vadd.s32 v1, v4;
	_ =	sdelay $0x4  }
0x4f: {  	[tilespmem:s15], [sflag:$0x1] =	stream.indirect_vreg.gather [hbm4b:s2+s3], $0x80, v4, vm0, $0xb8;
	[tilespmem:$0x10080] =	vst v63  }
0x50: {  	v3 =	vperm.xlane v3, v2  }
0x51: {  	[tilespmem:s16], [sflag:$0x1] =	stream.indirect_vreg.gather [hbm4b:s4+s3], $0x80, v4, vm0, $0xb8;
	[tilespmem:$0x10080] =	vst v63  }
0x52: {  	v3 =	vadd.s32 v1, v3  }
0x53: {  	[tilespmem:s17], [sflag:$0x1] =	stream.indirect_vreg.gather [hbm4b:s5+s3], $0x80, v4, vm0, $0xb8;
	[tilespmem:$0x10080] =	vst v63  }
0x54: {  	_ = 	snop  }
0x55: {  	[tilespmem:s18], [sflag:$0x1] =	stream.indirect_vreg.gather [hbm4b:s6+s3], $0x80, v4, vm0, $0xb8;
	[tilespmem:$0x10080] =	vst v63  }
0x56: {  	_ = 	snop  }
0x57: {  	[tilespmem:s19], [sflag:$0x1] =	stream.indirect_vreg.gather [hbm4b:s2+s3], $0x80, v3, vm0, $0xb8;
	[tilespmem:$0x10080] =	vst v63  }
0x58: {  	_ = 	snop  }
0x59: {  	[tilespmem:s20], [sflag:$0x1] =	stream.indirect_vreg.gather [hbm4b:s4+s3], $0x80, v3, vm0, $0xb8;
	[tilespmem:$0x10080] =	vst v63  }
0x5a: {  	_ = 	snop  }
0x5b: {  	[tilespmem:s21], [sflag:$0x1] =	stream.indirect_vreg.gather [hbm4b:s5+s3], $0x80, v3, vm0, $0xb8;
	[tilespmem:$0x10080] =	vst v63  }
0x5c: {  	_ = 	snop  }
0x5d: {  	[tilespmem:s22], [sflag:$0x1] =	stream.indirect_vreg.gather [hbm4b:s6+s3], $0x80, v3, vm0, $0xb8;
	[tilespmem:$0x10080] =	vst v63  }
0x5e: {  	v3 =	vld [tilespmem:$0x30];
	_ =	sdelay $0x4  }
0x5f: {  	v63 =	vshll.u32 v3, $0x3  }
0x60: {  	v3 =	vand.u32 $0x7, v3;
	v4 =	vand.u32 $0xFFFFFFC0, v63  }
0x61: {  	v3 =	vor.u32 v3, v4  }
0x62: {  	v4 =	vperm.xlane v3, v0;
	_ =	sdelay $0x1  }
0x63: {  	v4 =	vadd.s32 v1, v4;
	_ =	sdelay $0x4  }
0x64: {  	[tilespmem:s23], [sflag:$0x1] =	stream.indirect_vreg.gather [hbm4b:s2+s3], $0x80, v4, vm0, $0xb8;
	[tilespmem:$0x10080] =	vst v63  }
0x65: {  	v3 =	vperm.xlane v3, v2  }
0x66: {  	[tilespmem:s24], [sflag:$0x1] =	stream.indirect_vreg.gather [hbm4b:s4+s3], $0x80, v4, vm0, $0xb8;
	[tilespmem:$0x10080] =	vst v63  }
0x67: {  	v3 =	vadd.s32 v1, v3  }
0x68: {  	[tilespmem:s25], [sflag:$0x1] =	stream.indirect_vreg.gather [hbm4b:s5+s3], $0x80, v4, vm0, $0xb8;
	[tilespmem:$0x10080] =	vst v63  }
0x69: {  	_ = 	snop  }
0x6a: {  	[tilespmem:s26], [sflag:$0x1] =	stream.indirect_vreg.gather [hbm4b:s6+s3], $0x80, v4, vm0, $0xb8;
	[tilespmem:$0x10080] =	vst v63  }
0x6b: {  	_ = 	snop  }
0x6c: {  	[tilespmem:s28], [sflag:$0x1] =	stream.indirect_vreg.gather [hbm4b:s2+s3], $0x80, v3, vm0, $0xb8;
	[tilespmem:$0x10080] =	vst v63  }
0x6d: {  	_ = 	snop  }
0x6e: {  	[tilespmem:s29], [sflag:$0x1] =	stream.indirect_vreg.gather [hbm4b:s4+s3], $0x80, v3, vm0, $0xb8;
	[tilespmem:$0x10080] =	vst v63  }
0x6f: {  	_ = 	snop  }
0x70: {  	[tilespmem:s30], [sflag:$0x1] =	stream.indirect_vreg.gather [hbm4b:s5+s3], $0x80, v3, vm0, $0xb8;
	[tilespmem:$0x10080] =	vst v63  }
0x71: {  	_ = 	snop  }
0x72: {  	[tilespmem:s31], [sflag:$0x1] =	stream.indirect_vreg.gather [hbm4b:s6+s3], $0x80, v3, vm0, $0xb8;
	[tilespmem:$0x10080] =	vst v63  }
0x73: {  	_ =	swait.ge [sflag:s1], $0x10000  }
0x74: {  	p0 =	sne.s32 s7, $0x1;
	[sflag:s1] =	ssyncset.done $0x0  }
.Ltmp0:
0x75: {  	s10 =	rddreg [dreg:$0x4];
	[sflag:s1] =	ssyncadd.s32 $0xFFFF0000;
	(pc) =	sbr.rel @p0 .LBB2_1-.Ltmp0, $4  }
0x76: {  	[hbm4b:s10+s3] =	stream.linear.scatter [tilespmem:s9], [sflag:$0x2], $0x10000, $0x38;
	[tilespmem:$0x10080] =	vst v63  }
0x77: {  	_ =	swait.ge [sflag:s8], $0x10000  }
0x78: {  	[sflag:s8] =	ssyncset.done $0x0  }
0x79: {  	s7 =	sadd.s32 $0xFFFFFFFF, s7;
	[sflag:s8] =	ssyncadd.s32 $0xFFFF0000  }
0x7a: {  	_ =	sfence.sel $0x180000  }
0x7b: {  	[bflag:$0x0] =	sbarrier.arrive $0xFFFF  }
0x7c: {  	_ =	strace $0x9000005C  }
0x7d: {  	s0 =	stileid.u32;
	[bflag:$0x2] =	sbarrier.arrive $0xFFFF  }
0x7e: {  	p0 =	sne.s32 s0, $0x0;
	s0 =	rddreg [dreg:$0x2]  }
0x7f: {  	s0 =	sadd.s32 @!p0 $0x100000, s0  }
0x80: {  	[sflag:s0] =	ssyncadd.tile.s32 @!p0 $0x1;
	_ =	shalt  }
.Lfunc_end2:
_tile_overlayer_lowered:
.L_overlay_start_2:
0x81: {  	(tag) =	ssettag $0x2  }
0x82: {  	s0 =	rddreg [dreg:$0x0];
	s2 =	stileid.u32  }
0x83: {  	s1 =	rddreg [dreg:$0x1];
	p0 =	sne.s32 s2, $0x0  }
0x84: {  	s3 =	rddreg [dreg:$0x2];
	[bflag:$0x3] =	sbarrier.arrive $0xFFFF;
	s2 =	simm.s32 @!p0 $0x1C02  }
0x85: {  	[timem:s3], [sflag:s2] =	dma.local @!p0 [hbm:s0], s1  }
0x86: {  	s0 =	simm.s32 @!p0 $0x2  }
0x87: {  	_ =	swait.ge @!p0 [sflag:s0], s1  }
0x88: {  	s1 =	ssub.s32 @!p0 $0x0, s1;
	[sflag:s0] =	ssyncset.done @!p0 $0x0  }
0x89: {  	[sflag:s0] =	ssyncadd.s32 @!p0 s1  }
0x8a: {  	[bflag:$0x3] =	sbarrier.arrive $0xFFFF  }
0x8b: {  	_ =	shalt  }

</sc_bundles>
